<compile_context>
chip_gen: v7x
topology: tpu7x:2x2x1
jax: 0.10.2.dev20260603
libtpu: 0.0.44.dev20260713+nightly
codegen_flags: <defaults>
</compile_context>

<pallas_src>
import functools

import jax
import jax.numpy as jnp
from jax import lax
from jax.experimental import pallas as pl
from jax.experimental.pallas import tpu as pltpu
from jax.experimental.pallas import tpu_sc as plsc

B, L, D, V = 32, 2048, 768, 6561
NW = 32
NB = 4
BC = B // NB
TOK_PER_W = (BC * L) // NW
CHUNK = 128
NCHUNK = TOK_PER_W // CHUNK


def _sc_gather(codebook, idx_flat):
    mesh = plsc.VectorSubcoreMesh(core_axis_name="c", subcore_axis_name="s")

    @functools.partial(
        pl.kernel,
        mesh=mesh,
        out_type=jax.ShapeDtypeStruct((BC * L, D), jnp.float32),
        scratch_types=[
            pltpu.VMEM((CHUNK,), jnp.int32),
            pltpu.VMEM((CHUNK, D), jnp.float32),
            pltpu.SemaphoreType.DMA,
        ],
    )
    def k(table_hbm, idx_hbm, out_hbm, idx_v, rows_v, sem):
        wid = lax.axis_index("s") * 2 + lax.axis_index("c")
        base = wid * TOK_PER_W
        for c in range(NCHUNK):
            off = base + c * CHUNK
            pltpu.sync_copy(idx_hbm.at[pl.ds(off, CHUNK)], idx_v)
            pltpu.async_copy(table_hbm.at[idx_v], rows_v, sem).wait()
            pltpu.sync_copy(rows_v, out_hbm.at[pl.ds(off, CHUNK)])

    return k(codebook, idx_flat)


def _transpose_first_body(x_ref, o_ref):
    o_ref[...] = jnp.transpose(x_ref[...], (0, 2, 1))


def _transpose_acc_body(acc_ref, x_ref, o_ref):
    del acc_ref
    o_ref[...] = jnp.transpose(x_ref[...], (0, 2, 1))


def _tc_transpose_chunk(acc, rows, cidx):
    out_spec = pl.BlockSpec((1, D, L), lambda b: (cidx * BC + b, 0, 0))
    in_rows_spec = pl.BlockSpec((1, L, D), lambda b: (b, 0, 0))
    if acc is None:
        return pl.pallas_call(
            _transpose_first_body,
            grid=(BC,),
            in_specs=[in_rows_spec],
            out_specs=out_spec,
            out_shape=jax.ShapeDtypeStruct((B, D, L), jnp.float32),
        )(rows)
    return pl.pallas_call(
        _transpose_acc_body,
        grid=(BC,),
        in_specs=[pl.BlockSpec(memory_space=pl.ANY), in_rows_spec],
        out_specs=out_spec,
        out_shape=jax.ShapeDtypeStruct((B, D, L), jnp.float32),
        input_output_aliases={0: 0},
    )(acc, rows)


def kernel(audio, speech_token, codebook):
    idx_flat = speech_token.reshape(-1).astype(jnp.int32)
    chunk_rows = [
        _sc_gather(codebook, idx_flat[c * (BC * L):(c + 1) * (BC * L)])
        .reshape(BC, L, D)
        for c in range(NB)
    ]
    acc = None
    for c in range(NB):
        acc = _tc_transpose_chunk(acc, chunk_rows[c], c)
    return acc

# --- scband reference (transcript-rebuilt; emitter-appended) ---
"""Pipeline reference for scband-cosyvoice-tokens-43370579755455 (READ-ONLY COPY).

The authoritative reference and input builder live on the scoring server;
editing this copy changes nothing except your own understanding.
"""

import jax, jax.numpy as jnp
import numpy as np


def setup_inputs(seed: int = 0) -> dict:
    key = jax.random.key(seed)
    k1, k2, k3 = jax.random.split(key, 3)
    audio = jax.random.normal(k1, (32, 2048), dtype=jnp.float32)
    speech_token = jax.random.randint(k2, (32, 2048), 0, 6561, dtype=jnp.int64 if jax.config.jax_enable_x64 else jnp.int32)
    codebook = jax.random.normal(k3, (6561, 768), dtype=jnp.float32)
    return {"audio": audio, "speech_token": speech_token, "codebook": codebook}


def reference(audio, speech_token, codebook):
    # features = self.codebook(codes)  -> embedding lookup (B, L, 768)
    features = jnp.take(codebook, speech_token, axis=0)
    # return features.transpose(1, 2)  -> (B, 768, L)
    return jnp.transpose(features, (0, 2, 1))

if __name__ == "__main__":
    import jax
    _d = setup_inputs()
    print(jax.jit(kernel)(*tuple(_d.values())))

</pallas_src>

<mosaic_0001>
#map = affine_map<(d0, d1) -> (0, 0)>
#map1 = affine_map<(d0, d1) -> (0)>
module attributes {stable_mosaic.version = 14 : i64} {
  func.func @k(%arg0: i32, %arg1: i32, %arg2: memref<6561x768xf32, #tpu.memory_space<hbm>>, %arg3: memref<16384xi32, #tpu.memory_space<hbm>>, %arg4: memref<16384x768xf32, #tpu.memory_space<hbm>>, %arg5: memref<128xi32, #tpu.memory_space<vmem>>, %arg6: memref<128x768xf32, #tpu.memory_space<vmem>>, %arg7: memref<!tpu.dma_semaphore, #tpu.memory_space<semaphore_mem>>) attributes {dimension_semantics = [#tpu.dimension_semantics<core_parallel>, #tpu.dimension_semantics<subcore_parallel>], iteration_bounds = array<i64: 2, 16>, scalar_prefetch = 0 : i64, scratch_operands = 3 : i64, tpu.core_type = #tpu.core_type<sc_vector_subcore>, window_params = [{transform_indices = #map}, {transform_indices = #map1}, {transform_indices = #map}]} {
    %mul3A = arith.constant 2 : i32
    %mul3A_0 = arith.muli %arg1, %mul3A : i32
    %add3A = arith.addi %mul3A_0, %arg0 : i32
    %mul3A_1 = arith.constant 512 : i32
    %mul3A_2 = arith.muli %add3A, %mul3A_1 : i32
    %add3A_3 = arith.constant 0 : i32
    %add3A_4 = arith.addi %mul3A_2, %add3A_3 : i32
    "tpu.region"() ({
      %run_scoped3A = tpu.sem_alloc : memref<!tpu.dma_semaphore, #tpu.memory_space<semaphore_mem>>
      %dma_start3A_33 = tpu.memref_slice %arg3[%add3A_4] : memref<16384xi32, #tpu.memory_space<hbm>> -> memref<128xi32, #tpu.memory_space<hbm>>
      %dma_start3A_34 = tpu.memref_slice %arg3[%add3A_4] : memref<16384xi32, #tpu.memory_space<hbm>> -> memref<128xi32, #tpu.memory_space<hbm>>
      tpu.enqueue_dma source(%dma_start3A_34 : memref<128xi32, #tpu.memory_space<hbm>>) target(%arg5 : memref<128xi32, #tpu.memory_space<vmem>>) target_semaphore(%run_scoped3A : memref<!tpu.dma_semaphore, #tpu.memory_space<semaphore_mem>>)
      %dma_wait3A_35 = tpu.memref_slice %arg3[%add3A_4] : memref<16384xi32, #tpu.memory_space<hbm>> -> memref<128xi32, #tpu.memory_space<hbm>>
      %dma_wait3A_36 = tpu.memref_slice %arg3[%add3A_4] : memref<16384xi32, #tpu.memory_space<hbm>> -> memref<128xi32, #tpu.memory_space<hbm>>
      tpu.wait_dma2 semaphore(%run_scoped3A : memref<!tpu.dma_semaphore, #tpu.memory_space<semaphore_mem>>) src(%dma_wait3A_36 : memref<128xi32, #tpu.memory_space<hbm>>) dst(%arg5 : memref<128xi32, #tpu.memory_space<vmem>>)
      tpu.yield
    }) : () -> ()
    %dma_start3A = arith.constant 0 : i32
    %dma_start3A_5 = arith.constant 0 : i32
    %dma_start3A_6 = tpu.memref_slice %arg2[%dma_start3A, %dma_start3A_5] : memref<6561x768xf32, #tpu.memory_space<hbm>> -> memref<6561x768xf32, #tpu.memory_space<hbm>>
    tpu.enqueue_indirect_dma source(%dma_start3A_6 : memref<6561x768xf32, #tpu.memory_space<hbm>>) target(%arg6 : memref<128x768xf32, #tpu.memory_space<vmem>>) offsets(%arg5 : memref<128xi32, #tpu.memory_space<vmem>>) semaphore(%arg7 : memref<!tpu.dma_semaphore, #tpu.memory_space<semaphore_mem>>)
    %dma_wait3A = arith.constant 0 : i32
    %dma_wait3A_7 = arith.constant 0 : i32
    %dma_wait3A_8 = tpu.memref_slice %arg2[%dma_wait3A, %dma_wait3A_7] : memref<6561x768xf32, #tpu.memory_space<hbm>> -> memref<6561x768xf32, #tpu.memory_space<hbm>>
    tpu.wait_indirect_dma semaphore(%arg7 : memref<!tpu.dma_semaphore, #tpu.memory_space<semaphore_mem>>) src(%dma_wait3A_8 : memref<6561x768xf32, #tpu.memory_space<hbm>>) dst(%arg6 : memref<128x768xf32, #tpu.memory_space<vmem>>)
    "tpu.region"() ({
      %run_scoped3A = tpu.sem_alloc : memref<!tpu.dma_semaphore, #tpu.memory_space<semaphore_mem>>
      %dma_start3A_33 = arith.constant 0 : i32
      %dma_start3A_34 = tpu.memref_slice %arg4[%add3A_4, %dma_start3A_33] : memref<16384x768xf32, #tpu.memory_space<hbm>> -> memref<128x768xf32, #tpu.memory_space<hbm>>
      %dma_start3A_35 = arith.constant 0 : i32
      %dma_start3A_36 = tpu.memref_slice %arg4[%add3A_4, %dma_start3A_35] : memref<16384x768xf32, #tpu.memory_space<hbm>> -> memref<128x768xf32, #tpu.memory_space<hbm>>
      tpu.enqueue_dma source(%arg6 : memref<128x768xf32, #tpu.memory_space<vmem>>) target(%dma_start3A_36 : memref<128x768xf32, #tpu.memory_space<hbm>>) target_semaphore(%run_scoped3A : memref<!tpu.dma_semaphore, #tpu.memory_space<semaphore_mem>>)
      %dma_wait3A_37 = arith.constant 0 : i32
      %dma_wait3A_38 = tpu.memref_slice %arg4[%add3A_4, %dma_wait3A_37] : memref<16384x768xf32, #tpu.memory_space<hbm>> -> memref<128x768xf32, #tpu.memory_space<hbm>>
      %dma_wait3A_39 = arith.constant 0 : i32
      %dma_wait3A_40 = tpu.memref_slice %arg4[%add3A_4, %dma_wait3A_39] : memref<16384x768xf32, #tpu.memory_space<hbm>> -> memref<128x768xf32, #tpu.memory_space<hbm>>
      tpu.wait_dma2 semaphore(%run_scoped3A : memref<!tpu.dma_semaphore, #tpu.memory_space<semaphore_mem>>) src(%arg6 : memref<128x768xf32, #tpu.memory_space<vmem>>) dst(%dma_wait3A_40 : memref<128x768xf32, #tpu.memory_space<hbm>>)
      tpu.yield
    }) : () -> ()
    %add3A_9 = arith.constant 128 : i32
    %add3A_10 = arith.addi %mul3A_2, %add3A_9 : i32
    "tpu.region"() ({
      %run_scoped3A = tpu.sem_alloc : memref<!tpu.dma_semaphore, #tpu.memory_space<semaphore_mem>>
      %dma_start3A_33 = tpu.memref_slice %arg3[%add3A_10] : memref<16384xi32, #tpu.memory_space<hbm>> -> memref<128xi32, #tpu.memory_space<hbm>>
      %dma_start3A_34 = tpu.memref_slice %arg3[%add3A_10] : memref<16384xi32, #tpu.memory_space<hbm>> -> memref<128xi32, #tpu.memory_space<hbm>>
      tpu.enqueue_dma source(%dma_start3A_34 : memref<128xi32, #tpu.memory_space<hbm>>) target(%arg5 : memref<128xi32, #tpu.memory_space<vmem>>) target_semaphore(%run_scoped3A : memref<!tpu.dma_semaphore, #tpu.memory_space<semaphore_mem>>)
      %dma_wait3A_35 = tpu.memref_slice %arg3[%add3A_10] : memref<16384xi32, #tpu.memory_space<hbm>> -> memref<128xi32, #tpu.memory_space<hbm>>
      %dma_wait3A_36 = tpu.memref_slice %arg3[%add3A_10] : memref<16384xi32, #tpu.memory_space<hbm>> -> memref<128xi32, #tpu.memory_space<hbm>>
      tpu.wait_dma2 semaphore(%run_scoped3A : memref<!tpu.dma_semaphore, #tpu.memory_space<semaphore_mem>>) src(%dma_wait3A_36 : memref<128xi32, #tpu.memory_space<hbm>>) dst(%arg5 : memref<128xi32, #tpu.memory_space<vmem>>)
      tpu.yield
    }) : () -> ()
    %dma_start3A_11 = arith.constant 0 : i32
    %dma_start3A_12 = arith.constant 0 : i32
    %dma_start3A_13 = tpu.memref_slice %arg2[%dma_start3A_11, %dma_start3A_12] : memref<6561x768xf32, #tpu.memory_space<hbm>> -> memref<6561x768xf32, #tpu.memory_space<hbm>>
    tpu.enqueue_indirect_dma source(%dma_start3A_13 : memref<6561x768xf32, #tpu.memory_space<hbm>>) target(%arg6 : memref<128x768xf32, #tpu.memory_space<vmem>>) offsets(%arg5 : memref<128xi32, #tpu.memory_space<vmem>>) semaphore(%arg7 : memref<!tpu.dma_semaphore, #tpu.memory_space<semaphore_mem>>)
    %dma_wait3A_14 = arith.constant 0 : i32
    %dma_wait3A_15 = arith.constant 0 : i32
    %dma_wait3A_16 = tpu.memref_slice %arg2[%dma_wait3A_14, %dma_wait3A_15] : memref<6561x768xf32, #tpu.memory_space<hbm>> -> memref<6561x768xf32, #tpu.memory_space<hbm>>
    tpu.wait_indirect_dma semaphore(%arg7 : memref<!tpu.dma_semaphore, #tpu.memory_space<semaphore_mem>>) src(%dma_wait3A_16 : memref<6561x768xf32, #tpu.memory_space<hbm>>) dst(%arg6 : memref<128x768xf32, #tpu.memory_space<vmem>>)
    "tpu.region"() ({
      %run_scoped3A = tpu.sem_alloc : memref<!tpu.dma_semaphore, #tpu.memory_space<semaphore_mem>>
      %dma_start3A_33 = arith.constant 0 : i32
      %dma_start3A_34 = tpu.memref_slice %arg4[%add3A_10, %dma_start3A_33] : memref<16384x768xf32, #tpu.memory_space<hbm>> -> memref<128x768xf32, #tpu.memory_space<hbm>>
      %dma_start3A_35 = arith.constant 0 : i32
      %dma_start3A_36 = tpu.memref_slice %arg4[%add3A_10, %dma_start3A_35] : memref<16384x768xf32, #tpu.memory_space<hbm>> -> memref<128x768xf32, #tpu.memory_space<hbm>>
      tpu.enqueue_dma source(%arg6 : memref<128x768xf32, #tpu.memory_space<vmem>>) target(%dma_start3A_36 : memref<128x768xf32, #tpu.memory_space<hbm>>) target_semaphore(%run_scoped3A : memref<!tpu.dma_semaphore, #tpu.memory_space<semaphore_mem>>)
      %dma_wait3A_37 = arith.constant 0 : i32
      %dma_wait3A_38 = tpu.memref_slice %arg4[%add3A_10, %dma_wait3A_37] : memref<16384x768xf32, #tpu.memory_space<hbm>> -> memref<128x768xf32, #tpu.memory_space<hbm>>
      %dma_wait3A_39 = arith.constant 0 : i32
      %dma_wait3A_40 = tpu.memref_slice %arg4[%add3A_10, %dma_wait3A_39] : memref<16384x768xf32, #tpu.memory_space<hbm>> -> memref<128x768xf32, #tpu.memory_space<hbm>>
      tpu.wait_dma2 semaphore(%run_scoped3A : memref<!tpu.dma_semaphore, #tpu.memory_space<semaphore_mem>>) src(%arg6 : memref<128x768xf32, #tpu.memory_space<vmem>>) dst(%dma_wait3A_40 : memref<128x768xf32, #tpu.memory_space<hbm>>)
      tpu.yield
    }) : () -> ()
    %add3A_17 = arith.constant 256 : i32
    %add3A_18 = arith.addi %mul3A_2, %add3A_17 : i32
    "tpu.region"() ({
      %run_scoped3A = tpu.sem_alloc : memref<!tpu.dma_semaphore, #tpu.memory_space<semaphore_mem>>
      %dma_start3A_33 = tpu.memref_slice %arg3[%add3A_18] : memref<16384xi32, #tpu.memory_space<hbm>> -> memref<128xi32, #tpu.memory_space<hbm>>
      %dma_start3A_34 = tpu.memref_slice %arg3[%add3A_18] : memref<16384xi32, #tpu.memory_space<hbm>> -> memref<128xi32, #tpu.memory_space<hbm>>
      tpu.enqueue_dma source(%dma_start3A_34 : memref<128xi32, #tpu.memory_space<hbm>>) target(%arg5 : memref<128xi32, #tpu.memory_space<vmem>>) target_semaphore(%run_scoped3A : memref<!tpu.dma_semaphore, #tpu.memory_space<semaphore_mem>>)
      %dma_wait3A_35 = tpu.memref_slice %arg3[%add3A_18] : memref<16384xi32, #tpu.memory_space<hbm>> -> memref<128xi32, #tpu.memory_space<hbm>>
      %dma_wait3A_36 = tpu.memref_slice %arg3[%add3A_18] : memref<16384xi32, #tpu.memory_space<hbm>> -> memref<128xi32, #tpu.memory_space<hbm>>
      tpu.wait_dma2 semaphore(%run_scoped3A : memref<!tpu.dma_semaphore, #tpu.memory_space<semaphore_mem>>) src(%dma_wait3A_36 : memref<128xi32, #tpu.memory_space<hbm>>) dst(%arg5 : memref<128xi32, #tpu.memory_space<vmem>>)
      tpu.yield
    }) : () -> ()
    %dma_start3A_19 = arith.constant 0 : i32
    %dma_start3A_20 = arith.constant 0 : i32
    %dma_start3A_21 = tpu.memref_slice %arg2[%dma_start3A_19, %dma_start3A_20] : memref<6561x768xf32, #tpu.memory_space<hbm>> -> memref<6561x768xf32, #tpu.memory_space<hbm>>
    tpu.enqueue_indirect_dma source(%dma_start3A_21 : memref<6561x768xf32, #tpu.memory_space<hbm>>) target(%arg6 : memref<128x768xf32, #tpu.memory_space<vmem>>) offsets(%arg5 : memref<128xi32, #tpu.memory_space<vmem>>) semaphore(%arg7 : memref<!tpu.dma_semaphore, #tpu.memory_space<semaphore_mem>>)
    %dma_wait3A_22 = arith.constant 0 : i32
    %dma_wait3A_23 = arith.constant 0 : i32
    %dma_wait3A_24 = tpu.memref_slice %arg2[%dma_wait3A_22, %dma_wait3A_23] : memref<6561x768xf32, #tpu.memory_space<hbm>> -> memref<6561x768xf32, #tpu.memory_space<hbm>>
    tpu.wait_indirect_dma semaphore(%arg7 : memref<!tpu.dma_semaphore, #tpu.memory_space<semaphore_mem>>) src(%dma_wait3A_24 : memref<6561x768xf32, #tpu.memory_space<hbm>>) dst(%arg6 : memref<128x768xf32, #tpu.memory_space<vmem>>)
    "tpu.region"() ({
      %run_scoped3A = tpu.sem_alloc : memref<!tpu.dma_semaphore, #tpu.memory_space<semaphore_mem>>
      %dma_start3A_33 = arith.constant 0 : i32
      %dma_start3A_34 = tpu.memref_slice %arg4[%add3A_18, %dma_start3A_33] : memref<16384x768xf32, #tpu.memory_space<hbm>> -> memref<128x768xf32, #tpu.memory_space<hbm>>
      %dma_start3A_35 = arith.constant 0 : i32
      %dma_start3A_36 = tpu.memref_slice %arg4[%add3A_18, %dma_start3A_35] : memref<16384x768xf32, #tpu.memory_space<hbm>> -> memref<128x768xf32, #tpu.memory_space<hbm>>
      tpu.enqueue_dma source(%arg6 : memref<128x768xf32, #tpu.memory_space<vmem>>) target(%dma_start3A_36 : memref<128x768xf32, #tpu.memory_space<hbm>>) target_semaphore(%run_scoped3A : memref<!tpu.dma_semaphore, #tpu.memory_space<semaphore_mem>>)
      %dma_wait3A_37 = arith.constant 0 : i32
      %dma_wait3A_38 = tpu.memref_slice %arg4[%add3A_18, %dma_wait3A_37] : memref<16384x768xf32, #tpu.memory_space<hbm>> -> memref<128x768xf32, #tpu.memory_space<hbm>>
      %dma_wait3A_39 = arith.constant 0 : i32
      %dma_wait3A_40 = tpu.memref_slice %arg4[%add3A_18, %dma_wait3A_39] : memref<16384x768xf32, #tpu.memory_space<hbm>> -> memref<128x768xf32, #tpu.memory_space<hbm>>
      tpu.wait_dma2 semaphore(%run_scoped3A : memref<!tpu.dma_semaphore, #tpu.memory_space<semaphore_mem>>) src(%arg6 : memref<128x768xf32, #tpu.memory_space<vmem>>) dst(%dma_wait3A_40 : memref<128x768xf32, #tpu.memory_space<hbm>>)
      tpu.yield
    }) : () -> ()
    %add3A_25 = arith.constant 384 : i32
    %add3A_26 = arith.addi %mul3A_2, %add3A_25 : i32
    "tpu.region"() ({
      %run_scoped3A = tpu.sem_alloc : memref<!tpu.dma_semaphore, #tpu.memory_space<semaphore_mem>>
      %dma_start3A_33 = tpu.memref_slice %arg3[%add3A_26] : memref<16384xi32, #tpu.memory_space<hbm>> -> memref<128xi32, #tpu.memory_space<hbm>>
      %dma_start3A_34 = tpu.memref_slice %arg3[%add3A_26] : memref<16384xi32, #tpu.memory_space<hbm>> -> memref<128xi32, #tpu.memory_space<hbm>>
      tpu.enqueue_dma source(%dma_start3A_34 : memref<128xi32, #tpu.memory_space<hbm>>) target(%arg5 : memref<128xi32, #tpu.memory_space<vmem>>) target_semaphore(%run_scoped3A : memref<!tpu.dma_semaphore, #tpu.memory_space<semaphore_mem>>)
      %dma_wait3A_35 = tpu.memref_slice %arg3[%add3A_26] : memref<16384xi32, #tpu.memory_space<hbm>> -> memref<128xi32, #tpu.memory_space<hbm>>
      %dma_wait3A_36 = tpu.memref_slice %arg3[%add3A_26] : memref<16384xi32, #tpu.memory_space<hbm>> -> memref<128xi32, #tpu.memory_space<hbm>>
      tpu.wait_dma2 semaphore(%run_scoped3A : memref<!tpu.dma_semaphore, #tpu.memory_space<semaphore_mem>>) src(%dma_wait3A_36 : memref<128xi32, #tpu.memory_space<hbm>>) dst(%arg5 : memref<128xi32, #tpu.memory_space<vmem>>)
      tpu.yield
    }) : () -> ()
    %dma_start3A_27 = arith.constant 0 : i32
    %dma_start3A_28 = arith.constant 0 : i32
    %dma_start3A_29 = tpu.memref_slice %arg2[%dma_start3A_27, %dma_start3A_28] : memref<6561x768xf32, #tpu.memory_space<hbm>> -> memref<6561x768xf32, #tpu.memory_space<hbm>>
    tpu.enqueue_indirect_dma source(%dma_start3A_29 : memref<6561x768xf32, #tpu.memory_space<hbm>>) target(%arg6 : memref<128x768xf32, #tpu.memory_space<vmem>>) offsets(%arg5 : memref<128xi32, #tpu.memory_space<vmem>>) semaphore(%arg7 : memref<!tpu.dma_semaphore, #tpu.memory_space<semaphore_mem>>)
    %dma_wait3A_30 = arith.constant 0 : i32
    %dma_wait3A_31 = arith.constant 0 : i32
    %dma_wait3A_32 = tpu.memref_slice %arg2[%dma_wait3A_30, %dma_wait3A_31] : memref<6561x768xf32, #tpu.memory_space<hbm>> -> memref<6561x768xf32, #tpu.memory_space<hbm>>
    tpu.wait_indirect_dma semaphore(%arg7 : memref<!tpu.dma_semaphore, #tpu.memory_space<semaphore_mem>>) src(%dma_wait3A_32 : memref<6561x768xf32, #tpu.memory_space<hbm>>) dst(%arg6 : memref<128x768xf32, #tpu.memory_space<vmem>>)
    "tpu.region"() ({
      %run_scoped3A = tpu.sem_alloc : memref<!tpu.dma_semaphore, #tpu.memory_space<semaphore_mem>>
      %dma_start3A_33 = arith.constant 0 : i32
      %dma_start3A_34 = tpu.memref_slice %arg4[%add3A_26, %dma_start3A_33] : memref<16384x768xf32, #tpu.memory_space<hbm>> -> memref<128x768xf32, #tpu.memory_space<hbm>>
      %dma_start3A_35 = arith.constant 0 : i32
      %dma_start3A_36 = tpu.memref_slice %arg4[%add3A_26, %dma_start3A_35] : memref<16384x768xf32, #tpu.memory_space<hbm>> -> memref<128x768xf32, #tpu.memory_space<hbm>>
      tpu.enqueue_dma source(%arg6 : memref<128x768xf32, #tpu.memory_space<vmem>>) target(%dma_start3A_36 : memref<128x768xf32, #tpu.memory_space<hbm>>) target_semaphore(%run_scoped3A : memref<!tpu.dma_semaphore, #tpu.memory_space<semaphore_mem>>)
      %dma_wait3A_37 = arith.constant 0 : i32
      %dma_wait3A_38 = tpu.memref_slice %arg4[%add3A_26, %dma_wait3A_37] : memref<16384x768xf32, #tpu.memory_space<hbm>> -> memref<128x768xf32, #tpu.memory_space<hbm>>
      %dma_wait3A_39 = arith.constant 0 : i32
      %dma_wait3A_40 = tpu.memref_slice %arg4[%add3A_26, %dma_wait3A_39] : memref<16384x768xf32, #tpu.memory_space<hbm>> -> memref<128x768xf32, #tpu.memory_space<hbm>>
      tpu.wait_dma2 semaphore(%run_scoped3A : memref<!tpu.dma_semaphore, #tpu.memory_space<semaphore_mem>>) src(%arg6 : memref<128x768xf32, #tpu.memory_space<vmem>>) dst(%dma_wait3A_40 : memref<128x768xf32, #tpu.memory_space<hbm>>)
      tpu.yield
    }) : () -> ()
    return
  }
}

#map = affine_map<(d0, d1) -> (0, 0)>
#map1 = affine_map<(d0, d1) -> (0)>
module attributes {stable_mosaic.version = 14 : i64} {
  func.func @k(%arg0: i32, %arg1: i32, %arg2: memref<6561x768xf32, #tpu.memory_space<hbm>>, %arg3: memref<16384xi32, #tpu.memory_space<hbm>>, %arg4: memref<16384x768xf32, #tpu.memory_space<hbm>>, %arg5: memref<128xi32, #tpu.memory_space<vmem>>, %arg6: memref<128x768xf32, #tpu.memory_space<vmem>>, %arg7: memref<!tpu.dma_semaphore, #tpu.memory_space<semaphore_mem>>) attributes {dimension_semantics = [#tpu.dimension_semantics<core_parallel>, #tpu.dimension_semantics<subcore_parallel>], iteration_bounds = array<i64: 2, 16>, scalar_prefetch = 0 : i64, scratch_operands = 3 : i64, tpu.core_type = #tpu.core_type<sc_vector_subcore>, window_params = [{transform_indices = #map}, {transform_indices = #map1}, {transform_indices = #map}]} {
    %mul3A = arith.constant 2 : i32
    %mul3A_0 = arith.muli %arg1, %mul3A : i32
    %add3A = arith.addi %mul3A_0, %arg0 : i32
    %mul3A_1 = arith.constant 512 : i32
    %mul3A_2 = arith.muli %add3A, %mul3A_1 : i32
    %add3A_3 = arith.constant 0 : i32
    %add3A_4 = arith.addi %mul3A_2, %add3A_3 : i32
    "tpu.region"() ({
      %run_scoped3A = tpu.sem_alloc : memref<!tpu.dma_semaphore, #tpu.memory_space<semaphore_mem>>
      %dma_start3A_33 = tpu.memref_slice %arg3[%add3A_4] : memref<16384xi32, #tpu.memory_space<hbm>> -> memref<128xi32, #tpu.memory_space<hbm>>
      %dma_start3A_34 = tpu.memref_slice %arg3[%add3A_4] : memref<16384xi32, #tpu.memory_space<hbm>> -> memref<128xi32, #tpu.memory_space<hbm>>
      tpu.enqueue_dma source(%dma_start3A_34 : memref<128xi32, #tpu.memory_space<hbm>>) target(%arg5 : memref<128xi32, #tpu.memory_space<vmem>>) target_semaphore(%run_scoped3A : memref<!tpu.dma_semaphore, #tpu.memory_space<semaphore_mem>>)
      %dma_wait3A_35 = tpu.memref_slice %arg3[%add3A_4] : memref<16384xi32, #tpu.memory_space<hbm>> -> memref<128xi32, #tpu.memory_space<hbm>>
      %dma_wait3A_36 = tpu.memref_slice %arg3[%add3A_4] : memref<16384xi32, #tpu.memory_space<hbm>> -> memref<128xi32, #tpu.memory_space<hbm>>
      tpu.wait_dma2 semaphore(%run_scoped3A : memref<!tpu.dma_semaphore, #tpu.memory_space<semaphore_mem>>) src(%dma_wait3A_36 : memref<128xi32, #tpu.memory_space<hbm>>) dst(%arg5 : memref<128xi32, #tpu.memory_space<vmem>>)
      tpu.yield
    }) : () -> ()
    %dma_start3A = arith.constant 0 : i32
    %dma_start3A_5 = arith.constant 0 : i32
    %dma_start3A_6 = tpu.memref_slice %arg2[%dma_start3A, %dma_start3A_5] : memref<6561x768xf32, #tpu.memory_space<hbm>> -> memref<6561x768xf32, #tpu.memory_space<hbm>>
    tpu.enqueue_indirect_dma source(%dma_start3A_6 : memref<6561x768xf32, #tpu.memory_space<hbm>>) target(%arg6 : memref<128x768xf32, #tpu.memory_space<vmem>>) offsets(%arg5 : memref<128xi32, #tpu.memory_space<vmem>>) semaphore(%arg7 : memref<!tpu.dma_semaphore, #tpu.memory_space<semaphore_mem>>)
    %dma_wait3A = arith.constant 0 : i32
    %dma_wait3A_7 = arith.constant 0 : i32
    %dma_wait3A_8 = tpu.memref_slice %arg2[%dma_wait3A, %dma_wait3A_7] : memref<6561x768xf32, #tpu.memory_space<hbm>> -> memref<6561x768xf32, #tpu.memory_space<hbm>>
    tpu.wait_indirect_dma semaphore(%arg7 : memref<!tpu.dma_semaphore, #tpu.memory_space<semaphore_mem>>) src(%dma_wait3A_8 : memref<6561x768xf32, #tpu.memory_space<hbm>>) dst(%arg6 : memref<128x768xf32, #tpu.memory_space<vmem>>)
    "tpu.region"() ({
      %run_scoped3A = tpu.sem_alloc : memref<!tpu.dma_semaphore, #tpu.memory_space<semaphore_mem>>
      %dma_start3A_33 = arith.constant 0 : i32
      %dma_start3A_34 = tpu.memref_slice %arg4[%add3A_4, %dma_start3A_33] : memref<16384x768xf32, #tpu.memory_space<hbm>> -> memref<128x768xf32, #tpu.memory_space<hbm>>
      %dma_start3A_35 = arith.constant 0 : i32
      %dma_start3A_36 = tpu.memref_slice %arg4[%add3A_4, %dma_start3A_35] : memref<16384x768xf32, #tpu.memory_space<hbm>> -> memref<128x768xf32, #tpu.memory_space<hbm>>
      tpu.enqueue_dma source(%arg6 : memref<128x768xf32, #tpu.memory_space<vmem>>) target(%dma_start3A_36 : memref<128x768xf32, #tpu.memory_space<hbm>>) target_semaphore(%run_scoped3A : memref<!tpu.dma_semaphore, #tpu.memory_space<semaphore_mem>>)
      %dma_wait3A_37 = arith.constant 0 : i32
      %dma_wait3A_38 = tpu.memref_slice %arg4[%add3A_4, %dma_wait3A_37] : memref<16384x768xf32, #tpu.memory_space<hbm>> -> memref<128x768xf32, #tpu.memory_space<hbm>>
      %dma_wait3A_39 = arith.constant 0 : i32
      %dma_wait3A_40 = tpu.memref_slice %arg4[%add3A_4, %dma_wait3A_39] : memref<16384x768xf32, #tpu.memory_space<hbm>> -> memref<128x768xf32, #tpu.memory_space<hbm>>
      tpu.wait_dma2 semaphore(%run_scoped3A : memref<!tpu.dma_semaphore, #tpu.memory_space<semaphore_mem>>) src(%arg6 : memref<128x768xf32, #tpu.memory_space<vmem>>) dst(%dma_wait3A_40 : memref<128x768xf32, #tpu.memory_space<hbm>>)
      tpu.yield
    }) : () -> ()
    %add3A_9 = arith.constant 128 : i32
    %add3A_10 = arith.addi %mul3A_2, %add3A_9 : i32
    "tpu.region"() ({
      %run_scoped3A = tpu.sem_alloc : memref<!tpu.dma_semaphore, #tpu.memory_space<semaphore_mem>>
      %dma_start3A_33 = tpu.memref_slice %arg3[%add3A_10] : memref<16384xi32, #tpu.memory_space<hbm>> -> memref<128xi32, #tpu.memory_space<hbm>>
      %dma_start3A_34 = tpu.memref_slice %arg3[%add3A_10] : memref<16384xi32, #tpu.memory_space<hbm>> -> memref<128xi32, #tpu.memory_space<hbm>>
      tpu.enqueue_dma source(%dma_start3A_34 : memref<128xi32, #tpu.memory_space<hbm>>) target(%arg5 : memref<128xi32, #tpu.memory_space<vmem>>) target_semaphore(%run_scoped3A : memref<!tpu.dma_semaphore, #tpu.memory_space<semaphore_mem>>)
      %dma_wait3A_35 = tpu.memref_slice %arg3[%add3A_10] : memref<16384xi32, #tpu.memory_space<hbm>> -> memref<128xi32, #tpu.memory_space<hbm>>
      %dma_wait3A_36 = tpu.memref_slice %arg3[%add3A_10] : memref<16384xi32, #tpu.memory_space<hbm>> -> memref<128xi32, #tpu.memory_space<hbm>>
      tpu.wait_dma2 semaphore(%run_scoped3A : memref<!tpu.dma_semaphore, #tpu.memory_space<semaphore_mem>>) src(%dma_wait3A_36 : memref<128xi32, #tpu.memory_space<hbm>>) dst(%arg5 : memref<128xi32, #tpu.memory_space<vmem>>)
      tpu.yield
    }) : () -> ()
    %dma_start3A_11 = arith.constant 0 : i32
    %dma_start3A_12 = arith.constant 0 : i32
    %dma_start3A_13 = tpu.memref_slice %arg2[%dma_start3A_11, %dma_start3A_12] : memref<6561x768xf32, #tpu.memory_space<hbm>> -> memref<6561x768xf32, #tpu.memory_space<hbm>>
    tpu.enqueue_indirect_dma source(%dma_start3A_13 : memref<6561x768xf32, #tpu.memory_space<hbm>>) target(%arg6 : memref<128x768xf32, #tpu.memory_space<vmem>>) offsets(%arg5 : memref<128xi32, #tpu.memory_space<vmem>>) semaphore(%arg7 : memref<!tpu.dma_semaphore, #tpu.memory_space<semaphore_mem>>)
    %dma_wait3A_14 = arith.constant 0 : i32
    %dma_wait3A_15 = arith.constant 0 : i32
    %dma_wait3A_16 = tpu.memref_slice %arg2[%dma_wait3A_14, %dma_wait3A_15] : memref<6561x768xf32, #tpu.memory_space<hbm>> -> memref<6561x768xf32, #tpu.memory_space<hbm>>
    tpu.wait_indirect_dma semaphore(%arg7 : memref<!tpu.dma_semaphore, #tpu.memory_space<semaphore_mem>>) src(%dma_wait3A_16 : memref<6561x768xf32, #tpu.memory_space<hbm>>) dst(%arg6 : memref<128x768xf32, #tpu.memory_space<vmem>>)
    "tpu.region"() ({
      %run_scoped3A = tpu.sem_alloc : memref<!tpu.dma_semaphore, #tpu.memory_space<semaphore_mem>>
      %dma_start3A_33 = arith.constant 0 : i32
      %dma_start3A_34 = tpu.memref_slice %arg4[%add3A_10, %dma_start3A_33] : memref<16384x768xf32, #tpu.memory_space<hbm>> -> memref<128x768xf32, #tpu.memory_space<hbm>>
      %dma_start3A_35 = arith.constant 0 : i32
      %dma_start3A_36 = tpu.memref_slice %arg4[%add3A_10, %dma_start3A_35] : memref<16384x768xf32, #tpu.memory_space<hbm>> -> memref<128x768xf32, #tpu.memory_space<hbm>>
      tpu.enqueue_dma source(%arg6 : memref<128x768xf32, #tpu.memory_space<vmem>>) target(%dma_start3A_36 : memref<128x768xf32, #tpu.memory_space<hbm>>) target_semaphore(%run_scoped3A : memref<!tpu.dma_semaphore, #tpu.memory_space<semaphore_mem>>)
      %dma_wait3A_37 = arith.constant 0 : i32
      %dma_wait3A_38 = tpu.memref_slice %arg4[%add3A_10, %dma_wait3A_37] : memref<16384x768xf32, #tpu.memory_space<hbm>> -> memref<128x768xf32, #tpu.memory_space<hbm>>
      %dma_wait3A_39 = arith.constant 0 : i32
      %dma_wait3A_40 = tpu.memref_slice %arg4[%add3A_10, %dma_wait3A_39] : memref<16384x768xf32, #tpu.memory_space<hbm>> -> memref<128x768xf32, #tpu.memory_space<hbm>>
      tpu.wait_dma2 semaphore(%run_scoped3A : memref<!tpu.dma_semaphore, #tpu.memory_space<semaphore_mem>>) src(%arg6 : memref<128x768xf32, #tpu.memory_space<vmem>>) dst(%dma_wait3A_40 : memref<128x768xf32, #tpu.memory_space<hbm>>)
      tpu.yield
    }) : () -> ()
    %add3A_17 = arith.constant 256 : i32
    %add3A_18 = arith.addi %mul3A_2, %add3A_17 : i32
    "tpu.region"() ({
      %run_scoped3A = tpu.sem_alloc : memref<!tpu.dma_semaphore, #tpu.memory_space<semaphore_mem>>
      %dma_start3A_33 = tpu.memref_slice %arg3[%add3A_18] : memref<16384xi32, #tpu.memory_space<hbm>> -> memref<128xi32, #tpu.memory_space<hbm>>
      %dma_start3A_34 = tpu.memref_slice %arg3[%add3A_18] : memref<16384xi32, #tpu.memory_space<hbm>> -> memref<128xi32, #tpu.memory_space<hbm>>
      tpu.enqueue_dma source(%dma_start3A_34 : memref<128xi32, #tpu.memory_space<hbm>>) target(%arg5 : memref<128xi32, #tpu.memory_space<vmem>>) target_semaphore(%run_scoped3A : memref<!tpu.dma_semaphore, #tpu.memory_space<semaphore_mem>>)
      %dma_wait3A_35 = tpu.memref_slice %arg3[%add3A_18] : memref<16384xi32, #tpu.memory_space<hbm>> -> memref<128xi32, #tpu.memory_space<hbm>>
      %dma_wait3A_36 = tpu.memref_slice %arg3[%add3A_18] : memref<16384xi32, #tpu.memory_space<hbm>> -> memref<128xi32, #tpu.memory_space<hbm>>
      tpu.wait_dma2 semaphore(%run_scoped3A : memref<!tpu.dma_semaphore, #tpu.memory_space<semaphore_mem>>) src(%dma_wait3A_36 : memref<128xi32, #tpu.memory_space<hbm>>) dst(%arg5 : memref<128xi32, #tpu.memory_space<vmem>>)
      tpu.yield
    }) : () -> ()
    %dma_start3A_19 = arith.constant 0 : i32
    %dma_start3A_20 = arith.constant 0 : i32
    %dma_start3A_21 = tpu.memref_slice %arg2[%dma_start3A_19, %dma_start3A_20] : memref<6561x768xf32, #tpu.memory_space<hbm>> -> memref<6561x768xf32, #tpu.memory_space<hbm>>
    tpu.enqueue_indirect_dma source(%dma_start3A_21 : memref<6561x768xf32, #tpu.memory_space<hbm>>) target(%arg6 : memref<128x768xf32, #tpu.memory_space<vmem>>) offsets(%arg5 : memref<128xi32, #tpu.memory_space<vmem>>) semaphore(%arg7 : memref<!tpu.dma_semaphore, #tpu.memory_space<semaphore_mem>>)
    %dma_wait3A_22 = arith.constant 0 : i32
    %dma_wait3A_23 = arith.constant 0 : i32
    %dma_wait3A_24 = tpu.memref_slice %arg2[%dma_wait3A_22, %dma_wait3A_23] : memref<6561x768xf32, #tpu.memory_space<hbm>> -> memref<6561x768xf32, #tpu.memory_space<hbm>>
    tpu.wait_indirect_dma semaphore(%arg7 : memref<!tpu.dma_semaphore, #tpu.memory_space<semaphore_mem>>) src(%dma_wait3A_24 : memref<6561x768xf32, #tpu.memory_space<hbm>>) dst(%arg6 : memref<128x768xf32, #tpu.memory_space<vmem>>)
    "tpu.region"() ({
      %run_scoped3A = tpu.sem_alloc : memref<!tpu.dma_semaphore, #tpu.memory_space<semaphore_mem>>
      %dma_start3A_33 = arith.constant 0 : i32
      %dma_start3A_34 = tpu.memref_slice %arg4[%add3A_18, %dma_start3A_33] : memref<16384x768xf32, #tpu.memory_space<hbm>> -> memref<128x768xf32, #tpu.memory_space<hbm>>
      %dma_start3A_35 = arith.constant 0 : i32
      %dma_start3A_36 = tpu.memref_slice %arg4[%add3A_18, %dma_start3A_35] : memref<16384x768xf32, #tpu.memory_space<hbm>> -> memref<128x768xf32, #tpu.memory_space<hbm>>
      tpu.enqueue_dma source(%arg6 : memref<128x768xf32, #tpu.memory_space<vmem>>) target(%dma_start3A_36 : memref<128x768xf32, #tpu.memory_space<hbm>>) target_semaphore(%run_scoped3A : memref<!tpu.dma_semaphore, #tpu.memory_space<semaphore_mem>>)
      %dma_wait3A_37 = arith.constant 0 : i32
      %dma_wait3A_38 = tpu.memref_slice %arg4[%add3A_18, %dma_wait3A_37] : memref<16384x768xf32, #tpu.memory_space<hbm>> -> memref<128x768xf32, #tpu.memory_space<hbm>>
      %dma_wait3A_39 = arith.constant 0 : i32
      %dma_wait3A_40 = tpu.memref_slice %arg4[%add3A_18, %dma_wait3A_39] : memref<16384x768xf32, #tpu.memory_space<hbm>> -> memref<128x768xf32, #tpu.memory_space<hbm>>
      tpu.wait_dma2 semaphore(%run_scoped3A : memref<!tpu.dma_semaphore, #tpu.memory_space<semaphore_mem>>) src(%arg6 : memref<128x768xf32, #tpu.memory_space<vmem>>) dst(%dma_wait3A_40 : memref<128x768xf32, #tpu.memory_space<hbm>>)
      tpu.yield
    }) : () -> ()
    %add3A_25 = arith.constant 384 : i32
    %add3A_26 = arith.addi %mul3A_2, %add3A_25 : i32
    "tpu.region"() ({
      %run_scoped3A = tpu.sem_alloc : memref<!tpu.dma_semaphore, #tpu.memory_space<semaphore_mem>>
      %dma_start3A_33 = tpu.memref_slice %arg3[%add3A_26] : memref<16384xi32, #tpu.memory_space<hbm>> -> memref<128xi32, #tpu.memory_space<hbm>>
      %dma_start3A_34 = tpu.memref_slice %arg3[%add3A_26] : memref<16384xi32, #tpu.memory_space<hbm>> -> memref<128xi32, #tpu.memory_space<hbm>>
      tpu.enqueue_dma source(%dma_start3A_34 : memref<128xi32, #tpu.memory_space<hbm>>) target(%arg5 : memref<128xi32, #tpu.memory_space<vmem>>) target_semaphore(%run_scoped3A : memref<!tpu.dma_semaphore, #tpu.memory_space<semaphore_mem>>)
      %dma_wait3A_35 = tpu.memref_slice %arg3[%add3A_26] : memref<16384xi32, #tpu.memory_space<hbm>> -> memref<128xi32, #tpu.memory_space<hbm>>
      %dma_wait3A_36 = tpu.memref_slice %arg3[%add3A_26] : memref<16384xi32, #tpu.memory_space<hbm>> -> memref<128xi32, #tpu.memory_space<hbm>>
      tpu.wait_dma2 semaphore(%run_scoped3A : memref<!tpu.dma_semaphore, #tpu.memory_space<semaphore_mem>>) src(%dma_wait3A_36 : memref<128xi32, #tpu.memory_space<hbm>>) dst(%arg5 : memref<128xi32, #tpu.memory_space<vmem>>)
      tpu.yield
    }) : () -> ()
    %dma_start3A_27 = arith.constant 0 : i32
    %dma_start3A_28 = arith.constant 0 : i32
    %dma_start3A_29 = tpu.memref_slice %arg2[%dma_start3A_27, %dma_start3A_28] : memref<6561x768xf32, #tpu.memory_space<hbm>> -> memref<6561x768xf32, #tpu.memory_space<hbm>>
    tpu.enqueue_indirect_dma source(%dma_start3A_29 : memref<6561x768xf32, #tpu.memory_space<hbm>>) target(%arg6 : memref<128x768xf32, #tpu.memory_space<vmem>>) offsets(%arg5 : memref<128xi32, #tpu.memory_space<vmem>>) semaphore(%arg7 : memref<!tpu.dma_semaphore, #tpu.memory_space<semaphore_mem>>)
    %dma_wait3A_30 = arith.constant 0 : i32
    %dma_wait3A_31 = arith.constant 0 : i32
    %dma_wait3A_32 = tpu.memref_slice %arg2[%dma_wait3A_30, %dma_wait3A_31] : memref<6561x768xf32, #tpu.memory_space<hbm>> -> memref<6561x768xf32, #tpu.memory_space<hbm>>
    tpu.wait_indirect_dma semaphore(%arg7 : memref<!tpu.dma_semaphore, #tpu.memory_space<semaphore_mem>>) src(%dma_wait3A_32 : memref<6561x768xf32, #tpu.memory_space<hbm>>) dst(%arg6 : memref<128x768xf32, #tpu.memory_space<vmem>>)
    "tpu.region"() ({
      %run_scoped3A = tpu.sem_alloc : memref<!tpu.dma_semaphore, #tpu.memory_space<semaphore_mem>>
      %dma_start3A_33 = arith.constant 0 : i32
      %dma_start3A_34 = tpu.memref_slice %arg4[%add3A_26, %dma_start3A_33] : memref<16384x768xf32, #tpu.memory_space<hbm>> -> memref<128x768xf32, #tpu.memory_space<hbm>>
      %dma_start3A_35 = arith.constant 0 : i32
      %dma_start3A_36 = tpu.memref_slice %arg4[%add3A_26, %dma_start3A_35] : memref<16384x768xf32, #tpu.memory_space<hbm>> -> memref<128x768xf32, #tpu.memory_space<hbm>>
      tpu.enqueue_dma source(%arg6 : memref<128x768xf32, #tpu.memory_space<vmem>>) target(%dma_start3A_36 : memref<128x768xf32, #tpu.memory_space<hbm>>) target_semaphore(%run_scoped3A : memref<!tpu.dma_semaphore, #tpu.memory_space<semaphore_mem>>)
      %dma_wait3A_37 = arith.constant 0 : i32
      %dma_wait3A_38 = tpu.memref_slice %arg4[%add3A_26, %dma_wait3A_37] : memref<16384x768xf32, #tpu.memory_space<hbm>> -> memref<128x768xf32, #tpu.memory_space<hbm>>
      %dma_wait3A_39 = arith.constant 0 : i32
      %dma_wait3A_40 = tpu.memref_slice %arg4[%add3A_26, %dma_wait3A_39] : memref<16384x768xf32, #tpu.memory_space<hbm>> -> memref<128x768xf32, #tpu.memory_space<hbm>>
      tpu.wait_dma2 semaphore(%run_scoped3A : memref<!tpu.dma_semaphore, #tpu.memory_space<semaphore_mem>>) src(%arg6 : memref<128x768xf32, #tpu.memory_space<vmem>>) dst(%dma_wait3A_40 : memref<128x768xf32, #tpu.memory_space<hbm>>)
      tpu.yield
    }) : () -> ()
    return
  }
}

#map = affine_map<(d0, d1) -> (0, 0)>
#map1 = affine_map<(d0, d1) -> (0)>
module attributes {stable_mosaic.version = 14 : i64} {
  func.func @k(%arg0: i32, %arg1: i32, %arg2: memref<6561x768xf32, #tpu.memory_space<hbm>>, %arg3: memref<16384xi32, #tpu.memory_space<hbm>>, %arg4: memref<16384x768xf32, #tpu.memory_space<hbm>>, %arg5: memref<128xi32, #tpu.memory_space<vmem>>, %arg6: memref<128x768xf32, #tpu.memory_space<vmem>>, %arg7: memref<!tpu.dma_semaphore, #tpu.memory_space<semaphore_mem>>) attributes {dimension_semantics = [#tpu.dimension_semantics<core_parallel>, #tpu.dimension_semantics<subcore_parallel>], iteration_bounds = array<i64: 2, 16>, scalar_prefetch = 0 : i64, scratch_operands = 3 : i64, tpu.core_type = #tpu.core_type<sc_vector_subcore>, window_params = [{transform_indices = #map}, {transform_indices = #map1}, {transform_indices = #map}]} {
    %mul3A = arith.constant 2 : i32
    %mul3A_0 = arith.muli %arg1, %mul3A : i32
    %add3A = arith.addi %mul3A_0, %arg0 : i32
    %mul3A_1 = arith.constant 512 : i32
    %mul3A_2 = arith.muli %add3A, %mul3A_1 : i32
    %add3A_3 = arith.constant 0 : i32
    %add3A_4 = arith.addi %mul3A_2, %add3A_3 : i32
    "tpu.region"() ({
      %run_scoped3A = tpu.sem_alloc : memref<!tpu.dma_semaphore, #tpu.memory_space<semaphore_mem>>
      %dma_start3A_33 = tpu.memref_slice %arg3[%add3A_4] : memref<16384xi32, #tpu.memory_space<hbm>> -> memref<128xi32, #tpu.memory_space<hbm>>
      %dma_start3A_34 = tpu.memref_slice %arg3[%add3A_4] : memref<16384xi32, #tpu.memory_space<hbm>> -> memref<128xi32, #tpu.memory_space<hbm>>
      tpu.enqueue_dma source(%dma_start3A_34 : memref<128xi32, #tpu.memory_space<hbm>>) target(%arg5 : memref<128xi32, #tpu.memory_space<vmem>>) target_semaphore(%run_scoped3A : memref<!tpu.dma_semaphore, #tpu.memory_space<semaphore_mem>>)
      %dma_wait3A_35 = tpu.memref_slice %arg3[%add3A_4] : memref<16384xi32, #tpu.memory_space<hbm>> -> memref<128xi32, #tpu.memory_space<hbm>>
      %dma_wait3A_36 = tpu.memref_slice %arg3[%add3A_4] : memref<16384xi32, #tpu.memory_space<hbm>> -> memref<128xi32, #tpu.memory_space<hbm>>
      tpu.wait_dma2 semaphore(%run_scoped3A : memref<!tpu.dma_semaphore, #tpu.memory_space<semaphore_mem>>) src(%dma_wait3A_36 : memref<128xi32, #tpu.memory_space<hbm>>) dst(%arg5 : memref<128xi32, #tpu.memory_space<vmem>>)
      tpu.yield
    }) : () -> ()
    %dma_start3A = arith.constant 0 : i32
    %dma_start3A_5 = arith.constant 0 : i32
    %dma_start3A_6 = tpu.memref_slice %arg2[%dma_start3A, %dma_start3A_5] : memref<6561x768xf32, #tpu.memory_space<hbm>> -> memref<6561x768xf32, #tpu.memory_space<hbm>>
    tpu.enqueue_indirect_dma source(%dma_start3A_6 : memref<6561x768xf32, #tpu.memory_space<hbm>>) target(%arg6 : memref<128x768xf32, #tpu.memory_space<vmem>>) offsets(%arg5 : memref<128xi32, #tpu.memory_space<vmem>>) semaphore(%arg7 : memref<!tpu.dma_semaphore, #tpu.memory_space<semaphore_mem>>)
    %dma_wait3A = arith.constant 0 : i32
    %dma_wait3A_7 = arith.constant 0 : i32
    %dma_wait3A_8 = tpu.memref_slice %arg2[%dma_wait3A, %dma_wait3A_7] : memref<6561x768xf32, #tpu.memory_space<hbm>> -> memref<6561x768xf32, #tpu.memory_space<hbm>>
    tpu.wait_indirect_dma semaphore(%arg7 : memref<!tpu.dma_semaphore, #tpu.memory_space<semaphore_mem>>) src(%dma_wait3A_8 : memref<6561x768xf32, #tpu.memory_space<hbm>>) dst(%arg6 : memref<128x768xf32, #tpu.memory_space<vmem>>)
    "tpu.region"() ({
      %run_scoped3A = tpu.sem_alloc : memref<!tpu.dma_semaphore, #tpu.memory_space<semaphore_mem>>
      %dma_start3A_33 = arith.constant 0 : i32
      %dma_start3A_34 = tpu.memref_slice %arg4[%add3A_4, %dma_start3A_33] : memref<16384x768xf32, #tpu.memory_space<hbm>> -> memref<128x768xf32, #tpu.memory_space<hbm>>
      %dma_start3A_35 = arith.constant 0 : i32
      %dma_start3A_36 = tpu.memref_slice %arg4[%add3A_4, %dma_start3A_35] : memref<16384x768xf32, #tpu.memory_space<hbm>> -> memref<128x768xf32, #tpu.memory_space<hbm>>
      tpu.enqueue_dma source(%arg6 : memref<128x768xf32, #tpu.memory_space<vmem>>) target(%dma_start3A_36 : memref<128x768xf32, #tpu.memory_space<hbm>>) target_semaphore(%run_scoped3A : memref<!tpu.dma_semaphore, #tpu.memory_space<semaphore_mem>>)
      %dma_wait3A_37 = arith.constant 0 : i32
      %dma_wait3A_38 = tpu.memref_slice %arg4[%add3A_4, %dma_wait3A_37] : memref<16384x768xf32, #tpu.memory_space<hbm>> -> memref<128x768xf32, #tpu.memory_space<hbm>>
      %dma_wait3A_39 = arith.constant 0 : i32
      %dma_wait3A_40 = tpu.memref_slice %arg4[%add3A_4, %dma_wait3A_39] : memref<16384x768xf32, #tpu.memory_space<hbm>> -> memref<128x768xf32, #tpu.memory_space<hbm>>
      tpu.wait_dma2 semaphore(%run_scoped3A : memref<!tpu.dma_semaphore, #tpu.memory_space<semaphore_mem>>) src(%arg6 : memref<128x768xf32, #tpu.memory_space<vmem>>) dst(%dma_wait3A_40 : memref<128x768xf32, #tpu.memory_space<hbm>>)
      tpu.yield
    }) : () -> ()
    %add3A_9 = arith.constant 128 : i32
    %add3A_10 = arith.addi %mul3A_2, %add3A_9 : i32
    "tpu.region"() ({
      %run_scoped3A = tpu.sem_alloc : memref<!tpu.dma_semaphore, #tpu.memory_space<semaphore_mem>>
      %dma_start3A_33 = tpu.memref_slice %arg3[%add3A_10] : memref<16384xi32, #tpu.memory_space<hbm>> -> memref<128xi32, #tpu.memory_space<hbm>>
      %dma_start3A_34 = tpu.memref_slice %arg3[%add3A_10] : memref<16384xi32, #tpu.memory_space<hbm>> -> memref<128xi32, #tpu.memory_space<hbm>>
      tpu.enqueue_dma source(%dma_start3A_34 : memref<128xi32, #tpu.memory_space<hbm>>) target(%arg5 : memref<128xi32, #tpu.memory_space<vmem>>) target_semaphore(%run_scoped3A : memref<!tpu.dma_semaphore, #tpu.memory_space<semaphore_mem>>)
      %dma_wait3A_35 = tpu.memref_slice %arg3[%add3A_10] : memref<16384xi32, #tpu.memory_space<hbm>> -> memref<128xi32, #tpu.memory_space<hbm>>
      %dma_wait3A_36 = tpu.memref_slice %arg3[%add3A_10] : memref<16384xi32, #tpu.memory_space<hbm>> -> memref<128xi32, #tpu.memory_space<hbm>>
      tpu.wait_dma2 semaphore(%run_scoped3A : memref<!tpu.dma_semaphore, #tpu.memory_space<semaphore_mem>>) src(%dma_wait3A_36 : memref<128xi32, #tpu.memory_space<hbm>>) dst(%arg5 : memref<128xi32, #tpu.memory_space<vmem>>)
      tpu.yield
    }) : () -> ()
    %dma_start3A_11 = arith.constant 0 : i32
    %dma_start3A_12 = arith.constant 0 : i32
    %dma_start3A_13 = tpu.memref_slice %arg2[%dma_start3A_11, %dma_start3A_12] : memref<6561x768xf32, #tpu.memory_space<hbm>> -> memref<6561x768xf32, #tpu.memory_space<hbm>>
    tpu.enqueue_indirect_dma source(%dma_start3A_13 : memref<6561x768xf32, #tpu.memory_space<hbm>>) target(%arg6 : memref<128x768xf32, #tpu.memory_space<vmem>>) offsets(%arg5 : memref<128xi32, #tpu.memory_space<vmem>>) semaphore(%arg7 : memref<!tpu.dma_semaphore, #tpu.memory_space<semaphore_mem>>)
    %dma_wait3A_14 = arith.constant 0 : i32
    %dma_wait3A_15 = arith.constant 0 : i32
    %dma_wait3A_16 = tpu.memref_slice %arg2[%dma_wait3A_14, %dma_wait3A_15] : memref<6561x768xf32, #tpu.memory_space<hbm>> -> memref<6561x768xf32, #tpu.memory_space<hbm>>
    tpu.wait_indirect_dma semaphore(%arg7 : memref<!tpu.dma_semaphore, #tpu.memory_space<semaphore_mem>>) src(%dma_wait3A_16 : memref<6561x768xf32, #tpu.memory_space<hbm>>) dst(%arg6 : memref<128x768xf32, #tpu.memory_space<vmem>>)
    "tpu.region"() ({
      %run_scoped3A = tpu.sem_alloc : memref<!tpu.dma_semaphore, #tpu.memory_space<semaphore_mem>>
      %dma_start3A_33 = arith.constant 0 : i32
      %dma_start3A_34 = tpu.memref_slice %arg4[%add3A_10, %dma_start3A_33] : memref<16384x768xf32, #tpu.memory_space<hbm>> -> memref<128x768xf32, #tpu.memory_space<hbm>>
      %dma_start3A_35 = arith.constant 0 : i32
      %dma_start3A_36 = tpu.memref_slice %arg4[%add3A_10, %dma_start3A_35] : memref<16384x768xf32, #tpu.memory_space<hbm>> -> memref<128x768xf32, #tpu.memory_space<hbm>>
      tpu.enqueue_dma source(%arg6 : memref<128x768xf32, #tpu.memory_space<vmem>>) target(%dma_start3A_36 : memref<128x768xf32, #tpu.memory_space<hbm>>) target_semaphore(%run_scoped3A : memref<!tpu.dma_semaphore, #tpu.memory_space<semaphore_mem>>)
      %dma_wait3A_37 = arith.constant 0 : i32
      %dma_wait3A_38 = tpu.memref_slice %arg4[%add3A_10, %dma_wait3A_37] : memref<16384x768xf32, #tpu.memory_space<hbm>> -> memref<128x768xf32, #tpu.memory_space<hbm>>
      %dma_wait3A_39 = arith.constant 0 : i32
      %dma_wait3A_40 = tpu.memref_slice %arg4[%add3A_10, %dma_wait3A_39] : memref<16384x768xf32, #tpu.memory_space<hbm>> -> memref<128x768xf32, #tpu.memory_space<hbm>>
      tpu.wait_dma2 semaphore(%run_scoped3A : memref<!tpu.dma_semaphore, #tpu.memory_space<semaphore_mem>>) src(%arg6 : memref<128x768xf32, #tpu.memory_space<vmem>>) dst(%dma_wait3A_40 : memref<128x768xf32, #tpu.memory_space<hbm>>)
      tpu.yield
    }) : () -> ()
    %add3A_17 = arith.constant 256 : i32
    %add3A_18 = arith.addi %mul3A_2, %add3A_17 : i32
    "tpu.region"() ({
      %run_scoped3A = tpu.sem_alloc : memref<!tpu.dma_semaphore, #tpu.memory_space<semaphore_mem>>
      %dma_start3A_33 = tpu.memref_slice %arg3[%add3A_18] : memref<16384xi32, #tpu.memory_space<hbm>> -> memref<128xi32, #tpu.memory_space<hbm>>
      %dma_start3A_34 = tpu.memref_slice %arg3[%add3A_18] : memref<16384xi32, #tpu.memory_space<hbm>> -> memref<128xi32, #tpu.memory_space<hbm>>
      tpu.enqueue_dma source(%dma_start3A_34 : memref<128xi32, #tpu.memory_space<hbm>>) target(%arg5 : memref<128xi32, #tpu.memory_space<vmem>>) target_semaphore(%run_scoped3A : memref<!tpu.dma_semaphore, #tpu.memory_space<semaphore_mem>>)
      %dma_wait3A_35 = tpu.memref_slice %arg3[%add3A_18] : memref<16384xi32, #tpu.memory_space<hbm>> -> memref<128xi32, #tpu.memory_space<hbm>>
      %dma_wait3A_36 = tpu.memref_slice %arg3[%add3A_18] : memref<16384xi32, #tpu.memory_space<hbm>> -> memref<128xi32, #tpu.memory_space<hbm>>
      tpu.wait_dma2 semaphore(%run_scoped3A : memref<!tpu.dma_semaphore, #tpu.memory_space<semaphore_mem>>) src(%dma_wait3A_36 : memref<128xi32, #tpu.memory_space<hbm>>) dst(%arg5 : memref<128xi32, #tpu.memory_space<vmem>>)
      tpu.yield
    }) : () -> ()
    %dma_start3A_19 = arith.constant 0 : i32
    %dma_start3A_20 = arith.constant 0 : i32
    %dma_start3A_21 = tpu.memref_slice %arg2[%dma_start3A_19, %dma_start3A_20] : memref<6561x768xf32, #tpu.memory_space<hbm>> -> memref<6561x768xf32, #tpu.memory_space<hbm>>
    tpu.enqueue_indirect_dma source(%dma_start3A_21 : memref<6561x768xf32, #tpu.memory_space<hbm>>) target(%arg6 : memref<128x768xf32, #tpu.memory_space<vmem>>) offsets(%arg5 : memref<128xi32, #tpu.memory_space<vmem>>) semaphore(%arg7 : memref<!tpu.dma_semaphore, #tpu.memory_space<semaphore_mem>>)
    %dma_wait3A_22 = arith.constant 0 : i32
    %dma_wait3A_23 = arith.constant 0 : i32
    %dma_wait3A_24 = tpu.memref_slice %arg2[%dma_wait3A_22, %dma_wait3A_23] : memref<6561x768xf32, #tpu.memory_space<hbm>> -> memref<6561x768xf32, #tpu.memory_space<hbm>>
    tpu.wait_indirect_dma semaphore(%arg7 : memref<!tpu.dma_semaphore, #tpu.memory_space<semaphore_mem>>) src(%dma_wait3A_24 : memref<6561x768xf32, #tpu.memory_space<hbm>>) dst(%arg6 : memref<128x768xf32, #tpu.memory_space<vmem>>)
    "tpu.region"() ({
      %run_scoped3A = tpu.sem_alloc : memref<!tpu.dma_semaphore, #tpu.memory_space<semaphore_mem>>
      %dma_start3A_33 = arith.constant 0 : i32
      %dma_start3A_34 = tpu.memref_slice %arg4[%add3A_18, %dma_start3A_33] : memref<16384x768xf32, #tpu.memory_space<hbm>> -> memref<128x768xf32, #tpu.memory_space<hbm>>
      %dma_start3A_35 = arith.constant 0 : i32
      %dma_start3A_36 = tpu.memref_slice %arg4[%add3A_18, %dma_start3A_35] : memref<16384x768xf32, #tpu.memory_space<hbm>> -> memref<128x768xf32, #tpu.memory_space<hbm>>
      tpu.enqueue_dma source(%arg6 : memref<128x768xf32, #tpu.memory_space<vmem>>) target(%dma_start3A_36 : memref<128x768xf32, #tpu.memory_space<hbm>>) target_semaphore(%run_scoped3A : memref<!tpu.dma_semaphore, #tpu.memory_space<semaphore_mem>>)
      %dma_wait3A_37 = arith.constant 0 : i32
      %dma_wait3A_38 = tpu.memref_slice %arg4[%add3A_18, %dma_wait3A_37] : memref<16384x768xf32, #tpu.memory_space<hbm>> -> memref<128x768xf32, #tpu.memory_space<hbm>>
      %dma_wait3A_39 = arith.constant 0 : i32
      %dma_wait3A_40 = tpu.memref_slice %arg4[%add3A_18, %dma_wait3A_39] : memref<16384x768xf32, #tpu.memory_space<hbm>> -> memref<128x768xf32, #tpu.memory_space<hbm>>
      tpu.wait_dma2 semaphore(%run_scoped3A : memref<!tpu.dma_semaphore, #tpu.memory_space<semaphore_mem>>) src(%arg6 : memref<128x768xf32, #tpu.memory_space<vmem>>) dst(%dma_wait3A_40 : memref<128x768xf32, #tpu.memory_space<hbm>>)
      tpu.yield
    }) : () -> ()
    %add3A_25 = arith.constant 384 : i32
    %add3A_26 = arith.addi %mul3A_2, %add3A_25 : i32
    "tpu.region"() ({
      %run_scoped3A = tpu.sem_alloc : memref<!tpu.dma_semaphore, #tpu.memory_space<semaphore_mem>>
      %dma_start3A_33 = tpu.memref_slice %arg3[%add3A_26] : memref<16384xi32, #tpu.memory_space<hbm>> -> memref<128xi32, #tpu.memory_space<hbm>>
      %dma_start3A_34 = tpu.memref_slice %arg3[%add3A_26] : memref<16384xi32, #tpu.memory_space<hbm>> -> memref<128xi32, #tpu.memory_space<hbm>>
      tpu.enqueue_dma source(%dma_start3A_34 : memref<128xi32, #tpu.memory_space<hbm>>) target(%arg5 : memref<128xi32, #tpu.memory_space<vmem>>) target_semaphore(%run_scoped3A : memref<!tpu.dma_semaphore, #tpu.memory_space<semaphore_mem>>)
      %dma_wait3A_35 = tpu.memref_slice %arg3[%add3A_26] : memref<16384xi32, #tpu.memory_space<hbm>> -> memref<128xi32, #tpu.memory_space<hbm>>
      %dma_wait3A_36 = tpu.memref_slice %arg3[%add3A_26] : memref<16384xi32, #tpu.memory_space<hbm>> -> memref<128xi32, #tpu.memory_space<hbm>>
      tpu.wait_dma2 semaphore(%run_scoped3A : memref<!tpu.dma_semaphore, #tpu.memory_space<semaphore_mem>>) src(%dma_wait3A_36 : memref<128xi32, #tpu.memory_space<hbm>>) dst(%arg5 : memref<128xi32, #tpu.memory_space<vmem>>)
      tpu.yield
    }) : () -> ()
    %dma_start3A_27 = arith.constant 0 : i32
    %dma_start3A_28 = arith.constant 0 : i32
    %dma_start3A_29 = tpu.memref_slice %arg2[%dma_start3A_27, %dma_start3A_28] : memref<6561x768xf32, #tpu.memory_space<hbm>> -> memref<6561x768xf32, #tpu.memory_space<hbm>>
    tpu.enqueue_indirect_dma source(%dma_start3A_29 : memref<6561x768xf32, #tpu.memory_space<hbm>>) target(%arg6 : memref<128x768xf32, #tpu.memory_space<vmem>>) offsets(%arg5 : memref<128xi32, #tpu.memory_space<vmem>>) semaphore(%arg7 : memref<!tpu.dma_semaphore, #tpu.memory_space<semaphore_mem>>)
    %dma_wait3A_30 = arith.constant 0 : i32
    %dma_wait3A_31 = arith.constant 0 : i32
    %dma_wait3A_32 = tpu.memref_slice %arg2[%dma_wait3A_30, %dma_wait3A_31] : memref<6561x768xf32, #tpu.memory_space<hbm>> -> memref<6561x768xf32, #tpu.memory_space<hbm>>
    tpu.wait_indirect_dma semaphore(%arg7 : memref<!tpu.dma_semaphore, #tpu.memory_space<semaphore_mem>>) src(%dma_wait3A_32 : memref<6561x768xf32, #tpu.memory_space<hbm>>) dst(%arg6 : memref<128x768xf32, #tpu.memory_space<vmem>>)
    "tpu.region"() ({
      %run_scoped3A = tpu.sem_alloc : memref<!tpu.dma_semaphore, #tpu.memory_space<semaphore_mem>>
      %dma_start3A_33 = arith.constant 0 : i32
      %dma_start3A_34 = tpu.memref_slice %arg4[%add3A_26, %dma_start3A_33] : memref<16384x768xf32, #tpu.memory_space<hbm>> -> memref<128x768xf32, #tpu.memory_space<hbm>>
      %dma_start3A_35 = arith.constant 0 : i32
      %dma_start3A_36 = tpu.memref_slice %arg4[%add3A_26, %dma_start3A_35] : memref<16384x768xf32, #tpu.memory_space<hbm>> -> memref<128x768xf32, #tpu.memory_space<hbm>>
      tpu.enqueue_dma source(%arg6 : memref<128x768xf32, #tpu.memory_space<vmem>>) target(%dma_start3A_36 : memref<128x768xf32, #tpu.memory_space<hbm>>) target_semaphore(%run_scoped3A : memref<!tpu.dma_semaphore, #tpu.memory_space<semaphore_mem>>)
      %dma_wait3A_37 = arith.constant 0 : i32
      %dma_wait3A_38 = tpu.memref_slice %arg4[%add3A_26, %dma_wait3A_37] : memref<16384x768xf32, #tpu.memory_space<hbm>> -> memref<128x768xf32, #tpu.memory_space<hbm>>
      %dma_wait3A_39 = arith.constant 0 : i32
      %dma_wait3A_40 = tpu.memref_slice %arg4[%add3A_26, %dma_wait3A_39] : memref<16384x768xf32, #tpu.memory_space<hbm>> -> memref<128x768xf32, #tpu.memory_space<hbm>>
      tpu.wait_dma2 semaphore(%run_scoped3A : memref<!tpu.dma_semaphore, #tpu.memory_space<semaphore_mem>>) src(%arg6 : memref<128x768xf32, #tpu.memory_space<vmem>>) dst(%dma_wait3A_40 : memref<128x768xf32, #tpu.memory_space<hbm>>)
      tpu.yield
    }) : () -> ()
    return
  }
}

#map = affine_map<(d0, d1) -> (0, 0)>
#map1 = affine_map<(d0, d1) -> (0)>
module attributes {stable_mosaic.version = 14 : i64} {
  func.func @k(%arg0: i32, %arg1: i32, %arg2: memref<6561x768xf32, #tpu.memory_space<hbm>>, %arg3: memref<16384xi32, #tpu.memory_space<hbm>>, %arg4: memref<16384x768xf32, #tpu.memory_space<hbm>>, %arg5: memref<128xi32, #tpu.memory_space<vmem>>, %arg6: memref<128x768xf32, #tpu.memory_space<vmem>>, %arg7: memref<!tpu.dma_semaphore, #tpu.memory_space<semaphore_mem>>) attributes {dimension_semantics = [#tpu.dimension_semantics<core_parallel>, #tpu.dimension_semantics<subcore_parallel>], iteration_bounds = array<i64: 2, 16>, scalar_prefetch = 0 : i64, scratch_operands = 3 : i64, tpu.core_type = #tpu.core_type<sc_vector_subcore>, window_params = [{transform_indices = #map}, {transform_indices = #map1}, {transform_indices = #map}]} {
    %mul3A = arith.constant 2 : i32
    %mul3A_0 = arith.muli %arg1, %mul3A : i32
    %add3A = arith.addi %mul3A_0, %arg0 : i32
    %mul3A_1 = arith.constant 512 : i32
    %mul3A_2 = arith.muli %add3A, %mul3A_1 : i32
    %add3A_3 = arith.constant 0 : i32
    %add3A_4 = arith.addi %mul3A_2, %add3A_3 : i32
    "tpu.region"() ({
      %run_scoped3A = tpu.sem_alloc : memref<!tpu.dma_semaphore, #tpu.memory_space<semaphore_mem>>
      %dma_start3A_33 = tpu.memref_slice %arg3[%add3A_4] : memref<16384xi32, #tpu.memory_space<hbm>> -> memref<128xi32, #tpu.memory_space<hbm>>
      %dma_start3A_34 = tpu.memref_slice %arg3[%add3A_4] : memref<16384xi32, #tpu.memory_space<hbm>> -> memref<128xi32, #tpu.memory_space<hbm>>
      tpu.enqueue_dma source(%dma_start3A_34 : memref<128xi32, #tpu.memory_space<hbm>>) target(%arg5 : memref<128xi32, #tpu.memory_space<vmem>>) target_semaphore(%run_scoped3A : memref<!tpu.dma_semaphore, #tpu.memory_space<semaphore_mem>>)
      %dma_wait3A_35 = tpu.memref_slice %arg3[%add3A_4] : memref<16384xi32, #tpu.memory_space<hbm>> -> memref<128xi32, #tpu.memory_space<hbm>>
      %dma_wait3A_36 = tpu.memref_slice %arg3[%add3A_4] : memref<16384xi32, #tpu.memory_space<hbm>> -> memref<128xi32, #tpu.memory_space<hbm>>
      tpu.wait_dma2 semaphore(%run_scoped3A : memref<!tpu.dma_semaphore, #tpu.memory_space<semaphore_mem>>) src(%dma_wait3A_36 : memref<128xi32, #tpu.memory_space<hbm>>) dst(%arg5 : memref<128xi32, #tpu.memory_space<vmem>>)
      tpu.yield
    }) : () -> ()
    %dma_start3A = arith.constant 0 : i32
    %dma_start3A_5 = arith.constant 0 : i32
    %dma_start3A_6 = tpu.memref_slice %arg2[%dma_start3A, %dma_start3A_5] : memref<6561x768xf32, #tpu.memory_space<hbm>> -> memref<6561x768xf32, #tpu.memory_space<hbm>>
    tpu.enqueue_indirect_dma source(%dma_start3A_6 : memref<6561x768xf32, #tpu.memory_space<hbm>>) target(%arg6 : memref<128x768xf32, #tpu.memory_space<vmem>>) offsets(%arg5 : memref<128xi32, #tpu.memory_space<vmem>>) semaphore(%arg7 : memref<!tpu.dma_semaphore, #tpu.memory_space<semaphore_mem>>)
    %dma_wait3A = arith.constant 0 : i32
    %dma_wait3A_7 = arith.constant 0 : i32
    %dma_wait3A_8 = tpu.memref_slice %arg2[%dma_wait3A, %dma_wait3A_7] : memref<6561x768xf32, #tpu.memory_space<hbm>> -> memref<6561x768xf32, #tpu.memory_space<hbm>>
    tpu.wait_indirect_dma semaphore(%arg7 : memref<!tpu.dma_semaphore, #tpu.memory_space<semaphore_mem>>) src(%dma_wait3A_8 : memref<6561x768xf32, #tpu.memory_space<hbm>>) dst(%arg6 : memref<128x768xf32, #tpu.memory_space<vmem>>)
    "tpu.region"() ({
      %run_scoped3A = tpu.sem_alloc : memref<!tpu.dma_semaphore, #tpu.memory_space<semaphore_mem>>
      %dma_start3A_33 = arith.constant 0 : i32
      %dma_start3A_34 = tpu.memref_slice %arg4[%add3A_4, %dma_start3A_33] : memref<16384x768xf32, #tpu.memory_space<hbm>> -> memref<128x768xf32, #tpu.memory_space<hbm>>
      %dma_start3A_35 = arith.constant 0 : i32
      %dma_start3A_36 = tpu.memref_slice %arg4[%add3A_4, %dma_start3A_35] : memref<16384x768xf32, #tpu.memory_space<hbm>> -> memref<128x768xf32, #tpu.memory_space<hbm>>
      tpu.enqueue_dma source(%arg6 : memref<128x768xf32, #tpu.memory_space<vmem>>) target(%dma_start3A_36 : memref<128x768xf32, #tpu.memory_space<hbm>>) target_semaphore(%run_scoped3A : memref<!tpu.dma_semaphore, #tpu.memory_space<semaphore_mem>>)
      %dma_wait3A_37 = arith.constant 0 : i32
      %dma_wait3A_38 = tpu.memref_slice %arg4[%add3A_4, %dma_wait3A_37] : memref<16384x768xf32, #tpu.memory_space<hbm>> -> memref<128x768xf32, #tpu.memory_space<hbm>>
      %dma_wait3A_39 = arith.constant 0 : i32
      %dma_wait3A_40 = tpu.memref_slice %arg4[%add3A_4, %dma_wait3A_39] : memref<16384x768xf32, #tpu.memory_space<hbm>> -> memref<128x768xf32, #tpu.memory_space<hbm>>
      tpu.wait_dma2 semaphore(%run_scoped3A : memref<!tpu.dma_semaphore, #tpu.memory_space<semaphore_mem>>) src(%arg6 : memref<128x768xf32, #tpu.memory_space<vmem>>) dst(%dma_wait3A_40 : memref<128x768xf32, #tpu.memory_space<hbm>>)
      tpu.yield
    }) : () -> ()
    %add3A_9 = arith.constant 128 : i32
    %add3A_10 = arith.addi %mul3A_2, %add3A_9 : i32
    "tpu.region"() ({
      %run_scoped3A = tpu.sem_alloc : memref<!tpu.dma_semaphore, #tpu.memory_space<semaphore_mem>>
      %dma_start3A_33 = tpu.memref_slice %arg3[%add3A_10] : memref<16384xi32, #tpu.memory_space<hbm>> -> memref<128xi32, #tpu.memory_space<hbm>>
      %dma_start3A_34 = tpu.memref_slice %arg3[%add3A_10] : memref<16384xi32, #tpu.memory_space<hbm>> -> memref<128xi32, #tpu.memory_space<hbm>>
      tpu.enqueue_dma source(%dma_start3A_34 : memref<128xi32, #tpu.memory_space<hbm>>) target(%arg5 : memref<128xi32, #tpu.memory_space<vmem>>) target_semaphore(%run_scoped3A : memref<!tpu.dma_semaphore, #tpu.memory_space<semaphore_mem>>)
      %dma_wait3A_35 = tpu.memref_slice %arg3[%add3A_10] : memref<16384xi32, #tpu.memory_space<hbm>> -> memref<128xi32, #tpu.memory_space<hbm>>
      %dma_wait3A_36 = tpu.memref_slice %arg3[%add3A_10] : memref<16384xi32, #tpu.memory_space<hbm>> -> memref<128xi32, #tpu.memory_space<hbm>>
      tpu.wait_dma2 semaphore(%run_scoped3A : memref<!tpu.dma_semaphore, #tpu.memory_space<semaphore_mem>>) src(%dma_wait3A_36 : memref<128xi32, #tpu.memory_space<hbm>>) dst(%arg5 : memref<128xi32, #tpu.memory_space<vmem>>)
      tpu.yield
    }) : () -> ()
    %dma_start3A_11 = arith.constant 0 : i32
    %dma_start3A_12 = arith.constant 0 : i32
    %dma_start3A_13 = tpu.memref_slice %arg2[%dma_start3A_11, %dma_start3A_12] : memref<6561x768xf32, #tpu.memory_space<hbm>> -> memref<6561x768xf32, #tpu.memory_space<hbm>>
    tpu.enqueue_indirect_dma source(%dma_start3A_13 : memref<6561x768xf32, #tpu.memory_space<hbm>>) target(%arg6 : memref<128x768xf32, #tpu.memory_space<vmem>>) offsets(%arg5 : memref<128xi32, #tpu.memory_space<vmem>>) semaphore(%arg7 : memref<!tpu.dma_semaphore, #tpu.memory_space<semaphore_mem>>)
    %dma_wait3A_14 = arith.constant 0 : i32
    %dma_wait3A_15 = arith.constant 0 : i32
    %dma_wait3A_16 = tpu.memref_slice %arg2[%dma_wait3A_14, %dma_wait3A_15] : memref<6561x768xf32, #tpu.memory_space<hbm>> -> memref<6561x768xf32, #tpu.memory_space<hbm>>
    tpu.wait_indirect_dma semaphore(%arg7 : memref<!tpu.dma_semaphore, #tpu.memory_space<semaphore_mem>>) src(%dma_wait3A_16 : memref<6561x768xf32, #tpu.memory_space<hbm>>) dst(%arg6 : memref<128x768xf32, #tpu.memory_space<vmem>>)
    "tpu.region"() ({
      %run_scoped3A = tpu.sem_alloc : memref<!tpu.dma_semaphore, #tpu.memory_space<semaphore_mem>>
      %dma_start3A_33 = arith.constant 0 : i32
      %dma_start3A_34 = tpu.memref_slice %arg4[%add3A_10, %dma_start3A_33] : memref<16384x768xf32, #tpu.memory_space<hbm>> -> memref<128x768xf32, #tpu.memory_space<hbm>>
      %dma_start3A_35 = arith.constant 0 : i32
      %dma_start3A_36 = tpu.memref_slice %arg4[%add3A_10, %dma_start3A_35] : memref<16384x768xf32, #tpu.memory_space<hbm>> -> memref<128x768xf32, #tpu.memory_space<hbm>>
      tpu.enqueue_dma source(%arg6 : memref<128x768xf32, #tpu.memory_space<vmem>>) target(%dma_start3A_36 : memref<128x768xf32, #tpu.memory_space<hbm>>) target_semaphore(%run_scoped3A : memref<!tpu.dma_semaphore, #tpu.memory_space<semaphore_mem>>)
      %dma_wait3A_37 = arith.constant 0 : i32
      %dma_wait3A_38 = tpu.memref_slice %arg4[%add3A_10, %dma_wait3A_37] : memref<16384x768xf32, #tpu.memory_space<hbm>> -> memref<128x768xf32, #tpu.memory_space<hbm>>
      %dma_wait3A_39 = arith.constant 0 : i32
      %dma_wait3A_40 = tpu.memref_slice %arg4[%add3A_10, %dma_wait3A_39] : memref<16384x768xf32, #tpu.memory_space<hbm>> -> memref<128x768xf32, #tpu.memory_space<hbm>>
      tpu.wait_dma2 semaphore(%run_scoped3A : memref<!tpu.dma_semaphore, #tpu.memory_space<semaphore_mem>>) src(%arg6 : memref<128x768xf32, #tpu.memory_space<vmem>>) dst(%dma_wait3A_40 : memref<128x768xf32, #tpu.memory_space<hbm>>)
      tpu.yield
    }) : () -> ()
    %add3A_17 = arith.constant 256 : i32
    %add3A_18 = arith.addi %mul3A_2, %add3A_17 : i32
    "tpu.region"() ({
      %run_scoped3A = tpu.sem_alloc : memref<!tpu.dma_semaphore, #tpu.memory_space<semaphore_mem>>
      %dma_start3A_33 = tpu.memref_slice %arg3[%add3A_18] : memref<16384xi32, #tpu.memory_space<hbm>> -> memref<128xi32, #tpu.memory_space<hbm>>
      %dma_start3A_34 = tpu.memref_slice %arg3[%add3A_18] : memref<16384xi32, #tpu.memory_space<hbm>> -> memref<128xi32, #tpu.memory_space<hbm>>
      tpu.enqueue_dma source(%dma_start3A_34 : memref<128xi32, #tpu.memory_space<hbm>>) target(%arg5 : memref<128xi32, #tpu.memory_space<vmem>>) target_semaphore(%run_scoped3A : memref<!tpu.dma_semaphore, #tpu.memory_space<semaphore_mem>>)
      %dma_wait3A_35 = tpu.memref_slice %arg3[%add3A_18] : memref<16384xi32, #tpu.memory_space<hbm>> -> memref<128xi32, #tpu.memory_space<hbm>>
      %dma_wait3A_36 = tpu.memref_slice %arg3[%add3A_18] : memref<16384xi32, #tpu.memory_space<hbm>> -> memref<128xi32, #tpu.memory_space<hbm>>
      tpu.wait_dma2 semaphore(%run_scoped3A : memref<!tpu.dma_semaphore, #tpu.memory_space<semaphore_mem>>) src(%dma_wait3A_36 : memref<128xi32, #tpu.memory_space<hbm>>) dst(%arg5 : memref<128xi32, #tpu.memory_space<vmem>>)
      tpu.yield
    }) : () -> ()
    %dma_start3A_19 = arith.constant 0 : i32
    %dma_start3A_20 = arith.constant 0 : i32
    %dma_start3A_21 = tpu.memref_slice %arg2[%dma_start3A_19, %dma_start3A_20] : memref<6561x768xf32, #tpu.memory_space<hbm>> -> memref<6561x768xf32, #tpu.memory_space<hbm>>
    tpu.enqueue_indirect_dma source(%dma_start3A_21 : memref<6561x768xf32, #tpu.memory_space<hbm>>) target(%arg6 : memref<128x768xf32, #tpu.memory_space<vmem>>) offsets(%arg5 : memref<128xi32, #tpu.memory_space<vmem>>) semaphore(%arg7 : memref<!tpu.dma_semaphore, #tpu.memory_space<semaphore_mem>>)
    %dma_wait3A_22 = arith.constant 0 : i32
    %dma_wait3A_23 = arith.constant 0 : i32
    %dma_wait3A_24 = tpu.memref_slice %arg2[%dma_wait3A_22, %dma_wait3A_23] : memref<6561x768xf32, #tpu.memory_space<hbm>> -> memref<6561x768xf32, #tpu.memory_space<hbm>>
    tpu.wait_indirect_dma semaphore(%arg7 : memref<!tpu.dma_semaphore, #tpu.memory_space<semaphore_mem>>) src(%dma_wait3A_24 : memref<6561x768xf32, #tpu.memory_space<hbm>>) dst(%arg6 : memref<128x768xf32, #tpu.memory_space<vmem>>)
    "tpu.region"() ({
      %run_scoped3A = tpu.sem_alloc : memref<!tpu.dma_semaphore, #tpu.memory_space<semaphore_mem>>
      %dma_start3A_33 = arith.constant 0 : i32
      %dma_start3A_34 = tpu.memref_slice %arg4[%add3A_18, %dma_start3A_33] : memref<16384x768xf32, #tpu.memory_space<hbm>> -> memref<128x768xf32, #tpu.memory_space<hbm>>
      %dma_start3A_35 = arith.constant 0 : i32
      %dma_start3A_36 = tpu.memref_slice %arg4[%add3A_18, %dma_start3A_35] : memref<16384x768xf32, #tpu.memory_space<hbm>> -> memref<128x768xf32, #tpu.memory_space<hbm>>
      tpu.enqueue_dma source(%arg6 : memref<128x768xf32, #tpu.memory_space<vmem>>) target(%dma_start3A_36 : memref<128x768xf32, #tpu.memory_space<hbm>>) target_semaphore(%run_scoped3A : memref<!tpu.dma_semaphore, #tpu.memory_space<semaphore_mem>>)
      %dma_wait3A_37 = arith.constant 0 : i32
      %dma_wait3A_38 = tpu.memref_slice %arg4[%add3A_18, %dma_wait3A_37] : memref<16384x768xf32, #tpu.memory_space<hbm>> -> memref<128x768xf32, #tpu.memory_space<hbm>>
      %dma_wait3A_39 = arith.constant 0 : i32
      %dma_wait3A_40 = tpu.memref_slice %arg4[%add3A_18, %dma_wait3A_39] : memref<16384x768xf32, #tpu.memory_space<hbm>> -> memref<128x768xf32, #tpu.memory_space<hbm>>
      tpu.wait_dma2 semaphore(%run_scoped3A : memref<!tpu.dma_semaphore, #tpu.memory_space<semaphore_mem>>) src(%arg6 : memref<128x768xf32, #tpu.memory_space<vmem>>) dst(%dma_wait3A_40 : memref<128x768xf32, #tpu.memory_space<hbm>>)
      tpu.yield
    }) : () -> ()
    %add3A_25 = arith.constant 384 : i32
    %add3A_26 = arith.addi %mul3A_2, %add3A_25 : i32
    "tpu.region"() ({
      %run_scoped3A = tpu.sem_alloc : memref<!tpu.dma_semaphore, #tpu.memory_space<semaphore_mem>>
      %dma_start3A_33 = tpu.memref_slice %arg3[%add3A_26] : memref<16384xi32, #tpu.memory_space<hbm>> -> memref<128xi32, #tpu.memory_space<hbm>>
      %dma_start3A_34 = tpu.memref_slice %arg3[%add3A_26] : memref<16384xi32, #tpu.memory_space<hbm>> -> memref<128xi32, #tpu.memory_space<hbm>>
      tpu.enqueue_dma source(%dma_start3A_34 : memref<128xi32, #tpu.memory_space<hbm>>) target(%arg5 : memref<128xi32, #tpu.memory_space<vmem>>) target_semaphore(%run_scoped3A : memref<!tpu.dma_semaphore, #tpu.memory_space<semaphore_mem>>)
      %dma_wait3A_35 = tpu.memref_slice %arg3[%add3A_26] : memref<16384xi32, #tpu.memory_space<hbm>> -> memref<128xi32, #tpu.memory_space<hbm>>
      %dma_wait3A_36 = tpu.memref_slice %arg3[%add3A_26] : memref<16384xi32, #tpu.memory_space<hbm>> -> memref<128xi32, #tpu.memory_space<hbm>>
      tpu.wait_dma2 semaphore(%run_scoped3A : memref<!tpu.dma_semaphore, #tpu.memory_space<semaphore_mem>>) src(%dma_wait3A_36 : memref<128xi32, #tpu.memory_space<hbm>>) dst(%arg5 : memref<128xi32, #tpu.memory_space<vmem>>)
      tpu.yield
    }) : () -> ()
    %dma_start3A_27 = arith.constant 0 : i32
    %dma_start3A_28 = arith.constant 0 : i32
    %dma_start3A_29 = tpu.memref_slice %arg2[%dma_start3A_27, %dma_start3A_28] : memref<6561x768xf32, #tpu.memory_space<hbm>> -> memref<6561x768xf32, #tpu.memory_space<hbm>>
    tpu.enqueue_indirect_dma source(%dma_start3A_29 : memref<6561x768xf32, #tpu.memory_space<hbm>>) target(%arg6 : memref<128x768xf32, #tpu.memory_space<vmem>>) offsets(%arg5 : memref<128xi32, #tpu.memory_space<vmem>>) semaphore(%arg7 : memref<!tpu.dma_semaphore, #tpu.memory_space<semaphore_mem>>)
    %dma_wait3A_30 = arith.constant 0 : i32
    %dma_wait3A_31 = arith.constant 0 : i32
    %dma_wait3A_32 = tpu.memref_slice %arg2[%dma_wait3A_30, %dma_wait3A_31] : memref<6561x768xf32, #tpu.memory_space<hbm>> -> memref<6561x768xf32, #tpu.memory_space<hbm>>
    tpu.wait_indirect_dma semaphore(%arg7 : memref<!tpu.dma_semaphore, #tpu.memory_space<semaphore_mem>>) src(%dma_wait3A_32 : memref<6561x768xf32, #tpu.memory_space<hbm>>) dst(%arg6 : memref<128x768xf32, #tpu.memory_space<vmem>>)
    "tpu.region"() ({
      %run_scoped3A = tpu.sem_alloc : memref<!tpu.dma_semaphore, #tpu.memory_space<semaphore_mem>>
      %dma_start3A_33 = arith.constant 0 : i32
      %dma_start3A_34 = tpu.memref_slice %arg4[%add3A_26, %dma_start3A_33] : memref<16384x768xf32, #tpu.memory_space<hbm>> -> memref<128x768xf32, #tpu.memory_space<hbm>>
      %dma_start3A_35 = arith.constant 0 : i32
      %dma_start3A_36 = tpu.memref_slice %arg4[%add3A_26, %dma_start3A_35] : memref<16384x768xf32, #tpu.memory_space<hbm>> -> memref<128x768xf32, #tpu.memory_space<hbm>>
      tpu.enqueue_dma source(%arg6 : memref<128x768xf32, #tpu.memory_space<vmem>>) target(%dma_start3A_36 : memref<128x768xf32, #tpu.memory_space<hbm>>) target_semaphore(%run_scoped3A : memref<!tpu.dma_semaphore, #tpu.memory_space<semaphore_mem>>)
      %dma_wait3A_37 = arith.constant 0 : i32
      %dma_wait3A_38 = tpu.memref_slice %arg4[%add3A_26, %dma_wait3A_37] : memref<16384x768xf32, #tpu.memory_space<hbm>> -> memref<128x768xf32, #tpu.memory_space<hbm>>
      %dma_wait3A_39 = arith.constant 0 : i32
      %dma_wait3A_40 = tpu.memref_slice %arg4[%add3A_26, %dma_wait3A_39] : memref<16384x768xf32, #tpu.memory_space<hbm>> -> memref<128x768xf32, #tpu.memory_space<hbm>>
      tpu.wait_dma2 semaphore(%run_scoped3A : memref<!tpu.dma_semaphore, #tpu.memory_space<semaphore_mem>>) src(%arg6 : memref<128x768xf32, #tpu.memory_space<vmem>>) dst(%dma_wait3A_40 : memref<128x768xf32, #tpu.memory_space<hbm>>)
      tpu.yield
    }) : () -> ()
    return
  }
}

module attributes {stable_mosaic.version = 14 : i64} {
  func.func @_transpose_first_body(%arg0: i32, %arg1: memref<1x2048x768xf32, #tpu.memory_space<vmem>>, %arg2: memref<1x768x2048xf32, #tpu.memory_space<vmem>>) attributes {dimension_semantics = [#tpu.dimension_semantics<arbitrary>], iteration_bounds = array<i64: 8>, scalar_prefetch = 0 : i64, scratch_operands = 0 : i64, tpu.core_type = #tpu.core_type<tc>, window_params = [{transform_indices = @transform_0, window_bounds = array<i64: 1, 2048, 768>}, {transform_indices = @transform_1, window_bounds = array<i64: 1, 768, 2048>}]} {
    %get3A = arith.constant 0 : index
    %get3A_0 = arith.constant 0 : index
    %get3A_1 = arith.constant 0 : index
    %get3A_2 = vector.load %arg1[%get3A, %get3A_0, %get3A_1] : memref<1x2048x768xf32, #tpu.memory_space<vmem>>, vector<1x2048x768xf32>
    %transpose3A = tpu.transpose %get3A_2, [0, 2, 1] : vector<1x2048x768xf32> -> vector<1x768x2048xf32>
    %swap3A = arith.constant 0 : index
    %swap3A_3 = arith.constant 0 : index
    %swap3A_4 = arith.constant 0 : index
    %swap3A_5 = vector.load %arg2[%swap3A, %swap3A_3, %swap3A_4] : memref<1x768x2048xf32, #tpu.memory_space<vmem>>, vector<1x768x2048xf32>
    tpu.vector_store %arg2[%swap3A, %swap3A_3, %swap3A_4], %transpose3A {strides = array<i32>} : memref<1x768x2048xf32, #tpu.memory_space<vmem>>, vector<1x768x2048xf32>,
    return
  }
  func.func @transform_0(%arg0: i32) -> (i32, i32, i32) {
    %c0_i32 = arith.constant 0 : i32
    %c0_i32_0 = arith.constant 0 : i32
    %c0_i32_1 = arith.constant 0 : i32
    return %arg0, %c0_i32, %c0_i32_0 : i32, i32, i32
  }
  func.func @transform_1(%arg0: i32) -> (i32, i32, i32) {
    %add3A = arith.constant 0 : i32
    %add3A_0 = arith.addi %add3A, %arg0 : i32
    %c0_i32 = arith.constant 0 : i32
    %c0_i32_1 = arith.constant 0 : i32
    %c0_i32_2 = arith.constant 0 : i32
    return %add3A_0, %c0_i32, %c0_i32_1 : i32, i32, i32
  }
}

module attributes {stable_mosaic.version = 14 : i64} {
  func.func @_transpose_acc_body(%arg0: i32, %arg1: memref<32x768x2048xf32, #tpu.memory_space<any>>, %arg2: memref<1x2048x768xf32, #tpu.memory_space<vmem>>, %arg3: memref<1x768x2048xf32, #tpu.memory_space<vmem>>) attributes {dimension_semantics = [#tpu.dimension_semantics<arbitrary>], iteration_bounds = array<i64: 8>, scalar_prefetch = 0 : i64, scratch_operands = 0 : i64, tpu.core_type = #tpu.core_type<tc>, window_params = [{}, {transform_indices = @transform_1, window_bounds = array<i64: 1, 2048, 768>}, {transform_indices = @transform_2, window_bounds = array<i64: 1, 768, 2048>}]} {
    %get3A = arith.constant 0 : index
    %get3A_0 = arith.constant 0 : index
    %get3A_1 = arith.constant 0 : index
    %get3A_2 = vector.load %arg2[%get3A, %get3A_0, %get3A_1] : memref<1x2048x768xf32, #tpu.memory_space<vmem>>, vector<1x2048x768xf32>
    %transpose3A = tpu.transpose %get3A_2, [0, 2, 1] : vector<1x2048x768xf32> -> vector<1x768x2048xf32>
    %swap3A = arith.constant 0 : index
    %swap3A_3 = arith.constant 0 : index
    %swap3A_4 = arith.constant 0 : index
    %swap3A_5 = vector.load %arg3[%swap3A, %swap3A_3, %swap3A_4] : memref<1x768x2048xf32, #tpu.memory_space<vmem>>, vector<1x768x2048xf32>
    tpu.vector_store %arg3[%swap3A, %swap3A_3, %swap3A_4], %transpose3A {strides = array<i32>} : memref<1x768x2048xf32, #tpu.memory_space<vmem>>, vector<1x768x2048xf32>,
    return
  }
  func.func @transform_1(%arg0: i32) -> (i32, i32, i32) {
    %c0_i32 = arith.constant 0 : i32
    %c0_i32_0 = arith.constant 0 : i32
    %c0_i32_1 = arith.constant 0 : i32
    return %arg0, %c0_i32, %c0_i32_0 : i32, i32, i32
  }
  func.func @transform_2(%arg0: i32) -> (i32, i32, i32) {
    %add3A = arith.constant 8 : i32
    %add3A_0 = arith.addi %add3A, %arg0 : i32
    %c0_i32 = arith.constant 0 : i32
    %c0_i32_1 = arith.constant 0 : i32
    %c0_i32_2 = arith.constant 0 : i32
    return %add3A_0, %c0_i32, %c0_i32_1 : i32, i32, i32
  }
}

module attributes {stable_mosaic.version = 14 : i64} {
  func.func @_transpose_acc_body(%arg0: i32, %arg1: memref<32x768x2048xf32, #tpu.memory_space<any>>, %arg2: memref<1x2048x768xf32, #tpu.memory_space<vmem>>, %arg3: memref<1x768x2048xf32, #tpu.memory_space<vmem>>) attributes {dimension_semantics = [#tpu.dimension_semantics<arbitrary>], iteration_bounds = array<i64: 8>, scalar_prefetch = 0 : i64, scratch_operands = 0 : i64, tpu.core_type = #tpu.core_type<tc>, window_params = [{}, {transform_indices = @transform_1, window_bounds = array<i64: 1, 2048, 768>}, {transform_indices = @transform_2, window_bounds = array<i64: 1, 768, 2048>}]} {
    %get3A = arith.constant 0 : index
    %get3A_0 = arith.constant 0 : index
    %get3A_1 = arith.constant 0 : index
    %get3A_2 = vector.load %arg2[%get3A, %get3A_0, %get3A_1] : memref<1x2048x768xf32, #tpu.memory_space<vmem>>, vector<1x2048x768xf32>
    %transpose3A = tpu.transpose %get3A_2, [0, 2, 1] : vector<1x2048x768xf32> -> vector<1x768x2048xf32>
    %swap3A = arith.constant 0 : index
    %swap3A_3 = arith.constant 0 : index
    %swap3A_4 = arith.constant 0 : index
    %swap3A_5 = vector.load %arg3[%swap3A, %swap3A_3, %swap3A_4] : memref<1x768x2048xf32, #tpu.memory_space<vmem>>, vector<1x768x2048xf32>
    tpu.vector_store %arg3[%swap3A, %swap3A_3, %swap3A_4], %transpose3A {strides = array<i32>} : memref<1x768x2048xf32, #tpu.memory_space<vmem>>, vector<1x768x2048xf32>,
    return
  }
  func.func @transform_1(%arg0: i32) -> (i32, i32, i32) {
    %c0_i32 = arith.constant 0 : i32
    %c0_i32_0 = arith.constant 0 : i32
    %c0_i32_1 = arith.constant 0 : i32
    return %arg0, %c0_i32, %c0_i32_0 : i32, i32, i32
  }
  func.func @transform_2(%arg0: i32) -> (i32, i32, i32) {
    %add3A = arith.constant 24 : i32
    %add3A_0 = arith.addi %add3A, %arg0 : i32
    %c0_i32 = arith.constant 0 : i32
    %c0_i32_1 = arith.constant 0 : i32
    %c0_i32_2 = arith.constant 0 : i32
    return %add3A_0, %c0_i32, %c0_i32_1 : i32, i32, i32
  }
}

module attributes {stable_mosaic.version = 14 : i64} {
  func.func @_transpose_acc_body(%arg0: i32, %arg1: memref<32x768x2048xf32, #tpu.memory_space<any>>, %arg2: memref<1x2048x768xf32, #tpu.memory_space<vmem>>, %arg3: memref<1x768x2048xf32, #tpu.memory_space<vmem>>) attributes {dimension_semantics = [#tpu.dimension_semantics<arbitrary>], iteration_bounds = array<i64: 8>, scalar_prefetch = 0 : i64, scratch_operands = 0 : i64, tpu.core_type = #tpu.core_type<tc>, window_params = [{}, {transform_indices = @transform_1, window_bounds = array<i64: 1, 2048, 768>}, {transform_indices = @transform_2, window_bounds = array<i64: 1, 768, 2048>}]} {
    %get3A = arith.constant 0 : index
    %get3A_0 = arith.constant 0 : index
    %get3A_1 = arith.constant 0 : index
    %get3A_2 = vector.load %arg2[%get3A, %get3A_0, %get3A_1] : memref<1x2048x768xf32, #tpu.memory_space<vmem>>, vector<1x2048x768xf32>
    %transpose3A = tpu.transpose %get3A_2, [0, 2, 1] : vector<1x2048x768xf32> -> vector<1x768x2048xf32>
    %swap3A = arith.constant 0 : index
    %swap3A_3 = arith.constant 0 : index
    %swap3A_4 = arith.constant 0 : index
    %swap3A_5 = vector.load %arg3[%swap3A, %swap3A_3, %swap3A_4] : memref<1x768x2048xf32, #tpu.memory_space<vmem>>, vector<1x768x2048xf32>
    tpu.vector_store %arg3[%swap3A, %swap3A_3, %swap3A_4], %transpose3A {strides = array<i32>} : memref<1x768x2048xf32, #tpu.memory_space<vmem>>, vector<1x768x2048xf32>,
    return
  }
  func.func @transform_1(%arg0: i32) -> (i32, i32, i32) {
    %c0_i32 = arith.constant 0 : i32
    %c0_i32_0 = arith.constant 0 : i32
    %c0_i32_1 = arith.constant 0 : i32
    return %arg0, %c0_i32, %c0_i32_0 : i32, i32, i32
  }
  func.func @transform_2(%arg0: i32) -> (i32, i32, i32) {
    %add3A = arith.constant 16 : i32
    %add3A_0 = arith.addi %add3A, %arg0 : i32
    %c0_i32 = arith.constant 0 : i32
    %c0_i32_1 = arith.constant 0 : i32
    %c0_i32_2 = arith.constant 0 : i32
    return %add3A_0, %c0_i32, %c0_i32_1 : i32, i32, i32
  }
}

</mosaic_0001>

<sc_bundles>
// kernel: kernel.10.cloned.1.call-start
scs
__scs_entry_jumppad:
0x0: {  	(pc) =	sbr.rel $0x88, $3  }
0x1: {  	(tag) =	ssettag $0x0;
	lr =	simm.s32 $0x1  }
0x2: {  	[smem:$0x3F9F] =	sst lr;
	_ =	strace $0xD0000000  }
0x3: {  	_ = 	snop  }
0x4: {  	_ = 	snop  }
0x5: {  	_ = 	snop  }
0x6: {  	_ = 	snop  }
0x7: {  	_ = 	snop  }
__scs_overlays_trampoline_lowered:
0x8: {  	[smem:$0x3FAE] =	sst s0  }
0x9: {  	[smem:$0x3FAF] =	sst s1  }
0xa: {  	[smem:$0x3FB0] =	sst s2  }
0xb: {  	[smem:$0x3FB1] =	sst s3  }
0xc: {  	[smem:$0x3FB2] =	sst s4  }
0xd: {  	[smem:$0x3FB3] =	sst s5  }
0xe: {  	[smem:$0x3FB4] =	sst s6  }
0xf: {  	[smem:$0x3FB5] =	sst s7  }
0x10: {  	[smem:$0x3FB6] =	sst s8  }
0x11: {  	[smem:$0x3FB7] =	sst s9;
	s0 =	simm.s32 @!p0 $0x0  }
0x12: {  	s1 =	sld [smem:$0x3F9D];
	s0 =	simm.s32 @p0 $0x1  }
0x13: {  	[smem:$0x3FB8] =	sst s0;
	s0 =	simm.s32 @!p1 $0x0  }
0x14: {  	s2 =	sld [smem:$0x3F9C];
	s0 =	simm.s32 @p1 $0x1  }
0x15: {  	[smem:$0x3FB9] =	sst s0;
	s0 =	simm.s32 @!p2 $0x0  }
0x16: {  	s3 =	sld [smem:$0x3FDB];
	s0 =	simm.s32 @p2 $0x1  }
0x17: {  	s4 =	simm.s32 $0x1BF5;
	[smem:$0x3FBB] =	sst s0  }
0x18: {  	s0 =	sld [smem:$0x3F9E];
	_ =	swait.ge [sflag:s4], $0x0  }
0x19: {  	s7 =	sld [smem:$0x3F9F]  }
0x1a: {  	s8 =	sadd.s32 $0xFFFFE003, lr  }
0x1b: {  	s9 =	sadd.s32 $0xFFFFFEF7, lr;
	s5 =	simm.s32 $0xFFFFFFFF;
	p2 =	slt.u32 s8, $0xFFFFF086  }
0x1c: {  	p1 =	slt.u32 s9, $0xF7A;
	s5 =	simm.s32 @!p2 $0x0  }
0x1d: {  	s5 =	simm.s32 @p1 $0x1;
	p0 =	seq.s32 s7, s2  }
0x1e: {  	s7 =	smul.u32 @!p0 $0xF7A, s2;
	p2 =	seq.s32 @!p0 s5, $0x0  }
0x1f: {  	s9 =	smul.u32 $0xF7A, s1;
	s8 =	simm.s32 @!p0 $0x1BF5;
	p2 =	por !p2, p0  }
0x20: {  	[sflag:s8] =	ssyncset.s32 @!p0 $0xFFFFF086;
	s6 =	sadd.s32 @!p0 s3, s7;
	s7 =	simm.s32 @!p0 $0x108  }
0x21: {  	s3 =	sadd.s32 s3, s9;
	s6 =	sadd.s32 @!p0 $0x88, s6;
	s7 =	simm.s32 @p2 $0x1082  }
0x22: {  	[simem:s7], [sflag:s8] =	dma.local @!p0 [hbm:s6], $0xF7A  }
0x23: {  	s9 =	sor.u32 $0xD0000000, s2;
	s6 =	simm.s32 $0x108;
	_ =	swait.ge @!p0 [sflag:s8], $0x0  }
0x24: {  	s3 =	sadd.s32 $0x88, s3;
	s6 =	simm.s32 @!p1 $0x1082;
	[sflag:s4] =	ssyncset.s32 $0xFFFFF086  }
0x25: {  	[simem:s6], [sflag:s4] =	dma.local [hbm:s3], $0xF7A  }
0x26: {  	[smem:$0x3F9F] =	sst s1;
	(tag) =	ssettag s2;
	_ =	strace s9  }
0x27: {  	s1 =	sld [smem:$0x3FAF]  }
0x28: {  	s2 =	sld [smem:$0x3FB0]  }
0x29: {  	s4 =	sld [smem:$0x3FB2]  }
0x2a: {  	p0 =	seq.s32 s5, $0x0;
	s5 =	sld [smem:$0x3FB3]  }
0x2b: {  	s6 =	sld [smem:$0x3FB4]  }
0x2c: {  	s7 =	sld [smem:$0x3FB5]  }
0x2d: {  	s3 =	simm.s32 $0x108;
	s8 =	sld [smem:$0x3FB6]  }
0x2e: {  	s3 =	simm.s32 @!p0 $0x1082;
	s9 =	sld [smem:$0x3FB7]  }
0x2f: {  	lr =	sadd.s32 s0, s3;
	s0 =	sld [smem:$0x3FAE]  }
0x30: {  	s3 =	sld [smem:$0x3FB1]  }
0x31: {  	[smem:$0x3FBA] =	sst s10  }
0x32: {  	s10 =	sld [smem:$0x3FB8];
	_ =	sdelay $0x3  }
0x33: {  	p0 =	seq.s32 s10, $0x1;
	s10 =	sld [smem:$0x3FBA];
	_ =	sdelay $0x3  }
0x34: {  	[smem:$0x3FBA] =	sst s10  }
0x35: {  	s10 =	sld [smem:$0x3FB9];
	_ =	sdelay $0x3  }
0x36: {  	p1 =	seq.s32 s10, $0x1;
	s10 =	sld [smem:$0x3FBA];
	_ =	sdelay $0x3  }
0x37: {  	[smem:$0x3FBA] =	sst s10  }
0x38: {  	s10 =	sld [smem:$0x3FBB]  }
0x39: {  	_ = 	snop;
	(pc) =	sbr.ind lr, $3  }
0x3a: {  	_ = 	snop  }
0x3b: {  	_ = 	snop  }
0x3c: {  	p2 =	seq.s32 s10, $0x1;
	s10 =	sld [smem:$0x3FBA]  }
0x3d: {  	_ =	shalt  }
0x3e: {  	_ =	shalt  }
0x3f: {  	_ =	shalt  }
0x40: {  	_ =	shalt  }
0x41: {  	_ =	shalt  }
0x42: {  	_ =	shalt  }
0x43: {  	_ =	shalt  }
0x44: {  	_ =	shalt  }
0x45: {  	_ =	shalt  }
0x46: {  	_ =	shalt  }
0x47: {  	_ =	shalt  }
0x48: {  	_ =	shalt  }
0x49: {  	_ =	shalt  }
0x4a: {  	_ =	shalt  }
0x4b: {  	_ =	shalt  }
0x4c: {  	_ =	shalt  }
0x4d: {  	_ =	shalt  }
0x4e: {  	_ =	shalt  }
0x4f: {  	_ =	shalt  }
0x50: {  	_ =	shalt  }
0x51: {  	_ =	shalt  }
0x52: {  	_ =	shalt  }
0x53: {  	_ =	shalt  }
0x54: {  	_ =	shalt  }
0x55: {  	_ =	shalt  }
0x56: {  	_ =	shalt  }
0x57: {  	_ =	shalt  }
0x58: {  	_ =	shalt  }
0x59: {  	_ =	shalt  }
0x5a: {  	_ =	shalt  }
0x5b: {  	_ =	shalt  }
0x5c: {  	_ =	shalt  }
0x5d: {  	_ =	shalt  }
0x5e: {  	_ =	shalt  }
0x5f: {  	_ =	shalt  }
0x60: {  	_ =	shalt  }
0x61: {  	_ =	shalt  }
0x62: {  	_ =	shalt  }
0x63: {  	_ =	shalt  }
0x64: {  	_ =	shalt  }
0x65: {  	_ =	shalt  }
0x66: {  	_ =	shalt  }
0x67: {  	_ =	shalt  }
0x68: {  	_ =	shalt  }
0x69: {  	_ =	shalt  }
0x6a: {  	_ =	shalt  }
0x6b: {  	_ =	shalt  }
0x6c: {  	_ =	shalt  }
0x6d: {  	_ =	shalt  }
0x6e: {  	_ =	shalt  }
0x6f: {  	_ =	shalt  }
0x70: {  	_ =	shalt  }
0x71: {  	_ =	shalt  }
0x72: {  	_ =	shalt  }
0x73: {  	_ =	shalt  }
0x74: {  	_ =	shalt  }
0x75: {  	_ =	shalt  }
0x76: {  	_ =	shalt  }
0x77: {  	_ =	shalt  }
0x78: {  	_ =	shalt  }
0x79: {  	_ =	shalt  }
0x7a: {  	_ =	shalt  }
0x7b: {  	_ =	shalt  }
0x7c: {  	_ =	shalt  }
0x7d: {  	_ =	shalt  }
0x7e: {  	_ =	shalt  }
0x7f: {  	_ =	shalt  }
0x80: {  	_ =	shalt  }
0x81: {  	_ =	shalt  }
0x82: {  	_ =	shalt  }
0x83: {  	_ =	shalt  }
0x84: {  	_ =	shalt  }
0x85: {  	_ =	shalt  }
0x86: {  	_ =	shalt  }
0x87: {  	_ =	shalt  }
.Lfunc_end0:
.L_simem_size_0:
called_computation_lowered:
.L_overlay_start_0:
0x88: {  	s2 =	sld [smem:$0x3FD9]  }
0x89: {  	s3 =	sld [smem:$0x3FFE];
	_ =	sdelay $0x1  }
0x8a: {  	s1 =	srdreg.scid  }
0x8b: {  	s0 =	sand.u32 $0x1, s1  }
0x8c: {  	s17 =	sshll.u32 s0, $0xA;
	s2 =	sadd.s32 s3, s2  }
0x8d: {  	s2 =	sadd.s32 s2, s17  }
0x8e: {  	[smem:$0x3FC6] =	sst s2  }
0x8f: {  	_ = 	snop  }
0x90: {  	s2 =	sld [smem:$0x3FC8]  }
0x91: {  	s18 =	sld [smem:$0x3FD0];
	(tm) =	ssettm $0x1  }
0x92: {  	s4 =	sld [smem:$0x3FFB];
	_ =	sdelay $0x3  }
0x93: {  	_ =	strace s4  }
0x94: {  	s4 =	sld [smem:$0x3FFC];
	_ =	sdelay $0x3  }
0x95: {  	_ =	strace s4  }
0x96: {  	s4 =	sld [smem:$0x3FFD];
	_ =	sdelay $0x3  }
0x97: {  	_ =	strace s4  }
0x98: {  	_ =	strace $0x8FFFFFFF  }
0x99: {  	s19 =	sld [smem:$0x3FDB];
	_ =	sdelay $0x1  }
0x9a: {  	s5 =	simm.s32 $_scs_section_size  }
0x9b: {  	s6 =	simm.s32 $_size__tile_overlayer_lowered;
	s7 =	simm.s32 $_tile_overlayer_lowered  }
0x9c: {  	s22 =	simm.s32 $0x1BFF;
	s21 =	sshll.u32 s7, $0x1;
	s4 =	sadd.s32 s5, s19  }
0x9d: {  	s8 =	simm.s32 $0x0;
	s20 =	sshll.u32 s6, $0x1;
	s6 =	sadd.s32 s21, s4  }
0x9e: {  	[timem:s8], [sflag:s22] =	dma.local [hbm:s6], s20  }
0x9f: {  	_ =	swait.ge [sflag:s22], s20  }
0xa0: {  	s5 =	ssub.s32 $0x0, s20;
	[sflag:s22] =	ssyncset.done $0x0  }
0xa1: {  	[sflag:s22] =	ssyncadd.s32 s5;
	_ =	sdelay $0x1  }
0xa2: {  	s23 =	simm.s32 $0x1B8B  }
0xa3: {  	_ =	swait.ge [sflag:s23], $0x1  }
0xa4: {  	[sflag:s23] =	ssyncset.done $0x0  }
0xa5: {  	s25 =	simm.s32 $0x1B8E;
	s24 =	sld [smem:$0x3FFE];
	[sflag:s23] =	ssyncadd.s32 $0xFFFFFFFF  }
0xa6: {  	s26 =	simm.s32 $execute0_lowered;
	[smem:$0x3FD2] =	sst s25  }
0xa7: {  	s6 =	sshll.u32 s26, $0x1;
	_ =	strace $0x80000046;
	[dreg:$0x1] =	wrdreg $0xFFFFFFFF  }
0xa8: {  	s28 =	simm.s32 $_size_execute0_lowered;
	s4 =	sadd.s32 s4, s6;
	[dreg:$0x0] =	wrdreg $0x0  }
0xa9: {  	s6 =	sshll.u32 s28, $0x1;
	[dreg:$0x2] =	wrdreg s4  }
0xaa: {  	[dreg:$0x3] =	wrdreg s6  }
0xab: {  	[dreg:$0x4] =	wrdreg $0xC0  }
0xac: {  	_ =	task [dreg:s8], $0x5FFFF  }
0xad: {  	[dreg:$0x1] =	wrdreg $0xFFFFFFFF  }
0xae: {  	[dreg:$0x0] =	wrdreg $0x60  }
0xaf: {  	[dreg:$0x2] =	wrdreg s2  }
0xb0: {  	[dreg:$0x3] =	wrdreg s18  }
0xb1: {  	[dreg:$0x4] =	wrdreg s24  }
0xb2: {  	[dreg:$0x5] =	wrdreg $0x9  }
0xb3: {  	_ =	task.clear_ibuf [dreg:s8], $0x6FFFF;
	_ =	strace $0x90000046  }
0xb4: {  	s29 =	simm.s32 $0x9;
	_ =	strace $0x80000048  }
0xb5: {  	_ =	swait.ge [sflag:s29], $0x1  }
0xb6: {  	[sflag:s29] =	ssyncadd.s32 $0xFFFFFFFF  }
0xb7: {  	_ =	strace $0x90000048  }
0xb8: {  	_ =	sfence  }
0xb9: {  	s30 =	sld [smem:$0x0];
	_ =	sdelay $0x2  }
0xba: {  	s31 =	sshll.u32 s1, $0xD;
	s1 =	sshrl.u32 s1, $0x2  }
0xbb: {  	s3 =	sand.u32 $0x4000, s31;
	s1 =	sadd.s32 s1, s30  }
0xbc: {  	s0 =	sor.u32 s3, s0;
	s1 =	sshll.u32 s1, $0x11  }
0xbd: {  	s0 =	sor.u32 s1, s0  }
0xbe: {  	s0 =	sadd.s32 $0x8F2B, s0  }
0xbf: {  	[sflag:s0] =	ssyncadd.remote.s32 $0x1  }
0xc0: {  	_ =	sfence.sel $0xFFFF  }
0xc1: {  	[dreg:$0x0] =	wrdreg $0xFFFFFFFF;
	(pc) =	sbr.abs _section_cstart, $3  }
0xc2: {  	[dreg:$0x1] =	wrdreg $0xFFFFFFFF  }
0xc3: {  	_ =	task.clear_ibuf [dreg:s8], $0x2FFFF;
	_ =	strace $0x9FFFFFFF  }
0xc4: {  	(tm) =	ssettm $0x7FFFFFFF  }
0xc5: {  	_ =	shalt  }
tec
execute0_lowered:
.L_overlay_start_1:
0x0: {  	(tag) =	ssettag $0x1  }
0x1: {  	s1 =	rddreg [dreg:$0x0]  }
0x2: {  	s0 =	rddreg [dreg:$0x1]  }
0x3: {  	s2 =	rddreg [dreg:$0x2]  }
0x4: {  	s3 =	srdreg.scid;
	s5 =	stileid.u32;
	s28 =	simm.s32 $0x80  }
0x5: {  	s4 =	sand.u32 $0x1, s3;
	s3 =	simm.s32 $0x0;
	s5 =	sshll.u32 s5, $0x7  }
0x6: {  	s2 =	sadd.s32 $0x1400, s2;
	s6 =	sshll.u32 s4, $0x6;
	[smem:$0x7FF] =	sst s3  }
0x7: {  	s4 =	ssub.s32 $0x2, s4;
	s5 =	sor.u32 s6, s5;
	_ =	strace $0x80000047  }
0x8: {  	s29 =	sshrl.u32 s4, $0x1;
	s6 =	smul.u32 $0x300, s5;
	s7 =	sadd.s32 s0, s5  }
0x9: {  	s8 =	sor.u32 $0x10, s5;
	s21 =	sor.u32 $0x20, s5;
	s5 =	sor.u32 $0x30, s5  }
0xa: {  	s30 =	ssub.s32 s4, s29;
	[dreg:$0x4] =	wrdreg s7;
	s20 =	sadd.s32 s0, s8  }
0xb: {  	s4 =	sadd.s32 $0x100, s1;
	s24 =	sadd.s32 s0, s21;
	[dreg:$0x6] =	wrdreg s20  }
0xc: {  	s19 =	smul.u32 $0x300, s8;
	s0 =	sadd.s32 s0, s5;
	[dreg:$0x8] =	wrdreg s24  }
0xd: {  	s23 =	smul.u32 $0x300, s21;
	s6 =	sadd.s32 s2, s6;
	[dreg:$0xa] =	wrdreg s0  }
0xe: {  	s26 =	smul.u32 $0x300, s5;
	[dreg:$0x5] =	wrdreg s6;
	s22 =	sadd.s32 s2, s19  }
0xf: {  	v2 =	vlaneseq.u32;
	s5 =	sadd.s32 $0x200, s1;
	s25 =	sadd.s32 s2, s23;
	[dreg:$0x7] =	wrdreg s22  }
0x10: {  	vm0 =	vmmov $0xffff;
	v1 =	vshrl.u32 v2, $0x3;
	s7 =	simm.s32 $0x2;
	s31 =	sadd.s32 s2, s26;
	[dreg:$0x9] =	wrdreg s25  }
0x11: {  	v0 =	vand.u32 $0x7, v2;
	v2 =	vor.u32 $0x8, v2;
	v1 =	vmul.u32 $0x8, v1;
	s6 =	smax.u32 s30, $0x1;
	s2 =	simm.s32 $0x1;
	[dreg:$0xb] =	wrdreg s31  }
.LBB2_1:
0x12: {  	s9 =	rddreg [dreg:$0x4]  }
0x13: {  	[tilespmem:s3], [sflag:$0x2] =	stream.linear.gather [hbm4b:s9+s3], $0x80, $0x38;
	[tilespmem:$0x18080] =	vst v63  }
0x14: {  	_ =	swait.ge [sflag:s7], $0x80  }
0x15: {  	[sflag:s7] =	ssyncset.done $0x0  }
0x16: {  	[sflag:s7] =	ssyncadd.s32 $0xFFFFFF80  }
0x17: {  	v3 =	vld [tilespmem:$0x0];
	_ =	sdelay $0x4  }
0x18: {  	v4 =	vshrl.u32 v3, $0x3  }
0x19: {  	v4 =	vmul.u32 $0x30, v4  }
0x1a: {  	v3 =	vand.u32 $0x7, v3  }
0x1b: {  	v3 =	vor.u32 v3, v4  }
0x1c: {  	v4 =	vperm.xlane v3, v0;
	_ =	sdelay $0x1  }
0x1d: {  	v4 =	vadd.s32 v1, v4;
	_ =	sdelay $0x3  }
0x1e: {  	v3 =	vperm.xlane v3, v2  }
0x1f: {  	[tilespmem:s28], [sflag:$0x1] =	stream.indirect_vreg.gather [hbm4b:s1+s3], $0x80, v4, vm0, $0xb8;
	[tilespmem:$0x18080] =	vst v63  }
0x20: {  	s0 =	simm.s32 $0x880;
	v3 =	vadd.s32 v1, v3  }
0x21: {  	[tilespmem:s0], [sflag:$0x1] =	stream.indirect_vreg.gather [hbm4b:s4+s3], $0x80, v4, vm0, $0xb8;
	[tilespmem:$0x18080] =	vst v63  }
0x22: {  	s15 =	simm.s32 $0x1080  }
0x23: {  	[tilespmem:s15], [sflag:$0x1] =	stream.indirect_vreg.gather [hbm4b:s5+s3], $0x80, v4, vm0, $0xb8;
	[tilespmem:$0x18080] =	vst v63  }
0x24: {  	s16 =	simm.s32 $0x1880  }
0x25: {  	[tilespmem:s16], [sflag:$0x1] =	stream.indirect_vreg.gather [hbm4b:s1+s3], $0x80, v3, vm0, $0xb8;
	[tilespmem:$0x18080] =	vst v63  }
0x26: {  	s17 =	simm.s32 $0x2080  }
0x27: {  	[tilespmem:s17], [sflag:$0x1] =	stream.indirect_vreg.gather [hbm4b:s4+s3], $0x80, v3, vm0, $0xb8;
	[tilespmem:$0x18080] =	vst v63  }
0x28: {  	s18 =	simm.s32 $0x2880  }
0x29: {  	[tilespmem:s18], [sflag:$0x1] =	stream.indirect_vreg.gather [hbm4b:s5+s3], $0x80, v3, vm0, $0xb8;
	[tilespmem:$0x18080] =	vst v63  }
0x2a: {  	v3 =	vld [tilespmem:$0x10];
	_ =	sdelay $0x4  }
0x2b: {  	v33 =	vshrl.u32 v3, $0x3  }
0x2c: {  	v4 =	vmul.u32 $0x30, v33  }
0x2d: {  	v3 =	vand.u32 $0x7, v3  }
0x2e: {  	v3 =	vor.u32 v3, v4  }
0x2f: {  	v4 =	vperm.xlane v3, v0;
	_ =	sdelay $0x1  }
0x30: {  	v4 =	vadd.s32 v1, v4;
	_ =	sdelay $0x3  }
0x31: {  	s19 =	simm.s32 $0x3080;
	v3 =	vperm.xlane v3, v2  }
0x32: {  	[tilespmem:s19], [sflag:$0x1] =	stream.indirect_vreg.gather [hbm4b:s1+s3], $0x80, v4, vm0, $0xb8;
	[tilespmem:$0x18080] =	vst v63  }
0x33: {  	s20 =	simm.s32 $0x3880;
	v3 =	vadd.s32 v1, v3  }
0x34: {  	[tilespmem:s20], [sflag:$0x1] =	stream.indirect_vreg.gather [hbm4b:s4+s3], $0x80, v4, vm0, $0xb8;
	[tilespmem:$0x18080] =	vst v63  }
0x35: {  	s21 =	simm.s32 $0x4080  }
0x36: {  	[tilespmem:s21], [sflag:$0x1] =	stream.indirect_vreg.gather [hbm4b:s5+s3], $0x80, v4, vm0, $0xb8;
	[tilespmem:$0x18080] =	vst v63  }
0x37: {  	s22 =	simm.s32 $0x4880  }
0x38: {  	[tilespmem:s22], [sflag:$0x1] =	stream.indirect_vreg.gather [hbm4b:s1+s3], $0x80, v3, vm0, $0xb8;
	[tilespmem:$0x18080] =	vst v63  }
0x39: {  	s23 =	simm.s32 $0x5080  }
0x3a: {  	[tilespmem:s23], [sflag:$0x1] =	stream.indirect_vreg.gather [hbm4b:s4+s3], $0x80, v3, vm0, $0xb8;
	[tilespmem:$0x18080] =	vst v63  }
0x3b: {  	s24 =	simm.s32 $0x5880  }
0x3c: {  	[tilespmem:s24], [sflag:$0x1] =	stream.indirect_vreg.gather [hbm4b:s5+s3], $0x80, v3, vm0, $0xb8;
	[tilespmem:$0x18080] =	vst v63  }
0x3d: {  	v3 =	vld [tilespmem:$0x20];
	_ =	sdelay $0x4  }
0x3e: {  	v34 =	vshrl.u32 v3, $0x3  }
0x3f: {  	v4 =	vmul.u32 $0x30, v34  }
0x40: {  	v3 =	vand.u32 $0x7, v3  }
0x41: {  	v3 =	vor.u32 v3, v4  }
0x42: {  	v4 =	vperm.xlane v3, v0;
	_ =	sdelay $0x1  }
0x43: {  	v4 =	vadd.s32 v1, v4;
	_ =	sdelay $0x3  }
0x44: {  	s25 =	simm.s32 $0x6080;
	v3 =	vperm.xlane v3, v2  }
0x45: {  	[tilespmem:s25], [sflag:$0x1] =	stream.indirect_vreg.gather [hbm4b:s1+s3], $0x80, v4, vm0, $0xb8;
	[tilespmem:$0x18080] =	vst v63  }
0x46: {  	s26 =	simm.s32 $0x6880;
	v3 =	vadd.s32 v1, v3  }
0x47: {  	[tilespmem:s26], [sflag:$0x1] =	stream.indirect_vreg.gather [hbm4b:s4+s3], $0x80, v4, vm0, $0xb8;
	[tilespmem:$0x18080] =	vst v63  }
0x48: {  	s29 =	simm.s32 $0x7080  }
0x49: {  	[tilespmem:s29], [sflag:$0x1] =	stream.indirect_vreg.gather [hbm4b:s5+s3], $0x80, v4, vm0, $0xb8;
	[tilespmem:$0x18080] =	vst v63  }
0x4a: {  	s30 =	simm.s32 $0x7880  }
0x4b: {  	[tilespmem:s30], [sflag:$0x1] =	stream.indirect_vreg.gather [hbm4b:s1+s3], $0x80, v3, vm0, $0xb8;
	[tilespmem:$0x18080] =	vst v63  }
0x4c: {  	s31 =	simm.s32 $0x8080  }
0x4d: {  	[tilespmem:s31], [sflag:$0x1] =	stream.indirect_vreg.gather [hbm4b:s4+s3], $0x80, v3, vm0, $0xb8;
	[tilespmem:$0x18080] =	vst v63  }
0x4e: {  	s8 =	simm.s32 $0x8880  }
0x4f: {  	[tilespmem:s8], [sflag:$0x1] =	stream.indirect_vreg.gather [hbm4b:s5+s3], $0x80, v3, vm0, $0xb8;
	[tilespmem:$0x18080] =	vst v63  }
0x50: {  	v3 =	vld [tilespmem:$0x30];
	_ =	sdelay $0x4  }
0x51: {  	v35 =	vshrl.u32 v3, $0x3  }
0x52: {  	v4 =	vmul.u32 $0x30, v35  }
0x53: {  	v3 =	vand.u32 $0x7, v3  }
0x54: {  	v3 =	vor.u32 v3, v4  }
0x55: {  	v4 =	vperm.xlane v3, v0;
	_ =	sdelay $0x1  }
0x56: {  	v4 =	vadd.s32 v1, v4;
	_ =	sdelay $0x3  }
0x57: {  	s9 =	simm.s32 $0x9080;
	v3 =	vperm.xlane v3, v2  }
0x58: {  	[tilespmem:s9], [sflag:$0x1] =	stream.indirect_vreg.gather [hbm4b:s1+s3], $0x80, v4, vm0, $0xb8;
	[tilespmem:$0x18080] =	vst v63  }
0x59: {  	s10 =	simm.s32 $0x9880;
	v3 =	vadd.s32 v1, v3  }
0x5a: {  	[tilespmem:s10], [sflag:$0x1] =	stream.indirect_vreg.gather [hbm4b:s4+s3], $0x80, v4, vm0, $0xb8;
	[tilespmem:$0x18080] =	vst v63  }
0x5b: {  	s11 =	simm.s32 $0xA080  }
0x5c: {  	[tilespmem:s11], [sflag:$0x1] =	stream.indirect_vreg.gather [hbm4b:s5+s3], $0x80, v4, vm0, $0xb8;
	[tilespmem:$0x18080] =	vst v63  }
0x5d: {  	s14 =	simm.s32 $0xA880  }
0x5e: {  	[tilespmem:s14], [sflag:$0x1] =	stream.indirect_vreg.gather [hbm4b:s1+s3], $0x80, v3, vm0, $0xb8;
	[tilespmem:$0x18080] =	vst v63  }
0x5f: {  	s15 =	simm.s32 $0xB080  }
0x60: {  	[tilespmem:s15], [sflag:$0x1] =	stream.indirect_vreg.gather [hbm4b:s4+s3], $0x80, v3, vm0, $0xb8;
	[tilespmem:$0x18080] =	vst v63  }
0x61: {  	s18 =	simm.s32 $0xB880  }
0x62: {  	[tilespmem:s18], [sflag:$0x1] =	stream.indirect_vreg.gather [hbm4b:s5+s3], $0x80, v3, vm0, $0xb8;
	[tilespmem:$0x18080] =	vst v63  }
0x63: {  	v3 =	vld [tilespmem:$0x40];
	_ =	sdelay $0x4  }
0x64: {  	v36 =	vshrl.u32 v3, $0x3  }
0x65: {  	v4 =	vmul.u32 $0x30, v36  }
0x66: {  	v3 =	vand.u32 $0x7, v3  }
0x67: {  	v3 =	vor.u32 v3, v4  }
0x68: {  	v4 =	vperm.xlane v3, v0;
	_ =	sdelay $0x1  }
0x69: {  	v4 =	vadd.s32 v1, v4;
	_ =	sdelay $0x3  }
0x6a: {  	s19 =	simm.s32 $0xC080;
	v3 =	vperm.xlane v3, v2  }
0x6b: {  	[tilespmem:s19], [sflag:$0x1] =	stream.indirect_vreg.gather [hbm4b:s1+s3], $0x80, v4, vm0, $0xb8;
	[tilespmem:$0x18080] =	vst v63  }
0x6c: {  	s22 =	simm.s32 $0xC880;
	v3 =	vadd.s32 v1, v3  }
0x6d: {  	[tilespmem:s22], [sflag:$0x1] =	stream.indirect_vreg.gather [hbm4b:s4+s3], $0x80, v4, vm0, $0xb8;
	[tilespmem:$0x18080] =	vst v63  }
0x6e: {  	s25 =	simm.s32 $0xD080  }
0x6f: {  	[tilespmem:s25], [sflag:$0x1] =	stream.indirect_vreg.gather [hbm4b:s5+s3], $0x80, v4, vm0, $0xb8;
	[tilespmem:$0x18080] =	vst v63  }
0x70: {  	s26 =	simm.s32 $0xD880  }
0x71: {  	[tilespmem:s26], [sflag:$0x1] =	stream.indirect_vreg.gather [hbm4b:s1+s3], $0x80, v3, vm0, $0xb8;
	[tilespmem:$0x18080] =	vst v63  }
0x72: {  	s29 =	simm.s32 $0xE080  }
0x73: {  	[tilespmem:s29], [sflag:$0x1] =	stream.indirect_vreg.gather [hbm4b:s4+s3], $0x80, v3, vm0, $0xb8;
	[tilespmem:$0x18080] =	vst v63  }
0x74: {  	s30 =	simm.s32 $0xE880  }
0x75: {  	[tilespmem:s30], [sflag:$0x1] =	stream.indirect_vreg.gather [hbm4b:s5+s3], $0x80, v3, vm0, $0xb8;
	[tilespmem:$0x18080] =	vst v63  }
0x76: {  	v3 =	vld [tilespmem:$0x50];
	_ =	sdelay $0x4  }
0x77: {  	v37 =	vshrl.u32 v3, $0x3  }
0x78: {  	v4 =	vmul.u32 $0x30, v37  }
0x79: {  	v3 =	vand.u32 $0x7, v3  }
0x7a: {  	v3 =	vor.u32 v3, v4  }
0x7b: {  	v4 =	vperm.xlane v3, v0;
	_ =	sdelay $0x1  }
0x7c: {  	v4 =	vadd.s32 v1, v4;
	_ =	sdelay $0x3  }
0x7d: {  	s31 =	simm.s32 $0xF080;
	v3 =	vperm.xlane v3, v2  }
0x7e: {  	[tilespmem:s31], [sflag:$0x1] =	stream.indirect_vreg.gather [hbm4b:s1+s3], $0x80, v4, vm0, $0xb8;
	[tilespmem:$0x18080] =	vst v63  }
0x7f: {  	s0 =	simm.s32 $0xF880;
	v3 =	vadd.s32 v1, v3  }
0x80: {  	[tilespmem:s0], [sflag:$0x1] =	stream.indirect_vreg.gather [hbm4b:s4+s3], $0x80, v4, vm0, $0xb8;
	[tilespmem:$0x18080] =	vst v63  }
0x81: {  	s8 =	simm.s32 $0x10080  }
0x82: {  	[tilespmem:s8], [sflag:$0x1] =	stream.indirect_vreg.gather [hbm4b:s5+s3], $0x80, v4, vm0, $0xb8;
	[tilespmem:$0x18080] =	vst v63  }
0x83: {  	s10 =	simm.s32 $0x10880  }
0x84: {  	[tilespmem:s10], [sflag:$0x1] =	stream.indirect_vreg.gather [hbm4b:s1+s3], $0x80, v3, vm0, $0xb8;
	[tilespmem:$0x18080] =	vst v63  }
0x85: {  	s11 =	simm.s32 $0x11080  }
0x86: {  	[tilespmem:s11], [sflag:$0x1] =	stream.indirect_vreg.gather [hbm4b:s4+s3], $0x80, v3, vm0, $0xb8;
	[tilespmem:$0x18080] =	vst v63  }
0x87: {  	s14 =	simm.s32 $0x11880  }
0x88: {  	[tilespmem:s14], [sflag:$0x1] =	stream.indirect_vreg.gather [hbm4b:s5+s3], $0x80, v3, vm0, $0xb8;
	[tilespmem:$0x18080] =	vst v63  }
0x89: {  	v3 =	vld [tilespmem:$0x60];
	_ =	sdelay $0x4  }
0x8a: {  	v38 =	vshrl.u32 v3, $0x3  }
0x8b: {  	v4 =	vmul.u32 $0x30, v38  }
0x8c: {  	v3 =	vand.u32 $0x7, v3  }
0x8d: {  	v3 =	vor.u32 v3, v4  }
0x8e: {  	v4 =	vperm.xlane v3, v0;
	_ =	sdelay $0x1  }
0x8f: {  	v4 =	vadd.s32 v1, v4;
	_ =	sdelay $0x3  }
0x90: {  	s15 =	simm.s32 $0x12080;
	v3 =	vperm.xlane v3, v2  }
0x91: {  	[tilespmem:s15], [sflag:$0x1] =	stream.indirect_vreg.gather [hbm4b:s1+s3], $0x80, v4, vm0, $0xb8;
	[tilespmem:$0x18080] =	vst v63  }
0x92: {  	s18 =	simm.s32 $0x12880;
	v3 =	vadd.s32 v1, v3  }
0x93: {  	[tilespmem:s18], [sflag:$0x1] =	stream.indirect_vreg.gather [hbm4b:s4+s3], $0x80, v4, vm0, $0xb8;
	[tilespmem:$0x18080] =	vst v63  }
0x94: {  	s19 =	simm.s32 $0x13080  }
0x95: {  	[tilespmem:s19], [sflag:$0x1] =	stream.indirect_vreg.gather [hbm4b:s5+s3], $0x80, v4, vm0, $0xb8;
	[tilespmem:$0x18080] =	vst v63  }
0x96: {  	s22 =	simm.s32 $0x13880  }
0x97: {  	[tilespmem:s22], [sflag:$0x1] =	stream.indirect_vreg.gather [hbm4b:s1+s3], $0x80, v3, vm0, $0xb8;
	[tilespmem:$0x18080] =	vst v63  }
0x98: {  	s31 =	simm.s32 $0x14080  }
0x99: {  	[tilespmem:s31], [sflag:$0x1] =	stream.indirect_vreg.gather [hbm4b:s4+s3], $0x80, v3, vm0, $0xb8;
	[tilespmem:$0x18080] =	vst v63  }
0x9a: {  	s0 =	simm.s32 $0x14880  }
0x9b: {  	[tilespmem:s0], [sflag:$0x1] =	stream.indirect_vreg.gather [hbm4b:s5+s3], $0x80, v3, vm0, $0xb8;
	[tilespmem:$0x18080] =	vst v63  }
0x9c: {  	v3 =	vld [tilespmem:$0x70];
	_ =	sdelay $0x4  }
0x9d: {  	v39 =	vshrl.u32 v3, $0x3  }
0x9e: {  	v4 =	vmul.u32 $0x30, v39  }
0x9f: {  	v3 =	vand.u32 $0x7, v3  }
0xa0: {  	v3 =	vor.u32 v3, v4  }
0xa1: {  	v4 =	vperm.xlane v3, v0;
	_ =	sdelay $0x1  }
0xa2: {  	v4 =	vadd.s32 v1, v4;
	_ =	sdelay $0x3  }
0xa3: {  	s8 =	simm.s32 $0x15080;
	v3 =	vperm.xlane v3, v2  }
0xa4: {  	[tilespmem:s8], [sflag:$0x1] =	stream.indirect_vreg.gather [hbm4b:s1+s3], $0x80, v4, vm0, $0xb8;
	[tilespmem:$0x18080] =	vst v63  }
0xa5: {  	s10 =	simm.s32 $0x15880;
	v3 =	vadd.s32 v1, v3  }
0xa6: {  	[tilespmem:s10], [sflag:$0x1] =	stream.indirect_vreg.gather [hbm4b:s4+s3], $0x80, v4, vm0, $0xb8;
	[tilespmem:$0x18080] =	vst v63  }
0xa7: {  	s11 =	simm.s32 $0x16080  }
0xa8: {  	[tilespmem:s11], [sflag:$0x1] =	stream.indirect_vreg.gather [hbm4b:s5+s3], $0x80, v4, vm0, $0xb8;
	[tilespmem:$0x18080] =	vst v63  }
0xa9: {  	s14 =	simm.s32 $0x16880  }
0xaa: {  	[tilespmem:s14], [sflag:$0x1] =	stream.indirect_vreg.gather [hbm4b:s1+s3], $0x80, v3, vm0, $0xb8;
	[tilespmem:$0x18080] =	vst v63  }
0xab: {  	s15 =	simm.s32 $0x17080  }
0xac: {  	[tilespmem:s15], [sflag:$0x1] =	stream.indirect_vreg.gather [hbm4b:s4+s3], $0x80, v3, vm0, $0xb8;
	[tilespmem:$0x18080] =	vst v63  }
0xad: {  	s18 =	simm.s32 $0x17880  }
0xae: {  	[tilespmem:s18], [sflag:$0x1] =	stream.indirect_vreg.gather [hbm4b:s5+s3], $0x80, v3, vm0, $0xb8;
	[tilespmem:$0x18080] =	vst v63  }
0xaf: {  	_ =	swait.ge [sflag:s2], $0x18000  }
0xb0: {  	[sflag:s2] =	ssyncset.done $0x0  }
0xb1: {  	s19 =	rddreg [dreg:$0x5];
	[sflag:s2] =	ssyncadd.s32 $0xFFFE8000  }
0xb2: {  	[hbm4b:s19+s3] =	stream.linear.scatter [tilespmem:s28], [sflag:$0x2], $0x18000, $0x38;
	[tilespmem:$0x18080] =	vst v63  }
0xb3: {  	_ =	swait.ge [sflag:s7], $0x18000  }
0xb4: {  	[sflag:s7] =	ssyncset.done $0x0  }
0xb5: {  	s22 =	rddreg [dreg:$0x6];
	[sflag:s7] =	ssyncadd.s32 $0xFFFE8000  }
0xb6: {  	[tilespmem:s3], [sflag:$0x2] =	stream.linear.gather [hbm4b:s22+s3], $0x80, $0x38;
	[tilespmem:$0x18080] =	vst v63  }
0xb7: {  	_ =	swait.ge [sflag:s7], $0x80  }
0xb8: {  	[sflag:s7] =	ssyncset.done $0x0  }
0xb9: {  	[sflag:s7] =	ssyncadd.s32 $0xFFFFFF80  }
0xba: {  	v3 =	vld [tilespmem:$0x0];
	_ =	sdelay $0x4  }
0xbb: {  	v40 =	vshrl.u32 v3, $0x3  }
0xbc: {  	v4 =	vmul.u32 $0x30, v40  }
0xbd: {  	v3 =	vand.u32 $0x7, v3  }
0xbe: {  	v3 =	vor.u32 v3, v4  }
0xbf: {  	v4 =	vperm.xlane v3, v0;
	_ =	sdelay $0x1  }
0xc0: {  	v4 =	vadd.s32 v1, v4;
	_ =	sdelay $0x3  }
0xc1: {  	v3 =	vperm.xlane v3, v2  }
0xc2: {  	[tilespmem:s28], [sflag:$0x1] =	stream.indirect_vreg.gather [hbm4b:s1+s3], $0x80, v4, vm0, $0xb8;
	[tilespmem:$0x18080] =	vst v63  }
0xc3: {  	s0 =	simm.s32 $0x880;
	v3 =	vadd.s32 v1, v3  }
0xc4: {  	[tilespmem:s0], [sflag:$0x1] =	stream.indirect_vreg.gather [hbm4b:s4+s3], $0x80, v4, vm0, $0xb8;
	[tilespmem:$0x18080] =	vst v63  }
0xc5: {  	s8 =	simm.s32 $0x1080  }
0xc6: {  	[tilespmem:s8], [sflag:$0x1] =	stream.indirect_vreg.gather [hbm4b:s5+s3], $0x80, v4, vm0, $0xb8;
	[tilespmem:$0x18080] =	vst v63  }
0xc7: {  	s10 =	simm.s32 $0x1880  }
0xc8: {  	[tilespmem:s10], [sflag:$0x1] =	stream.indirect_vreg.gather [hbm4b:s1+s3], $0x80, v3, vm0, $0xb8;
	[tilespmem:$0x18080] =	vst v63  }
0xc9: {  	s11 =	simm.s32 $0x2080  }
0xca: {  	[tilespmem:s11], [sflag:$0x1] =	stream.indirect_vreg.gather [hbm4b:s4+s3], $0x80, v3, vm0, $0xb8;
	[tilespmem:$0x18080] =	vst v63  }
0xcb: {  	s12 =	simm.s32 $0x2880  }
0xcc: {  	[tilespmem:s12], [sflag:$0x1] =	stream.indirect_vreg.gather [hbm4b:s5+s3], $0x80, v3, vm0, $0xb8;
	[tilespmem:$0x18080] =	vst v63  }
0xcd: {  	v3 =	vld [tilespmem:$0x10];
	_ =	sdelay $0x4  }
0xce: {  	v41 =	vshrl.u32 v3, $0x3  }
0xcf: {  	v4 =	vmul.u32 $0x30, v41  }
0xd0: {  	v3 =	vand.u32 $0x7, v3  }
0xd1: {  	v3 =	vor.u32 v3, v4  }
0xd2: {  	v4 =	vperm.xlane v3, v0;
	_ =	sdelay $0x1  }
0xd3: {  	v4 =	vadd.s32 v1, v4;
	_ =	sdelay $0x3  }
0xd4: {  	s13 =	simm.s32 $0x3080;
	v3 =	vperm.xlane v3, v2  }
0xd5: {  	[tilespmem:s13], [sflag:$0x1] =	stream.indirect_vreg.gather [hbm4b:s1+s3], $0x80, v4, vm0, $0xb8;
	[tilespmem:$0x18080] =	vst v63  }
0xd6: {  	s12 =	simm.s32 $0x3880;
	v3 =	vadd.s32 v1, v3  }
0xd7: {  	[tilespmem:s12], [sflag:$0x1] =	stream.indirect_vreg.gather [hbm4b:s4+s3], $0x80, v4, vm0, $0xb8;
	[tilespmem:$0x18080] =	vst v63  }
0xd8: {  	s13 =	simm.s32 $0x4080  }
0xd9: {  	[tilespmem:s13], [sflag:$0x1] =	stream.indirect_vreg.gather [hbm4b:s5+s3], $0x80, v4, vm0, $0xb8;
	[tilespmem:$0x18080] =	vst v63  }
0xda: {  	s14 =	simm.s32 $0x4880  }
0xdb: {  	[tilespmem:s14], [sflag:$0x1] =	stream.indirect_vreg.gather [hbm4b:s1+s3], $0x80, v3, vm0, $0xb8;
	[tilespmem:$0x18080] =	vst v63  }
0xdc: {  	s15 =	simm.s32 $0x5080  }
0xdd: {  	[tilespmem:s15], [sflag:$0x1] =	stream.indirect_vreg.gather [hbm4b:s4+s3], $0x80, v3, vm0, $0xb8;
	[tilespmem:$0x18080] =	vst v63  }
0xde: {  	s16 =	simm.s32 $0x5880  }
0xdf: {  	[tilespmem:s16], [sflag:$0x1] =	stream.indirect_vreg.gather [hbm4b:s5+s3], $0x80, v3, vm0, $0xb8;
	[tilespmem:$0x18080] =	vst v63  }
0xe0: {  	v3 =	vld [tilespmem:$0x20];
	_ =	sdelay $0x4  }
0xe1: {  	v42 =	vshrl.u32 v3, $0x3  }
0xe2: {  	v4 =	vmul.u32 $0x30, v42  }
0xe3: {  	v3 =	vand.u32 $0x7, v3  }
0xe4: {  	v3 =	vor.u32 v3, v4  }
0xe5: {  	v4 =	vperm.xlane v3, v0;
	_ =	sdelay $0x1  }
0xe6: {  	v4 =	vadd.s32 v1, v4;
	_ =	sdelay $0x3  }
0xe7: {  	s17 =	simm.s32 $0x6080;
	v3 =	vperm.xlane v3, v2  }
0xe8: {  	[tilespmem:s17], [sflag:$0x1] =	stream.indirect_vreg.gather [hbm4b:s1+s3], $0x80, v4, vm0, $0xb8;
	[tilespmem:$0x18080] =	vst v63  }
0xe9: {  	s16 =	simm.s32 $0x6880;
	v3 =	vadd.s32 v1, v3  }
0xea: {  	[tilespmem:s16], [sflag:$0x1] =	stream.indirect_vreg.gather [hbm4b:s4+s3], $0x80, v4, vm0, $0xb8;
	[tilespmem:$0x18080] =	vst v63  }
0xeb: {  	s17 =	simm.s32 $0x7080  }
0xec: {  	[tilespmem:s17], [sflag:$0x1] =	stream.indirect_vreg.gather [hbm4b:s5+s3], $0x80, v4, vm0, $0xb8;
	[tilespmem:$0x18080] =	vst v63  }
0xed: {  	s18 =	simm.s32 $0x7880  }
0xee: {  	[tilespmem:s18], [sflag:$0x1] =	stream.indirect_vreg.gather [hbm4b:s1+s3], $0x80, v3, vm0, $0xb8;
	[tilespmem:$0x18080] =	vst v63  }
0xef: {  	s19 =	simm.s32 $0x8080  }
0xf0: {  	[tilespmem:s19], [sflag:$0x1] =	stream.indirect_vreg.gather [hbm4b:s4+s3], $0x80, v3, vm0, $0xb8;
	[tilespmem:$0x18080] =	vst v63  }
0xf1: {  	s20 =	simm.s32 $0x8880  }
0xf2: {  	[tilespmem:s20], [sflag:$0x1] =	stream.indirect_vreg.gather [hbm4b:s5+s3], $0x80, v3, vm0, $0xb8;
	[tilespmem:$0x18080] =	vst v63  }
0xf3: {  	v3 =	vld [tilespmem:$0x30];
	_ =	sdelay $0x4  }
0xf4: {  	v43 =	vshrl.u32 v3, $0x3  }
0xf5: {  	v4 =	vmul.u32 $0x30, v43  }
0xf6: {  	v3 =	vand.u32 $0x7, v3  }
0xf7: {  	v3 =	vor.u32 v3, v4  }
0xf8: {  	v4 =	vperm.xlane v3, v0;
	_ =	sdelay $0x1  }
0xf9: {  	v4 =	vadd.s32 v1, v4;
	_ =	sdelay $0x3  }
0xfa: {  	s21 =	simm.s32 $0x9080;
	v3 =	vperm.xlane v3, v2  }
0xfb: {  	[tilespmem:s21], [sflag:$0x1] =	stream.indirect_vreg.gather [hbm4b:s1+s3], $0x80, v4, vm0, $0xb8;
	[tilespmem:$0x18080] =	vst v63  }
0xfc: {  	s20 =	simm.s32 $0x9880;
	v3 =	vadd.s32 v1, v3  }
0xfd: {  	[tilespmem:s20], [sflag:$0x1] =	stream.indirect_vreg.gather [hbm4b:s4+s3], $0x80, v4, vm0, $0xb8;
	[tilespmem:$0x18080] =	vst v63  }
0xfe: {  	s21 =	simm.s32 $0xA080  }
0xff: {  	[tilespmem:s21], [sflag:$0x1] =	stream.indirect_vreg.gather [hbm4b:s5+s3], $0x80, v4, vm0, $0xb8;
	[tilespmem:$0x18080] =	vst v63  }
0x100: {  	s22 =	simm.s32 $0xA880  }
0x101: {  	[tilespmem:s22], [sflag:$0x1] =	stream.indirect_vreg.gather [hbm4b:s1+s3], $0x80, v3, vm0, $0xb8;
	[tilespmem:$0x18080] =	vst v63  }
0x102: {  	s9 =	simm.s32 $0xB080  }
0x103: {  	[tilespmem:s9], [sflag:$0x1] =	stream.indirect_vreg.gather [hbm4b:s4+s3], $0x80, v3, vm0, $0xb8;
	[tilespmem:$0x18080] =	vst v63  }
0x104: {  	s23 =	simm.s32 $0xB880  }
0x105: {  	[tilespmem:s23], [sflag:$0x1] =	stream.indirect_vreg.gather [hbm4b:s5+s3], $0x80, v3, vm0, $0xb8;
	[tilespmem:$0x18080] =	vst v63  }
0x106: {  	v3 =	vld [tilespmem:$0x40];
	_ =	sdelay $0x4  }
0x107: {  	v44 =	vshrl.u32 v3, $0x3  }
0x108: {  	v4 =	vmul.u32 $0x30, v44  }
0x109: {  	v3 =	vand.u32 $0x7, v3  }
0x10a: {  	v3 =	vor.u32 v3, v4  }
0x10b: {  	v4 =	vperm.xlane v3, v0;
	_ =	sdelay $0x1  }
0x10c: {  	v4 =	vadd.s32 v1, v4;
	_ =	sdelay $0x3  }
0x10d: {  	s24 =	simm.s32 $0xC080;
	v3 =	vperm.xlane v3, v2  }
0x10e: {  	[tilespmem:s24], [sflag:$0x1] =	stream.indirect_vreg.gather [hbm4b:s1+s3], $0x80, v4, vm0, $0xb8;
	[tilespmem:$0x18080] =	vst v63  }
0x10f: {  	s23 =	simm.s32 $0xC880;
	v3 =	vadd.s32 v1, v3  }
0x110: {  	[tilespmem:s23], [sflag:$0x1] =	stream.indirect_vreg.gather [hbm4b:s4+s3], $0x80, v4, vm0, $0xb8;
	[tilespmem:$0x18080] =	vst v63  }
0x111: {  	s24 =	simm.s32 $0xD080  }
0x112: {  	[tilespmem:s24], [sflag:$0x1] =	stream.indirect_vreg.gather [hbm4b:s5+s3], $0x80, v4, vm0, $0xb8;
	[tilespmem:$0x18080] =	vst v63  }
0x113: {  	s9 =	simm.s32 $0xD880  }
0x114: {  	[tilespmem:s9], [sflag:$0x1] =	stream.indirect_vreg.gather [hbm4b:s1+s3], $0x80, v3, vm0, $0xb8;
	[tilespmem:$0x18080] =	vst v63  }
0x115: {  	s9 =	simm.s32 $0xE080  }
0x116: {  	[tilespmem:s9], [sflag:$0x1] =	stream.indirect_vreg.gather [hbm4b:s4+s3], $0x80, v3, vm0, $0xb8;
	[tilespmem:$0x18080] =	vst v63  }
0x117: {  	s25 =	simm.s32 $0xE880  }
0x118: {  	[tilespmem:s25], [sflag:$0x1] =	stream.indirect_vreg.gather [hbm4b:s5+s3], $0x80, v3, vm0, $0xb8;
	[tilespmem:$0x18080] =	vst v63  }
0x119: {  	v3 =	vld [tilespmem:$0x50];
	_ =	sdelay $0x4  }
0x11a: {  	v45 =	vshrl.u32 v3, $0x3  }
0x11b: {  	v4 =	vmul.u32 $0x30, v45  }
0x11c: {  	v3 =	vand.u32 $0x7, v3  }
0x11d: {  	v3 =	vor.u32 v3, v4  }
0x11e: {  	v4 =	vperm.xlane v3, v0;
	_ =	sdelay $0x1  }
0x11f: {  	v4 =	vadd.s32 v1, v4;
	_ =	sdelay $0x3  }
0x120: {  	s26 =	simm.s32 $0xF080;
	v3 =	vperm.xlane v3, v2  }
0x121: {  	[tilespmem:s26], [sflag:$0x1] =	stream.indirect_vreg.gather [hbm4b:s1+s3], $0x80, v4, vm0, $0xb8;
	[tilespmem:$0x18080] =	vst v63  }
0x122: {  	s25 =	simm.s32 $0xF880;
	v3 =	vadd.s32 v1, v3  }
0x123: {  	[tilespmem:s25], [sflag:$0x1] =	stream.indirect_vreg.gather [hbm4b:s4+s3], $0x80, v4, vm0, $0xb8;
	[tilespmem:$0x18080] =	vst v63  }
0x124: {  	s26 =	simm.s32 $0x10080  }
0x125: {  	[tilespmem:s26], [sflag:$0x1] =	stream.indirect_vreg.gather [hbm4b:s5+s3], $0x80, v4, vm0, $0xb8;
	[tilespmem:$0x18080] =	vst v63  }
0x126: {  	s25 =	simm.s32 $0x10880  }
0x127: {  	[tilespmem:s25], [sflag:$0x1] =	stream.indirect_vreg.gather [hbm4b:s1+s3], $0x80, v3, vm0, $0xb8;
	[tilespmem:$0x18080] =	vst v63  }
0x128: {  	s26 =	simm.s32 $0x11080  }
0x129: {  	[tilespmem:s26], [sflag:$0x1] =	stream.indirect_vreg.gather [hbm4b:s4+s3], $0x80, v3, vm0, $0xb8;
	[tilespmem:$0x18080] =	vst v63  }
0x12a: {  	s29 =	simm.s32 $0x11880  }
0x12b: {  	[tilespmem:s29], [sflag:$0x1] =	stream.indirect_vreg.gather [hbm4b:s5+s3], $0x80, v3, vm0, $0xb8;
	[tilespmem:$0x18080] =	vst v63  }
0x12c: {  	v3 =	vld [tilespmem:$0x60];
	_ =	sdelay $0x4  }
0x12d: {  	v46 =	vshrl.u32 v3, $0x3  }
0x12e: {  	v4 =	vmul.u32 $0x30, v46  }
0x12f: {  	v3 =	vand.u32 $0x7, v3  }
0x130: {  	v3 =	vor.u32 v3, v4  }
0x131: {  	v4 =	vperm.xlane v3, v0;
	_ =	sdelay $0x1  }
0x132: {  	v4 =	vadd.s32 v1, v4;
	_ =	sdelay $0x3  }
0x133: {  	s30 =	simm.s32 $0x12080;
	v3 =	vperm.xlane v3, v2  }
0x134: {  	[tilespmem:s30], [sflag:$0x1] =	stream.indirect_vreg.gather [hbm4b:s1+s3], $0x80, v4, vm0, $0xb8;
	[tilespmem:$0x18080] =	vst v63  }
0x135: {  	s25 =	simm.s32 $0x12880;
	v3 =	vadd.s32 v1, v3  }
0x136: {  	[tilespmem:s25], [sflag:$0x1] =	stream.indirect_vreg.gather [hbm4b:s4+s3], $0x80, v4, vm0, $0xb8;
	[tilespmem:$0x18080] =	vst v63  }
0x137: {  	s26 =	simm.s32 $0x13080  }
0x138: {  	[tilespmem:s26], [sflag:$0x1] =	stream.indirect_vreg.gather [hbm4b:s5+s3], $0x80, v4, vm0, $0xb8;
	[tilespmem:$0x18080] =	vst v63  }
0x139: {  	s29 =	simm.s32 $0x13880  }
0x13a: {  	[tilespmem:s29], [sflag:$0x1] =	stream.indirect_vreg.gather [hbm4b:s1+s3], $0x80, v3, vm0, $0xb8;
	[tilespmem:$0x18080] =	vst v63  }
0x13b: {  	s30 =	simm.s32 $0x14080  }
0x13c: {  	[tilespmem:s30], [sflag:$0x1] =	stream.indirect_vreg.gather [hbm4b:s4+s3], $0x80, v3, vm0, $0xb8;
	[tilespmem:$0x18080] =	vst v63  }
0x13d: {  	s31 =	simm.s32 $0x14880  }
0x13e: {  	[tilespmem:s31], [sflag:$0x1] =	stream.indirect_vreg.gather [hbm4b:s5+s3], $0x80, v3, vm0, $0xb8;
	[tilespmem:$0x18080] =	vst v63  }
0x13f: {  	v3 =	vld [tilespmem:$0x70];
	_ =	sdelay $0x4  }
0x140: {  	v47 =	vshrl.u32 v3, $0x3  }
0x141: {  	v4 =	vmul.u32 $0x30, v47  }
0x142: {  	v3 =	vand.u32 $0x7, v3  }
0x143: {  	v3 =	vor.u32 v3, v4  }
0x144: {  	v4 =	vperm.xlane v3, v0;
	_ =	sdelay $0x1  }
0x145: {  	v4 =	vadd.s32 v1, v4;
	_ =	sdelay $0x3  }
0x146: {  	s31 =	simm.s32 $0x15080;
	v3 =	vperm.xlane v3, v2  }
0x147: {  	[tilespmem:s31], [sflag:$0x1] =	stream.indirect_vreg.gather [hbm4b:s1+s3], $0x80, v4, vm0, $0xb8;
	[tilespmem:$0x18080] =	vst v63  }
0x148: {  	s25 =	simm.s32 $0x15880;
	v3 =	vadd.s32 v1, v3  }
0x149: {  	[tilespmem:s25], [sflag:$0x1] =	stream.indirect_vreg.gather [hbm4b:s4+s3], $0x80, v4, vm0, $0xb8;
	[tilespmem:$0x18080] =	vst v63  }
0x14a: {  	s26 =	simm.s32 $0x16080  }
0x14b: {  	[tilespmem:s26], [sflag:$0x1] =	stream.indirect_vreg.gather [hbm4b:s5+s3], $0x80, v4, vm0, $0xb8;
	[tilespmem:$0x18080] =	vst v63  }
0x14c: {  	s29 =	simm.s32 $0x16880  }
0x14d: {  	[tilespmem:s29], [sflag:$0x1] =	stream.indirect_vreg.gather [hbm4b:s1+s3], $0x80, v3, vm0, $0xb8;
	[tilespmem:$0x18080] =	vst v63  }
0x14e: {  	s30 =	simm.s32 $0x17080  }
0x14f: {  	[tilespmem:s30], [sflag:$0x1] =	stream.indirect_vreg.gather [hbm4b:s4+s3], $0x80, v3, vm0, $0xb8;
	[tilespmem:$0x18080] =	vst v63  }
0x150: {  	s31 =	simm.s32 $0x17880  }
0x151: {  	[tilespmem:s31], [sflag:$0x1] =	stream.indirect_vreg.gather [hbm4b:s5+s3], $0x80, v3, vm0, $0xb8;
	[tilespmem:$0x18080] =	vst v63  }
0x152: {  	_ =	swait.ge [sflag:s2], $0x18000  }
0x153: {  	[sflag:s2] =	ssyncset.done $0x0  }
0x154: {  	s25 =	rddreg [dreg:$0x7];
	[sflag:s2] =	ssyncadd.s32 $0xFFFE8000  }
0x155: {  	[hbm4b:s25+s3] =	stream.linear.scatter [tilespmem:s28], [sflag:$0x2], $0x18000, $0x38;
	[tilespmem:$0x18080] =	vst v63  }
0x156: {  	_ =	swait.ge [sflag:s7], $0x18000  }
0x157: {  	[sflag:s7] =	ssyncset.done $0x0  }
0x158: {  	s26 =	rddreg [dreg:$0x8];
	[sflag:s7] =	ssyncadd.s32 $0xFFFE8000  }
0x159: {  	[tilespmem:s3], [sflag:$0x2] =	stream.linear.gather [hbm4b:s26+s3], $0x80, $0x38;
	[tilespmem:$0x18080] =	vst v63  }
0x15a: {  	_ =	swait.ge [sflag:s7], $0x80  }
0x15b: {  	[sflag:s7] =	ssyncset.done $0x0  }
0x15c: {  	[sflag:s7] =	ssyncadd.s32 $0xFFFFFF80  }
0x15d: {  	v3 =	vld [tilespmem:$0x0];
	_ =	sdelay $0x4  }
0x15e: {  	v48 =	vshrl.u32 v3, $0x3  }
0x15f: {  	v4 =	vmul.u32 $0x30, v48  }
0x160: {  	v3 =	vand.u32 $0x7, v3  }
0x161: {  	v3 =	vor.u32 v3, v4  }
0x162: {  	v4 =	vperm.xlane v3, v0;
	_ =	sdelay $0x1  }
0x163: {  	v4 =	vadd.s32 v1, v4;
	_ =	sdelay $0x3  }
0x164: {  	v3 =	vperm.xlane v3, v2  }
0x165: {  	[tilespmem:s28], [sflag:$0x1] =	stream.indirect_vreg.gather [hbm4b:s1+s3], $0x80, v4, vm0, $0xb8;
	[tilespmem:$0x18080] =	vst v63  }
0x166: {  	v3 =	vadd.s32 v1, v3  }
0x167: {  	[tilespmem:s0], [sflag:$0x1] =	stream.indirect_vreg.gather [hbm4b:s4+s3], $0x80, v4, vm0, $0xb8;
	[tilespmem:$0x18080] =	vst v63  }
0x168: {  	_ = 	snop  }
0x169: {  	[tilespmem:s8], [sflag:$0x1] =	stream.indirect_vreg.gather [hbm4b:s5+s3], $0x80, v4, vm0, $0xb8;
	[tilespmem:$0x18080] =	vst v63  }
0x16a: {  	_ = 	snop  }
0x16b: {  	[tilespmem:s10], [sflag:$0x1] =	stream.indirect_vreg.gather [hbm4b:s1+s3], $0x80, v3, vm0, $0xb8;
	[tilespmem:$0x18080] =	vst v63  }
0x16c: {  	_ = 	snop  }
0x16d: {  	[tilespmem:s11], [sflag:$0x1] =	stream.indirect_vreg.gather [hbm4b:s4+s3], $0x80, v3, vm0, $0xb8;
	[tilespmem:$0x18080] =	vst v63  }
0x16e: {  	s29 =	simm.s32 $0x2880  }
0x16f: {  	[tilespmem:s29], [sflag:$0x1] =	stream.indirect_vreg.gather [hbm4b:s5+s3], $0x80, v3, vm0, $0xb8;
	[tilespmem:$0x18080] =	vst v63  }
0x170: {  	v3 =	vld [tilespmem:$0x10];
	_ =	sdelay $0x4  }
0x171: {  	v49 =	vshrl.u32 v3, $0x3  }
0x172: {  	v4 =	vmul.u32 $0x30, v49  }
0x173: {  	v3 =	vand.u32 $0x7, v3  }
0x174: {  	v3 =	vor.u32 v3, v4  }
0x175: {  	v4 =	vperm.xlane v3, v0;
	_ =	sdelay $0x1  }
0x176: {  	v4 =	vadd.s32 v1, v4;
	_ =	sdelay $0x3  }
0x177: {  	s30 =	simm.s32 $0x3080;
	v3 =	vperm.xlane v3, v2  }
0x178: {  	[tilespmem:s30], [sflag:$0x1] =	stream.indirect_vreg.gather [hbm4b:s1+s3], $0x80, v4, vm0, $0xb8;
	[tilespmem:$0x18080] =	vst v63  }
0x179: {  	v3 =	vadd.s32 v1, v3  }
0x17a: {  	[tilespmem:s12], [sflag:$0x1] =	stream.indirect_vreg.gather [hbm4b:s4+s3], $0x80, v4, vm0, $0xb8;
	[tilespmem:$0x18080] =	vst v63  }
0x17b: {  	_ = 	snop  }
0x17c: {  	[tilespmem:s13], [sflag:$0x1] =	stream.indirect_vreg.gather [hbm4b:s5+s3], $0x80, v4, vm0, $0xb8;
	[tilespmem:$0x18080] =	vst v63  }
0x17d: {  	_ = 	snop  }
0x17e: {  	[tilespmem:s14], [sflag:$0x1] =	stream.indirect_vreg.gather [hbm4b:s1+s3], $0x80, v3, vm0, $0xb8;
	[tilespmem:$0x18080] =	vst v63  }
0x17f: {  	_ = 	snop  }
0x180: {  	[tilespmem:s15], [sflag:$0x1] =	stream.indirect_vreg.gather [hbm4b:s4+s3], $0x80, v3, vm0, $0xb8;
	[tilespmem:$0x18080] =	vst v63  }
0x181: {  	s31 =	simm.s32 $0x5880  }
0x182: {  	[tilespmem:s31], [sflag:$0x1] =	stream.indirect_vreg.gather [hbm4b:s5+s3], $0x80, v3, vm0, $0xb8;
	[tilespmem:$0x18080] =	vst v63  }
0x183: {  	v3 =	vld [tilespmem:$0x20];
	_ =	sdelay $0x4  }
0x184: {  	v50 =	vshrl.u32 v3, $0x3  }
0x185: {  	v4 =	vmul.u32 $0x30, v50  }
0x186: {  	v3 =	vand.u32 $0x7, v3  }
0x187: {  	v3 =	vor.u32 v3, v4  }
0x188: {  	v4 =	vperm.xlane v3, v0;
	_ =	sdelay $0x1  }
0x189: {  	v4 =	vadd.s32 v1, v4;
	_ =	sdelay $0x3  }
0x18a: {  	s25 =	simm.s32 $0x6080;
	v3 =	vperm.xlane v3, v2  }
0x18b: {  	[tilespmem:s25], [sflag:$0x1] =	stream.indirect_vreg.gather [hbm4b:s1+s3], $0x80, v4, vm0, $0xb8;
	[tilespmem:$0x18080] =	vst v63  }
0x18c: {  	v3 =	vadd.s32 v1, v3  }
0x18d: {  	[tilespmem:s16], [sflag:$0x1] =	stream.indirect_vreg.gather [hbm4b:s4+s3], $0x80, v4, vm0, $0xb8;
	[tilespmem:$0x18080] =	vst v63  }
0x18e: {  	_ = 	snop  }
0x18f: {  	[tilespmem:s17], [sflag:$0x1] =	stream.indirect_vreg.gather [hbm4b:s5+s3], $0x80, v4, vm0, $0xb8;
	[tilespmem:$0x18080] =	vst v63  }
0x190: {  	_ = 	snop  }
0x191: {  	[tilespmem:s18], [sflag:$0x1] =	stream.indirect_vreg.gather [hbm4b:s1+s3], $0x80, v3, vm0, $0xb8;
	[tilespmem:$0x18080] =	vst v63  }
0x192: {  	_ = 	snop  }
0x193: {  	[tilespmem:s19], [sflag:$0x1] =	stream.indirect_vreg.gather [hbm4b:s4+s3], $0x80, v3, vm0, $0xb8;
	[tilespmem:$0x18080] =	vst v63  }
0x194: {  	s26 =	simm.s32 $0x8880  }
0x195: {  	[tilespmem:s26], [sflag:$0x1] =	stream.indirect_vreg.gather [hbm4b:s5+s3], $0x80, v3, vm0, $0xb8;
	[tilespmem:$0x18080] =	vst v63  }
0x196: {  	v3 =	vld [tilespmem:$0x30];
	_ =	sdelay $0x4  }
0x197: {  	v51 =	vshrl.u32 v3, $0x3  }
0x198: {  	v4 =	vmul.u32 $0x30, v51  }
0x199: {  	v3 =	vand.u32 $0x7, v3  }
0x19a: {  	v3 =	vor.u32 v3, v4  }
0x19b: {  	v4 =	vperm.xlane v3, v0;
	_ =	sdelay $0x1  }
0x19c: {  	v4 =	vadd.s32 v1, v4;
	_ =	sdelay $0x3  }
0x19d: {  	s29 =	simm.s32 $0x9080;
	v3 =	vperm.xlane v3, v2  }
0x19e: {  	[tilespmem:s29], [sflag:$0x1] =	stream.indirect_vreg.gather [hbm4b:s1+s3], $0x80, v4, vm0, $0xb8;
	[tilespmem:$0x18080] =	vst v63  }
0x19f: {  	v3 =	vadd.s32 v1, v3  }
0x1a0: {  	[tilespmem:s20], [sflag:$0x1] =	stream.indirect_vreg.gather [hbm4b:s4+s3], $0x80, v4, vm0, $0xb8;
	[tilespmem:$0x18080] =	vst v63  }
0x1a1: {  	_ = 	snop  }
0x1a2: {  	[tilespmem:s21], [sflag:$0x1] =	stream.indirect_vreg.gather [hbm4b:s5+s3], $0x80, v4, vm0, $0xb8;
	[tilespmem:$0x18080] =	vst v63  }
0x1a3: {  	_ = 	snop  }
0x1a4: {  	[tilespmem:s22], [sflag:$0x1] =	stream.indirect_vreg.gather [hbm4b:s1+s3], $0x80, v3, vm0, $0xb8;
	[tilespmem:$0x18080] =	vst v63  }
0x1a5: {  	s30 =	simm.s32 $0xB080  }
0x1a6: {  	[tilespmem:s30], [sflag:$0x1] =	stream.indirect_vreg.gather [hbm4b:s4+s3], $0x80, v3, vm0, $0xb8;
	[tilespmem:$0x18080] =	vst v63  }
0x1a7: {  	s31 =	simm.s32 $0xB880  }
0x1a8: {  	[tilespmem:s31], [sflag:$0x1] =	stream.indirect_vreg.gather [hbm4b:s5+s3], $0x80, v3, vm0, $0xb8;
	[tilespmem:$0x18080] =	vst v63  }
0x1a9: {  	v3 =	vld [tilespmem:$0x40];
	_ =	sdelay $0x4  }
0x1aa: {  	v52 =	vshrl.u32 v3, $0x3  }
0x1ab: {  	v4 =	vmul.u32 $0x30, v52  }
0x1ac: {  	v3 =	vand.u32 $0x7, v3  }
0x1ad: {  	v3 =	vor.u32 v3, v4  }
0x1ae: {  	v4 =	vperm.xlane v3, v0;
	_ =	sdelay $0x1  }
0x1af: {  	v4 =	vadd.s32 v1, v4;
	_ =	sdelay $0x3  }
0x1b0: {  	s25 =	simm.s32 $0xC080;
	v3 =	vperm.xlane v3, v2  }
0x1b1: {  	[tilespmem:s25], [sflag:$0x1] =	stream.indirect_vreg.gather [hbm4b:s1+s3], $0x80, v4, vm0, $0xb8;
	[tilespmem:$0x18080] =	vst v63  }
0x1b2: {  	s23 =	simm.s32 $0xC880;
	v3 =	vadd.s32 v1, v3  }
0x1b3: {  	[tilespmem:s23], [sflag:$0x1] =	stream.indirect_vreg.gather [hbm4b:s4+s3], $0x80, v4, vm0, $0xb8;
	[tilespmem:$0x18080] =	vst v63  }
0x1b4: {  	s24 =	simm.s32 $0xD080  }
0x1b5: {  	[tilespmem:s24], [sflag:$0x1] =	stream.indirect_vreg.gather [hbm4b:s5+s3], $0x80, v4, vm0, $0xb8;
	[tilespmem:$0x18080] =	vst v63  }
0x1b6: {  	s26 =	simm.s32 $0xD880  }
0x1b7: {  	[tilespmem:s26], [sflag:$0x1] =	stream.indirect_vreg.gather [hbm4b:s1+s3], $0x80, v3, vm0, $0xb8;
	[tilespmem:$0x18080] =	vst v63  }
0x1b8: {  	s29 =	simm.s32 $0xE080  }
0x1b9: {  	[tilespmem:s29], [sflag:$0x1] =	stream.indirect_vreg.gather [hbm4b:s4+s3], $0x80, v3, vm0, $0xb8;
	[tilespmem:$0x18080] =	vst v63  }
0x1ba: {  	s30 =	simm.s32 $0xE880  }
0x1bb: {  	[tilespmem:s30], [sflag:$0x1] =	stream.indirect_vreg.gather [hbm4b:s5+s3], $0x80, v3, vm0, $0xb8;
	[tilespmem:$0x18080] =	vst v63  }
0x1bc: {  	v3 =	vld [tilespmem:$0x50];
	_ =	sdelay $0x4  }
0x1bd: {  	v53 =	vshrl.u32 v3, $0x3  }
0x1be: {  	v4 =	vmul.u32 $0x30, v53  }
0x1bf: {  	v3 =	vand.u32 $0x7, v3  }
0x1c0: {  	v3 =	vor.u32 v3, v4  }
0x1c1: {  	v4 =	vperm.xlane v3, v0;
	_ =	sdelay $0x1  }
0x1c2: {  	v4 =	vadd.s32 v1, v4;
	_ =	sdelay $0x3  }
0x1c3: {  	s31 =	simm.s32 $0xF080;
	v3 =	vperm.xlane v3, v2  }
0x1c4: {  	[tilespmem:s31], [sflag:$0x1] =	stream.indirect_vreg.gather [hbm4b:s1+s3], $0x80, v4, vm0, $0xb8;
	[tilespmem:$0x18080] =	vst v63  }
0x1c5: {  	s29 =	simm.s32 $0xF880;
	v3 =	vadd.s32 v1, v3  }
0x1c6: {  	[tilespmem:s29], [sflag:$0x1] =	stream.indirect_vreg.gather [hbm4b:s4+s3], $0x80, v4, vm0, $0xb8;
	[tilespmem:$0x18080] =	vst v63  }
0x1c7: {  	s30 =	simm.s32 $0x10080  }
0x1c8: {  	[tilespmem:s30], [sflag:$0x1] =	stream.indirect_vreg.gather [hbm4b:s5+s3], $0x80, v4, vm0, $0xb8;
	[tilespmem:$0x18080] =	vst v63  }
0x1c9: {  	s31 =	simm.s32 $0x10880  }
0x1ca: {  	[tilespmem:s31], [sflag:$0x1] =	stream.indirect_vreg.gather [hbm4b:s1+s3], $0x80, v3, vm0, $0xb8;
	[tilespmem:$0x18080] =	vst v63  }
0x1cb: {  	s9 =	simm.s32 $0x11080  }
0x1cc: {  	[tilespmem:s9], [sflag:$0x1] =	stream.indirect_vreg.gather [hbm4b:s4+s3], $0x80, v3, vm0, $0xb8;
	[tilespmem:$0x18080] =	vst v63  }
0x1cd: {  	s9 =	simm.s32 $0x11880  }
0x1ce: {  	[tilespmem:s9], [sflag:$0x1] =	stream.indirect_vreg.gather [hbm4b:s5+s3], $0x80, v3, vm0, $0xb8;
	[tilespmem:$0x18080] =	vst v63  }
0x1cf: {  	v3 =	vld [tilespmem:$0x60];
	_ =	sdelay $0x4  }
0x1d0: {  	v54 =	vshrl.u32 v3, $0x3  }
0x1d1: {  	v4 =	vmul.u32 $0x30, v54  }
0x1d2: {  	v3 =	vand.u32 $0x7, v3  }
0x1d3: {  	v3 =	vor.u32 v3, v4  }
0x1d4: {  	v4 =	vperm.xlane v3, v0;
	_ =	sdelay $0x1  }
0x1d5: {  	v4 =	vadd.s32 v1, v4;
	_ =	sdelay $0x3  }
0x1d6: {  	s9 =	simm.s32 $0x12080;
	v3 =	vperm.xlane v3, v2  }
0x1d7: {  	[tilespmem:s9], [sflag:$0x1] =	stream.indirect_vreg.gather [hbm4b:s1+s3], $0x80, v4, vm0, $0xb8;
	[tilespmem:$0x18080] =	vst v63  }
0x1d8: {  	v3 =	vadd.s32 v1, v3;
	s9 =	simm.s32 $0x12880  }
0x1d9: {  	[tilespmem:s9], [sflag:$0x1] =	stream.indirect_vreg.gather [hbm4b:s4+s3], $0x80, v4, vm0, $0xb8;
	[tilespmem:$0x18080] =	vst v63  }
0x1da: {  	s9 =	simm.s32 $0x13080  }
0x1db: {  	[tilespmem:s9], [sflag:$0x1] =	stream.indirect_vreg.gather [hbm4b:s5+s3], $0x80, v4, vm0, $0xb8;
	[tilespmem:$0x18080] =	vst v63  }
0x1dc: {  	s9 =	simm.s32 $0x13880  }
0x1dd: {  	[tilespmem:s9], [sflag:$0x1] =	stream.indirect_vreg.gather [hbm4b:s1+s3], $0x80, v3, vm0, $0xb8;
	[tilespmem:$0x18080] =	vst v63  }
0x1de: {  	s9 =	simm.s32 $0x14080  }
0x1df: {  	[tilespmem:s9], [sflag:$0x1] =	stream.indirect_vreg.gather [hbm4b:s4+s3], $0x80, v3, vm0, $0xb8;
	[tilespmem:$0x18080] =	vst v63  }
0x1e0: {  	s9 =	simm.s32 $0x14880  }
0x1e1: {  	[tilespmem:s9], [sflag:$0x1] =	stream.indirect_vreg.gather [hbm4b:s5+s3], $0x80, v3, vm0, $0xb8;
	[tilespmem:$0x18080] =	vst v63  }
0x1e2: {  	v3 =	vld [tilespmem:$0x70];
	_ =	sdelay $0x4  }
0x1e3: {  	v55 =	vshrl.u32 v3, $0x3  }
0x1e4: {  	v4 =	vmul.u32 $0x30, v55  }
0x1e5: {  	v3 =	vand.u32 $0x7, v3  }
0x1e6: {  	v3 =	vor.u32 v3, v4  }
0x1e7: {  	v4 =	vperm.xlane v3, v0;
	_ =	sdelay $0x1  }
0x1e8: {  	v4 =	vadd.s32 v1, v4;
	_ =	sdelay $0x3  }
0x1e9: {  	s9 =	simm.s32 $0x15080;
	v3 =	vperm.xlane v3, v2  }
0x1ea: {  	[tilespmem:s9], [sflag:$0x1] =	stream.indirect_vreg.gather [hbm4b:s1+s3], $0x80, v4, vm0, $0xb8;
	[tilespmem:$0x18080] =	vst v63  }
0x1eb: {  	v3 =	vadd.s32 v1, v3;
	s9 =	simm.s32 $0x15880  }
0x1ec: {  	[tilespmem:s9], [sflag:$0x1] =	stream.indirect_vreg.gather [hbm4b:s4+s3], $0x80, v4, vm0, $0xb8;
	[tilespmem:$0x18080] =	vst v63  }
0x1ed: {  	s9 =	simm.s32 $0x16080  }
0x1ee: {  	[tilespmem:s9], [sflag:$0x1] =	stream.indirect_vreg.gather [hbm4b:s5+s3], $0x80, v4, vm0, $0xb8;
	[tilespmem:$0x18080] =	vst v63  }
0x1ef: {  	s9 =	simm.s32 $0x16880  }
0x1f0: {  	[tilespmem:s9], [sflag:$0x1] =	stream.indirect_vreg.gather [hbm4b:s1+s3], $0x80, v3, vm0, $0xb8;
	[tilespmem:$0x18080] =	vst v63  }
0x1f1: {  	s9 =	simm.s32 $0x17080  }
0x1f2: {  	[tilespmem:s9], [sflag:$0x1] =	stream.indirect_vreg.gather [hbm4b:s4+s3], $0x80, v3, vm0, $0xb8;
	[tilespmem:$0x18080] =	vst v63  }
0x1f3: {  	s9 =	simm.s32 $0x17880  }
0x1f4: {  	[tilespmem:s9], [sflag:$0x1] =	stream.indirect_vreg.gather [hbm4b:s5+s3], $0x80, v3, vm0, $0xb8;
	[tilespmem:$0x18080] =	vst v63  }
0x1f5: {  	_ =	swait.ge [sflag:s2], $0x18000  }
0x1f6: {  	[sflag:s2] =	ssyncset.done $0x0  }
0x1f7: {  	s9 =	rddreg [dreg:$0x9];
	[sflag:s2] =	ssyncadd.s32 $0xFFFE8000  }
0x1f8: {  	[hbm4b:s9+s3] =	stream.linear.scatter [tilespmem:s28], [sflag:$0x2], $0x18000, $0x38;
	[tilespmem:$0x18080] =	vst v63  }
0x1f9: {  	_ =	swait.ge [sflag:s7], $0x18000  }
0x1fa: {  	[sflag:s7] =	ssyncset.done $0x0  }
0x1fb: {  	s9 =	rddreg [dreg:$0xa];
	[sflag:s7] =	ssyncadd.s32 $0xFFFE8000  }
0x1fc: {  	[tilespmem:s3], [sflag:$0x2] =	stream.linear.gather [hbm4b:s9+s3], $0x80, $0x38;
	[tilespmem:$0x18080] =	vst v63  }
0x1fd: {  	_ =	swait.ge [sflag:s7], $0x80  }
0x1fe: {  	[sflag:s7] =	ssyncset.done $0x0  }
0x1ff: {  	[sflag:s7] =	ssyncadd.s32 $0xFFFFFF80  }
0x200: {  	v3 =	vld [tilespmem:$0x0];
	_ =	sdelay $0x4  }
0x201: {  	v56 =	vshrl.u32 v3, $0x3  }
0x202: {  	v4 =	vmul.u32 $0x30, v56  }
0x203: {  	v3 =	vand.u32 $0x7, v3  }
0x204: {  	v3 =	vor.u32 v3, v4  }
0x205: {  	v4 =	vperm.xlane v3, v0;
	_ =	sdelay $0x1  }
0x206: {  	v4 =	vadd.s32 v1, v4;
	_ =	sdelay $0x3  }
0x207: {  	v3 =	vperm.xlane v3, v2  }
0x208: {  	[tilespmem:s28], [sflag:$0x1] =	stream.indirect_vreg.gather [hbm4b:s1+s3], $0x80, v4, vm0, $0xb8;
	[tilespmem:$0x18080] =	vst v63  }
0x209: {  	s0 =	simm.s32 $0x880;
	v3 =	vadd.s32 v1, v3  }
0x20a: {  	[tilespmem:s0], [sflag:$0x1] =	stream.indirect_vreg.gather [hbm4b:s4+s3], $0x80, v4, vm0, $0xb8;
	[tilespmem:$0x18080] =	vst v63  }
0x20b: {  	s8 =	simm.s32 $0x1080  }
0x20c: {  	[tilespmem:s8], [sflag:$0x1] =	stream.indirect_vreg.gather [hbm4b:s5+s3], $0x80, v4, vm0, $0xb8;
	[tilespmem:$0x18080] =	vst v63  }
0x20d: {  	s10 =	simm.s32 $0x1880  }
0x20e: {  	[tilespmem:s10], [sflag:$0x1] =	stream.indirect_vreg.gather [hbm4b:s1+s3], $0x80, v3, vm0, $0xb8;
	[tilespmem:$0x18080] =	vst v63  }
0x20f: {  	s11 =	simm.s32 $0x2080  }
0x210: {  	[tilespmem:s11], [sflag:$0x1] =	stream.indirect_vreg.gather [hbm4b:s4+s3], $0x80, v3, vm0, $0xb8;
	[tilespmem:$0x18080] =	vst v63  }
0x211: {  	s10 =	simm.s32 $0x2880  }
0x212: {  	[tilespmem:s10], [sflag:$0x1] =	stream.indirect_vreg.gather [hbm4b:s5+s3], $0x80, v3, vm0, $0xb8;
	[tilespmem:$0x18080] =	vst v63  }
0x213: {  	v3 =	vld [tilespmem:$0x10];
	_ =	sdelay $0x4  }
0x214: {  	v57 =	vshrl.u32 v3, $0x3  }
0x215: {  	v4 =	vmul.u32 $0x30, v57  }
0x216: {  	v3 =	vand.u32 $0x7, v3  }
0x217: {  	v3 =	vor.u32 v3, v4  }
0x218: {  	v4 =	vperm.xlane v3, v0;
	_ =	sdelay $0x1  }
0x219: {  	v4 =	vadd.s32 v1, v4;
	_ =	sdelay $0x3  }
0x21a: {  	s11 =	simm.s32 $0x3080;
	v3 =	vperm.xlane v3, v2  }
0x21b: {  	[tilespmem:s11], [sflag:$0x1] =	stream.indirect_vreg.gather [hbm4b:s1+s3], $0x80, v4, vm0, $0xb8;
	[tilespmem:$0x18080] =	vst v63  }
0x21c: {  	s12 =	simm.s32 $0x3880;
	v3 =	vadd.s32 v1, v3  }
0x21d: {  	[tilespmem:s12], [sflag:$0x1] =	stream.indirect_vreg.gather [hbm4b:s4+s3], $0x80, v4, vm0, $0xb8;
	[tilespmem:$0x18080] =	vst v63  }
0x21e: {  	s13 =	simm.s32 $0x4080  }
0x21f: {  	[tilespmem:s13], [sflag:$0x1] =	stream.indirect_vreg.gather [hbm4b:s5+s3], $0x80, v4, vm0, $0xb8;
	[tilespmem:$0x18080] =	vst v63  }
0x220: {  	s14 =	simm.s32 $0x4880  }
0x221: {  	[tilespmem:s14], [sflag:$0x1] =	stream.indirect_vreg.gather [hbm4b:s1+s3], $0x80, v3, vm0, $0xb8;
	[tilespmem:$0x18080] =	vst v63  }
0x222: {  	s15 =	simm.s32 $0x5080  }
0x223: {  	[tilespmem:s15], [sflag:$0x1] =	stream.indirect_vreg.gather [hbm4b:s4+s3], $0x80, v3, vm0, $0xb8;
	[tilespmem:$0x18080] =	vst v63  }
0x224: {  	s14 =	simm.s32 $0x5880  }
0x225: {  	[tilespmem:s14], [sflag:$0x1] =	stream.indirect_vreg.gather [hbm4b:s5+s3], $0x80, v3, vm0, $0xb8;
	[tilespmem:$0x18080] =	vst v63  }
0x226: {  	v3 =	vld [tilespmem:$0x20];
	_ =	sdelay $0x4  }
0x227: {  	v58 =	vshrl.u32 v3, $0x3  }
0x228: {  	v4 =	vmul.u32 $0x30, v58  }
0x229: {  	v3 =	vand.u32 $0x7, v3  }
0x22a: {  	v3 =	vor.u32 v3, v4  }
0x22b: {  	v4 =	vperm.xlane v3, v0;
	_ =	sdelay $0x1  }
0x22c: {  	v4 =	vadd.s32 v1, v4;
	_ =	sdelay $0x3  }
0x22d: {  	s15 =	simm.s32 $0x6080;
	v3 =	vperm.xlane v3, v2  }
0x22e: {  	[tilespmem:s15], [sflag:$0x1] =	stream.indirect_vreg.gather [hbm4b:s1+s3], $0x80, v4, vm0, $0xb8;
	[tilespmem:$0x18080] =	vst v63  }
0x22f: {  	s16 =	simm.s32 $0x6880;
	v3 =	vadd.s32 v1, v3  }
0x230: {  	[tilespmem:s16], [sflag:$0x1] =	stream.indirect_vreg.gather [hbm4b:s4+s3], $0x80, v4, vm0, $0xb8;
	[tilespmem:$0x18080] =	vst v63  }
0x231: {  	s17 =	simm.s32 $0x7080  }
0x232: {  	[tilespmem:s17], [sflag:$0x1] =	stream.indirect_vreg.gather [hbm4b:s5+s3], $0x80, v4, vm0, $0xb8;
	[tilespmem:$0x18080] =	vst v63  }
0x233: {  	s18 =	simm.s32 $0x7880  }
0x234: {  	[tilespmem:s18], [sflag:$0x1] =	stream.indirect_vreg.gather [hbm4b:s1+s3], $0x80, v3, vm0, $0xb8;
	[tilespmem:$0x18080] =	vst v63  }
0x235: {  	s19 =	simm.s32 $0x8080  }
0x236: {  	[tilespmem:s19], [sflag:$0x1] =	stream.indirect_vreg.gather [hbm4b:s4+s3], $0x80, v3, vm0, $0xb8;
	[tilespmem:$0x18080] =	vst v63  }
0x237: {  	s8 =	simm.s32 $0x8880  }
0x238: {  	[tilespmem:s8], [sflag:$0x1] =	stream.indirect_vreg.gather [hbm4b:s5+s3], $0x80, v3, vm0, $0xb8;
	[tilespmem:$0x18080] =	vst v63  }
0x239: {  	v3 =	vld [tilespmem:$0x30];
	_ =	sdelay $0x4  }
0x23a: {  	v59 =	vshrl.u32 v3, $0x3  }
0x23b: {  	v4 =	vmul.u32 $0x30, v59  }
0x23c: {  	v3 =	vand.u32 $0x7, v3  }
0x23d: {  	v3 =	vor.u32 v3, v4  }
0x23e: {  	v4 =	vperm.xlane v3, v0;
	_ =	sdelay $0x1  }
0x23f: {  	v4 =	vadd.s32 v1, v4;
	_ =	sdelay $0x3  }
0x240: {  	s9 =	simm.s32 $0x9080;
	v3 =	vperm.xlane v3, v2  }
0x241: {  	[tilespmem:s9], [sflag:$0x1] =	stream.indirect_vreg.gather [hbm4b:s1+s3], $0x80, v4, vm0, $0xb8;
	[tilespmem:$0x18080] =	vst v63  }
0x242: {  	s20 =	simm.s32 $0x9880;
	v3 =	vadd.s32 v1, v3  }
0x243: {  	[tilespmem:s20], [sflag:$0x1] =	stream.indirect_vreg.gather [hbm4b:s4+s3], $0x80, v4, vm0, $0xb8;
	[tilespmem:$0x18080] =	vst v63  }
0x244: {  	s21 =	simm.s32 $0xA080  }
0x245: {  	[tilespmem:s21], [sflag:$0x1] =	stream.indirect_vreg.gather [hbm4b:s5+s3], $0x80, v4, vm0, $0xb8;
	[tilespmem:$0x18080] =	vst v63  }
0x246: {  	s22 =	simm.s32 $0xA880  }
0x247: {  	[tilespmem:s22], [sflag:$0x1] =	stream.indirect_vreg.gather [hbm4b:s1+s3], $0x80, v3, vm0, $0xb8;
	[tilespmem:$0x18080] =	vst v63  }
0x248: {  	s10 =	simm.s32 $0xB080  }
0x249: {  	[tilespmem:s10], [sflag:$0x1] =	stream.indirect_vreg.gather [hbm4b:s4+s3], $0x80, v3, vm0, $0xb8;
	[tilespmem:$0x18080] =	vst v63  }
0x24a: {  	s11 =	simm.s32 $0xB880  }
0x24b: {  	[tilespmem:s11], [sflag:$0x1] =	stream.indirect_vreg.gather [hbm4b:s5+s3], $0x80, v3, vm0, $0xb8;
	[tilespmem:$0x18080] =	vst v63  }
0x24c: {  	v3 =	vld [tilespmem:$0x40];
	_ =	sdelay $0x4  }
0x24d: {  	v60 =	vshrl.u32 v3, $0x3  }
0x24e: {  	v4 =	vmul.u32 $0x30, v60  }
0x24f: {  	v3 =	vand.u32 $0x7, v3  }
0x250: {  	v3 =	vor.u32 v3, v4  }
0x251: {  	v4 =	vperm.xlane v3, v0;
	_ =	sdelay $0x1  }
0x252: {  	v4 =	vadd.s32 v1, v4;
	_ =	sdelay $0x3  }
0x253: {  	s12 =	simm.s32 $0xC080;
	v3 =	vperm.xlane v3, v2  }
0x254: {  	[tilespmem:s12], [sflag:$0x1] =	stream.indirect_vreg.gather [hbm4b:s1+s3], $0x80, v4, vm0, $0xb8;
	[tilespmem:$0x18080] =	vst v63  }
0x255: {  	s23 =	simm.s32 $0xC880;
	v3 =	vadd.s32 v1, v3  }
0x256: {  	[tilespmem:s23], [sflag:$0x1] =	stream.indirect_vreg.gather [hbm4b:s4+s3], $0x80, v4, vm0, $0xb8;
	[tilespmem:$0x18080] =	vst v63  }
0x257: {  	s24 =	simm.s32 $0xD080  }
0x258: {  	[tilespmem:s24], [sflag:$0x1] =	stream.indirect_vreg.gather [hbm4b:s5+s3], $0x80, v4, vm0, $0xb8;
	[tilespmem:$0x18080] =	vst v63  }
0x259: {  	s25 =	simm.s32 $0xD880  }
0x25a: {  	[tilespmem:s25], [sflag:$0x1] =	stream.indirect_vreg.gather [hbm4b:s1+s3], $0x80, v3, vm0, $0xb8;
	[tilespmem:$0x18080] =	vst v63  }
0x25b: {  	s26 =	simm.s32 $0xE080  }
0x25c: {  	[tilespmem:s26], [sflag:$0x1] =	stream.indirect_vreg.gather [hbm4b:s4+s3], $0x80, v3, vm0, $0xb8;
	[tilespmem:$0x18080] =	vst v63  }
0x25d: {  	s13 =	simm.s32 $0xE880  }
0x25e: {  	[tilespmem:s13], [sflag:$0x1] =	stream.indirect_vreg.gather [hbm4b:s5+s3], $0x80, v3, vm0, $0xb8;
	[tilespmem:$0x18080] =	vst v63  }
0x25f: {  	v3 =	vld [tilespmem:$0x50];
	_ =	sdelay $0x4  }
0x260: {  	v61 =	vshrl.u32 v3, $0x3  }
0x261: {  	v4 =	vmul.u32 $0x30, v61  }
0x262: {  	v3 =	vand.u32 $0x7, v3  }
0x263: {  	v3 =	vor.u32 v3, v4  }
0x264: {  	v4 =	vperm.xlane v3, v0;
	_ =	sdelay $0x1  }
0x265: {  	v4 =	vadd.s32 v1, v4;
	_ =	sdelay $0x3  }
0x266: {  	s14 =	simm.s32 $0xF080;
	v3 =	vperm.xlane v3, v2  }
0x267: {  	[tilespmem:s14], [sflag:$0x1] =	stream.indirect_vreg.gather [hbm4b:s1+s3], $0x80, v4, vm0, $0xb8;
	[tilespmem:$0x18080] =	vst v63  }
0x268: {  	s29 =	simm.s32 $0xF880;
	v3 =	vadd.s32 v1, v3  }
0x269: {  	[tilespmem:s29], [sflag:$0x1] =	stream.indirect_vreg.gather [hbm4b:s4+s3], $0x80, v4, vm0, $0xb8;
	[tilespmem:$0x18080] =	vst v63  }
0x26a: {  	s30 =	simm.s32 $0x10080  }
0x26b: {  	[tilespmem:s30], [sflag:$0x1] =	stream.indirect_vreg.gather [hbm4b:s5+s3], $0x80, v4, vm0, $0xb8;
	[tilespmem:$0x18080] =	vst v63  }
0x26c: {  	s31 =	simm.s32 $0x10880  }
0x26d: {  	[tilespmem:s31], [sflag:$0x1] =	stream.indirect_vreg.gather [hbm4b:s1+s3], $0x80, v3, vm0, $0xb8;
	[tilespmem:$0x18080] =	vst v63  }
0x26e: {  	s15 =	simm.s32 $0x11080  }
0x26f: {  	[tilespmem:s15], [sflag:$0x1] =	stream.indirect_vreg.gather [hbm4b:s4+s3], $0x80, v3, vm0, $0xb8;
	[tilespmem:$0x18080] =	vst v63  }
0x270: {  	s16 =	simm.s32 $0x11880  }
0x271: {  	[tilespmem:s16], [sflag:$0x1] =	stream.indirect_vreg.gather [hbm4b:s5+s3], $0x80, v3, vm0, $0xb8;
	[tilespmem:$0x18080] =	vst v63  }
0x272: {  	v3 =	vld [tilespmem:$0x60];
	_ =	sdelay $0x4  }
0x273: {  	v62 =	vshrl.u32 v3, $0x3  }
0x274: {  	v4 =	vmul.u32 $0x30, v62  }
0x275: {  	v3 =	vand.u32 $0x7, v3  }
0x276: {  	v3 =	vor.u32 v3, v4  }
0x277: {  	v4 =	vperm.xlane v3, v0;
	_ =	sdelay $0x1  }
0x278: {  	v4 =	vadd.s32 v1, v4;
	_ =	sdelay $0x3  }
0x279: {  	s17 =	simm.s32 $0x12080;
	v3 =	vperm.xlane v3, v2  }
0x27a: {  	[tilespmem:s17], [sflag:$0x1] =	stream.indirect_vreg.gather [hbm4b:s1+s3], $0x80, v4, vm0, $0xb8;
	[tilespmem:$0x18080] =	vst v63  }
0x27b: {  	s18 =	simm.s32 $0x12880;
	v3 =	vadd.s32 v1, v3  }
0x27c: {  	[tilespmem:s18], [sflag:$0x1] =	stream.indirect_vreg.gather [hbm4b:s4+s3], $0x80, v4, vm0, $0xb8;
	[tilespmem:$0x18080] =	vst v63  }
0x27d: {  	s19 =	simm.s32 $0x13080  }
0x27e: {  	[tilespmem:s19], [sflag:$0x1] =	stream.indirect_vreg.gather [hbm4b:s5+s3], $0x80, v4, vm0, $0xb8;
	[tilespmem:$0x18080] =	vst v63  }
0x27f: {  	s20 =	simm.s32 $0x13880  }
0x280: {  	[tilespmem:s20], [sflag:$0x1] =	stream.indirect_vreg.gather [hbm4b:s1+s3], $0x80, v3, vm0, $0xb8;
	[tilespmem:$0x18080] =	vst v63  }
0x281: {  	s21 =	simm.s32 $0x14080  }
0x282: {  	[tilespmem:s21], [sflag:$0x1] =	stream.indirect_vreg.gather [hbm4b:s4+s3], $0x80, v3, vm0, $0xb8;
	[tilespmem:$0x18080] =	vst v63  }
0x283: {  	s22 =	simm.s32 $0x14880  }
0x284: {  	[tilespmem:s22], [sflag:$0x1] =	stream.indirect_vreg.gather [hbm4b:s5+s3], $0x80, v3, vm0, $0xb8;
	[tilespmem:$0x18080] =	vst v63  }
0x285: {  	v3 =	vld [tilespmem:$0x70];
	_ =	sdelay $0x4  }
0x286: {  	v63 =	vshrl.u32 v3, $0x3  }
0x287: {  	v4 =	vmul.u32 $0x30, v63  }
0x288: {  	v3 =	vand.u32 $0x7, v3  }
0x289: {  	v3 =	vor.u32 v3, v4  }
0x28a: {  	v4 =	vperm.xlane v3, v0;
	_ =	sdelay $0x1  }
0x28b: {  	v4 =	vadd.s32 v1, v4;
	_ =	sdelay $0x3  }
0x28c: {  	s23 =	simm.s32 $0x15080;
	v3 =	vperm.xlane v3, v2  }
0x28d: {  	[tilespmem:s23], [sflag:$0x1] =	stream.indirect_vreg.gather [hbm4b:s1+s3], $0x80, v4, vm0, $0xb8;
	[tilespmem:$0x18080] =	vst v63  }
0x28e: {  	s24 =	simm.s32 $0x15880;
	v3 =	vadd.s32 v1, v3  }
0x28f: {  	[tilespmem:s24], [sflag:$0x1] =	stream.indirect_vreg.gather [hbm4b:s4+s3], $0x80, v4, vm0, $0xb8;
	[tilespmem:$0x18080] =	vst v63  }
0x290: {  	s25 =	simm.s32 $0x16080  }
0x291: {  	[tilespmem:s25], [sflag:$0x1] =	stream.indirect_vreg.gather [hbm4b:s5+s3], $0x80, v4, vm0, $0xb8;
	[tilespmem:$0x18080] =	vst v63  }
0x292: {  	s26 =	simm.s32 $0x16880  }
0x293: {  	[tilespmem:s26], [sflag:$0x1] =	stream.indirect_vreg.gather [hbm4b:s1+s3], $0x80, v3, vm0, $0xb8;
	[tilespmem:$0x18080] =	vst v63  }
0x294: {  	s29 =	simm.s32 $0x17080  }
0x295: {  	[tilespmem:s29], [sflag:$0x1] =	stream.indirect_vreg.gather [hbm4b:s4+s3], $0x80, v3, vm0, $0xb8;
	[tilespmem:$0x18080] =	vst v63  }
0x296: {  	s30 =	simm.s32 $0x17880  }
0x297: {  	[tilespmem:s30], [sflag:$0x1] =	stream.indirect_vreg.gather [hbm4b:s5+s3], $0x80, v3, vm0, $0xb8;
	[tilespmem:$0x18080] =	vst v63  }
0x298: {  	_ =	swait.ge [sflag:s2], $0x18000  }
0x299: {  	p0 =	sne.s32 s6, $0x1;
	[sflag:s2] =	ssyncset.done $0x0  }
.Ltmp0:
0x29a: {  	s31 =	rddreg [dreg:$0xb];
	[sflag:s2] =	ssyncadd.s32 $0xFFFE8000;
	(pc) =	sbr.rel @p0 .LBB2_1-.Ltmp0, $4  }
0x29b: {  	[hbm4b:s31+s3] =	stream.linear.scatter [tilespmem:s28], [sflag:$0x2], $0x18000, $0x38;
	[tilespmem:$0x18080] =	vst v63  }
0x29c: {  	_ =	swait.ge [sflag:s7], $0x18000  }
0x29d: {  	[sflag:s7] =	ssyncset.done $0x0  }
0x29e: {  	s6 =	sadd.s32 $0xFFFFFFFF, s6;
	[sflag:s7] =	ssyncadd.s32 $0xFFFE8000  }
0x29f: {  	_ =	sfence.sel $0x180000  }
0x2a0: {  	[bflag:$0x0] =	sbarrier.arrive $0xFFFF  }
0x2a1: {  	_ =	strace $0x90000047  }
0x2a2: {  	s0 =	stileid.u32;
	[bflag:$0x2] =	sbarrier.arrive $0xFFFF  }
0x2a3: {  	p0 =	sne.s32 s0, $0x0;
	s0 =	rddreg [dreg:$0x3]  }
0x2a4: {  	s0 =	sadd.s32 @!p0 $0x100000, s0  }
0x2a5: {  	[sflag:s0] =	ssyncadd.tile.s32 @!p0 $0x1;
	_ =	shalt  }
.Lfunc_end2:
_tile_overlayer_lowered:
.L_overlay_start_2:
0x2a6: {  	(tag) =	ssettag $0x2  }
0x2a7: {  	s0 =	rddreg [dreg:$0x0];
	s2 =	stileid.u32  }
0x2a8: {  	s1 =	rddreg [dreg:$0x1];
	p0 =	sne.s32 s2, $0x0  }
0x2a9: {  	s3 =	rddreg [dreg:$0x2];
	[bflag:$0x3] =	sbarrier.arrive $0xFFFF;
	s2 =	simm.s32 @!p0 $0x1C02  }
0x2aa: {  	[timem:s3], [sflag:s2] =	dma.local @!p0 [hbm:s0], s1  }
0x2ab: {  	s0 =	simm.s32 @!p0 $0x2  }
0x2ac: {  	_ =	swait.ge @!p0 [sflag:s0], s1  }
0x2ad: {  	s1 =	ssub.s32 @!p0 $0x0, s1;
	[sflag:s0] =	ssyncset.done @!p0 $0x0  }
0x2ae: {  	[sflag:s0] =	ssyncadd.s32 @!p0 s1  }
0x2af: {  	[bflag:$0x3] =	sbarrier.arrive $0xFFFF  }
0x2b0: {  	_ =	shalt  }

// kernel: kernel.13.cloned.1.call-start
scs
__scs_entry_jumppad:
0x0: {  	(pc) =	sbr.rel $0x88, $3  }
0x1: {  	(tag) =	ssettag $0x0;
	lr =	simm.s32 $0x1  }
0x2: {  	[smem:$0x3F9F] =	sst lr;
	_ =	strace $0xD0000000  }
0x3: {  	_ = 	snop  }
0x4: {  	_ = 	snop  }
0x5: {  	_ = 	snop  }
0x6: {  	_ = 	snop  }
0x7: {  	_ = 	snop  }
__scs_overlays_trampoline_lowered:
0x8: {  	[smem:$0x3FAE] =	sst s0  }
0x9: {  	[smem:$0x3FAF] =	sst s1  }
0xa: {  	[smem:$0x3FB0] =	sst s2  }
0xb: {  	[smem:$0x3FB1] =	sst s3  }
0xc: {  	[smem:$0x3FB2] =	sst s4  }
0xd: {  	[smem:$0x3FB3] =	sst s5  }
0xe: {  	[smem:$0x3FB4] =	sst s6  }
0xf: {  	[smem:$0x3FB5] =	sst s7  }
0x10: {  	[smem:$0x3FB6] =	sst s8  }
0x11: {  	[smem:$0x3FB7] =	sst s9;
	s0 =	simm.s32 @!p0 $0x0  }
0x12: {  	s1 =	sld [smem:$0x3F9D];
	s0 =	simm.s32 @p0 $0x1  }
0x13: {  	[smem:$0x3FB8] =	sst s0;
	s0 =	simm.s32 @!p1 $0x0  }
0x14: {  	s2 =	sld [smem:$0x3F9C];
	s0 =	simm.s32 @p1 $0x1  }
0x15: {  	[smem:$0x3FB9] =	sst s0;
	s0 =	simm.s32 @!p2 $0x0  }
0x16: {  	s3 =	sld [smem:$0x3FDB];
	s0 =	simm.s32 @p2 $0x1  }
0x17: {  	s4 =	simm.s32 $0x1BF5;
	[smem:$0x3FBB] =	sst s0  }
0x18: {  	s0 =	sld [smem:$0x3F9E];
	_ =	swait.ge [sflag:s4], $0x0  }
0x19: {  	s7 =	sld [smem:$0x3F9F]  }
0x1a: {  	s8 =	sadd.s32 $0xFFFFE003, lr  }
0x1b: {  	s9 =	sadd.s32 $0xFFFFFEF7, lr;
	s5 =	simm.s32 $0xFFFFFFFF;
	p2 =	slt.u32 s8, $0xFFFFF086  }
0x1c: {  	p1 =	slt.u32 s9, $0xF7A;
	s5 =	simm.s32 @!p2 $0x0  }
0x1d: {  	s5 =	simm.s32 @p1 $0x1;
	p0 =	seq.s32 s7, s2  }
0x1e: {  	s7 =	smul.u32 @!p0 $0xF7A, s2;
	p2 =	seq.s32 @!p0 s5, $0x0  }
0x1f: {  	s9 =	smul.u32 $0xF7A, s1;
	s8 =	simm.s32 @!p0 $0x1BF5;
	p2 =	por !p2, p0  }
0x20: {  	[sflag:s8] =	ssyncset.s32 @!p0 $0xFFFFF086;
	s6 =	sadd.s32 @!p0 s3, s7;
	s7 =	simm.s32 @!p0 $0x108  }
0x21: {  	s3 =	sadd.s32 s3, s9;
	s6 =	sadd.s32 @!p0 $0x88, s6;
	s7 =	simm.s32 @p2 $0x1082  }
0x22: {  	[simem:s7], [sflag:s8] =	dma.local @!p0 [hbm:s6], $0xF7A  }
0x23: {  	s9 =	sor.u32 $0xD0000000, s2;
	s6 =	simm.s32 $0x108;
	_ =	swait.ge @!p0 [sflag:s8], $0x0  }
0x24: {  	s3 =	sadd.s32 $0x88, s3;
	s6 =	simm.s32 @!p1 $0x1082;
	[sflag:s4] =	ssyncset.s32 $0xFFFFF086  }
0x25: {  	[simem:s6], [sflag:s4] =	dma.local [hbm:s3], $0xF7A  }
0x26: {  	[smem:$0x3F9F] =	sst s1;
	(tag) =	ssettag s2;
	_ =	strace s9  }
0x27: {  	s1 =	sld [smem:$0x3FAF]  }
0x28: {  	s2 =	sld [smem:$0x3FB0]  }
0x29: {  	s4 =	sld [smem:$0x3FB2]  }
0x2a: {  	p0 =	seq.s32 s5, $0x0;
	s5 =	sld [smem:$0x3FB3]  }
0x2b: {  	s6 =	sld [smem:$0x3FB4]  }
0x2c: {  	s7 =	sld [smem:$0x3FB5]  }
0x2d: {  	s3 =	simm.s32 $0x108;
	s8 =	sld [smem:$0x3FB6]  }
0x2e: {  	s3 =	simm.s32 @!p0 $0x1082;
	s9 =	sld [smem:$0x3FB7]  }
0x2f: {  	lr =	sadd.s32 s0, s3;
	s0 =	sld [smem:$0x3FAE]  }
0x30: {  	s3 =	sld [smem:$0x3FB1]  }
0x31: {  	[smem:$0x3FBA] =	sst s10  }
0x32: {  	s10 =	sld [smem:$0x3FB8];
	_ =	sdelay $0x3  }
0x33: {  	p0 =	seq.s32 s10, $0x1;
	s10 =	sld [smem:$0x3FBA];
	_ =	sdelay $0x3  }
0x34: {  	[smem:$0x3FBA] =	sst s10  }
0x35: {  	s10 =	sld [smem:$0x3FB9];
	_ =	sdelay $0x3  }
0x36: {  	p1 =	seq.s32 s10, $0x1;
	s10 =	sld [smem:$0x3FBA];
	_ =	sdelay $0x3  }
0x37: {  	[smem:$0x3FBA] =	sst s10  }
0x38: {  	s10 =	sld [smem:$0x3FBB]  }
0x39: {  	_ = 	snop;
	(pc) =	sbr.ind lr, $3  }
0x3a: {  	_ = 	snop  }
0x3b: {  	_ = 	snop  }
0x3c: {  	p2 =	seq.s32 s10, $0x1;
	s10 =	sld [smem:$0x3FBA]  }
0x3d: {  	_ =	shalt  }
0x3e: {  	_ =	shalt  }
0x3f: {  	_ =	shalt  }
0x40: {  	_ =	shalt  }
0x41: {  	_ =	shalt  }
0x42: {  	_ =	shalt  }
0x43: {  	_ =	shalt  }
0x44: {  	_ =	shalt  }
0x45: {  	_ =	shalt  }
0x46: {  	_ =	shalt  }
0x47: {  	_ =	shalt  }
0x48: {  	_ =	shalt  }
0x49: {  	_ =	shalt  }
0x4a: {  	_ =	shalt  }
0x4b: {  	_ =	shalt  }
0x4c: {  	_ =	shalt  }
0x4d: {  	_ =	shalt  }
0x4e: {  	_ =	shalt  }
0x4f: {  	_ =	shalt  }
0x50: {  	_ =	shalt  }
0x51: {  	_ =	shalt  }
0x52: {  	_ =	shalt  }
0x53: {  	_ =	shalt  }
0x54: {  	_ =	shalt  }
0x55: {  	_ =	shalt  }
0x56: {  	_ =	shalt  }
0x57: {  	_ =	shalt  }
0x58: {  	_ =	shalt  }
0x59: {  	_ =	shalt  }
0x5a: {  	_ =	shalt  }
0x5b: {  	_ =	shalt  }
0x5c: {  	_ =	shalt  }
0x5d: {  	_ =	shalt  }
0x5e: {  	_ =	shalt  }
0x5f: {  	_ =	shalt  }
0x60: {  	_ =	shalt  }
0x61: {  	_ =	shalt  }
0x62: {  	_ =	shalt  }
0x63: {  	_ =	shalt  }
0x64: {  	_ =	shalt  }
0x65: {  	_ =	shalt  }
0x66: {  	_ =	shalt  }
0x67: {  	_ =	shalt  }
0x68: {  	_ =	shalt  }
0x69: {  	_ =	shalt  }
0x6a: {  	_ =	shalt  }
0x6b: {  	_ =	shalt  }
0x6c: {  	_ =	shalt  }
0x6d: {  	_ =	shalt  }
0x6e: {  	_ =	shalt  }
0x6f: {  	_ =	shalt  }
0x70: {  	_ =	shalt  }
0x71: {  	_ =	shalt  }
0x72: {  	_ =	shalt  }
0x73: {  	_ =	shalt  }
0x74: {  	_ =	shalt  }
0x75: {  	_ =	shalt  }
0x76: {  	_ =	shalt  }
0x77: {  	_ =	shalt  }
0x78: {  	_ =	shalt  }
0x79: {  	_ =	shalt  }
0x7a: {  	_ =	shalt  }
0x7b: {  	_ =	shalt  }
0x7c: {  	_ =	shalt  }
0x7d: {  	_ =	shalt  }
0x7e: {  	_ =	shalt  }
0x7f: {  	_ =	shalt  }
0x80: {  	_ =	shalt  }
0x81: {  	_ =	shalt  }
0x82: {  	_ =	shalt  }
0x83: {  	_ =	shalt  }
0x84: {  	_ =	shalt  }
0x85: {  	_ =	shalt  }
0x86: {  	_ =	shalt  }
0x87: {  	_ =	shalt  }
.Lfunc_end0:
.L_simem_size_0:
called_computation.1_lowered:
.L_overlay_start_0:
0x88: {  	s2 =	sld [smem:$0x3FD9]  }
0x89: {  	s3 =	sld [smem:$0x3FFE];
	_ =	sdelay $0x1  }
0x8a: {  	s1 =	srdreg.scid  }
0x8b: {  	s0 =	sand.u32 $0x1, s1  }
0x8c: {  	s17 =	sshll.u32 s0, $0xA;
	s2 =	sadd.s32 s3, s2  }
0x8d: {  	s2 =	sadd.s32 s2, s17  }
0x8e: {  	[smem:$0x3FC6] =	sst s2  }
0x8f: {  	_ = 	snop  }
0x90: {  	s18 =	sld [smem:$0x3FC8];
	(tm) =	ssettm $0x1  }
0x91: {  	s19 =	sld [smem:$0x3FFB];
	_ =	sdelay $0x3  }
0x92: {  	_ =	strace s19  }
0x93: {  	s2 =	sld [smem:$0x3FFC];
	_ =	sdelay $0x3  }
0x94: {  	_ =	strace s2  }
0x95: {  	s2 =	sld [smem:$0x3FFD];
	_ =	sdelay $0x3  }
0x96: {  	_ =	strace s2  }
0x97: {  	_ =	strace $0x8FFFFFFF  }
0x98: {  	s20 =	sld [smem:$0x3FDB];
	_ =	sdelay $0x1  }
0x99: {  	s4 =	simm.s32 $_scs_section_size  }
0x9a: {  	s5 =	simm.s32 $_size__tile_overlayer_lowered;
	s6 =	simm.s32 $_tile_overlayer_lowered  }
0x9b: {  	s7 =	simm.s32 $0x1BFF;
	s21 =	sshll.u32 s6, $0x1;
	s4 =	sadd.s32 s4, s20  }
0x9c: {  	s22 =	simm.s32 $0x0;
	s5 =	sshll.u32 s5, $0x1;
	s6 =	sadd.s32 s21, s4  }
0x9d: {  	[timem:s22], [sflag:s7] =	dma.local [hbm:s6], s5  }
0x9e: {  	_ =	swait.ge [sflag:s7], s5  }
0x9f: {  	s5 =	ssub.s32 $0x0, s5;
	[sflag:s7] =	ssyncset.done $0x0  }
0xa0: {  	[sflag:s7] =	ssyncadd.s32 s5;
	_ =	sdelay $0x1  }
0xa1: {  	s23 =	simm.s32 $0x1B8B  }
0xa2: {  	_ =	swait.ge [sflag:s23], $0x1  }
0xa3: {  	[sflag:s23] =	ssyncset.done $0x0  }
0xa4: {  	[sflag:s23] =	ssyncadd.s32 $0xFFFFFFFF  }
0xa5: {  	s5 =	sld [smem:$0x0]  }
0xa6: {  	s6 =	sand.u32 $0xFFFFFFFE, s1  }
0xa7: {  	p0 =	sne.s32 s1, s6  }
0xa8: {  	s6 =	sshll.u32 @p0 s6, $0xE  }
0xa9: {  	s6 =	sadd.s32 @p0 $0x11B8D, s6;
	s7 =	sshll.u32 @p0 s5, $0x11  }
0xaa: {  	s6 =	sor.u32 @p0 s7, s6  }
0xab: {  	[sflag:s6] =	ssyncadd.remote.s32 @p0 $0x1;
	_ =	sdelay $0x1  }
0xac: {  	s6 =	simm.s32 @p0 $0x1B8D  }
0xad: {  	_ =	swait.eq @p0 [sflag:s6], $0x1  }
0xae: {  	[sflag:s6] =	ssyncadd.s32 @p0 $0xFFFFFFFF  }
0xaf: {  	s7 =	sshll.u32 @!p0 s1, $0xE  }
0xb0: {  	s7 =	sor.u32 @!p0 $0x4000, s7;
	s6 =	simm.s32 @!p0 $0x1B8D  }
0xb1: {  	s5 =	sshll.u32 @!p0 s5, $0x11;
	s7 =	sadd.s32 @!p0 $0x11B8D, s7;
	_ =	swait.eq @!p0 [sflag:s6], $0x1  }
0xb2: {  	s5 =	sor.u32 @!p0 s5, s7;
	[sflag:s6] =	ssyncadd.s32 @!p0 $0xFFFFFFFF  }
0xb3: {  	s25 =	simm.s32 $0x1B8E;
	s24 =	sld [smem:$0x3FFE];
	[sflag:s5] =	ssyncadd.remote.s32 @!p0 $0x1  }
0xb4: {  	s26 =	simm.s32 $execute0_lowered;
	[smem:$0x3FD2] =	sst s25  }
0xb5: {  	s6 =	sshll.u32 s26, $0x1;
	_ =	strace $0x80000049;
	[dreg:$0x1] =	wrdreg $0xFFFFFFFF  }
0xb6: {  	s28 =	simm.s32 $_size_execute0_lowered;
	s4 =	sadd.s32 s4, s6;
	[dreg:$0x0] =	wrdreg $0x0  }
0xb7: {  	s6 =	sshll.u32 s28, $0x1;
	[dreg:$0x2] =	wrdreg s4  }
0xb8: {  	[dreg:$0x3] =	wrdreg s6  }
0xb9: {  	[dreg:$0x4] =	wrdreg $0xC0  }
0xba: {  	_ =	task [dreg:s22], $0x5FFFF  }
0xbb: {  	[dreg:$0x1] =	wrdreg $0xFFFFFFFF  }
0xbc: {  	[dreg:$0x0] =	wrdreg $0x60  }
0xbd: {  	[dreg:$0x2] =	wrdreg s18  }
0xbe: {  	[dreg:$0x3] =	wrdreg s24  }
0xbf: {  	[dreg:$0x4] =	wrdreg $0xA  }
0xc0: {  	_ =	task.clear_ibuf [dreg:s22], $0x5FFFF;
	_ =	strace $0x90000049  }
0xc1: {  	s29 =	simm.s32 $0xA;
	_ =	strace $0x8000004B  }
0xc2: {  	_ =	swait.ge [sflag:s29], $0x1  }
0xc3: {  	[sflag:s29] =	ssyncadd.s32 $0xFFFFFFFF  }
0xc4: {  	_ =	strace $0x9000004B  }
0xc5: {  	_ =	sfence  }
0xc6: {  	s30 =	sld [smem:$0x0];
	_ =	sdelay $0x2  }
0xc7: {  	s31 =	sshll.u32 s1, $0xD;
	s1 =	sshrl.u32 s1, $0x2  }
0xc8: {  	s4 =	sand.u32 $0x4000, s31;
	s1 =	sadd.s32 s1, s30  }
0xc9: {  	s0 =	sor.u32 s4, s0;
	s1 =	sshll.u32 s1, $0x11  }
0xca: {  	s0 =	sor.u32 s1, s0  }
0xcb: {  	s0 =	sadd.s32 $0x8F2B, s0  }
0xcc: {  	[sflag:s0] =	ssyncadd.remote.s32 $0x1  }
0xcd: {  	_ =	sfence.sel $0xFFFF  }
0xce: {  	[dreg:$0x0] =	wrdreg $0xFFFFFFFF;
	(pc) =	sbr.abs _section_cstart, $3  }
0xcf: {  	[dreg:$0x1] =	wrdreg $0xFFFFFFFF  }
0xd0: {  	_ =	task.clear_ibuf [dreg:s22], $0x2FFFF;
	_ =	strace $0x9FFFFFFF  }
0xd1: {  	(tm) =	ssettm $0x7FFFFFFF  }
tec
execute0_lowered:
.L_overlay_start_1:
0x0: {  	(tag) =	ssettag $0x1  }
0x1: {  	s1 =	rddreg [dreg:$0x0]  }
0x2: {  	s0 =	rddreg [dreg:$0x1];
	s2 =	srdreg.scid  }
0x3: {  	s3 =	simm.s32 $0x0;
	s4 =	stileid.u32;
	s28 =	simm.s32 $0x80  }
0x4: {  	s2 =	sand.u32 $0x1, s2;
	[smem:$0x7FF] =	sst s3;
	s4 =	sshll.u32 s4, $0x7  }
0x5: {  	s6 =	sadd.s32 $0x181400, s0;
	s0 =	sadd.s32 $0x182C00, s0;
	s5 =	sshll.u32 s2, $0x6  }
0x6: {  	_ =	strace $0x8000004A;
	s2 =	ssub.s32 $0x2, s2;
	s4 =	sor.u32 s5, s4  }
0x7: {  	s31 =	sshrl.u32 s2, $0x1;
	s5 =	smul.u32 $0x300, s4;
	s7 =	sadd.s32 s6, s4  }
0x8: {  	s8 =	sor.u32 $0x10, s4;
	s23 =	sor.u32 $0x20, s4;
	s4 =	sor.u32 $0x30, s4  }
0x9: {  	s2 =	ssub.s32 s2, s31;
	[dreg:$0x3] =	wrdreg s7;
	s22 =	sadd.s32 s6, s8  }
0xa: {  	s21 =	smul.u32 $0x300, s8;
	s26 =	sadd.s32 s6, s23;
	[dreg:$0x5] =	wrdreg s22  }
0xb: {  	s30 =	smul.u32 $0x300, s4;
	s4 =	sadd.s32 s6, s4;
	[dreg:$0x7] =	wrdreg s26  }
0xc: {  	s25 =	smul.u32 $0x300, s23;
	s5 =	sadd.s32 s0, s5;
	[dreg:$0x9] =	wrdreg s4  }
0xd: {  	s6 =	smax.u32 s2, $0x1;
	[dreg:$0x4] =	wrdreg s5;
	s24 =	sadd.s32 s0, s21  }
0xe: {  	v2 =	vlaneseq.u32;
	s7 =	simm.s32 $0x2;
	s29 =	sadd.s32 s0, s25;
	[dreg:$0x6] =	wrdreg s24  }
0xf: {  	vm0 =	vmmov $0xffff;
	v1 =	vshrl.u32 v2, $0x3;
	s2 =	simm.s32 $0x1;
	s0 =	sadd.s32 s0, s30;
	[dreg:$0x8] =	wrdreg s29  }
0x10: {  	v0 =	vand.u32 $0x7, v2;
	v2 =	vor.u32 $0x8, v2;
	v1 =	vmul.u32 $0x8, v1;
	s4 =	sadd.s32 $0x100, s1;
	s5 =	sadd.s32 $0x200, s1;
	[dreg:$0xa] =	wrdreg s0  }
.LBB2_1:
0x11: {  	s9 =	rddreg [dreg:$0x3]  }
0x12: {  	[tilespmem:s3], [sflag:$0x2] =	stream.linear.gather [hbm4b:s9+s3], $0x80, $0x38;
	[tilespmem:$0x18080] =	vst v63  }
0x13: {  	_ =	swait.ge [sflag:s7], $0x80  }
0x14: {  	[sflag:s7] =	ssyncset.done $0x0  }
0x15: {  	[sflag:s7] =	ssyncadd.s32 $0xFFFFFF80  }
0x16: {  	v3 =	vld [tilespmem:$0x0];
	_ =	sdelay $0x4  }
0x17: {  	v4 =	vshrl.u32 v3, $0x3  }
0x18: {  	v4 =	vmul.u32 $0x30, v4  }
0x19: {  	v3 =	vand.u32 $0x7, v3  }
0x1a: {  	v3 =	vor.u32 v3, v4  }
0x1b: {  	v4 =	vperm.xlane v3, v0;
	_ =	sdelay $0x1  }
0x1c: {  	v4 =	vadd.s32 v1, v4;
	_ =	sdelay $0x3  }
0x1d: {  	v3 =	vperm.xlane v3, v2  }
0x1e: {  	[tilespmem:s28], [sflag:$0x1] =	stream.indirect_vreg.gather [hbm4b:s1+s3], $0x80, v4, vm0, $0xb8;
	[tilespmem:$0x18080] =	vst v63  }
0x1f: {  	s0 =	simm.s32 $0x880;
	v3 =	vadd.s32 v1, v3  }
0x20: {  	[tilespmem:s0], [sflag:$0x1] =	stream.indirect_vreg.gather [hbm4b:s4+s3], $0x80, v4, vm0, $0xb8;
	[tilespmem:$0x18080] =	vst v63  }
0x21: {  	s15 =	simm.s32 $0x1080  }
0x22: {  	[tilespmem:s15], [sflag:$0x1] =	stream.indirect_vreg.gather [hbm4b:s5+s3], $0x80, v4, vm0, $0xb8;
	[tilespmem:$0x18080] =	vst v63  }
0x23: {  	s16 =	simm.s32 $0x1880  }
0x24: {  	[tilespmem:s16], [sflag:$0x1] =	stream.indirect_vreg.gather [hbm4b:s1+s3], $0x80, v3, vm0, $0xb8;
	[tilespmem:$0x18080] =	vst v63  }
0x25: {  	s17 =	simm.s32 $0x2080  }
0x26: {  	[tilespmem:s17], [sflag:$0x1] =	stream.indirect_vreg.gather [hbm4b:s4+s3], $0x80, v3, vm0, $0xb8;
	[tilespmem:$0x18080] =	vst v63  }
0x27: {  	s18 =	simm.s32 $0x2880  }
0x28: {  	[tilespmem:s18], [sflag:$0x1] =	stream.indirect_vreg.gather [hbm4b:s5+s3], $0x80, v3, vm0, $0xb8;
	[tilespmem:$0x18080] =	vst v63  }
0x29: {  	v3 =	vld [tilespmem:$0x10];
	_ =	sdelay $0x4  }
0x2a: {  	v33 =	vshrl.u32 v3, $0x3  }
0x2b: {  	v4 =	vmul.u32 $0x30, v33  }
0x2c: {  	v3 =	vand.u32 $0x7, v3  }
0x2d: {  	v3 =	vor.u32 v3, v4  }
0x2e: {  	v4 =	vperm.xlane v3, v0;
	_ =	sdelay $0x1  }
0x2f: {  	v4 =	vadd.s32 v1, v4;
	_ =	sdelay $0x3  }
0x30: {  	s19 =	simm.s32 $0x3080;
	v3 =	vperm.xlane v3, v2  }
0x31: {  	[tilespmem:s19], [sflag:$0x1] =	stream.indirect_vreg.gather [hbm4b:s1+s3], $0x80, v4, vm0, $0xb8;
	[tilespmem:$0x18080] =	vst v63  }
0x32: {  	s20 =	simm.s32 $0x3880;
	v3 =	vadd.s32 v1, v3  }
0x33: {  	[tilespmem:s20], [sflag:$0x1] =	stream.indirect_vreg.gather [hbm4b:s4+s3], $0x80, v4, vm0, $0xb8;
	[tilespmem:$0x18080] =	vst v63  }
0x34: {  	s21 =	simm.s32 $0x4080  }
0x35: {  	[tilespmem:s21], [sflag:$0x1] =	stream.indirect_vreg.gather [hbm4b:s5+s3], $0x80, v4, vm0, $0xb8;
	[tilespmem:$0x18080] =	vst v63  }
0x36: {  	s22 =	simm.s32 $0x4880  }
0x37: {  	[tilespmem:s22], [sflag:$0x1] =	stream.indirect_vreg.gather [hbm4b:s1+s3], $0x80, v3, vm0, $0xb8;
	[tilespmem:$0x18080] =	vst v63  }
0x38: {  	s23 =	simm.s32 $0x5080  }
0x39: {  	[tilespmem:s23], [sflag:$0x1] =	stream.indirect_vreg.gather [hbm4b:s4+s3], $0x80, v3, vm0, $0xb8;
	[tilespmem:$0x18080] =	vst v63  }
0x3a: {  	s24 =	simm.s32 $0x5880  }
0x3b: {  	[tilespmem:s24], [sflag:$0x1] =	stream.indirect_vreg.gather [hbm4b:s5+s3], $0x80, v3, vm0, $0xb8;
	[tilespmem:$0x18080] =	vst v63  }
0x3c: {  	v3 =	vld [tilespmem:$0x20];
	_ =	sdelay $0x4  }
0x3d: {  	v34 =	vshrl.u32 v3, $0x3  }
0x3e: {  	v4 =	vmul.u32 $0x30, v34  }
0x3f: {  	v3 =	vand.u32 $0x7, v3  }
0x40: {  	v3 =	vor.u32 v3, v4  }
0x41: {  	v4 =	vperm.xlane v3, v0;
	_ =	sdelay $0x1  }
0x42: {  	v4 =	vadd.s32 v1, v4;
	_ =	sdelay $0x3  }
0x43: {  	s25 =	simm.s32 $0x6080;
	v3 =	vperm.xlane v3, v2  }
0x44: {  	[tilespmem:s25], [sflag:$0x1] =	stream.indirect_vreg.gather [hbm4b:s1+s3], $0x80, v4, vm0, $0xb8;
	[tilespmem:$0x18080] =	vst v63  }
0x45: {  	s26 =	simm.s32 $0x6880;
	v3 =	vadd.s32 v1, v3  }
0x46: {  	[tilespmem:s26], [sflag:$0x1] =	stream.indirect_vreg.gather [hbm4b:s4+s3], $0x80, v4, vm0, $0xb8;
	[tilespmem:$0x18080] =	vst v63  }
0x47: {  	s29 =	simm.s32 $0x7080  }
0x48: {  	[tilespmem:s29], [sflag:$0x1] =	stream.indirect_vreg.gather [hbm4b:s5+s3], $0x80, v4, vm0, $0xb8;
	[tilespmem:$0x18080] =	vst v63  }
0x49: {  	s30 =	simm.s32 $0x7880  }
0x4a: {  	[tilespmem:s30], [sflag:$0x1] =	stream.indirect_vreg.gather [hbm4b:s1+s3], $0x80, v3, vm0, $0xb8;
	[tilespmem:$0x18080] =	vst v63  }
0x4b: {  	s31 =	simm.s32 $0x8080  }
0x4c: {  	[tilespmem:s31], [sflag:$0x1] =	stream.indirect_vreg.gather [hbm4b:s4+s3], $0x80, v3, vm0, $0xb8;
	[tilespmem:$0x18080] =	vst v63  }
0x4d: {  	s8 =	simm.s32 $0x8880  }
0x4e: {  	[tilespmem:s8], [sflag:$0x1] =	stream.indirect_vreg.gather [hbm4b:s5+s3], $0x80, v3, vm0, $0xb8;
	[tilespmem:$0x18080] =	vst v63  }
0x4f: {  	v3 =	vld [tilespmem:$0x30];
	_ =	sdelay $0x4  }
0x50: {  	v35 =	vshrl.u32 v3, $0x3  }
0x51: {  	v4 =	vmul.u32 $0x30, v35  }
0x52: {  	v3 =	vand.u32 $0x7, v3  }
0x53: {  	v3 =	vor.u32 v3, v4  }
0x54: {  	v4 =	vperm.xlane v3, v0;
	_ =	sdelay $0x1  }
0x55: {  	v4 =	vadd.s32 v1, v4;
	_ =	sdelay $0x3  }
0x56: {  	s9 =	simm.s32 $0x9080;
	v3 =	vperm.xlane v3, v2  }
0x57: {  	[tilespmem:s9], [sflag:$0x1] =	stream.indirect_vreg.gather [hbm4b:s1+s3], $0x80, v4, vm0, $0xb8;
	[tilespmem:$0x18080] =	vst v63  }
0x58: {  	s10 =	simm.s32 $0x9880;
	v3 =	vadd.s32 v1, v3  }
0x59: {  	[tilespmem:s10], [sflag:$0x1] =	stream.indirect_vreg.gather [hbm4b:s4+s3], $0x80, v4, vm0, $0xb8;
	[tilespmem:$0x18080] =	vst v63  }
0x5a: {  	s11 =	simm.s32 $0xA080  }
0x5b: {  	[tilespmem:s11], [sflag:$0x1] =	stream.indirect_vreg.gather [hbm4b:s5+s3], $0x80, v4, vm0, $0xb8;
	[tilespmem:$0x18080] =	vst v63  }
0x5c: {  	s14 =	simm.s32 $0xA880  }
0x5d: {  	[tilespmem:s14], [sflag:$0x1] =	stream.indirect_vreg.gather [hbm4b:s1+s3], $0x80, v3, vm0, $0xb8;
	[tilespmem:$0x18080] =	vst v63  }
0x5e: {  	s15 =	simm.s32 $0xB080  }
0x5f: {  	[tilespmem:s15], [sflag:$0x1] =	stream.indirect_vreg.gather [hbm4b:s4+s3], $0x80, v3, vm0, $0xb8;
	[tilespmem:$0x18080] =	vst v63  }
0x60: {  	s18 =	simm.s32 $0xB880  }
0x61: {  	[tilespmem:s18], [sflag:$0x1] =	stream.indirect_vreg.gather [hbm4b:s5+s3], $0x80, v3, vm0, $0xb8;
	[tilespmem:$0x18080] =	vst v63  }
0x62: {  	v3 =	vld [tilespmem:$0x40];
	_ =	sdelay $0x4  }
0x63: {  	v36 =	vshrl.u32 v3, $0x3  }
0x64: {  	v4 =	vmul.u32 $0x30, v36  }
0x65: {  	v3 =	vand.u32 $0x7, v3  }
0x66: {  	v3 =	vor.u32 v3, v4  }
0x67: {  	v4 =	vperm.xlane v3, v0;
	_ =	sdelay $0x1  }
0x68: {  	v4 =	vadd.s32 v1, v4;
	_ =	sdelay $0x3  }
0x69: {  	s19 =	simm.s32 $0xC080;
	v3 =	vperm.xlane v3, v2  }
0x6a: {  	[tilespmem:s19], [sflag:$0x1] =	stream.indirect_vreg.gather [hbm4b:s1+s3], $0x80, v4, vm0, $0xb8;
	[tilespmem:$0x18080] =	vst v63  }
0x6b: {  	s22 =	simm.s32 $0xC880;
	v3 =	vadd.s32 v1, v3  }
0x6c: {  	[tilespmem:s22], [sflag:$0x1] =	stream.indirect_vreg.gather [hbm4b:s4+s3], $0x80, v4, vm0, $0xb8;
	[tilespmem:$0x18080] =	vst v63  }
0x6d: {  	s25 =	simm.s32 $0xD080  }
0x6e: {  	[tilespmem:s25], [sflag:$0x1] =	stream.indirect_vreg.gather [hbm4b:s5+s3], $0x80, v4, vm0, $0xb8;
	[tilespmem:$0x18080] =	vst v63  }
0x6f: {  	s26 =	simm.s32 $0xD880  }
0x70: {  	[tilespmem:s26], [sflag:$0x1] =	stream.indirect_vreg.gather [hbm4b:s1+s3], $0x80, v3, vm0, $0xb8;
	[tilespmem:$0x18080] =	vst v63  }
0x71: {  	s29 =	simm.s32 $0xE080  }
0x72: {  	[tilespmem:s29], [sflag:$0x1] =	stream.indirect_vreg.gather [hbm4b:s4+s3], $0x80, v3, vm0, $0xb8;
	[tilespmem:$0x18080] =	vst v63  }
0x73: {  	s30 =	simm.s32 $0xE880  }
0x74: {  	[tilespmem:s30], [sflag:$0x1] =	stream.indirect_vreg.gather [hbm4b:s5+s3], $0x80, v3, vm0, $0xb8;
	[tilespmem:$0x18080] =	vst v63  }
0x75: {  	v3 =	vld [tilespmem:$0x50];
	_ =	sdelay $0x4  }
0x76: {  	v37 =	vshrl.u32 v3, $0x3  }
0x77: {  	v4 =	vmul.u32 $0x30, v37  }
0x78: {  	v3 =	vand.u32 $0x7, v3  }
0x79: {  	v3 =	vor.u32 v3, v4  }
0x7a: {  	v4 =	vperm.xlane v3, v0;
	_ =	sdelay $0x1  }
0x7b: {  	v4 =	vadd.s32 v1, v4;
	_ =	sdelay $0x3  }
0x7c: {  	s31 =	simm.s32 $0xF080;
	v3 =	vperm.xlane v3, v2  }
0x7d: {  	[tilespmem:s31], [sflag:$0x1] =	stream.indirect_vreg.gather [hbm4b:s1+s3], $0x80, v4, vm0, $0xb8;
	[tilespmem:$0x18080] =	vst v63  }
0x7e: {  	s0 =	simm.s32 $0xF880;
	v3 =	vadd.s32 v1, v3  }
0x7f: {  	[tilespmem:s0], [sflag:$0x1] =	stream.indirect_vreg.gather [hbm4b:s4+s3], $0x80, v4, vm0, $0xb8;
	[tilespmem:$0x18080] =	vst v63  }
0x80: {  	s8 =	simm.s32 $0x10080  }
0x81: {  	[tilespmem:s8], [sflag:$0x1] =	stream.indirect_vreg.gather [hbm4b:s5+s3], $0x80, v4, vm0, $0xb8;
	[tilespmem:$0x18080] =	vst v63  }
0x82: {  	s10 =	simm.s32 $0x10880  }
0x83: {  	[tilespmem:s10], [sflag:$0x1] =	stream.indirect_vreg.gather [hbm4b:s1+s3], $0x80, v3, vm0, $0xb8;
	[tilespmem:$0x18080] =	vst v63  }
0x84: {  	s11 =	simm.s32 $0x11080  }
0x85: {  	[tilespmem:s11], [sflag:$0x1] =	stream.indirect_vreg.gather [hbm4b:s4+s3], $0x80, v3, vm0, $0xb8;
	[tilespmem:$0x18080] =	vst v63  }
0x86: {  	s14 =	simm.s32 $0x11880  }
0x87: {  	[tilespmem:s14], [sflag:$0x1] =	stream.indirect_vreg.gather [hbm4b:s5+s3], $0x80, v3, vm0, $0xb8;
	[tilespmem:$0x18080] =	vst v63  }
0x88: {  	v3 =	vld [tilespmem:$0x60];
	_ =	sdelay $0x4  }
0x89: {  	v38 =	vshrl.u32 v3, $0x3  }
0x8a: {  	v4 =	vmul.u32 $0x30, v38  }
0x8b: {  	v3 =	vand.u32 $0x7, v3  }
0x8c: {  	v3 =	vor.u32 v3, v4  }
0x8d: {  	v4 =	vperm.xlane v3, v0;
	_ =	sdelay $0x1  }
0x8e: {  	v4 =	vadd.s32 v1, v4;
	_ =	sdelay $0x3  }
0x8f: {  	s15 =	simm.s32 $0x12080;
	v3 =	vperm.xlane v3, v2  }
0x90: {  	[tilespmem:s15], [sflag:$0x1] =	stream.indirect_vreg.gather [hbm4b:s1+s3], $0x80, v4, vm0, $0xb8;
	[tilespmem:$0x18080] =	vst v63  }
0x91: {  	s18 =	simm.s32 $0x12880;
	v3 =	vadd.s32 v1, v3  }
0x92: {  	[tilespmem:s18], [sflag:$0x1] =	stream.indirect_vreg.gather [hbm4b:s4+s3], $0x80, v4, vm0, $0xb8;
	[tilespmem:$0x18080] =	vst v63  }
0x93: {  	s19 =	simm.s32 $0x13080  }
0x94: {  	[tilespmem:s19], [sflag:$0x1] =	stream.indirect_vreg.gather [hbm4b:s5+s3], $0x80, v4, vm0, $0xb8;
	[tilespmem:$0x18080] =	vst v63  }
0x95: {  	s22 =	simm.s32 $0x13880  }
0x96: {  	[tilespmem:s22], [sflag:$0x1] =	stream.indirect_vreg.gather [hbm4b:s1+s3], $0x80, v3, vm0, $0xb8;
	[tilespmem:$0x18080] =	vst v63  }
0x97: {  	s31 =	simm.s32 $0x14080  }
0x98: {  	[tilespmem:s31], [sflag:$0x1] =	stream.indirect_vreg.gather [hbm4b:s4+s3], $0x80, v3, vm0, $0xb8;
	[tilespmem:$0x18080] =	vst v63  }
0x99: {  	s0 =	simm.s32 $0x14880  }
0x9a: {  	[tilespmem:s0], [sflag:$0x1] =	stream.indirect_vreg.gather [hbm4b:s5+s3], $0x80, v3, vm0, $0xb8;
	[tilespmem:$0x18080] =	vst v63  }
0x9b: {  	v3 =	vld [tilespmem:$0x70];
	_ =	sdelay $0x4  }
0x9c: {  	v39 =	vshrl.u32 v3, $0x3  }
0x9d: {  	v4 =	vmul.u32 $0x30, v39  }
0x9e: {  	v3 =	vand.u32 $0x7, v3  }
0x9f: {  	v3 =	vor.u32 v3, v4  }
0xa0: {  	v4 =	vperm.xlane v3, v0;
	_ =	sdelay $0x1  }
0xa1: {  	v4 =	vadd.s32 v1, v4;
	_ =	sdelay $0x3  }
0xa2: {  	s8 =	simm.s32 $0x15080;
	v3 =	vperm.xlane v3, v2  }
0xa3: {  	[tilespmem:s8], [sflag:$0x1] =	stream.indirect_vreg.gather [hbm4b:s1+s3], $0x80, v4, vm0, $0xb8;
	[tilespmem:$0x18080] =	vst v63  }
0xa4: {  	s10 =	simm.s32 $0x15880;
	v3 =	vadd.s32 v1, v3  }
0xa5: {  	[tilespmem:s10], [sflag:$0x1] =	stream.indirect_vreg.gather [hbm4b:s4+s3], $0x80, v4, vm0, $0xb8;
	[tilespmem:$0x18080] =	vst v63  }
0xa6: {  	s11 =	simm.s32 $0x16080  }
0xa7: {  	[tilespmem:s11], [sflag:$0x1] =	stream.indirect_vreg.gather [hbm4b:s5+s3], $0x80, v4, vm0, $0xb8;
	[tilespmem:$0x18080] =	vst v63  }
0xa8: {  	s14 =	simm.s32 $0x16880  }
0xa9: {  	[tilespmem:s14], [sflag:$0x1] =	stream.indirect_vreg.gather [hbm4b:s1+s3], $0x80, v3, vm0, $0xb8;
	[tilespmem:$0x18080] =	vst v63  }
0xaa: {  	s15 =	simm.s32 $0x17080  }
0xab: {  	[tilespmem:s15], [sflag:$0x1] =	stream.indirect_vreg.gather [hbm4b:s4+s3], $0x80, v3, vm0, $0xb8;
	[tilespmem:$0x18080] =	vst v63  }
0xac: {  	s18 =	simm.s32 $0x17880  }
0xad: {  	[tilespmem:s18], [sflag:$0x1] =	stream.indirect_vreg.gather [hbm4b:s5+s3], $0x80, v3, vm0, $0xb8;
	[tilespmem:$0x18080] =	vst v63  }
0xae: {  	_ =	swait.ge [sflag:s2], $0x18000  }
0xaf: {  	[sflag:s2] =	ssyncset.done $0x0  }
0xb0: {  	s19 =	rddreg [dreg:$0x4];
	[sflag:s2] =	ssyncadd.s32 $0xFFFE8000  }
0xb1: {  	[hbm4b:s19+s3] =	stream.linear.scatter [tilespmem:s28], [sflag:$0x2], $0x18000, $0x38;
	[tilespmem:$0x18080] =	vst v63  }
0xb2: {  	_ =	swait.ge [sflag:s7], $0x18000  }
0xb3: {  	[sflag:s7] =	ssyncset.done $0x0  }
0xb4: {  	s22 =	rddreg [dreg:$0x5];
	[sflag:s7] =	ssyncadd.s32 $0xFFFE8000  }
0xb5: {  	[tilespmem:s3], [sflag:$0x2] =	stream.linear.gather [hbm4b:s22+s3], $0x80, $0x38;
	[tilespmem:$0x18080] =	vst v63  }
0xb6: {  	_ =	swait.ge [sflag:s7], $0x80  }
0xb7: {  	[sflag:s7] =	ssyncset.done $0x0  }
0xb8: {  	[sflag:s7] =	ssyncadd.s32 $0xFFFFFF80  }
0xb9: {  	v3 =	vld [tilespmem:$0x0];
	_ =	sdelay $0x4  }
0xba: {  	v40 =	vshrl.u32 v3, $0x3  }
0xbb: {  	v4 =	vmul.u32 $0x30, v40  }
0xbc: {  	v3 =	vand.u32 $0x7, v3  }
0xbd: {  	v3 =	vor.u32 v3, v4  }
0xbe: {  	v4 =	vperm.xlane v3, v0;
	_ =	sdelay $0x1  }
0xbf: {  	v4 =	vadd.s32 v1, v4;
	_ =	sdelay $0x3  }
0xc0: {  	v3 =	vperm.xlane v3, v2  }
0xc1: {  	[tilespmem:s28], [sflag:$0x1] =	stream.indirect_vreg.gather [hbm4b:s1+s3], $0x80, v4, vm0, $0xb8;
	[tilespmem:$0x18080] =	vst v63  }
0xc2: {  	s0 =	simm.s32 $0x880;
	v3 =	vadd.s32 v1, v3  }
0xc3: {  	[tilespmem:s0], [sflag:$0x1] =	stream.indirect_vreg.gather [hbm4b:s4+s3], $0x80, v4, vm0, $0xb8;
	[tilespmem:$0x18080] =	vst v63  }
0xc4: {  	s8 =	simm.s32 $0x1080  }
0xc5: {  	[tilespmem:s8], [sflag:$0x1] =	stream.indirect_vreg.gather [hbm4b:s5+s3], $0x80, v4, vm0, $0xb8;
	[tilespmem:$0x18080] =	vst v63  }
0xc6: {  	s10 =	simm.s32 $0x1880  }
0xc7: {  	[tilespmem:s10], [sflag:$0x1] =	stream.indirect_vreg.gather [hbm4b:s1+s3], $0x80, v3, vm0, $0xb8;
	[tilespmem:$0x18080] =	vst v63  }
0xc8: {  	s11 =	simm.s32 $0x2080  }
0xc9: {  	[tilespmem:s11], [sflag:$0x1] =	stream.indirect_vreg.gather [hbm4b:s4+s3], $0x80, v3, vm0, $0xb8;
	[tilespmem:$0x18080] =	vst v63  }
0xca: {  	s12 =	simm.s32 $0x2880  }
0xcb: {  	[tilespmem:s12], [sflag:$0x1] =	stream.indirect_vreg.gather [hbm4b:s5+s3], $0x80, v3, vm0, $0xb8;
	[tilespmem:$0x18080] =	vst v63  }
0xcc: {  	v3 =	vld [tilespmem:$0x10];
	_ =	sdelay $0x4  }
0xcd: {  	v41 =	vshrl.u32 v3, $0x3  }
0xce: {  	v4 =	vmul.u32 $0x30, v41  }
0xcf: {  	v3 =	vand.u32 $0x7, v3  }
0xd0: {  	v3 =	vor.u32 v3, v4  }
0xd1: {  	v4 =	vperm.xlane v3, v0;
	_ =	sdelay $0x1  }
0xd2: {  	v4 =	vadd.s32 v1, v4;
	_ =	sdelay $0x3  }
0xd3: {  	s13 =	simm.s32 $0x3080;
	v3 =	vperm.xlane v3, v2  }
0xd4: {  	[tilespmem:s13], [sflag:$0x1] =	stream.indirect_vreg.gather [hbm4b:s1+s3], $0x80, v4, vm0, $0xb8;
	[tilespmem:$0x18080] =	vst v63  }
0xd5: {  	s12 =	simm.s32 $0x3880;
	v3 =	vadd.s32 v1, v3  }
0xd6: {  	[tilespmem:s12], [sflag:$0x1] =	stream.indirect_vreg.gather [hbm4b:s4+s3], $0x80, v4, vm0, $0xb8;
	[tilespmem:$0x18080] =	vst v63  }
0xd7: {  	s13 =	simm.s32 $0x4080  }
0xd8: {  	[tilespmem:s13], [sflag:$0x1] =	stream.indirect_vreg.gather [hbm4b:s5+s3], $0x80, v4, vm0, $0xb8;
	[tilespmem:$0x18080] =	vst v63  }
0xd9: {  	s14 =	simm.s32 $0x4880  }
0xda: {  	[tilespmem:s14], [sflag:$0x1] =	stream.indirect_vreg.gather [hbm4b:s1+s3], $0x80, v3, vm0, $0xb8;
	[tilespmem:$0x18080] =	vst v63  }
0xdb: {  	s15 =	simm.s32 $0x5080  }
0xdc: {  	[tilespmem:s15], [sflag:$0x1] =	stream.indirect_vreg.gather [hbm4b:s4+s3], $0x80, v3, vm0, $0xb8;
	[tilespmem:$0x18080] =	vst v63  }
0xdd: {  	s16 =	simm.s32 $0x5880  }
0xde: {  	[tilespmem:s16], [sflag:$0x1] =	stream.indirect_vreg.gather [hbm4b:s5+s3], $0x80, v3, vm0, $0xb8;
	[tilespmem:$0x18080] =	vst v63  }
0xdf: {  	v3 =	vld [tilespmem:$0x20];
	_ =	sdelay $0x4  }
0xe0: {  	v42 =	vshrl.u32 v3, $0x3  }
0xe1: {  	v4 =	vmul.u32 $0x30, v42  }
0xe2: {  	v3 =	vand.u32 $0x7, v3  }
0xe3: {  	v3 =	vor.u32 v3, v4  }
0xe4: {  	v4 =	vperm.xlane v3, v0;
	_ =	sdelay $0x1  }
0xe5: {  	v4 =	vadd.s32 v1, v4;
	_ =	sdelay $0x3  }
0xe6: {  	s17 =	simm.s32 $0x6080;
	v3 =	vperm.xlane v3, v2  }
0xe7: {  	[tilespmem:s17], [sflag:$0x1] =	stream.indirect_vreg.gather [hbm4b:s1+s3], $0x80, v4, vm0, $0xb8;
	[tilespmem:$0x18080] =	vst v63  }
0xe8: {  	s16 =	simm.s32 $0x6880;
	v3 =	vadd.s32 v1, v3  }
0xe9: {  	[tilespmem:s16], [sflag:$0x1] =	stream.indirect_vreg.gather [hbm4b:s4+s3], $0x80, v4, vm0, $0xb8;
	[tilespmem:$0x18080] =	vst v63  }
0xea: {  	s17 =	simm.s32 $0x7080  }
0xeb: {  	[tilespmem:s17], [sflag:$0x1] =	stream.indirect_vreg.gather [hbm4b:s5+s3], $0x80, v4, vm0, $0xb8;
	[tilespmem:$0x18080] =	vst v63  }
0xec: {  	s18 =	simm.s32 $0x7880  }
0xed: {  	[tilespmem:s18], [sflag:$0x1] =	stream.indirect_vreg.gather [hbm4b:s1+s3], $0x80, v3, vm0, $0xb8;
	[tilespmem:$0x18080] =	vst v63  }
0xee: {  	s19 =	simm.s32 $0x8080  }
0xef: {  	[tilespmem:s19], [sflag:$0x1] =	stream.indirect_vreg.gather [hbm4b:s4+s3], $0x80, v3, vm0, $0xb8;
	[tilespmem:$0x18080] =	vst v63  }
0xf0: {  	s20 =	simm.s32 $0x8880  }
0xf1: {  	[tilespmem:s20], [sflag:$0x1] =	stream.indirect_vreg.gather [hbm4b:s5+s3], $0x80, v3, vm0, $0xb8;
	[tilespmem:$0x18080] =	vst v63  }
0xf2: {  	v3 =	vld [tilespmem:$0x30];
	_ =	sdelay $0x4  }
0xf3: {  	v43 =	vshrl.u32 v3, $0x3  }
0xf4: {  	v4 =	vmul.u32 $0x30, v43  }
0xf5: {  	v3 =	vand.u32 $0x7, v3  }
0xf6: {  	v3 =	vor.u32 v3, v4  }
0xf7: {  	v4 =	vperm.xlane v3, v0;
	_ =	sdelay $0x1  }
0xf8: {  	v4 =	vadd.s32 v1, v4;
	_ =	sdelay $0x3  }
0xf9: {  	s21 =	simm.s32 $0x9080;
	v3 =	vperm.xlane v3, v2  }
0xfa: {  	[tilespmem:s21], [sflag:$0x1] =	stream.indirect_vreg.gather [hbm4b:s1+s3], $0x80, v4, vm0, $0xb8;
	[tilespmem:$0x18080] =	vst v63  }
0xfb: {  	s20 =	simm.s32 $0x9880;
	v3 =	vadd.s32 v1, v3  }
0xfc: {  	[tilespmem:s20], [sflag:$0x1] =	stream.indirect_vreg.gather [hbm4b:s4+s3], $0x80, v4, vm0, $0xb8;
	[tilespmem:$0x18080] =	vst v63  }
0xfd: {  	s21 =	simm.s32 $0xA080  }
0xfe: {  	[tilespmem:s21], [sflag:$0x1] =	stream.indirect_vreg.gather [hbm4b:s5+s3], $0x80, v4, vm0, $0xb8;
	[tilespmem:$0x18080] =	vst v63  }
0xff: {  	s22 =	simm.s32 $0xA880  }
0x100: {  	[tilespmem:s22], [sflag:$0x1] =	stream.indirect_vreg.gather [hbm4b:s1+s3], $0x80, v3, vm0, $0xb8;
	[tilespmem:$0x18080] =	vst v63  }
0x101: {  	s9 =	simm.s32 $0xB080  }
0x102: {  	[tilespmem:s9], [sflag:$0x1] =	stream.indirect_vreg.gather [hbm4b:s4+s3], $0x80, v3, vm0, $0xb8;
	[tilespmem:$0x18080] =	vst v63  }
0x103: {  	s23 =	simm.s32 $0xB880  }
0x104: {  	[tilespmem:s23], [sflag:$0x1] =	stream.indirect_vreg.gather [hbm4b:s5+s3], $0x80, v3, vm0, $0xb8;
	[tilespmem:$0x18080] =	vst v63  }
0x105: {  	v3 =	vld [tilespmem:$0x40];
	_ =	sdelay $0x4  }
0x106: {  	v44 =	vshrl.u32 v3, $0x3  }
0x107: {  	v4 =	vmul.u32 $0x30, v44  }
0x108: {  	v3 =	vand.u32 $0x7, v3  }
0x109: {  	v3 =	vor.u32 v3, v4  }
0x10a: {  	v4 =	vperm.xlane v3, v0;
	_ =	sdelay $0x1  }
0x10b: {  	v4 =	vadd.s32 v1, v4;
	_ =	sdelay $0x3  }
0x10c: {  	s24 =	simm.s32 $0xC080;
	v3 =	vperm.xlane v3, v2  }
0x10d: {  	[tilespmem:s24], [sflag:$0x1] =	stream.indirect_vreg.gather [hbm4b:s1+s3], $0x80, v4, vm0, $0xb8;
	[tilespmem:$0x18080] =	vst v63  }
0x10e: {  	s23 =	simm.s32 $0xC880;
	v3 =	vadd.s32 v1, v3  }
0x10f: {  	[tilespmem:s23], [sflag:$0x1] =	stream.indirect_vreg.gather [hbm4b:s4+s3], $0x80, v4, vm0, $0xb8;
	[tilespmem:$0x18080] =	vst v63  }
0x110: {  	s24 =	simm.s32 $0xD080  }
0x111: {  	[tilespmem:s24], [sflag:$0x1] =	stream.indirect_vreg.gather [hbm4b:s5+s3], $0x80, v4, vm0, $0xb8;
	[tilespmem:$0x18080] =	vst v63  }
0x112: {  	s9 =	simm.s32 $0xD880  }
0x113: {  	[tilespmem:s9], [sflag:$0x1] =	stream.indirect_vreg.gather [hbm4b:s1+s3], $0x80, v3, vm0, $0xb8;
	[tilespmem:$0x18080] =	vst v63  }
0x114: {  	s9 =	simm.s32 $0xE080  }
0x115: {  	[tilespmem:s9], [sflag:$0x1] =	stream.indirect_vreg.gather [hbm4b:s4+s3], $0x80, v3, vm0, $0xb8;
	[tilespmem:$0x18080] =	vst v63  }
0x116: {  	s25 =	simm.s32 $0xE880  }
0x117: {  	[tilespmem:s25], [sflag:$0x1] =	stream.indirect_vreg.gather [hbm4b:s5+s3], $0x80, v3, vm0, $0xb8;
	[tilespmem:$0x18080] =	vst v63  }
0x118: {  	v3 =	vld [tilespmem:$0x50];
	_ =	sdelay $0x4  }
0x119: {  	v45 =	vshrl.u32 v3, $0x3  }
0x11a: {  	v4 =	vmul.u32 $0x30, v45  }
0x11b: {  	v3 =	vand.u32 $0x7, v3  }
0x11c: {  	v3 =	vor.u32 v3, v4  }
0x11d: {  	v4 =	vperm.xlane v3, v0;
	_ =	sdelay $0x1  }
0x11e: {  	v4 =	vadd.s32 v1, v4;
	_ =	sdelay $0x3  }
0x11f: {  	s26 =	simm.s32 $0xF080;
	v3 =	vperm.xlane v3, v2  }
0x120: {  	[tilespmem:s26], [sflag:$0x1] =	stream.indirect_vreg.gather [hbm4b:s1+s3], $0x80, v4, vm0, $0xb8;
	[tilespmem:$0x18080] =	vst v63  }
0x121: {  	s25 =	simm.s32 $0xF880;
	v3 =	vadd.s32 v1, v3  }
0x122: {  	[tilespmem:s25], [sflag:$0x1] =	stream.indirect_vreg.gather [hbm4b:s4+s3], $0x80, v4, vm0, $0xb8;
	[tilespmem:$0x18080] =	vst v63  }
0x123: {  	s26 =	simm.s32 $0x10080  }
0x124: {  	[tilespmem:s26], [sflag:$0x1] =	stream.indirect_vreg.gather [hbm4b:s5+s3], $0x80, v4, vm0, $0xb8;
	[tilespmem:$0x18080] =	vst v63  }
0x125: {  	s25 =	simm.s32 $0x10880  }
0x126: {  	[tilespmem:s25], [sflag:$0x1] =	stream.indirect_vreg.gather [hbm4b:s1+s3], $0x80, v3, vm0, $0xb8;
	[tilespmem:$0x18080] =	vst v63  }
0x127: {  	s26 =	simm.s32 $0x11080  }
0x128: {  	[tilespmem:s26], [sflag:$0x1] =	stream.indirect_vreg.gather [hbm4b:s4+s3], $0x80, v3, vm0, $0xb8;
	[tilespmem:$0x18080] =	vst v63  }
0x129: {  	s29 =	simm.s32 $0x11880  }
0x12a: {  	[tilespmem:s29], [sflag:$0x1] =	stream.indirect_vreg.gather [hbm4b:s5+s3], $0x80, v3, vm0, $0xb8;
	[tilespmem:$0x18080] =	vst v63  }
0x12b: {  	v3 =	vld [tilespmem:$0x60];
	_ =	sdelay $0x4  }
0x12c: {  	v46 =	vshrl.u32 v3, $0x3  }
0x12d: {  	v4 =	vmul.u32 $0x30, v46  }
0x12e: {  	v3 =	vand.u32 $0x7, v3  }
0x12f: {  	v3 =	vor.u32 v3, v4  }
0x130: {  	v4 =	vperm.xlane v3, v0;
	_ =	sdelay $0x1  }
0x131: {  	v4 =	vadd.s32 v1, v4;
	_ =	sdelay $0x3  }
0x132: {  	s30 =	simm.s32 $0x12080;
	v3 =	vperm.xlane v3, v2  }
0x133: {  	[tilespmem:s30], [sflag:$0x1] =	stream.indirect_vreg.gather [hbm4b:s1+s3], $0x80, v4, vm0, $0xb8;
	[tilespmem:$0x18080] =	vst v63  }
0x134: {  	s25 =	simm.s32 $0x12880;
	v3 =	vadd.s32 v1, v3  }
0x135: {  	[tilespmem:s25], [sflag:$0x1] =	stream.indirect_vreg.gather [hbm4b:s4+s3], $0x80, v4, vm0, $0xb8;
	[tilespmem:$0x18080] =	vst v63  }
0x136: {  	s26 =	simm.s32 $0x13080  }
0x137: {  	[tilespmem:s26], [sflag:$0x1] =	stream.indirect_vreg.gather [hbm4b:s5+s3], $0x80, v4, vm0, $0xb8;
	[tilespmem:$0x18080] =	vst v63  }
0x138: {  	s29 =	simm.s32 $0x13880  }
0x139: {  	[tilespmem:s29], [sflag:$0x1] =	stream.indirect_vreg.gather [hbm4b:s1+s3], $0x80, v3, vm0, $0xb8;
	[tilespmem:$0x18080] =	vst v63  }
0x13a: {  	s30 =	simm.s32 $0x14080  }
0x13b: {  	[tilespmem:s30], [sflag:$0x1] =	stream.indirect_vreg.gather [hbm4b:s4+s3], $0x80, v3, vm0, $0xb8;
	[tilespmem:$0x18080] =	vst v63  }
0x13c: {  	s31 =	simm.s32 $0x14880  }
0x13d: {  	[tilespmem:s31], [sflag:$0x1] =	stream.indirect_vreg.gather [hbm4b:s5+s3], $0x80, v3, vm0, $0xb8;
	[tilespmem:$0x18080] =	vst v63  }
0x13e: {  	v3 =	vld [tilespmem:$0x70];
	_ =	sdelay $0x4  }
0x13f: {  	v47 =	vshrl.u32 v3, $0x3  }
0x140: {  	v4 =	vmul.u32 $0x30, v47  }
0x141: {  	v3 =	vand.u32 $0x7, v3  }
0x142: {  	v3 =	vor.u32 v3, v4  }
0x143: {  	v4 =	vperm.xlane v3, v0;
	_ =	sdelay $0x1  }
0x144: {  	v4 =	vadd.s32 v1, v4;
	_ =	sdelay $0x3  }
0x145: {  	s31 =	simm.s32 $0x15080;
	v3 =	vperm.xlane v3, v2  }
0x146: {  	[tilespmem:s31], [sflag:$0x1] =	stream.indirect_vreg.gather [hbm4b:s1+s3], $0x80, v4, vm0, $0xb8;
	[tilespmem:$0x18080] =	vst v63  }
0x147: {  	s25 =	simm.s32 $0x15880;
	v3 =	vadd.s32 v1, v3  }
0x148: {  	[tilespmem:s25], [sflag:$0x1] =	stream.indirect_vreg.gather [hbm4b:s4+s3], $0x80, v4, vm0, $0xb8;
	[tilespmem:$0x18080] =	vst v63  }
0x149: {  	s26 =	simm.s32 $0x16080  }
0x14a: {  	[tilespmem:s26], [sflag:$0x1] =	stream.indirect_vreg.gather [hbm4b:s5+s3], $0x80, v4, vm0, $0xb8;
	[tilespmem:$0x18080] =	vst v63  }
0x14b: {  	s29 =	simm.s32 $0x16880  }
0x14c: {  	[tilespmem:s29], [sflag:$0x1] =	stream.indirect_vreg.gather [hbm4b:s1+s3], $0x80, v3, vm0, $0xb8;
	[tilespmem:$0x18080] =	vst v63  }
0x14d: {  	s30 =	simm.s32 $0x17080  }
0x14e: {  	[tilespmem:s30], [sflag:$0x1] =	stream.indirect_vreg.gather [hbm4b:s4+s3], $0x80, v3, vm0, $0xb8;
	[tilespmem:$0x18080] =	vst v63  }
0x14f: {  	s31 =	simm.s32 $0x17880  }
0x150: {  	[tilespmem:s31], [sflag:$0x1] =	stream.indirect_vreg.gather [hbm4b:s5+s3], $0x80, v3, vm0, $0xb8;
	[tilespmem:$0x18080] =	vst v63  }
0x151: {  	_ =	swait.ge [sflag:s2], $0x18000  }
0x152: {  	[sflag:s2] =	ssyncset.done $0x0  }
0x153: {  	s25 =	rddreg [dreg:$0x6];
	[sflag:s2] =	ssyncadd.s32 $0xFFFE8000  }
0x154: {  	[hbm4b:s25+s3] =	stream.linear.scatter [tilespmem:s28], [sflag:$0x2], $0x18000, $0x38;
	[tilespmem:$0x18080] =	vst v63  }
0x155: {  	_ =	swait.ge [sflag:s7], $0x18000  }
0x156: {  	[sflag:s7] =	ssyncset.done $0x0  }
0x157: {  	s26 =	rddreg [dreg:$0x7];
	[sflag:s7] =	ssyncadd.s32 $0xFFFE8000  }
0x158: {  	[tilespmem:s3], [sflag:$0x2] =	stream.linear.gather [hbm4b:s26+s3], $0x80, $0x38;
	[tilespmem:$0x18080] =	vst v63  }
0x159: {  	_ =	swait.ge [sflag:s7], $0x80  }
0x15a: {  	[sflag:s7] =	ssyncset.done $0x0  }
0x15b: {  	[sflag:s7] =	ssyncadd.s32 $0xFFFFFF80  }
0x15c: {  	v3 =	vld [tilespmem:$0x0];
	_ =	sdelay $0x4  }
0x15d: {  	v48 =	vshrl.u32 v3, $0x3  }
0x15e: {  	v4 =	vmul.u32 $0x30, v48  }
0x15f: {  	v3 =	vand.u32 $0x7, v3  }
0x160: {  	v3 =	vor.u32 v3, v4  }
0x161: {  	v4 =	vperm.xlane v3, v0;
	_ =	sdelay $0x1  }
0x162: {  	v4 =	vadd.s32 v1, v4;
	_ =	sdelay $0x3  }
0x163: {  	v3 =	vperm.xlane v3, v2  }
0x164: {  	[tilespmem:s28], [sflag:$0x1] =	stream.indirect_vreg.gather [hbm4b:s1+s3], $0x80, v4, vm0, $0xb8;
	[tilespmem:$0x18080] =	vst v63  }
0x165: {  	v3 =	vadd.s32 v1, v3  }
0x166: {  	[tilespmem:s0], [sflag:$0x1] =	stream.indirect_vreg.gather [hbm4b:s4+s3], $0x80, v4, vm0, $0xb8;
	[tilespmem:$0x18080] =	vst v63  }
0x167: {  	_ = 	snop  }
0x168: {  	[tilespmem:s8], [sflag:$0x1] =	stream.indirect_vreg.gather [hbm4b:s5+s3], $0x80, v4, vm0, $0xb8;
	[tilespmem:$0x18080] =	vst v63  }
0x169: {  	_ = 	snop  }
0x16a: {  	[tilespmem:s10], [sflag:$0x1] =	stream.indirect_vreg.gather [hbm4b:s1+s3], $0x80, v3, vm0, $0xb8;
	[tilespmem:$0x18080] =	vst v63  }
0x16b: {  	_ = 	snop  }
0x16c: {  	[tilespmem:s11], [sflag:$0x1] =	stream.indirect_vreg.gather [hbm4b:s4+s3], $0x80, v3, vm0, $0xb8;
	[tilespmem:$0x18080] =	vst v63  }
0x16d: {  	s29 =	simm.s32 $0x2880  }
0x16e: {  	[tilespmem:s29], [sflag:$0x1] =	stream.indirect_vreg.gather [hbm4b:s5+s3], $0x80, v3, vm0, $0xb8;
	[tilespmem:$0x18080] =	vst v63  }
0x16f: {  	v3 =	vld [tilespmem:$0x10];
	_ =	sdelay $0x4  }
0x170: {  	v49 =	vshrl.u32 v3, $0x3  }
0x171: {  	v4 =	vmul.u32 $0x30, v49  }
0x172: {  	v3 =	vand.u32 $0x7, v3  }
0x173: {  	v3 =	vor.u32 v3, v4  }
0x174: {  	v4 =	vperm.xlane v3, v0;
	_ =	sdelay $0x1  }
0x175: {  	v4 =	vadd.s32 v1, v4;
	_ =	sdelay $0x3  }
0x176: {  	s30 =	simm.s32 $0x3080;
	v3 =	vperm.xlane v3, v2  }
0x177: {  	[tilespmem:s30], [sflag:$0x1] =	stream.indirect_vreg.gather [hbm4b:s1+s3], $0x80, v4, vm0, $0xb8;
	[tilespmem:$0x18080] =	vst v63  }
0x178: {  	v3 =	vadd.s32 v1, v3  }
0x179: {  	[tilespmem:s12], [sflag:$0x1] =	stream.indirect_vreg.gather [hbm4b:s4+s3], $0x80, v4, vm0, $0xb8;
	[tilespmem:$0x18080] =	vst v63  }
0x17a: {  	_ = 	snop  }
0x17b: {  	[tilespmem:s13], [sflag:$0x1] =	stream.indirect_vreg.gather [hbm4b:s5+s3], $0x80, v4, vm0, $0xb8;
	[tilespmem:$0x18080] =	vst v63  }
0x17c: {  	_ = 	snop  }
0x17d: {  	[tilespmem:s14], [sflag:$0x1] =	stream.indirect_vreg.gather [hbm4b:s1+s3], $0x80, v3, vm0, $0xb8;
	[tilespmem:$0x18080] =	vst v63  }
0x17e: {  	_ = 	snop  }
0x17f: {  	[tilespmem:s15], [sflag:$0x1] =	stream.indirect_vreg.gather [hbm4b:s4+s3], $0x80, v3, vm0, $0xb8;
	[tilespmem:$0x18080] =	vst v63  }
0x180: {  	s31 =	simm.s32 $0x5880  }
0x181: {  	[tilespmem:s31], [sflag:$0x1] =	stream.indirect_vreg.gather [hbm4b:s5+s3], $0x80, v3, vm0, $0xb8;
	[tilespmem:$0x18080] =	vst v63  }
0x182: {  	v3 =	vld [tilespmem:$0x20];
	_ =	sdelay $0x4  }
0x183: {  	v50 =	vshrl.u32 v3, $0x3  }
0x184: {  	v4 =	vmul.u32 $0x30, v50  }
0x185: {  	v3 =	vand.u32 $0x7, v3  }
0x186: {  	v3 =	vor.u32 v3, v4  }
0x187: {  	v4 =	vperm.xlane v3, v0;
	_ =	sdelay $0x1  }
0x188: {  	v4 =	vadd.s32 v1, v4;
	_ =	sdelay $0x3  }
0x189: {  	s25 =	simm.s32 $0x6080;
	v3 =	vperm.xlane v3, v2  }
0x18a: {  	[tilespmem:s25], [sflag:$0x1] =	stream.indirect_vreg.gather [hbm4b:s1+s3], $0x80, v4, vm0, $0xb8;
	[tilespmem:$0x18080] =	vst v63  }
0x18b: {  	v3 =	vadd.s32 v1, v3  }
0x18c: {  	[tilespmem:s16], [sflag:$0x1] =	stream.indirect_vreg.gather [hbm4b:s4+s3], $0x80, v4, vm0, $0xb8;
	[tilespmem:$0x18080] =	vst v63  }
0x18d: {  	_ = 	snop  }
0x18e: {  	[tilespmem:s17], [sflag:$0x1] =	stream.indirect_vreg.gather [hbm4b:s5+s3], $0x80, v4, vm0, $0xb8;
	[tilespmem:$0x18080] =	vst v63  }
0x18f: {  	_ = 	snop  }
0x190: {  	[tilespmem:s18], [sflag:$0x1] =	stream.indirect_vreg.gather [hbm4b:s1+s3], $0x80, v3, vm0, $0xb8;
	[tilespmem:$0x18080] =	vst v63  }
0x191: {  	_ = 	snop  }
0x192: {  	[tilespmem:s19], [sflag:$0x1] =	stream.indirect_vreg.gather [hbm4b:s4+s3], $0x80, v3, vm0, $0xb8;
	[tilespmem:$0x18080] =	vst v63  }
0x193: {  	s26 =	simm.s32 $0x8880  }
0x194: {  	[tilespmem:s26], [sflag:$0x1] =	stream.indirect_vreg.gather [hbm4b:s5+s3], $0x80, v3, vm0, $0xb8;
	[tilespmem:$0x18080] =	vst v63  }
0x195: {  	v3 =	vld [tilespmem:$0x30];
	_ =	sdelay $0x4  }
0x196: {  	v51 =	vshrl.u32 v3, $0x3  }
0x197: {  	v4 =	vmul.u32 $0x30, v51  }
0x198: {  	v3 =	vand.u32 $0x7, v3  }
0x199: {  	v3 =	vor.u32 v3, v4  }
0x19a: {  	v4 =	vperm.xlane v3, v0;
	_ =	sdelay $0x1  }
0x19b: {  	v4 =	vadd.s32 v1, v4;
	_ =	sdelay $0x3  }
0x19c: {  	s29 =	simm.s32 $0x9080;
	v3 =	vperm.xlane v3, v2  }
0x19d: {  	[tilespmem:s29], [sflag:$0x1] =	stream.indirect_vreg.gather [hbm4b:s1+s3], $0x80, v4, vm0, $0xb8;
	[tilespmem:$0x18080] =	vst v63  }
0x19e: {  	v3 =	vadd.s32 v1, v3  }
0x19f: {  	[tilespmem:s20], [sflag:$0x1] =	stream.indirect_vreg.gather [hbm4b:s4+s3], $0x80, v4, vm0, $0xb8;
	[tilespmem:$0x18080] =	vst v63  }
0x1a0: {  	_ = 	snop  }
0x1a1: {  	[tilespmem:s21], [sflag:$0x1] =	stream.indirect_vreg.gather [hbm4b:s5+s3], $0x80, v4, vm0, $0xb8;
	[tilespmem:$0x18080] =	vst v63  }
0x1a2: {  	_ = 	snop  }
0x1a3: {  	[tilespmem:s22], [sflag:$0x1] =	stream.indirect_vreg.gather [hbm4b:s1+s3], $0x80, v3, vm0, $0xb8;
	[tilespmem:$0x18080] =	vst v63  }
0x1a4: {  	s30 =	simm.s32 $0xB080  }
0x1a5: {  	[tilespmem:s30], [sflag:$0x1] =	stream.indirect_vreg.gather [hbm4b:s4+s3], $0x80, v3, vm0, $0xb8;
	[tilespmem:$0x18080] =	vst v63  }
0x1a6: {  	s31 =	simm.s32 $0xB880  }
0x1a7: {  	[tilespmem:s31], [sflag:$0x1] =	stream.indirect_vreg.gather [hbm4b:s5+s3], $0x80, v3, vm0, $0xb8;
	[tilespmem:$0x18080] =	vst v63  }
0x1a8: {  	v3 =	vld [tilespmem:$0x40];
	_ =	sdelay $0x4  }
0x1a9: {  	v52 =	vshrl.u32 v3, $0x3  }
0x1aa: {  	v4 =	vmul.u32 $0x30, v52  }
0x1ab: {  	v3 =	vand.u32 $0x7, v3  }
0x1ac: {  	v3 =	vor.u32 v3, v4  }
0x1ad: {  	v4 =	vperm.xlane v3, v0;
	_ =	sdelay $0x1  }
0x1ae: {  	v4 =	vadd.s32 v1, v4;
	_ =	sdelay $0x3  }
0x1af: {  	s25 =	simm.s32 $0xC080;
	v3 =	vperm.xlane v3, v2  }
0x1b0: {  	[tilespmem:s25], [sflag:$0x1] =	stream.indirect_vreg.gather [hbm4b:s1+s3], $0x80, v4, vm0, $0xb8;
	[tilespmem:$0x18080] =	vst v63  }
0x1b1: {  	s23 =	simm.s32 $0xC880;
	v3 =	vadd.s32 v1, v3  }
0x1b2: {  	[tilespmem:s23], [sflag:$0x1] =	stream.indirect_vreg.gather [hbm4b:s4+s3], $0x80, v4, vm0, $0xb8;
	[tilespmem:$0x18080] =	vst v63  }
0x1b3: {  	s24 =	simm.s32 $0xD080  }
0x1b4: {  	[tilespmem:s24], [sflag:$0x1] =	stream.indirect_vreg.gather [hbm4b:s5+s3], $0x80, v4, vm0, $0xb8;
	[tilespmem:$0x18080] =	vst v63  }
0x1b5: {  	s26 =	simm.s32 $0xD880  }
0x1b6: {  	[tilespmem:s26], [sflag:$0x1] =	stream.indirect_vreg.gather [hbm4b:s1+s3], $0x80, v3, vm0, $0xb8;
	[tilespmem:$0x18080] =	vst v63  }
0x1b7: {  	s29 =	simm.s32 $0xE080  }
0x1b8: {  	[tilespmem:s29], [sflag:$0x1] =	stream.indirect_vreg.gather [hbm4b:s4+s3], $0x80, v3, vm0, $0xb8;
	[tilespmem:$0x18080] =	vst v63  }
0x1b9: {  	s30 =	simm.s32 $0xE880  }
0x1ba: {  	[tilespmem:s30], [sflag:$0x1] =	stream.indirect_vreg.gather [hbm4b:s5+s3], $0x80, v3, vm0, $0xb8;
	[tilespmem:$0x18080] =	vst v63  }
0x1bb: {  	v3 =	vld [tilespmem:$0x50];
	_ =	sdelay $0x4  }
0x1bc: {  	v53 =	vshrl.u32 v3, $0x3  }
0x1bd: {  	v4 =	vmul.u32 $0x30, v53  }
0x1be: {  	v3 =	vand.u32 $0x7, v3  }
0x1bf: {  	v3 =	vor.u32 v3, v4  }
0x1c0: {  	v4 =	vperm.xlane v3, v0;
	_ =	sdelay $0x1  }
0x1c1: {  	v4 =	vadd.s32 v1, v4;
	_ =	sdelay $0x3  }
0x1c2: {  	s31 =	simm.s32 $0xF080;
	v3 =	vperm.xlane v3, v2  }
0x1c3: {  	[tilespmem:s31], [sflag:$0x1] =	stream.indirect_vreg.gather [hbm4b:s1+s3], $0x80, v4, vm0, $0xb8;
	[tilespmem:$0x18080] =	vst v63  }
0x1c4: {  	s29 =	simm.s32 $0xF880;
	v3 =	vadd.s32 v1, v3  }
0x1c5: {  	[tilespmem:s29], [sflag:$0x1] =	stream.indirect_vreg.gather [hbm4b:s4+s3], $0x80, v4, vm0, $0xb8;
	[tilespmem:$0x18080] =	vst v63  }
0x1c6: {  	s30 =	simm.s32 $0x10080  }
0x1c7: {  	[tilespmem:s30], [sflag:$0x1] =	stream.indirect_vreg.gather [hbm4b:s5+s3], $0x80, v4, vm0, $0xb8;
	[tilespmem:$0x18080] =	vst v63  }
0x1c8: {  	s31 =	simm.s32 $0x10880  }
0x1c9: {  	[tilespmem:s31], [sflag:$0x1] =	stream.indirect_vreg.gather [hbm4b:s1+s3], $0x80, v3, vm0, $0xb8;
	[tilespmem:$0x18080] =	vst v63  }
0x1ca: {  	s9 =	simm.s32 $0x11080  }
0x1cb: {  	[tilespmem:s9], [sflag:$0x1] =	stream.indirect_vreg.gather [hbm4b:s4+s3], $0x80, v3, vm0, $0xb8;
	[tilespmem:$0x18080] =	vst v63  }
0x1cc: {  	s9 =	simm.s32 $0x11880  }
0x1cd: {  	[tilespmem:s9], [sflag:$0x1] =	stream.indirect_vreg.gather [hbm4b:s5+s3], $0x80, v3, vm0, $0xb8;
	[tilespmem:$0x18080] =	vst v63  }
0x1ce: {  	v3 =	vld [tilespmem:$0x60];
	_ =	sdelay $0x4  }
0x1cf: {  	v54 =	vshrl.u32 v3, $0x3  }
0x1d0: {  	v4 =	vmul.u32 $0x30, v54  }
0x1d1: {  	v3 =	vand.u32 $0x7, v3  }
0x1d2: {  	v3 =	vor.u32 v3, v4  }
0x1d3: {  	v4 =	vperm.xlane v3, v0;
	_ =	sdelay $0x1  }
0x1d4: {  	v4 =	vadd.s32 v1, v4;
	_ =	sdelay $0x3  }
0x1d5: {  	s9 =	simm.s32 $0x12080;
	v3 =	vperm.xlane v3, v2  }
0x1d6: {  	[tilespmem:s9], [sflag:$0x1] =	stream.indirect_vreg.gather [hbm4b:s1+s3], $0x80, v4, vm0, $0xb8;
	[tilespmem:$0x18080] =	vst v63  }
0x1d7: {  	v3 =	vadd.s32 v1, v3;
	s9 =	simm.s32 $0x12880  }
0x1d8: {  	[tilespmem:s9], [sflag:$0x1] =	stream.indirect_vreg.gather [hbm4b:s4+s3], $0x80, v4, vm0, $0xb8;
	[tilespmem:$0x18080] =	vst v63  }
0x1d9: {  	s9 =	simm.s32 $0x13080  }
0x1da: {  	[tilespmem:s9], [sflag:$0x1] =	stream.indirect_vreg.gather [hbm4b:s5+s3], $0x80, v4, vm0, $0xb8;
	[tilespmem:$0x18080] =	vst v63  }
0x1db: {  	s9 =	simm.s32 $0x13880  }
0x1dc: {  	[tilespmem:s9], [sflag:$0x1] =	stream.indirect_vreg.gather [hbm4b:s1+s3], $0x80, v3, vm0, $0xb8;
	[tilespmem:$0x18080] =	vst v63  }
0x1dd: {  	s9 =	simm.s32 $0x14080  }
0x1de: {  	[tilespmem:s9], [sflag:$0x1] =	stream.indirect_vreg.gather [hbm4b:s4+s3], $0x80, v3, vm0, $0xb8;
	[tilespmem:$0x18080] =	vst v63  }
0x1df: {  	s9 =	simm.s32 $0x14880  }
0x1e0: {  	[tilespmem:s9], [sflag:$0x1] =	stream.indirect_vreg.gather [hbm4b:s5+s3], $0x80, v3, vm0, $0xb8;
	[tilespmem:$0x18080] =	vst v63  }
0x1e1: {  	v3 =	vld [tilespmem:$0x70];
	_ =	sdelay $0x4  }
0x1e2: {  	v55 =	vshrl.u32 v3, $0x3  }
0x1e3: {  	v4 =	vmul.u32 $0x30, v55  }
0x1e4: {  	v3 =	vand.u32 $0x7, v3  }
0x1e5: {  	v3 =	vor.u32 v3, v4  }
0x1e6: {  	v4 =	vperm.xlane v3, v0;
	_ =	sdelay $0x1  }
0x1e7: {  	v4 =	vadd.s32 v1, v4;
	_ =	sdelay $0x3  }
0x1e8: {  	s9 =	simm.s32 $0x15080;
	v3 =	vperm.xlane v3, v2  }
0x1e9: {  	[tilespmem:s9], [sflag:$0x1] =	stream.indirect_vreg.gather [hbm4b:s1+s3], $0x80, v4, vm0, $0xb8;
	[tilespmem:$0x18080] =	vst v63  }
0x1ea: {  	v3 =	vadd.s32 v1, v3;
	s9 =	simm.s32 $0x15880  }
0x1eb: {  	[tilespmem:s9], [sflag:$0x1] =	stream.indirect_vreg.gather [hbm4b:s4+s3], $0x80, v4, vm0, $0xb8;
	[tilespmem:$0x18080] =	vst v63  }
0x1ec: {  	s9 =	simm.s32 $0x16080  }
0x1ed: {  	[tilespmem:s9], [sflag:$0x1] =	stream.indirect_vreg.gather [hbm4b:s5+s3], $0x80, v4, vm0, $0xb8;
	[tilespmem:$0x18080] =	vst v63  }
0x1ee: {  	s9 =	simm.s32 $0x16880  }
0x1ef: {  	[tilespmem:s9], [sflag:$0x1] =	stream.indirect_vreg.gather [hbm4b:s1+s3], $0x80, v3, vm0, $0xb8;
	[tilespmem:$0x18080] =	vst v63  }
0x1f0: {  	s9 =	simm.s32 $0x17080  }
0x1f1: {  	[tilespmem:s9], [sflag:$0x1] =	stream.indirect_vreg.gather [hbm4b:s4+s3], $0x80, v3, vm0, $0xb8;
	[tilespmem:$0x18080] =	vst v63  }
0x1f2: {  	s9 =	simm.s32 $0x17880  }
0x1f3: {  	[tilespmem:s9], [sflag:$0x1] =	stream.indirect_vreg.gather [hbm4b:s5+s3], $0x80, v3, vm0, $0xb8;
	[tilespmem:$0x18080] =	vst v63  }
0x1f4: {  	_ =	swait.ge [sflag:s2], $0x18000  }
0x1f5: {  	[sflag:s2] =	ssyncset.done $0x0  }
0x1f6: {  	s9 =	rddreg [dreg:$0x8];
	[sflag:s2] =	ssyncadd.s32 $0xFFFE8000  }
0x1f7: {  	[hbm4b:s9+s3] =	stream.linear.scatter [tilespmem:s28], [sflag:$0x2], $0x18000, $0x38;
	[tilespmem:$0x18080] =	vst v63  }
0x1f8: {  	_ =	swait.ge [sflag:s7], $0x18000  }
0x1f9: {  	[sflag:s7] =	ssyncset.done $0x0  }
0x1fa: {  	s9 =	rddreg [dreg:$0x9];
	[sflag:s7] =	ssyncadd.s32 $0xFFFE8000  }
0x1fb: {  	[tilespmem:s3], [sflag:$0x2] =	stream.linear.gather [hbm4b:s9+s3], $0x80, $0x38;
	[tilespmem:$0x18080] =	vst v63  }
0x1fc: {  	_ =	swait.ge [sflag:s7], $0x80  }
0x1fd: {  	[sflag:s7] =	ssyncset.done $0x0  }
0x1fe: {  	[sflag:s7] =	ssyncadd.s32 $0xFFFFFF80  }
0x1ff: {  	v3 =	vld [tilespmem:$0x0];
	_ =	sdelay $0x4  }
0x200: {  	v56 =	vshrl.u32 v3, $0x3  }
0x201: {  	v4 =	vmul.u32 $0x30, v56  }
0x202: {  	v3 =	vand.u32 $0x7, v3  }
0x203: {  	v3 =	vor.u32 v3, v4  }
0x204: {  	v4 =	vperm.xlane v3, v0;
	_ =	sdelay $0x1  }
0x205: {  	v4 =	vadd.s32 v1, v4;
	_ =	sdelay $0x3  }
0x206: {  	v3 =	vperm.xlane v3, v2  }
0x207: {  	[tilespmem:s28], [sflag:$0x1] =	stream.indirect_vreg.gather [hbm4b:s1+s3], $0x80, v4, vm0, $0xb8;
	[tilespmem:$0x18080] =	vst v63  }
0x208: {  	s0 =	simm.s32 $0x880;
	v3 =	vadd.s32 v1, v3  }
0x209: {  	[tilespmem:s0], [sflag:$0x1] =	stream.indirect_vreg.gather [hbm4b:s4+s3], $0x80, v4, vm0, $0xb8;
	[tilespmem:$0x18080] =	vst v63  }
0x20a: {  	s8 =	simm.s32 $0x1080  }
0x20b: {  	[tilespmem:s8], [sflag:$0x1] =	stream.indirect_vreg.gather [hbm4b:s5+s3], $0x80, v4, vm0, $0xb8;
	[tilespmem:$0x18080] =	vst v63  }
0x20c: {  	s10 =	simm.s32 $0x1880  }
0x20d: {  	[tilespmem:s10], [sflag:$0x1] =	stream.indirect_vreg.gather [hbm4b:s1+s3], $0x80, v3, vm0, $0xb8;
	[tilespmem:$0x18080] =	vst v63  }
0x20e: {  	s11 =	simm.s32 $0x2080  }
0x20f: {  	[tilespmem:s11], [sflag:$0x1] =	stream.indirect_vreg.gather [hbm4b:s4+s3], $0x80, v3, vm0, $0xb8;
	[tilespmem:$0x18080] =	vst v63  }
0x210: {  	s10 =	simm.s32 $0x2880  }
0x211: {  	[tilespmem:s10], [sflag:$0x1] =	stream.indirect_vreg.gather [hbm4b:s5+s3], $0x80, v3, vm0, $0xb8;
	[tilespmem:$0x18080] =	vst v63  }
0x212: {  	v3 =	vld [tilespmem:$0x10];
	_ =	sdelay $0x4  }
0x213: {  	v57 =	vshrl.u32 v3, $0x3  }
0x214: {  	v4 =	vmul.u32 $0x30, v57  }
0x215: {  	v3 =	vand.u32 $0x7, v3  }
0x216: {  	v3 =	vor.u32 v3, v4  }
0x217: {  	v4 =	vperm.xlane v3, v0;
	_ =	sdelay $0x1  }
0x218: {  	v4 =	vadd.s32 v1, v4;
	_ =	sdelay $0x3  }
0x219: {  	s11 =	simm.s32 $0x3080;
	v3 =	vperm.xlane v3, v2  }
0x21a: {  	[tilespmem:s11], [sflag:$0x1] =	stream.indirect_vreg.gather [hbm4b:s1+s3], $0x80, v4, vm0, $0xb8;
	[tilespmem:$0x18080] =	vst v63  }
0x21b: {  	s12 =	simm.s32 $0x3880;
	v3 =	vadd.s32 v1, v3  }
0x21c: {  	[tilespmem:s12], [sflag:$0x1] =	stream.indirect_vreg.gather [hbm4b:s4+s3], $0x80, v4, vm0, $0xb8;
	[tilespmem:$0x18080] =	vst v63  }
0x21d: {  	s13 =	simm.s32 $0x4080  }
0x21e: {  	[tilespmem:s13], [sflag:$0x1] =	stream.indirect_vreg.gather [hbm4b:s5+s3], $0x80, v4, vm0, $0xb8;
	[tilespmem:$0x18080] =	vst v63  }
0x21f: {  	s14 =	simm.s32 $0x4880  }
0x220: {  	[tilespmem:s14], [sflag:$0x1] =	stream.indirect_vreg.gather [hbm4b:s1+s3], $0x80, v3, vm0, $0xb8;
	[tilespmem:$0x18080] =	vst v63  }
0x221: {  	s15 =	simm.s32 $0x5080  }
0x222: {  	[tilespmem:s15], [sflag:$0x1] =	stream.indirect_vreg.gather [hbm4b:s4+s3], $0x80, v3, vm0, $0xb8;
	[tilespmem:$0x18080] =	vst v63  }
0x223: {  	s14 =	simm.s32 $0x5880  }
0x224: {  	[tilespmem:s14], [sflag:$0x1] =	stream.indirect_vreg.gather [hbm4b:s5+s3], $0x80, v3, vm0, $0xb8;
	[tilespmem:$0x18080] =	vst v63  }
0x225: {  	v3 =	vld [tilespmem:$0x20];
	_ =	sdelay $0x4  }
0x226: {  	v58 =	vshrl.u32 v3, $0x3  }
0x227: {  	v4 =	vmul.u32 $0x30, v58  }
0x228: {  	v3 =	vand.u32 $0x7, v3  }
0x229: {  	v3 =	vor.u32 v3, v4  }
0x22a: {  	v4 =	vperm.xlane v3, v0;
	_ =	sdelay $0x1  }
0x22b: {  	v4 =	vadd.s32 v1, v4;
	_ =	sdelay $0x3  }
0x22c: {  	s15 =	simm.s32 $0x6080;
	v3 =	vperm.xlane v3, v2  }
0x22d: {  	[tilespmem:s15], [sflag:$0x1] =	stream.indirect_vreg.gather [hbm4b:s1+s3], $0x80, v4, vm0, $0xb8;
	[tilespmem:$0x18080] =	vst v63  }
0x22e: {  	s16 =	simm.s32 $0x6880;
	v3 =	vadd.s32 v1, v3  }
0x22f: {  	[tilespmem:s16], [sflag:$0x1] =	stream.indirect_vreg.gather [hbm4b:s4+s3], $0x80, v4, vm0, $0xb8;
	[tilespmem:$0x18080] =	vst v63  }
0x230: {  	s17 =	simm.s32 $0x7080  }
0x231: {  	[tilespmem:s17], [sflag:$0x1] =	stream.indirect_vreg.gather [hbm4b:s5+s3], $0x80, v4, vm0, $0xb8;
	[tilespmem:$0x18080] =	vst v63  }
0x232: {  	s18 =	simm.s32 $0x7880  }
0x233: {  	[tilespmem:s18], [sflag:$0x1] =	stream.indirect_vreg.gather [hbm4b:s1+s3], $0x80, v3, vm0, $0xb8;
	[tilespmem:$0x18080] =	vst v63  }
0x234: {  	s19 =	simm.s32 $0x8080  }
0x235: {  	[tilespmem:s19], [sflag:$0x1] =	stream.indirect_vreg.gather [hbm4b:s4+s3], $0x80, v3, vm0, $0xb8;
	[tilespmem:$0x18080] =	vst v63  }
0x236: {  	s8 =	simm.s32 $0x8880  }
0x237: {  	[tilespmem:s8], [sflag:$0x1] =	stream.indirect_vreg.gather [hbm4b:s5+s3], $0x80, v3, vm0, $0xb8;
	[tilespmem:$0x18080] =	vst v63  }
0x238: {  	v3 =	vld [tilespmem:$0x30];
	_ =	sdelay $0x4  }
0x239: {  	v59 =	vshrl.u32 v3, $0x3  }
0x23a: {  	v4 =	vmul.u32 $0x30, v59  }
0x23b: {  	v3 =	vand.u32 $0x7, v3  }
0x23c: {  	v3 =	vor.u32 v3, v4  }
0x23d: {  	v4 =	vperm.xlane v3, v0;
	_ =	sdelay $0x1  }
0x23e: {  	v4 =	vadd.s32 v1, v4;
	_ =	sdelay $0x3  }
0x23f: {  	s9 =	simm.s32 $0x9080;
	v3 =	vperm.xlane v3, v2  }
0x240: {  	[tilespmem:s9], [sflag:$0x1] =	stream.indirect_vreg.gather [hbm4b:s1+s3], $0x80, v4, vm0, $0xb8;
	[tilespmem:$0x18080] =	vst v63  }
0x241: {  	s20 =	simm.s32 $0x9880;
	v3 =	vadd.s32 v1, v3  }
0x242: {  	[tilespmem:s20], [sflag:$0x1] =	stream.indirect_vreg.gather [hbm4b:s4+s3], $0x80, v4, vm0, $0xb8;
	[tilespmem:$0x18080] =	vst v63  }
0x243: {  	s21 =	simm.s32 $0xA080  }
0x244: {  	[tilespmem:s21], [sflag:$0x1] =	stream.indirect_vreg.gather [hbm4b:s5+s3], $0x80, v4, vm0, $0xb8;
	[tilespmem:$0x18080] =	vst v63  }
0x245: {  	s22 =	simm.s32 $0xA880  }
0x246: {  	[tilespmem:s22], [sflag:$0x1] =	stream.indirect_vreg.gather [hbm4b:s1+s3], $0x80, v3, vm0, $0xb8;
	[tilespmem:$0x18080] =	vst v63  }
0x247: {  	s10 =	simm.s32 $0xB080  }
0x248: {  	[tilespmem:s10], [sflag:$0x1] =	stream.indirect_vreg.gather [hbm4b:s4+s3], $0x80, v3, vm0, $0xb8;
	[tilespmem:$0x18080] =	vst v63  }
0x249: {  	s11 =	simm.s32 $0xB880  }
0x24a: {  	[tilespmem:s11], [sflag:$0x1] =	stream.indirect_vreg.gather [hbm4b:s5+s3], $0x80, v3, vm0, $0xb8;
	[tilespmem:$0x18080] =	vst v63  }
0x24b: {  	v3 =	vld [tilespmem:$0x40];
	_ =	sdelay $0x4  }
0x24c: {  	v60 =	vshrl.u32 v3, $0x3  }
0x24d: {  	v4 =	vmul.u32 $0x30, v60  }
0x24e: {  	v3 =	vand.u32 $0x7, v3  }
0x24f: {  	v3 =	vor.u32 v3, v4  }
0x250: {  	v4 =	vperm.xlane v3, v0;
	_ =	sdelay $0x1  }
0x251: {  	v4 =	vadd.s32 v1, v4;
	_ =	sdelay $0x3  }
0x252: {  	s12 =	simm.s32 $0xC080;
	v3 =	vperm.xlane v3, v2  }
0x253: {  	[tilespmem:s12], [sflag:$0x1] =	stream.indirect_vreg.gather [hbm4b:s1+s3], $0x80, v4, vm0, $0xb8;
	[tilespmem:$0x18080] =	vst v63  }
0x254: {  	s23 =	simm.s32 $0xC880;
	v3 =	vadd.s32 v1, v3  }
0x255: {  	[tilespmem:s23], [sflag:$0x1] =	stream.indirect_vreg.gather [hbm4b:s4+s3], $0x80, v4, vm0, $0xb8;
	[tilespmem:$0x18080] =	vst v63  }
0x256: {  	s24 =	simm.s32 $0xD080  }
0x257: {  	[tilespmem:s24], [sflag:$0x1] =	stream.indirect_vreg.gather [hbm4b:s5+s3], $0x80, v4, vm0, $0xb8;
	[tilespmem:$0x18080] =	vst v63  }
0x258: {  	s25 =	simm.s32 $0xD880  }
0x259: {  	[tilespmem:s25], [sflag:$0x1] =	stream.indirect_vreg.gather [hbm4b:s1+s3], $0x80, v3, vm0, $0xb8;
	[tilespmem:$0x18080] =	vst v63  }
0x25a: {  	s26 =	simm.s32 $0xE080  }
0x25b: {  	[tilespmem:s26], [sflag:$0x1] =	stream.indirect_vreg.gather [hbm4b:s4+s3], $0x80, v3, vm0, $0xb8;
	[tilespmem:$0x18080] =	vst v63  }
0x25c: {  	s13 =	simm.s32 $0xE880  }
0x25d: {  	[tilespmem:s13], [sflag:$0x1] =	stream.indirect_vreg.gather [hbm4b:s5+s3], $0x80, v3, vm0, $0xb8;
	[tilespmem:$0x18080] =	vst v63  }
0x25e: {  	v3 =	vld [tilespmem:$0x50];
	_ =	sdelay $0x4  }
0x25f: {  	v61 =	vshrl.u32 v3, $0x3  }
0x260: {  	v4 =	vmul.u32 $0x30, v61  }
0x261: {  	v3 =	vand.u32 $0x7, v3  }
0x262: {  	v3 =	vor.u32 v3, v4  }
0x263: {  	v4 =	vperm.xlane v3, v0;
	_ =	sdelay $0x1  }
0x264: {  	v4 =	vadd.s32 v1, v4;
	_ =	sdelay $0x3  }
0x265: {  	s14 =	simm.s32 $0xF080;
	v3 =	vperm.xlane v3, v2  }
0x266: {  	[tilespmem:s14], [sflag:$0x1] =	stream.indirect_vreg.gather [hbm4b:s1+s3], $0x80, v4, vm0, $0xb8;
	[tilespmem:$0x18080] =	vst v63  }
0x267: {  	s29 =	simm.s32 $0xF880;
	v3 =	vadd.s32 v1, v3  }
0x268: {  	[tilespmem:s29], [sflag:$0x1] =	stream.indirect_vreg.gather [hbm4b:s4+s3], $0x80, v4, vm0, $0xb8;
	[tilespmem:$0x18080] =	vst v63  }
0x269: {  	s30 =	simm.s32 $0x10080  }
0x26a: {  	[tilespmem:s30], [sflag:$0x1] =	stream.indirect_vreg.gather [hbm4b:s5+s3], $0x80, v4, vm0, $0xb8;
	[tilespmem:$0x18080] =	vst v63  }
0x26b: {  	s31 =	simm.s32 $0x10880  }
0x26c: {  	[tilespmem:s31], [sflag:$0x1] =	stream.indirect_vreg.gather [hbm4b:s1+s3], $0x80, v3, vm0, $0xb8;
	[tilespmem:$0x18080] =	vst v63  }
0x26d: {  	s15 =	simm.s32 $0x11080  }
0x26e: {  	[tilespmem:s15], [sflag:$0x1] =	stream.indirect_vreg.gather [hbm4b:s4+s3], $0x80, v3, vm0, $0xb8;
	[tilespmem:$0x18080] =	vst v63  }
0x26f: {  	s16 =	simm.s32 $0x11880  }
0x270: {  	[tilespmem:s16], [sflag:$0x1] =	stream.indirect_vreg.gather [hbm4b:s5+s3], $0x80, v3, vm0, $0xb8;
	[tilespmem:$0x18080] =	vst v63  }
0x271: {  	v3 =	vld [tilespmem:$0x60];
	_ =	sdelay $0x4  }
0x272: {  	v62 =	vshrl.u32 v3, $0x3  }
0x273: {  	v4 =	vmul.u32 $0x30, v62  }
0x274: {  	v3 =	vand.u32 $0x7, v3  }
0x275: {  	v3 =	vor.u32 v3, v4  }
0x276: {  	v4 =	vperm.xlane v3, v0;
	_ =	sdelay $0x1  }
0x277: {  	v4 =	vadd.s32 v1, v4;
	_ =	sdelay $0x3  }
0x278: {  	s17 =	simm.s32 $0x12080;
	v3 =	vperm.xlane v3, v2  }
0x279: {  	[tilespmem:s17], [sflag:$0x1] =	stream.indirect_vreg.gather [hbm4b:s1+s3], $0x80, v4, vm0, $0xb8;
	[tilespmem:$0x18080] =	vst v63  }
0x27a: {  	s18 =	simm.s32 $0x12880;
	v3 =	vadd.s32 v1, v3  }
0x27b: {  	[tilespmem:s18], [sflag:$0x1] =	stream.indirect_vreg.gather [hbm4b:s4+s3], $0x80, v4, vm0, $0xb8;
	[tilespmem:$0x18080] =	vst v63  }
0x27c: {  	s19 =	simm.s32 $0x13080  }
0x27d: {  	[tilespmem:s19], [sflag:$0x1] =	stream.indirect_vreg.gather [hbm4b:s5+s3], $0x80, v4, vm0, $0xb8;
	[tilespmem:$0x18080] =	vst v63  }
0x27e: {  	s20 =	simm.s32 $0x13880  }
0x27f: {  	[tilespmem:s20], [sflag:$0x1] =	stream.indirect_vreg.gather [hbm4b:s1+s3], $0x80, v3, vm0, $0xb8;
	[tilespmem:$0x18080] =	vst v63  }
0x280: {  	s21 =	simm.s32 $0x14080  }
0x281: {  	[tilespmem:s21], [sflag:$0x1] =	stream.indirect_vreg.gather [hbm4b:s4+s3], $0x80, v3, vm0, $0xb8;
	[tilespmem:$0x18080] =	vst v63  }
0x282: {  	s22 =	simm.s32 $0x14880  }
0x283: {  	[tilespmem:s22], [sflag:$0x1] =	stream.indirect_vreg.gather [hbm4b:s5+s3], $0x80, v3, vm0, $0xb8;
	[tilespmem:$0x18080] =	vst v63  }
0x284: {  	v3 =	vld [tilespmem:$0x70];
	_ =	sdelay $0x4  }
0x285: {  	v63 =	vshrl.u32 v3, $0x3  }
0x286: {  	v4 =	vmul.u32 $0x30, v63  }
0x287: {  	v3 =	vand.u32 $0x7, v3  }
0x288: {  	v3 =	vor.u32 v3, v4  }
0x289: {  	v4 =	vperm.xlane v3, v0;
	_ =	sdelay $0x1  }
0x28a: {  	v4 =	vadd.s32 v1, v4;
	_ =	sdelay $0x3  }
0x28b: {  	s23 =	simm.s32 $0x15080;
	v3 =	vperm.xlane v3, v2  }
0x28c: {  	[tilespmem:s23], [sflag:$0x1] =	stream.indirect_vreg.gather [hbm4b:s1+s3], $0x80, v4, vm0, $0xb8;
	[tilespmem:$0x18080] =	vst v63  }
0x28d: {  	s24 =	simm.s32 $0x15880;
	v3 =	vadd.s32 v1, v3  }
0x28e: {  	[tilespmem:s24], [sflag:$0x1] =	stream.indirect_vreg.gather [hbm4b:s4+s3], $0x80, v4, vm0, $0xb8;
	[tilespmem:$0x18080] =	vst v63  }
0x28f: {  	s25 =	simm.s32 $0x16080  }
0x290: {  	[tilespmem:s25], [sflag:$0x1] =	stream.indirect_vreg.gather [hbm4b:s5+s3], $0x80, v4, vm0, $0xb8;
	[tilespmem:$0x18080] =	vst v63  }
0x291: {  	s26 =	simm.s32 $0x16880  }
0x292: {  	[tilespmem:s26], [sflag:$0x1] =	stream.indirect_vreg.gather [hbm4b:s1+s3], $0x80, v3, vm0, $0xb8;
	[tilespmem:$0x18080] =	vst v63  }
0x293: {  	s29 =	simm.s32 $0x17080  }
0x294: {  	[tilespmem:s29], [sflag:$0x1] =	stream.indirect_vreg.gather [hbm4b:s4+s3], $0x80, v3, vm0, $0xb8;
	[tilespmem:$0x18080] =	vst v63  }
0x295: {  	s30 =	simm.s32 $0x17880  }
0x296: {  	[tilespmem:s30], [sflag:$0x1] =	stream.indirect_vreg.gather [hbm4b:s5+s3], $0x80, v3, vm0, $0xb8;
	[tilespmem:$0x18080] =	vst v63  }
0x297: {  	_ =	swait.ge [sflag:s2], $0x18000  }
0x298: {  	p0 =	sne.s32 s6, $0x1;
	[sflag:s2] =	ssyncset.done $0x0  }
.Ltmp0:
0x299: {  	s31 =	rddreg [dreg:$0xa];
	[sflag:s2] =	ssyncadd.s32 $0xFFFE8000;
	(pc) =	sbr.rel @p0 .LBB2_1-.Ltmp0, $4  }
0x29a: {  	[hbm4b:s31+s3] =	stream.linear.scatter [tilespmem:s28], [sflag:$0x2], $0x18000, $0x38;
	[tilespmem:$0x18080] =	vst v63  }
0x29b: {  	_ =	swait.ge [sflag:s7], $0x18000  }
0x29c: {  	[sflag:s7] =	ssyncset.done $0x0  }
0x29d: {  	s6 =	sadd.s32 $0xFFFFFFFF, s6;
	[sflag:s7] =	ssyncadd.s32 $0xFFFE8000  }
0x29e: {  	_ =	sfence.sel $0x180000  }
0x29f: {  	[bflag:$0x0] =	sbarrier.arrive $0xFFFF  }
0x2a0: {  	_ =	strace $0x9000004A  }
0x2a1: {  	s0 =	stileid.u32;
	[bflag:$0x2] =	sbarrier.arrive $0xFFFF  }
0x2a2: {  	p0 =	sne.s32 s0, $0x0;
	s0 =	rddreg [dreg:$0x2]  }
0x2a3: {  	s0 =	sadd.s32 @!p0 $0x100000, s0  }
0x2a4: {  	[sflag:s0] =	ssyncadd.tile.s32 @!p0 $0x1;
	_ =	shalt  }
.Lfunc_end2:
_tile_overlayer_lowered:
.L_overlay_start_2:
0x2a5: {  	(tag) =	ssettag $0x2  }
0x2a6: {  	s0 =	rddreg [dreg:$0x0];
	s2 =	stileid.u32  }
0x2a7: {  	s1 =	rddreg [dreg:$0x1];
	p0 =	sne.s32 s2, $0x0  }
0x2a8: {  	s3 =	rddreg [dreg:$0x2];
	[bflag:$0x3] =	sbarrier.arrive $0xFFFF;
	s2 =	simm.s32 @!p0 $0x1C02  }
0x2a9: {  	[timem:s3], [sflag:s2] =	dma.local @!p0 [hbm:s0], s1  }
0x2aa: {  	s0 =	simm.s32 @!p0 $0x2  }
0x2ab: {  	_ =	swait.ge @!p0 [sflag:s0], s1  }
0x2ac: {  	s1 =	ssub.s32 @!p0 $0x0, s1;
	[sflag:s0] =	ssyncset.done @!p0 $0x0  }
0x2ad: {  	[sflag:s0] =	ssyncadd.s32 @!p0 s1  }
0x2ae: {  	[bflag:$0x3] =	sbarrier.arrive $0xFFFF  }
0x2af: {  	_ =	shalt  }

// kernel: kernel.16.cloned.1.call-start
scs
__scs_entry_jumppad:
0x0: {  	(pc) =	sbr.rel $0x88, $3  }
0x1: {  	(tag) =	ssettag $0x0;
	lr =	simm.s32 $0x1  }
0x2: {  	[smem:$0x3F9F] =	sst lr;
	_ =	strace $0xD0000000  }
0x3: {  	_ = 	snop  }
0x4: {  	_ = 	snop  }
0x5: {  	_ = 	snop  }
0x6: {  	_ = 	snop  }
0x7: {  	_ = 	snop  }
__scs_overlays_trampoline_lowered:
0x8: {  	[smem:$0x3FAE] =	sst s0  }
0x9: {  	[smem:$0x3FAF] =	sst s1  }
0xa: {  	[smem:$0x3FB0] =	sst s2  }
0xb: {  	[smem:$0x3FB1] =	sst s3  }
0xc: {  	[smem:$0x3FB2] =	sst s4  }
0xd: {  	[smem:$0x3FB3] =	sst s5  }
0xe: {  	[smem:$0x3FB4] =	sst s6  }
0xf: {  	[smem:$0x3FB5] =	sst s7  }
0x10: {  	[smem:$0x3FB6] =	sst s8  }
0x11: {  	[smem:$0x3FB7] =	sst s9;
	s0 =	simm.s32 @!p0 $0x0  }
0x12: {  	s1 =	sld [smem:$0x3F9D];
	s0 =	simm.s32 @p0 $0x1  }
0x13: {  	[smem:$0x3FB8] =	sst s0;
	s0 =	simm.s32 @!p1 $0x0  }
0x14: {  	s2 =	sld [smem:$0x3F9C];
	s0 =	simm.s32 @p1 $0x1  }
0x15: {  	[smem:$0x3FB9] =	sst s0;
	s0 =	simm.s32 @!p2 $0x0  }
0x16: {  	s3 =	sld [smem:$0x3FDB];
	s0 =	simm.s32 @p2 $0x1  }
0x17: {  	s4 =	simm.s32 $0x1BF5;
	[smem:$0x3FBB] =	sst s0  }
0x18: {  	s0 =	sld [smem:$0x3F9E];
	_ =	swait.ge [sflag:s4], $0x0  }
0x19: {  	s7 =	sld [smem:$0x3F9F]  }
0x1a: {  	s8 =	sadd.s32 $0xFFFFE003, lr  }
0x1b: {  	s9 =	sadd.s32 $0xFFFFFEF7, lr;
	s5 =	simm.s32 $0xFFFFFFFF;
	p2 =	slt.u32 s8, $0xFFFFF086  }
0x1c: {  	p1 =	slt.u32 s9, $0xF7A;
	s5 =	simm.s32 @!p2 $0x0  }
0x1d: {  	s5 =	simm.s32 @p1 $0x1;
	p0 =	seq.s32 s7, s2  }
0x1e: {  	s7 =	smul.u32 @!p0 $0xF7A, s2;
	p2 =	seq.s32 @!p0 s5, $0x0  }
0x1f: {  	s9 =	smul.u32 $0xF7A, s1;
	s8 =	simm.s32 @!p0 $0x1BF5;
	p2 =	por !p2, p0  }
0x20: {  	[sflag:s8] =	ssyncset.s32 @!p0 $0xFFFFF086;
	s6 =	sadd.s32 @!p0 s3, s7;
	s7 =	simm.s32 @!p0 $0x108  }
0x21: {  	s3 =	sadd.s32 s3, s9;
	s6 =	sadd.s32 @!p0 $0x88, s6;
	s7 =	simm.s32 @p2 $0x1082  }
0x22: {  	[simem:s7], [sflag:s8] =	dma.local @!p0 [hbm:s6], $0xF7A  }
0x23: {  	s9 =	sor.u32 $0xD0000000, s2;
	s6 =	simm.s32 $0x108;
	_ =	swait.ge @!p0 [sflag:s8], $0x0  }
0x24: {  	s3 =	sadd.s32 $0x88, s3;
	s6 =	simm.s32 @!p1 $0x1082;
	[sflag:s4] =	ssyncset.s32 $0xFFFFF086  }
0x25: {  	[simem:s6], [sflag:s4] =	dma.local [hbm:s3], $0xF7A  }
0x26: {  	[smem:$0x3F9F] =	sst s1;
	(tag) =	ssettag s2;
	_ =	strace s9  }
0x27: {  	s1 =	sld [smem:$0x3FAF]  }
0x28: {  	s2 =	sld [smem:$0x3FB0]  }
0x29: {  	s4 =	sld [smem:$0x3FB2]  }
0x2a: {  	p0 =	seq.s32 s5, $0x0;
	s5 =	sld [smem:$0x3FB3]  }
0x2b: {  	s6 =	sld [smem:$0x3FB4]  }
0x2c: {  	s7 =	sld [smem:$0x3FB5]  }
0x2d: {  	s3 =	simm.s32 $0x108;
	s8 =	sld [smem:$0x3FB6]  }
0x2e: {  	s3 =	simm.s32 @!p0 $0x1082;
	s9 =	sld [smem:$0x3FB7]  }
0x2f: {  	lr =	sadd.s32 s0, s3;
	s0 =	sld [smem:$0x3FAE]  }
0x30: {  	s3 =	sld [smem:$0x3FB1]  }
0x31: {  	[smem:$0x3FBA] =	sst s10  }
0x32: {  	s10 =	sld [smem:$0x3FB8];
	_ =	sdelay $0x3  }
0x33: {  	p0 =	seq.s32 s10, $0x1;
	s10 =	sld [smem:$0x3FBA];
	_ =	sdelay $0x3  }
0x34: {  	[smem:$0x3FBA] =	sst s10  }
0x35: {  	s10 =	sld [smem:$0x3FB9];
	_ =	sdelay $0x3  }
0x36: {  	p1 =	seq.s32 s10, $0x1;
	s10 =	sld [smem:$0x3FBA];
	_ =	sdelay $0x3  }
0x37: {  	[smem:$0x3FBA] =	sst s10  }
0x38: {  	s10 =	sld [smem:$0x3FBB]  }
0x39: {  	_ = 	snop;
	(pc) =	sbr.ind lr, $3  }
0x3a: {  	_ = 	snop  }
0x3b: {  	_ = 	snop  }
0x3c: {  	p2 =	seq.s32 s10, $0x1;
	s10 =	sld [smem:$0x3FBA]  }
0x3d: {  	_ =	shalt  }
0x3e: {  	_ =	shalt  }
0x3f: {  	_ =	shalt  }
0x40: {  	_ =	shalt  }
0x41: {  	_ =	shalt  }
0x42: {  	_ =	shalt  }
0x43: {  	_ =	shalt  }
0x44: {  	_ =	shalt  }
0x45: {  	_ =	shalt  }
0x46: {  	_ =	shalt  }
0x47: {  	_ =	shalt  }
0x48: {  	_ =	shalt  }
0x49: {  	_ =	shalt  }
0x4a: {  	_ =	shalt  }
0x4b: {  	_ =	shalt  }
0x4c: {  	_ =	shalt  }
0x4d: {  	_ =	shalt  }
0x4e: {  	_ =	shalt  }
0x4f: {  	_ =	shalt  }
0x50: {  	_ =	shalt  }
0x51: {  	_ =	shalt  }
0x52: {  	_ =	shalt  }
0x53: {  	_ =	shalt  }
0x54: {  	_ =	shalt  }
0x55: {  	_ =	shalt  }
0x56: {  	_ =	shalt  }
0x57: {  	_ =	shalt  }
0x58: {  	_ =	shalt  }
0x59: {  	_ =	shalt  }
0x5a: {  	_ =	shalt  }
0x5b: {  	_ =	shalt  }
0x5c: {  	_ =	shalt  }
0x5d: {  	_ =	shalt  }
0x5e: {  	_ =	shalt  }
0x5f: {  	_ =	shalt  }
0x60: {  	_ =	shalt  }
0x61: {  	_ =	shalt  }
0x62: {  	_ =	shalt  }
0x63: {  	_ =	shalt  }
0x64: {  	_ =	shalt  }
0x65: {  	_ =	shalt  }
0x66: {  	_ =	shalt  }
0x67: {  	_ =	shalt  }
0x68: {  	_ =	shalt  }
0x69: {  	_ =	shalt  }
0x6a: {  	_ =	shalt  }
0x6b: {  	_ =	shalt  }
0x6c: {  	_ =	shalt  }
0x6d: {  	_ =	shalt  }
0x6e: {  	_ =	shalt  }
0x6f: {  	_ =	shalt  }
0x70: {  	_ =	shalt  }
0x71: {  	_ =	shalt  }
0x72: {  	_ =	shalt  }
0x73: {  	_ =	shalt  }
0x74: {  	_ =	shalt  }
0x75: {  	_ =	shalt  }
0x76: {  	_ =	shalt  }
0x77: {  	_ =	shalt  }
0x78: {  	_ =	shalt  }
0x79: {  	_ =	shalt  }
0x7a: {  	_ =	shalt  }
0x7b: {  	_ =	shalt  }
0x7c: {  	_ =	shalt  }
0x7d: {  	_ =	shalt  }
0x7e: {  	_ =	shalt  }
0x7f: {  	_ =	shalt  }
0x80: {  	_ =	shalt  }
0x81: {  	_ =	shalt  }
0x82: {  	_ =	shalt  }
0x83: {  	_ =	shalt  }
0x84: {  	_ =	shalt  }
0x85: {  	_ =	shalt  }
0x86: {  	_ =	shalt  }
0x87: {  	_ =	shalt  }
.Lfunc_end0:
.L_simem_size_0:
called_computation.2_lowered:
.L_overlay_start_0:
0x88: {  	s2 =	sld [smem:$0x3FD9]  }
0x89: {  	s3 =	sld [smem:$0x3FFE];
	_ =	sdelay $0x1  }
0x8a: {  	s1 =	srdreg.scid  }
0x8b: {  	s0 =	sand.u32 $0x1, s1  }
0x8c: {  	s17 =	sshll.u32 s0, $0xA;
	s2 =	sadd.s32 s3, s2  }
0x8d: {  	s2 =	sadd.s32 s2, s17  }
0x8e: {  	[smem:$0x3FC6] =	sst s2  }
0x8f: {  	_ = 	snop  }
0x90: {  	s18 =	sld [smem:$0x3FC8];
	(tm) =	ssettm $0x1  }
0x91: {  	s19 =	sld [smem:$0x3FFB];
	_ =	sdelay $0x3  }
0x92: {  	_ =	strace s19  }
0x93: {  	s2 =	sld [smem:$0x3FFC];
	_ =	sdelay $0x3  }
0x94: {  	_ =	strace s2  }
0x95: {  	s2 =	sld [smem:$0x3FFD];
	_ =	sdelay $0x3  }
0x96: {  	_ =	strace s2  }
0x97: {  	_ =	strace $0x8FFFFFFF  }
0x98: {  	s20 =	sld [smem:$0x3FDB];
	_ =	sdelay $0x1  }
0x99: {  	s4 =	simm.s32 $_scs_section_size  }
0x9a: {  	s5 =	simm.s32 $_size__tile_overlayer_lowered;
	s6 =	simm.s32 $_tile_overlayer_lowered  }
0x9b: {  	s7 =	simm.s32 $0x1BFF;
	s21 =	sshll.u32 s6, $0x1;
	s4 =	sadd.s32 s4, s20  }
0x9c: {  	s22 =	simm.s32 $0x0;
	s5 =	sshll.u32 s5, $0x1;
	s6 =	sadd.s32 s21, s4  }
0x9d: {  	[timem:s22], [sflag:s7] =	dma.local [hbm:s6], s5  }
0x9e: {  	_ =	swait.ge [sflag:s7], s5  }
0x9f: {  	s5 =	ssub.s32 $0x0, s5;
	[sflag:s7] =	ssyncset.done $0x0  }
0xa0: {  	[sflag:s7] =	ssyncadd.s32 s5;
	_ =	sdelay $0x1  }
0xa1: {  	s23 =	simm.s32 $0x1B8B  }
0xa2: {  	_ =	swait.ge [sflag:s23], $0x1  }
0xa3: {  	[sflag:s23] =	ssyncset.done $0x0  }
0xa4: {  	[sflag:s23] =	ssyncadd.s32 $0xFFFFFFFF  }
0xa5: {  	s5 =	sld [smem:$0x0]  }
0xa6: {  	s6 =	sand.u32 $0xFFFFFFFE, s1  }
0xa7: {  	p0 =	sne.s32 s1, s6  }
0xa8: {  	s6 =	sshll.u32 @p0 s6, $0xE  }
0xa9: {  	s6 =	sadd.s32 @p0 $0x11B8D, s6;
	s7 =	sshll.u32 @p0 s5, $0x11  }
0xaa: {  	s6 =	sor.u32 @p0 s7, s6  }
0xab: {  	[sflag:s6] =	ssyncadd.remote.s32 @p0 $0x1;
	_ =	sdelay $0x1  }
0xac: {  	s6 =	simm.s32 @p0 $0x1B8D  }
0xad: {  	_ =	swait.eq @p0 [sflag:s6], $0x1  }
0xae: {  	[sflag:s6] =	ssyncadd.s32 @p0 $0xFFFFFFFF  }
0xaf: {  	s7 =	sshll.u32 @!p0 s1, $0xE  }
0xb0: {  	s7 =	sor.u32 @!p0 $0x4000, s7;
	s6 =	simm.s32 @!p0 $0x1B8D  }
0xb1: {  	s5 =	sshll.u32 @!p0 s5, $0x11;
	s7 =	sadd.s32 @!p0 $0x11B8D, s7;
	_ =	swait.eq @!p0 [sflag:s6], $0x1  }
0xb2: {  	s5 =	sor.u32 @!p0 s5, s7;
	[sflag:s6] =	ssyncadd.s32 @!p0 $0xFFFFFFFF  }
0xb3: {  	s25 =	simm.s32 $0x1B8E;
	s24 =	sld [smem:$0x3FFE];
	[sflag:s5] =	ssyncadd.remote.s32 @!p0 $0x1  }
0xb4: {  	s26 =	simm.s32 $execute0_lowered;
	[smem:$0x3FD2] =	sst s25  }
0xb5: {  	s6 =	sshll.u32 s26, $0x1;
	_ =	strace $0x8000004C;
	[dreg:$0x1] =	wrdreg $0xFFFFFFFF  }
0xb6: {  	s28 =	simm.s32 $_size_execute0_lowered;
	s4 =	sadd.s32 s4, s6;
	[dreg:$0x0] =	wrdreg $0x0  }
0xb7: {  	s6 =	sshll.u32 s28, $0x1;
	[dreg:$0x2] =	wrdreg s4  }
0xb8: {  	[dreg:$0x3] =	wrdreg s6  }
0xb9: {  	[dreg:$0x4] =	wrdreg $0xC0  }
0xba: {  	_ =	task [dreg:s22], $0x5FFFF  }
0xbb: {  	[dreg:$0x1] =	wrdreg $0xFFFFFFFF  }
0xbc: {  	[dreg:$0x0] =	wrdreg $0x60  }
0xbd: {  	[dreg:$0x2] =	wrdreg s18  }
0xbe: {  	[dreg:$0x3] =	wrdreg s24  }
0xbf: {  	[dreg:$0x4] =	wrdreg $0xB  }
0xc0: {  	_ =	task.clear_ibuf [dreg:s22], $0x5FFFF;
	_ =	strace $0x9000004C  }
0xc1: {  	s29 =	simm.s32 $0xB;
	_ =	strace $0x8000004E  }
0xc2: {  	_ =	swait.ge [sflag:s29], $0x1  }
0xc3: {  	[sflag:s29] =	ssyncadd.s32 $0xFFFFFFFF  }
0xc4: {  	_ =	strace $0x9000004E  }
0xc5: {  	_ =	sfence  }
0xc6: {  	s30 =	sld [smem:$0x0];
	_ =	sdelay $0x2  }
0xc7: {  	s31 =	sshll.u32 s1, $0xD;
	s1 =	sshrl.u32 s1, $0x2  }
0xc8: {  	s4 =	sand.u32 $0x4000, s31;
	s1 =	sadd.s32 s1, s30  }
0xc9: {  	s0 =	sor.u32 s4, s0;
	s1 =	sshll.u32 s1, $0x11  }
0xca: {  	s0 =	sor.u32 s1, s0  }
0xcb: {  	s0 =	sadd.s32 $0x8F2B, s0  }
0xcc: {  	[sflag:s0] =	ssyncadd.remote.s32 $0x1  }
0xcd: {  	_ =	sfence.sel $0xFFFF  }
0xce: {  	[dreg:$0x0] =	wrdreg $0xFFFFFFFF;
	(pc) =	sbr.abs _section_cstart, $3  }
0xcf: {  	[dreg:$0x1] =	wrdreg $0xFFFFFFFF  }
0xd0: {  	_ =	task.clear_ibuf [dreg:s22], $0x2FFFF;
	_ =	strace $0x9FFFFFFF  }
0xd1: {  	(tm) =	ssettm $0x7FFFFFFF  }
tec
execute0_lowered:
.L_overlay_start_1:
0x0: {  	(tag) =	ssettag $0x1  }
0x1: {  	s1 =	rddreg [dreg:$0x0]  }
0x2: {  	s0 =	rddreg [dreg:$0x1];
	s2 =	srdreg.scid  }
0x3: {  	s3 =	simm.s32 $0x0;
	s4 =	stileid.u32;
	s28 =	simm.s32 $0x80  }
0x4: {  	s2 =	sand.u32 $0x1, s2;
	[smem:$0x7FF] =	sst s3;
	s4 =	sshll.u32 s4, $0x7  }
0x5: {  	s6 =	sadd.s32 $0x181C00, s0;
	s0 =	sadd.s32 $0x302C00, s0;
	s5 =	sshll.u32 s2, $0x6  }
0x6: {  	_ =	strace $0x8000004D;
	s2 =	ssub.s32 $0x2, s2;
	s4 =	sor.u32 s5, s4  }
0x7: {  	s31 =	sshrl.u32 s2, $0x1;
	s5 =	smul.u32 $0x300, s4;
	s7 =	sadd.s32 s6, s4  }
0x8: {  	s8 =	sor.u32 $0x10, s4;
	s23 =	sor.u32 $0x20, s4;
	s4 =	sor.u32 $0x30, s4  }
0x9: {  	s2 =	ssub.s32 s2, s31;
	[dreg:$0x3] =	wrdreg s7;
	s22 =	sadd.s32 s6, s8  }
0xa: {  	s21 =	smul.u32 $0x300, s8;
	s26 =	sadd.s32 s6, s23;
	[dreg:$0x5] =	wrdreg s22  }
0xb: {  	s30 =	smul.u32 $0x300, s4;
	s4 =	sadd.s32 s6, s4;
	[dreg:$0x7] =	wrdreg s26  }
0xc: {  	s25 =	smul.u32 $0x300, s23;
	s5 =	sadd.s32 s0, s5;
	[dreg:$0x9] =	wrdreg s4  }
0xd: {  	s6 =	smax.u32 s2, $0x1;
	[dreg:$0x4] =	wrdreg s5;
	s24 =	sadd.s32 s0, s21  }
0xe: {  	v2 =	vlaneseq.u32;
	s7 =	simm.s32 $0x2;
	s29 =	sadd.s32 s0, s25;
	[dreg:$0x6] =	wrdreg s24  }
0xf: {  	vm0 =	vmmov $0xffff;
	v1 =	vshrl.u32 v2, $0x3;
	s2 =	simm.s32 $0x1;
	s0 =	sadd.s32 s0, s30;
	[dreg:$0x8] =	wrdreg s29  }
0x10: {  	v0 =	vand.u32 $0x7, v2;
	v2 =	vor.u32 $0x8, v2;
	v1 =	vmul.u32 $0x8, v1;
	s4 =	sadd.s32 $0x100, s1;
	s5 =	sadd.s32 $0x200, s1;
	[dreg:$0xa] =	wrdreg s0  }
.LBB2_1:
0x11: {  	s9 =	rddreg [dreg:$0x3]  }
0x12: {  	[tilespmem:s3], [sflag:$0x2] =	stream.linear.gather [hbm4b:s9+s3], $0x80, $0x38;
	[tilespmem:$0x18080] =	vst v63  }
0x13: {  	_ =	swait.ge [sflag:s7], $0x80  }
0x14: {  	[sflag:s7] =	ssyncset.done $0x0  }
0x15: {  	[sflag:s7] =	ssyncadd.s32 $0xFFFFFF80  }
0x16: {  	v3 =	vld [tilespmem:$0x0];
	_ =	sdelay $0x4  }
0x17: {  	v4 =	vshrl.u32 v3, $0x3  }
0x18: {  	v4 =	vmul.u32 $0x30, v4  }
0x19: {  	v3 =	vand.u32 $0x7, v3  }
0x1a: {  	v3 =	vor.u32 v3, v4  }
0x1b: {  	v4 =	vperm.xlane v3, v0;
	_ =	sdelay $0x1  }
0x1c: {  	v4 =	vadd.s32 v1, v4;
	_ =	sdelay $0x3  }
0x1d: {  	v3 =	vperm.xlane v3, v2  }
0x1e: {  	[tilespmem:s28], [sflag:$0x1] =	stream.indirect_vreg.gather [hbm4b:s1+s3], $0x80, v4, vm0, $0xb8;
	[tilespmem:$0x18080] =	vst v63  }
0x1f: {  	s0 =	simm.s32 $0x880;
	v3 =	vadd.s32 v1, v3  }
0x20: {  	[tilespmem:s0], [sflag:$0x1] =	stream.indirect_vreg.gather [hbm4b:s4+s3], $0x80, v4, vm0, $0xb8;
	[tilespmem:$0x18080] =	vst v63  }
0x21: {  	s15 =	simm.s32 $0x1080  }
0x22: {  	[tilespmem:s15], [sflag:$0x1] =	stream.indirect_vreg.gather [hbm4b:s5+s3], $0x80, v4, vm0, $0xb8;
	[tilespmem:$0x18080] =	vst v63  }
0x23: {  	s16 =	simm.s32 $0x1880  }
0x24: {  	[tilespmem:s16], [sflag:$0x1] =	stream.indirect_vreg.gather [hbm4b:s1+s3], $0x80, v3, vm0, $0xb8;
	[tilespmem:$0x18080] =	vst v63  }
0x25: {  	s17 =	simm.s32 $0x2080  }
0x26: {  	[tilespmem:s17], [sflag:$0x1] =	stream.indirect_vreg.gather [hbm4b:s4+s3], $0x80, v3, vm0, $0xb8;
	[tilespmem:$0x18080] =	vst v63  }
0x27: {  	s18 =	simm.s32 $0x2880  }
0x28: {  	[tilespmem:s18], [sflag:$0x1] =	stream.indirect_vreg.gather [hbm4b:s5+s3], $0x80, v3, vm0, $0xb8;
	[tilespmem:$0x18080] =	vst v63  }
0x29: {  	v3 =	vld [tilespmem:$0x10];
	_ =	sdelay $0x4  }
0x2a: {  	v33 =	vshrl.u32 v3, $0x3  }
0x2b: {  	v4 =	vmul.u32 $0x30, v33  }
0x2c: {  	v3 =	vand.u32 $0x7, v3  }
0x2d: {  	v3 =	vor.u32 v3, v4  }
0x2e: {  	v4 =	vperm.xlane v3, v0;
	_ =	sdelay $0x1  }
0x2f: {  	v4 =	vadd.s32 v1, v4;
	_ =	sdelay $0x3  }
0x30: {  	s19 =	simm.s32 $0x3080;
	v3 =	vperm.xlane v3, v2  }
0x31: {  	[tilespmem:s19], [sflag:$0x1] =	stream.indirect_vreg.gather [hbm4b:s1+s3], $0x80, v4, vm0, $0xb8;
	[tilespmem:$0x18080] =	vst v63  }
0x32: {  	s20 =	simm.s32 $0x3880;
	v3 =	vadd.s32 v1, v3  }
0x33: {  	[tilespmem:s20], [sflag:$0x1] =	stream.indirect_vreg.gather [hbm4b:s4+s3], $0x80, v4, vm0, $0xb8;
	[tilespmem:$0x18080] =	vst v63  }
0x34: {  	s21 =	simm.s32 $0x4080  }
0x35: {  	[tilespmem:s21], [sflag:$0x1] =	stream.indirect_vreg.gather [hbm4b:s5+s3], $0x80, v4, vm0, $0xb8;
	[tilespmem:$0x18080] =	vst v63  }
0x36: {  	s22 =	simm.s32 $0x4880  }
0x37: {  	[tilespmem:s22], [sflag:$0x1] =	stream.indirect_vreg.gather [hbm4b:s1+s3], $0x80, v3, vm0, $0xb8;
	[tilespmem:$0x18080] =	vst v63  }
0x38: {  	s23 =	simm.s32 $0x5080  }
0x39: {  	[tilespmem:s23], [sflag:$0x1] =	stream.indirect_vreg.gather [hbm4b:s4+s3], $0x80, v3, vm0, $0xb8;
	[tilespmem:$0x18080] =	vst v63  }
0x3a: {  	s24 =	simm.s32 $0x5880  }
0x3b: {  	[tilespmem:s24], [sflag:$0x1] =	stream.indirect_vreg.gather [hbm4b:s5+s3], $0x80, v3, vm0, $0xb8;
	[tilespmem:$0x18080] =	vst v63  }
0x3c: {  	v3 =	vld [tilespmem:$0x20];
	_ =	sdelay $0x4  }
0x3d: {  	v34 =	vshrl.u32 v3, $0x3  }
0x3e: {  	v4 =	vmul.u32 $0x30, v34  }
0x3f: {  	v3 =	vand.u32 $0x7, v3  }
0x40: {  	v3 =	vor.u32 v3, v4  }
0x41: {  	v4 =	vperm.xlane v3, v0;
	_ =	sdelay $0x1  }
0x42: {  	v4 =	vadd.s32 v1, v4;
	_ =	sdelay $0x3  }
0x43: {  	s25 =	simm.s32 $0x6080;
	v3 =	vperm.xlane v3, v2  }
0x44: {  	[tilespmem:s25], [sflag:$0x1] =	stream.indirect_vreg.gather [hbm4b:s1+s3], $0x80, v4, vm0, $0xb8;
	[tilespmem:$0x18080] =	vst v63  }
0x45: {  	s26 =	simm.s32 $0x6880;
	v3 =	vadd.s32 v1, v3  }
0x46: {  	[tilespmem:s26], [sflag:$0x1] =	stream.indirect_vreg.gather [hbm4b:s4+s3], $0x80, v4, vm0, $0xb8;
	[tilespmem:$0x18080] =	vst v63  }
0x47: {  	s29 =	simm.s32 $0x7080  }
0x48: {  	[tilespmem:s29], [sflag:$0x1] =	stream.indirect_vreg.gather [hbm4b:s5+s3], $0x80, v4, vm0, $0xb8;
	[tilespmem:$0x18080] =	vst v63  }
0x49: {  	s30 =	simm.s32 $0x7880  }
0x4a: {  	[tilespmem:s30], [sflag:$0x1] =	stream.indirect_vreg.gather [hbm4b:s1+s3], $0x80, v3, vm0, $0xb8;
	[tilespmem:$0x18080] =	vst v63  }
0x4b: {  	s31 =	simm.s32 $0x8080  }
0x4c: {  	[tilespmem:s31], [sflag:$0x1] =	stream.indirect_vreg.gather [hbm4b:s4+s3], $0x80, v3, vm0, $0xb8;
	[tilespmem:$0x18080] =	vst v63  }
0x4d: {  	s8 =	simm.s32 $0x8880  }
0x4e: {  	[tilespmem:s8], [sflag:$0x1] =	stream.indirect_vreg.gather [hbm4b:s5+s3], $0x80, v3, vm0, $0xb8;
	[tilespmem:$0x18080] =	vst v63  }
0x4f: {  	v3 =	vld [tilespmem:$0x30];
	_ =	sdelay $0x4  }
0x50: {  	v35 =	vshrl.u32 v3, $0x3  }
0x51: {  	v4 =	vmul.u32 $0x30, v35  }
0x52: {  	v3 =	vand.u32 $0x7, v3  }
0x53: {  	v3 =	vor.u32 v3, v4  }
0x54: {  	v4 =	vperm.xlane v3, v0;
	_ =	sdelay $0x1  }
0x55: {  	v4 =	vadd.s32 v1, v4;
	_ =	sdelay $0x3  }
0x56: {  	s9 =	simm.s32 $0x9080;
	v3 =	vperm.xlane v3, v2  }
0x57: {  	[tilespmem:s9], [sflag:$0x1] =	stream.indirect_vreg.gather [hbm4b:s1+s3], $0x80, v4, vm0, $0xb8;
	[tilespmem:$0x18080] =	vst v63  }
0x58: {  	s10 =	simm.s32 $0x9880;
	v3 =	vadd.s32 v1, v3  }
0x59: {  	[tilespmem:s10], [sflag:$0x1] =	stream.indirect_vreg.gather [hbm4b:s4+s3], $0x80, v4, vm0, $0xb8;
	[tilespmem:$0x18080] =	vst v63  }
0x5a: {  	s11 =	simm.s32 $0xA080  }
0x5b: {  	[tilespmem:s11], [sflag:$0x1] =	stream.indirect_vreg.gather [hbm4b:s5+s3], $0x80, v4, vm0, $0xb8;
	[tilespmem:$0x18080] =	vst v63  }
0x5c: {  	s14 =	simm.s32 $0xA880  }
0x5d: {  	[tilespmem:s14], [sflag:$0x1] =	stream.indirect_vreg.gather [hbm4b:s1+s3], $0x80, v3, vm0, $0xb8;
	[tilespmem:$0x18080] =	vst v63  }
0x5e: {  	s15 =	simm.s32 $0xB080  }
0x5f: {  	[tilespmem:s15], [sflag:$0x1] =	stream.indirect_vreg.gather [hbm4b:s4+s3], $0x80, v3, vm0, $0xb8;
	[tilespmem:$0x18080] =	vst v63  }
0x60: {  	s18 =	simm.s32 $0xB880  }
0x61: {  	[tilespmem:s18], [sflag:$0x1] =	stream.indirect_vreg.gather [hbm4b:s5+s3], $0x80, v3, vm0, $0xb8;
	[tilespmem:$0x18080] =	vst v63  }
0x62: {  	v3 =	vld [tilespmem:$0x40];
	_ =	sdelay $0x4  }
0x63: {  	v36 =	vshrl.u32 v3, $0x3  }
0x64: {  	v4 =	vmul.u32 $0x30, v36  }
0x65: {  	v3 =	vand.u32 $0x7, v3  }
0x66: {  	v3 =	vor.u32 v3, v4  }
0x67: {  	v4 =	vperm.xlane v3, v0;
	_ =	sdelay $0x1  }
0x68: {  	v4 =	vadd.s32 v1, v4;
	_ =	sdelay $0x3  }
0x69: {  	s19 =	simm.s32 $0xC080;
	v3 =	vperm.xlane v3, v2  }
0x6a: {  	[tilespmem:s19], [sflag:$0x1] =	stream.indirect_vreg.gather [hbm4b:s1+s3], $0x80, v4, vm0, $0xb8;
	[tilespmem:$0x18080] =	vst v63  }
0x6b: {  	s22 =	simm.s32 $0xC880;
	v3 =	vadd.s32 v1, v3  }
0x6c: {  	[tilespmem:s22], [sflag:$0x1] =	stream.indirect_vreg.gather [hbm4b:s4+s3], $0x80, v4, vm0, $0xb8;
	[tilespmem:$0x18080] =	vst v63  }
0x6d: {  	s25 =	simm.s32 $0xD080  }
0x6e: {  	[tilespmem:s25], [sflag:$0x1] =	stream.indirect_vreg.gather [hbm4b:s5+s3], $0x80, v4, vm0, $0xb8;
	[tilespmem:$0x18080] =	vst v63  }
0x6f: {  	s26 =	simm.s32 $0xD880  }
0x70: {  	[tilespmem:s26], [sflag:$0x1] =	stream.indirect_vreg.gather [hbm4b:s1+s3], $0x80, v3, vm0, $0xb8;
	[tilespmem:$0x18080] =	vst v63  }
0x71: {  	s29 =	simm.s32 $0xE080  }
0x72: {  	[tilespmem:s29], [sflag:$0x1] =	stream.indirect_vreg.gather [hbm4b:s4+s3], $0x80, v3, vm0, $0xb8;
	[tilespmem:$0x18080] =	vst v63  }
0x73: {  	s30 =	simm.s32 $0xE880  }
0x74: {  	[tilespmem:s30], [sflag:$0x1] =	stream.indirect_vreg.gather [hbm4b:s5+s3], $0x80, v3, vm0, $0xb8;
	[tilespmem:$0x18080] =	vst v63  }
0x75: {  	v3 =	vld [tilespmem:$0x50];
	_ =	sdelay $0x4  }
0x76: {  	v37 =	vshrl.u32 v3, $0x3  }
0x77: {  	v4 =	vmul.u32 $0x30, v37  }
0x78: {  	v3 =	vand.u32 $0x7, v3  }
0x79: {  	v3 =	vor.u32 v3, v4  }
0x7a: {  	v4 =	vperm.xlane v3, v0;
	_ =	sdelay $0x1  }
0x7b: {  	v4 =	vadd.s32 v1, v4;
	_ =	sdelay $0x3  }
0x7c: {  	s31 =	simm.s32 $0xF080;
	v3 =	vperm.xlane v3, v2  }
0x7d: {  	[tilespmem:s31], [sflag:$0x1] =	stream.indirect_vreg.gather [hbm4b:s1+s3], $0x80, v4, vm0, $0xb8;
	[tilespmem:$0x18080] =	vst v63  }
0x7e: {  	s0 =	simm.s32 $0xF880;
	v3 =	vadd.s32 v1, v3  }
0x7f: {  	[tilespmem:s0], [sflag:$0x1] =	stream.indirect_vreg.gather [hbm4b:s4+s3], $0x80, v4, vm0, $0xb8;
	[tilespmem:$0x18080] =	vst v63  }
0x80: {  	s8 =	simm.s32 $0x10080  }
0x81: {  	[tilespmem:s8], [sflag:$0x1] =	stream.indirect_vreg.gather [hbm4b:s5+s3], $0x80, v4, vm0, $0xb8;
	[tilespmem:$0x18080] =	vst v63  }
0x82: {  	s10 =	simm.s32 $0x10880  }
0x83: {  	[tilespmem:s10], [sflag:$0x1] =	stream.indirect_vreg.gather [hbm4b:s1+s3], $0x80, v3, vm0, $0xb8;
	[tilespmem:$0x18080] =	vst v63  }
0x84: {  	s11 =	simm.s32 $0x11080  }
0x85: {  	[tilespmem:s11], [sflag:$0x1] =	stream.indirect_vreg.gather [hbm4b:s4+s3], $0x80, v3, vm0, $0xb8;
	[tilespmem:$0x18080] =	vst v63  }
0x86: {  	s14 =	simm.s32 $0x11880  }
0x87: {  	[tilespmem:s14], [sflag:$0x1] =	stream.indirect_vreg.gather [hbm4b:s5+s3], $0x80, v3, vm0, $0xb8;
	[tilespmem:$0x18080] =	vst v63  }
0x88: {  	v3 =	vld [tilespmem:$0x60];
	_ =	sdelay $0x4  }
0x89: {  	v38 =	vshrl.u32 v3, $0x3  }
0x8a: {  	v4 =	vmul.u32 $0x30, v38  }
0x8b: {  	v3 =	vand.u32 $0x7, v3  }
0x8c: {  	v3 =	vor.u32 v3, v4  }
0x8d: {  	v4 =	vperm.xlane v3, v0;
	_ =	sdelay $0x1  }
0x8e: {  	v4 =	vadd.s32 v1, v4;
	_ =	sdelay $0x3  }
0x8f: {  	s15 =	simm.s32 $0x12080;
	v3 =	vperm.xlane v3, v2  }
0x90: {  	[tilespmem:s15], [sflag:$0x1] =	stream.indirect_vreg.gather [hbm4b:s1+s3], $0x80, v4, vm0, $0xb8;
	[tilespmem:$0x18080] =	vst v63  }
0x91: {  	s18 =	simm.s32 $0x12880;
	v3 =	vadd.s32 v1, v3  }
0x92: {  	[tilespmem:s18], [sflag:$0x1] =	stream.indirect_vreg.gather [hbm4b:s4+s3], $0x80, v4, vm0, $0xb8;
	[tilespmem:$0x18080] =	vst v63  }
0x93: {  	s19 =	simm.s32 $0x13080  }
0x94: {  	[tilespmem:s19], [sflag:$0x1] =	stream.indirect_vreg.gather [hbm4b:s5+s3], $0x80, v4, vm0, $0xb8;
	[tilespmem:$0x18080] =	vst v63  }
0x95: {  	s22 =	simm.s32 $0x13880  }
0x96: {  	[tilespmem:s22], [sflag:$0x1] =	stream.indirect_vreg.gather [hbm4b:s1+s3], $0x80, v3, vm0, $0xb8;
	[tilespmem:$0x18080] =	vst v63  }
0x97: {  	s31 =	simm.s32 $0x14080  }
0x98: {  	[tilespmem:s31], [sflag:$0x1] =	stream.indirect_vreg.gather [hbm4b:s4+s3], $0x80, v3, vm0, $0xb8;
	[tilespmem:$0x18080] =	vst v63  }
0x99: {  	s0 =	simm.s32 $0x14880  }
0x9a: {  	[tilespmem:s0], [sflag:$0x1] =	stream.indirect_vreg.gather [hbm4b:s5+s3], $0x80, v3, vm0, $0xb8;
	[tilespmem:$0x18080] =	vst v63  }
0x9b: {  	v3 =	vld [tilespmem:$0x70];
	_ =	sdelay $0x4  }
0x9c: {  	v39 =	vshrl.u32 v3, $0x3  }
0x9d: {  	v4 =	vmul.u32 $0x30, v39  }
0x9e: {  	v3 =	vand.u32 $0x7, v3  }
0x9f: {  	v3 =	vor.u32 v3, v4  }
0xa0: {  	v4 =	vperm.xlane v3, v0;
	_ =	sdelay $0x1  }
0xa1: {  	v4 =	vadd.s32 v1, v4;
	_ =	sdelay $0x3  }
0xa2: {  	s8 =	simm.s32 $0x15080;
	v3 =	vperm.xlane v3, v2  }
0xa3: {  	[tilespmem:s8], [sflag:$0x1] =	stream.indirect_vreg.gather [hbm4b:s1+s3], $0x80, v4, vm0, $0xb8;
	[tilespmem:$0x18080] =	vst v63  }
0xa4: {  	s10 =	simm.s32 $0x15880;
	v3 =	vadd.s32 v1, v3  }
0xa5: {  	[tilespmem:s10], [sflag:$0x1] =	stream.indirect_vreg.gather [hbm4b:s4+s3], $0x80, v4, vm0, $0xb8;
	[tilespmem:$0x18080] =	vst v63  }
0xa6: {  	s11 =	simm.s32 $0x16080  }
0xa7: {  	[tilespmem:s11], [sflag:$0x1] =	stream.indirect_vreg.gather [hbm4b:s5+s3], $0x80, v4, vm0, $0xb8;
	[tilespmem:$0x18080] =	vst v63  }
0xa8: {  	s14 =	simm.s32 $0x16880  }
0xa9: {  	[tilespmem:s14], [sflag:$0x1] =	stream.indirect_vreg.gather [hbm4b:s1+s3], $0x80, v3, vm0, $0xb8;
	[tilespmem:$0x18080] =	vst v63  }
0xaa: {  	s15 =	simm.s32 $0x17080  }
0xab: {  	[tilespmem:s15], [sflag:$0x1] =	stream.indirect_vreg.gather [hbm4b:s4+s3], $0x80, v3, vm0, $0xb8;
	[tilespmem:$0x18080] =	vst v63  }
0xac: {  	s18 =	simm.s32 $0x17880  }
0xad: {  	[tilespmem:s18], [sflag:$0x1] =	stream.indirect_vreg.gather [hbm4b:s5+s3], $0x80, v3, vm0, $0xb8;
	[tilespmem:$0x18080] =	vst v63  }
0xae: {  	_ =	swait.ge [sflag:s2], $0x18000  }
0xaf: {  	[sflag:s2] =	ssyncset.done $0x0  }
0xb0: {  	s19 =	rddreg [dreg:$0x4];
	[sflag:s2] =	ssyncadd.s32 $0xFFFE8000  }
0xb1: {  	[hbm4b:s19+s3] =	stream.linear.scatter [tilespmem:s28], [sflag:$0x2], $0x18000, $0x38;
	[tilespmem:$0x18080] =	vst v63  }
0xb2: {  	_ =	swait.ge [sflag:s7], $0x18000  }
0xb3: {  	[sflag:s7] =	ssyncset.done $0x0  }
0xb4: {  	s22 =	rddreg [dreg:$0x5];
	[sflag:s7] =	ssyncadd.s32 $0xFFFE8000  }
0xb5: {  	[tilespmem:s3], [sflag:$0x2] =	stream.linear.gather [hbm4b:s22+s3], $0x80, $0x38;
	[tilespmem:$0x18080] =	vst v63  }
0xb6: {  	_ =	swait.ge [sflag:s7], $0x80  }
0xb7: {  	[sflag:s7] =	ssyncset.done $0x0  }
0xb8: {  	[sflag:s7] =	ssyncadd.s32 $0xFFFFFF80  }
0xb9: {  	v3 =	vld [tilespmem:$0x0];
	_ =	sdelay $0x4  }
0xba: {  	v40 =	vshrl.u32 v3, $0x3  }
0xbb: {  	v4 =	vmul.u32 $0x30, v40  }
0xbc: {  	v3 =	vand.u32 $0x7, v3  }
0xbd: {  	v3 =	vor.u32 v3, v4  }
0xbe: {  	v4 =	vperm.xlane v3, v0;
	_ =	sdelay $0x1  }
0xbf: {  	v4 =	vadd.s32 v1, v4;
	_ =	sdelay $0x3  }
0xc0: {  	v3 =	vperm.xlane v3, v2  }
0xc1: {  	[tilespmem:s28], [sflag:$0x1] =	stream.indirect_vreg.gather [hbm4b:s1+s3], $0x80, v4, vm0, $0xb8;
	[tilespmem:$0x18080] =	vst v63  }
0xc2: {  	s0 =	simm.s32 $0x880;
	v3 =	vadd.s32 v1, v3  }
0xc3: {  	[tilespmem:s0], [sflag:$0x1] =	stream.indirect_vreg.gather [hbm4b:s4+s3], $0x80, v4, vm0, $0xb8;
	[tilespmem:$0x18080] =	vst v63  }
0xc4: {  	s8 =	simm.s32 $0x1080  }
0xc5: {  	[tilespmem:s8], [sflag:$0x1] =	stream.indirect_vreg.gather [hbm4b:s5+s3], $0x80, v4, vm0, $0xb8;
	[tilespmem:$0x18080] =	vst v63  }
0xc6: {  	s10 =	simm.s32 $0x1880  }
0xc7: {  	[tilespmem:s10], [sflag:$0x1] =	stream.indirect_vreg.gather [hbm4b:s1+s3], $0x80, v3, vm0, $0xb8;
	[tilespmem:$0x18080] =	vst v63  }
0xc8: {  	s11 =	simm.s32 $0x2080  }
0xc9: {  	[tilespmem:s11], [sflag:$0x1] =	stream.indirect_vreg.gather [hbm4b:s4+s3], $0x80, v3, vm0, $0xb8;
	[tilespmem:$0x18080] =	vst v63  }
0xca: {  	s12 =	simm.s32 $0x2880  }
0xcb: {  	[tilespmem:s12], [sflag:$0x1] =	stream.indirect_vreg.gather [hbm4b:s5+s3], $0x80, v3, vm0, $0xb8;
	[tilespmem:$0x18080] =	vst v63  }
0xcc: {  	v3 =	vld [tilespmem:$0x10];
	_ =	sdelay $0x4  }
0xcd: {  	v41 =	vshrl.u32 v3, $0x3  }
0xce: {  	v4 =	vmul.u32 $0x30, v41  }
0xcf: {  	v3 =	vand.u32 $0x7, v3  }
0xd0: {  	v3 =	vor.u32 v3, v4  }
0xd1: {  	v4 =	vperm.xlane v3, v0;
	_ =	sdelay $0x1  }
0xd2: {  	v4 =	vadd.s32 v1, v4;
	_ =	sdelay $0x3  }
0xd3: {  	s13 =	simm.s32 $0x3080;
	v3 =	vperm.xlane v3, v2  }
0xd4: {  	[tilespmem:s13], [sflag:$0x1] =	stream.indirect_vreg.gather [hbm4b:s1+s3], $0x80, v4, vm0, $0xb8;
	[tilespmem:$0x18080] =	vst v63  }
0xd5: {  	s12 =	simm.s32 $0x3880;
	v3 =	vadd.s32 v1, v3  }
0xd6: {  	[tilespmem:s12], [sflag:$0x1] =	stream.indirect_vreg.gather [hbm4b:s4+s3], $0x80, v4, vm0, $0xb8;
	[tilespmem:$0x18080] =	vst v63  }
0xd7: {  	s13 =	simm.s32 $0x4080  }
0xd8: {  	[tilespmem:s13], [sflag:$0x1] =	stream.indirect_vreg.gather [hbm4b:s5+s3], $0x80, v4, vm0, $0xb8;
	[tilespmem:$0x18080] =	vst v63  }
0xd9: {  	s14 =	simm.s32 $0x4880  }
0xda: {  	[tilespmem:s14], [sflag:$0x1] =	stream.indirect_vreg.gather [hbm4b:s1+s3], $0x80, v3, vm0, $0xb8;
	[tilespmem:$0x18080] =	vst v63  }
0xdb: {  	s15 =	simm.s32 $0x5080  }
0xdc: {  	[tilespmem:s15], [sflag:$0x1] =	stream.indirect_vreg.gather [hbm4b:s4+s3], $0x80, v3, vm0, $0xb8;
	[tilespmem:$0x18080] =	vst v63  }
0xdd: {  	s16 =	simm.s32 $0x5880  }
0xde: {  	[tilespmem:s16], [sflag:$0x1] =	stream.indirect_vreg.gather [hbm4b:s5+s3], $0x80, v3, vm0, $0xb8;
	[tilespmem:$0x18080] =	vst v63  }
0xdf: {  	v3 =	vld [tilespmem:$0x20];
	_ =	sdelay $0x4  }
0xe0: {  	v42 =	vshrl.u32 v3, $0x3  }
0xe1: {  	v4 =	vmul.u32 $0x30, v42  }
0xe2: {  	v3 =	vand.u32 $0x7, v3  }
0xe3: {  	v3 =	vor.u32 v3, v4  }
0xe4: {  	v4 =	vperm.xlane v3, v0;
	_ =	sdelay $0x1  }
0xe5: {  	v4 =	vadd.s32 v1, v4;
	_ =	sdelay $0x3  }
0xe6: {  	s17 =	simm.s32 $0x6080;
	v3 =	vperm.xlane v3, v2  }
0xe7: {  	[tilespmem:s17], [sflag:$0x1] =	stream.indirect_vreg.gather [hbm4b:s1+s3], $0x80, v4, vm0, $0xb8;
	[tilespmem:$0x18080] =	vst v63  }
0xe8: {  	s16 =	simm.s32 $0x6880;
	v3 =	vadd.s32 v1, v3  }
0xe9: {  	[tilespmem:s16], [sflag:$0x1] =	stream.indirect_vreg.gather [hbm4b:s4+s3], $0x80, v4, vm0, $0xb8;
	[tilespmem:$0x18080] =	vst v63  }
0xea: {  	s17 =	simm.s32 $0x7080  }
0xeb: {  	[tilespmem:s17], [sflag:$0x1] =	stream.indirect_vreg.gather [hbm4b:s5+s3], $0x80, v4, vm0, $0xb8;
	[tilespmem:$0x18080] =	vst v63  }
0xec: {  	s18 =	simm.s32 $0x7880  }
0xed: {  	[tilespmem:s18], [sflag:$0x1] =	stream.indirect_vreg.gather [hbm4b:s1+s3], $0x80, v3, vm0, $0xb8;
	[tilespmem:$0x18080] =	vst v63  }
0xee: {  	s19 =	simm.s32 $0x8080  }
0xef: {  	[tilespmem:s19], [sflag:$0x1] =	stream.indirect_vreg.gather [hbm4b:s4+s3], $0x80, v3, vm0, $0xb8;
	[tilespmem:$0x18080] =	vst v63  }
0xf0: {  	s20 =	simm.s32 $0x8880  }
0xf1: {  	[tilespmem:s20], [sflag:$0x1] =	stream.indirect_vreg.gather [hbm4b:s5+s3], $0x80, v3, vm0, $0xb8;
	[tilespmem:$0x18080] =	vst v63  }
0xf2: {  	v3 =	vld [tilespmem:$0x30];
	_ =	sdelay $0x4  }
0xf3: {  	v43 =	vshrl.u32 v3, $0x3  }
0xf4: {  	v4 =	vmul.u32 $0x30, v43  }
0xf5: {  	v3 =	vand.u32 $0x7, v3  }
0xf6: {  	v3 =	vor.u32 v3, v4  }
0xf7: {  	v4 =	vperm.xlane v3, v0;
	_ =	sdelay $0x1  }
0xf8: {  	v4 =	vadd.s32 v1, v4;
	_ =	sdelay $0x3  }
0xf9: {  	s21 =	simm.s32 $0x9080;
	v3 =	vperm.xlane v3, v2  }
0xfa: {  	[tilespmem:s21], [sflag:$0x1] =	stream.indirect_vreg.gather [hbm4b:s1+s3], $0x80, v4, vm0, $0xb8;
	[tilespmem:$0x18080] =	vst v63  }
0xfb: {  	s20 =	simm.s32 $0x9880;
	v3 =	vadd.s32 v1, v3  }
0xfc: {  	[tilespmem:s20], [sflag:$0x1] =	stream.indirect_vreg.gather [hbm4b:s4+s3], $0x80, v4, vm0, $0xb8;
	[tilespmem:$0x18080] =	vst v63  }
0xfd: {  	s21 =	simm.s32 $0xA080  }
0xfe: {  	[tilespmem:s21], [sflag:$0x1] =	stream.indirect_vreg.gather [hbm4b:s5+s3], $0x80, v4, vm0, $0xb8;
	[tilespmem:$0x18080] =	vst v63  }
0xff: {  	s22 =	simm.s32 $0xA880  }
0x100: {  	[tilespmem:s22], [sflag:$0x1] =	stream.indirect_vreg.gather [hbm4b:s1+s3], $0x80, v3, vm0, $0xb8;
	[tilespmem:$0x18080] =	vst v63  }
0x101: {  	s9 =	simm.s32 $0xB080  }
0x102: {  	[tilespmem:s9], [sflag:$0x1] =	stream.indirect_vreg.gather [hbm4b:s4+s3], $0x80, v3, vm0, $0xb8;
	[tilespmem:$0x18080] =	vst v63  }
0x103: {  	s23 =	simm.s32 $0xB880  }
0x104: {  	[tilespmem:s23], [sflag:$0x1] =	stream.indirect_vreg.gather [hbm4b:s5+s3], $0x80, v3, vm0, $0xb8;
	[tilespmem:$0x18080] =	vst v63  }
0x105: {  	v3 =	vld [tilespmem:$0x40];
	_ =	sdelay $0x4  }
0x106: {  	v44 =	vshrl.u32 v3, $0x3  }
0x107: {  	v4 =	vmul.u32 $0x30, v44  }
0x108: {  	v3 =	vand.u32 $0x7, v3  }
0x109: {  	v3 =	vor.u32 v3, v4  }
0x10a: {  	v4 =	vperm.xlane v3, v0;
	_ =	sdelay $0x1  }
0x10b: {  	v4 =	vadd.s32 v1, v4;
	_ =	sdelay $0x3  }
0x10c: {  	s24 =	simm.s32 $0xC080;
	v3 =	vperm.xlane v3, v2  }
0x10d: {  	[tilespmem:s24], [sflag:$0x1] =	stream.indirect_vreg.gather [hbm4b:s1+s3], $0x80, v4, vm0, $0xb8;
	[tilespmem:$0x18080] =	vst v63  }
0x10e: {  	s23 =	simm.s32 $0xC880;
	v3 =	vadd.s32 v1, v3  }
0x10f: {  	[tilespmem:s23], [sflag:$0x1] =	stream.indirect_vreg.gather [hbm4b:s4+s3], $0x80, v4, vm0, $0xb8;
	[tilespmem:$0x18080] =	vst v63  }
0x110: {  	s24 =	simm.s32 $0xD080  }
0x111: {  	[tilespmem:s24], [sflag:$0x1] =	stream.indirect_vreg.gather [hbm4b:s5+s3], $0x80, v4, vm0, $0xb8;
	[tilespmem:$0x18080] =	vst v63  }
0x112: {  	s9 =	simm.s32 $0xD880  }
0x113: {  	[tilespmem:s9], [sflag:$0x1] =	stream.indirect_vreg.gather [hbm4b:s1+s3], $0x80, v3, vm0, $0xb8;
	[tilespmem:$0x18080] =	vst v63  }
0x114: {  	s9 =	simm.s32 $0xE080  }
0x115: {  	[tilespmem:s9], [sflag:$0x1] =	stream.indirect_vreg.gather [hbm4b:s4+s3], $0x80, v3, vm0, $0xb8;
	[tilespmem:$0x18080] =	vst v63  }
0x116: {  	s25 =	simm.s32 $0xE880  }
0x117: {  	[tilespmem:s25], [sflag:$0x1] =	stream.indirect_vreg.gather [hbm4b:s5+s3], $0x80, v3, vm0, $0xb8;
	[tilespmem:$0x18080] =	vst v63  }
0x118: {  	v3 =	vld [tilespmem:$0x50];
	_ =	sdelay $0x4  }
0x119: {  	v45 =	vshrl.u32 v3, $0x3  }
0x11a: {  	v4 =	vmul.u32 $0x30, v45  }
0x11b: {  	v3 =	vand.u32 $0x7, v3  }
0x11c: {  	v3 =	vor.u32 v3, v4  }
0x11d: {  	v4 =	vperm.xlane v3, v0;
	_ =	sdelay $0x1  }
0x11e: {  	v4 =	vadd.s32 v1, v4;
	_ =	sdelay $0x3  }
0x11f: {  	s26 =	simm.s32 $0xF080;
	v3 =	vperm.xlane v3, v2  }
0x120: {  	[tilespmem:s26], [sflag:$0x1] =	stream.indirect_vreg.gather [hbm4b:s1+s3], $0x80, v4, vm0, $0xb8;
	[tilespmem:$0x18080] =	vst v63  }
0x121: {  	s25 =	simm.s32 $0xF880;
	v3 =	vadd.s32 v1, v3  }
0x122: {  	[tilespmem:s25], [sflag:$0x1] =	stream.indirect_vreg.gather [hbm4b:s4+s3], $0x80, v4, vm0, $0xb8;
	[tilespmem:$0x18080] =	vst v63  }
0x123: {  	s26 =	simm.s32 $0x10080  }
0x124: {  	[tilespmem:s26], [sflag:$0x1] =	stream.indirect_vreg.gather [hbm4b:s5+s3], $0x80, v4, vm0, $0xb8;
	[tilespmem:$0x18080] =	vst v63  }
0x125: {  	s25 =	simm.s32 $0x10880  }
0x126: {  	[tilespmem:s25], [sflag:$0x1] =	stream.indirect_vreg.gather [hbm4b:s1+s3], $0x80, v3, vm0, $0xb8;
	[tilespmem:$0x18080] =	vst v63  }
0x127: {  	s26 =	simm.s32 $0x11080  }
0x128: {  	[tilespmem:s26], [sflag:$0x1] =	stream.indirect_vreg.gather [hbm4b:s4+s3], $0x80, v3, vm0, $0xb8;
	[tilespmem:$0x18080] =	vst v63  }
0x129: {  	s29 =	simm.s32 $0x11880  }
0x12a: {  	[tilespmem:s29], [sflag:$0x1] =	stream.indirect_vreg.gather [hbm4b:s5+s3], $0x80, v3, vm0, $0xb8;
	[tilespmem:$0x18080] =	vst v63  }
0x12b: {  	v3 =	vld [tilespmem:$0x60];
	_ =	sdelay $0x4  }
0x12c: {  	v46 =	vshrl.u32 v3, $0x3  }
0x12d: {  	v4 =	vmul.u32 $0x30, v46  }
0x12e: {  	v3 =	vand.u32 $0x7, v3  }
0x12f: {  	v3 =	vor.u32 v3, v4  }
0x130: {  	v4 =	vperm.xlane v3, v0;
	_ =	sdelay $0x1  }
0x131: {  	v4 =	vadd.s32 v1, v4;
	_ =	sdelay $0x3  }
0x132: {  	s30 =	simm.s32 $0x12080;
	v3 =	vperm.xlane v3, v2  }
0x133: {  	[tilespmem:s30], [sflag:$0x1] =	stream.indirect_vreg.gather [hbm4b:s1+s3], $0x80, v4, vm0, $0xb8;
	[tilespmem:$0x18080] =	vst v63  }
0x134: {  	s25 =	simm.s32 $0x12880;
	v3 =	vadd.s32 v1, v3  }
0x135: {  	[tilespmem:s25], [sflag:$0x1] =	stream.indirect_vreg.gather [hbm4b:s4+s3], $0x80, v4, vm0, $0xb8;
	[tilespmem:$0x18080] =	vst v63  }
0x136: {  	s26 =	simm.s32 $0x13080  }
0x137: {  	[tilespmem:s26], [sflag:$0x1] =	stream.indirect_vreg.gather [hbm4b:s5+s3], $0x80, v4, vm0, $0xb8;
	[tilespmem:$0x18080] =	vst v63  }
0x138: {  	s29 =	simm.s32 $0x13880  }
0x139: {  	[tilespmem:s29], [sflag:$0x1] =	stream.indirect_vreg.gather [hbm4b:s1+s3], $0x80, v3, vm0, $0xb8;
	[tilespmem:$0x18080] =	vst v63  }
0x13a: {  	s30 =	simm.s32 $0x14080  }
0x13b: {  	[tilespmem:s30], [sflag:$0x1] =	stream.indirect_vreg.gather [hbm4b:s4+s3], $0x80, v3, vm0, $0xb8;
	[tilespmem:$0x18080] =	vst v63  }
0x13c: {  	s31 =	simm.s32 $0x14880  }
0x13d: {  	[tilespmem:s31], [sflag:$0x1] =	stream.indirect_vreg.gather [hbm4b:s5+s3], $0x80, v3, vm0, $0xb8;
	[tilespmem:$0x18080] =	vst v63  }
0x13e: {  	v3 =	vld [tilespmem:$0x70];
	_ =	sdelay $0x4  }
0x13f: {  	v47 =	vshrl.u32 v3, $0x3  }
0x140: {  	v4 =	vmul.u32 $0x30, v47  }
0x141: {  	v3 =	vand.u32 $0x7, v3  }
0x142: {  	v3 =	vor.u32 v3, v4  }
0x143: {  	v4 =	vperm.xlane v3, v0;
	_ =	sdelay $0x1  }
0x144: {  	v4 =	vadd.s32 v1, v4;
	_ =	sdelay $0x3  }
0x145: {  	s31 =	simm.s32 $0x15080;
	v3 =	vperm.xlane v3, v2  }
0x146: {  	[tilespmem:s31], [sflag:$0x1] =	stream.indirect_vreg.gather [hbm4b:s1+s3], $0x80, v4, vm0, $0xb8;
	[tilespmem:$0x18080] =	vst v63  }
0x147: {  	s25 =	simm.s32 $0x15880;
	v3 =	vadd.s32 v1, v3  }
0x148: {  	[tilespmem:s25], [sflag:$0x1] =	stream.indirect_vreg.gather [hbm4b:s4+s3], $0x80, v4, vm0, $0xb8;
	[tilespmem:$0x18080] =	vst v63  }
0x149: {  	s26 =	simm.s32 $0x16080  }
0x14a: {  	[tilespmem:s26], [sflag:$0x1] =	stream.indirect_vreg.gather [hbm4b:s5+s3], $0x80, v4, vm0, $0xb8;
	[tilespmem:$0x18080] =	vst v63  }
0x14b: {  	s29 =	simm.s32 $0x16880  }
0x14c: {  	[tilespmem:s29], [sflag:$0x1] =	stream.indirect_vreg.gather [hbm4b:s1+s3], $0x80, v3, vm0, $0xb8;
	[tilespmem:$0x18080] =	vst v63  }
0x14d: {  	s30 =	simm.s32 $0x17080  }
0x14e: {  	[tilespmem:s30], [sflag:$0x1] =	stream.indirect_vreg.gather [hbm4b:s4+s3], $0x80, v3, vm0, $0xb8;
	[tilespmem:$0x18080] =	vst v63  }
0x14f: {  	s31 =	simm.s32 $0x17880  }
0x150: {  	[tilespmem:s31], [sflag:$0x1] =	stream.indirect_vreg.gather [hbm4b:s5+s3], $0x80, v3, vm0, $0xb8;
	[tilespmem:$0x18080] =	vst v63  }
0x151: {  	_ =	swait.ge [sflag:s2], $0x18000  }
0x152: {  	[sflag:s2] =	ssyncset.done $0x0  }
0x153: {  	s25 =	rddreg [dreg:$0x6];
	[sflag:s2] =	ssyncadd.s32 $0xFFFE8000  }
0x154: {  	[hbm4b:s25+s3] =	stream.linear.scatter [tilespmem:s28], [sflag:$0x2], $0x18000, $0x38;
	[tilespmem:$0x18080] =	vst v63  }
0x155: {  	_ =	swait.ge [sflag:s7], $0x18000  }
0x156: {  	[sflag:s7] =	ssyncset.done $0x0  }
0x157: {  	s26 =	rddreg [dreg:$0x7];
	[sflag:s7] =	ssyncadd.s32 $0xFFFE8000  }
0x158: {  	[tilespmem:s3], [sflag:$0x2] =	stream.linear.gather [hbm4b:s26+s3], $0x80, $0x38;
	[tilespmem:$0x18080] =	vst v63  }
0x159: {  	_ =	swait.ge [sflag:s7], $0x80  }
0x15a: {  	[sflag:s7] =	ssyncset.done $0x0  }
0x15b: {  	[sflag:s7] =	ssyncadd.s32 $0xFFFFFF80  }
0x15c: {  	v3 =	vld [tilespmem:$0x0];
	_ =	sdelay $0x4  }
0x15d: {  	v48 =	vshrl.u32 v3, $0x3  }
0x15e: {  	v4 =	vmul.u32 $0x30, v48  }
0x15f: {  	v3 =	vand.u32 $0x7, v3  }
0x160: {  	v3 =	vor.u32 v3, v4  }
0x161: {  	v4 =	vperm.xlane v3, v0;
	_ =	sdelay $0x1  }
0x162: {  	v4 =	vadd.s32 v1, v4;
	_ =	sdelay $0x3  }
0x163: {  	v3 =	vperm.xlane v3, v2  }
0x164: {  	[tilespmem:s28], [sflag:$0x1] =	stream.indirect_vreg.gather [hbm4b:s1+s3], $0x80, v4, vm0, $0xb8;
	[tilespmem:$0x18080] =	vst v63  }
0x165: {  	v3 =	vadd.s32 v1, v3  }
0x166: {  	[tilespmem:s0], [sflag:$0x1] =	stream.indirect_vreg.gather [hbm4b:s4+s3], $0x80, v4, vm0, $0xb8;
	[tilespmem:$0x18080] =	vst v63  }
0x167: {  	_ = 	snop  }
0x168: {  	[tilespmem:s8], [sflag:$0x1] =	stream.indirect_vreg.gather [hbm4b:s5+s3], $0x80, v4, vm0, $0xb8;
	[tilespmem:$0x18080] =	vst v63  }
0x169: {  	_ = 	snop  }
0x16a: {  	[tilespmem:s10], [sflag:$0x1] =	stream.indirect_vreg.gather [hbm4b:s1+s3], $0x80, v3, vm0, $0xb8;
	[tilespmem:$0x18080] =	vst v63  }
0x16b: {  	_ = 	snop  }
0x16c: {  	[tilespmem:s11], [sflag:$0x1] =	stream.indirect_vreg.gather [hbm4b:s4+s3], $0x80, v3, vm0, $0xb8;
	[tilespmem:$0x18080] =	vst v63  }
0x16d: {  	s29 =	simm.s32 $0x2880  }
0x16e: {  	[tilespmem:s29], [sflag:$0x1] =	stream.indirect_vreg.gather [hbm4b:s5+s3], $0x80, v3, vm0, $0xb8;
	[tilespmem:$0x18080] =	vst v63  }
0x16f: {  	v3 =	vld [tilespmem:$0x10];
	_ =	sdelay $0x4  }
0x170: {  	v49 =	vshrl.u32 v3, $0x3  }
0x171: {  	v4 =	vmul.u32 $0x30, v49  }
0x172: {  	v3 =	vand.u32 $0x7, v3  }
0x173: {  	v3 =	vor.u32 v3, v4  }
0x174: {  	v4 =	vperm.xlane v3, v0;
	_ =	sdelay $0x1  }
0x175: {  	v4 =	vadd.s32 v1, v4;
	_ =	sdelay $0x3  }
0x176: {  	s30 =	simm.s32 $0x3080;
	v3 =	vperm.xlane v3, v2  }
0x177: {  	[tilespmem:s30], [sflag:$0x1] =	stream.indirect_vreg.gather [hbm4b:s1+s3], $0x80, v4, vm0, $0xb8;
	[tilespmem:$0x18080] =	vst v63  }
0x178: {  	v3 =	vadd.s32 v1, v3  }
0x179: {  	[tilespmem:s12], [sflag:$0x1] =	stream.indirect_vreg.gather [hbm4b:s4+s3], $0x80, v4, vm0, $0xb8;
	[tilespmem:$0x18080] =	vst v63  }
0x17a: {  	_ = 	snop  }
0x17b: {  	[tilespmem:s13], [sflag:$0x1] =	stream.indirect_vreg.gather [hbm4b:s5+s3], $0x80, v4, vm0, $0xb8;
	[tilespmem:$0x18080] =	vst v63  }
0x17c: {  	_ = 	snop  }
0x17d: {  	[tilespmem:s14], [sflag:$0x1] =	stream.indirect_vreg.gather [hbm4b:s1+s3], $0x80, v3, vm0, $0xb8;
	[tilespmem:$0x18080] =	vst v63  }
0x17e: {  	_ = 	snop  }
0x17f: {  	[tilespmem:s15], [sflag:$0x1] =	stream.indirect_vreg.gather [hbm4b:s4+s3], $0x80, v3, vm0, $0xb8;
	[tilespmem:$0x18080] =	vst v63  }
0x180: {  	s31 =	simm.s32 $0x5880  }
0x181: {  	[tilespmem:s31], [sflag:$0x1] =	stream.indirect_vreg.gather [hbm4b:s5+s3], $0x80, v3, vm0, $0xb8;
	[tilespmem:$0x18080] =	vst v63  }
0x182: {  	v3 =	vld [tilespmem:$0x20];
	_ =	sdelay $0x4  }
0x183: {  	v50 =	vshrl.u32 v3, $0x3  }
0x184: {  	v4 =	vmul.u32 $0x30, v50  }
0x185: {  	v3 =	vand.u32 $0x7, v3  }
0x186: {  	v3 =	vor.u32 v3, v4  }
0x187: {  	v4 =	vperm.xlane v3, v0;
	_ =	sdelay $0x1  }
0x188: {  	v4 =	vadd.s32 v1, v4;
	_ =	sdelay $0x3  }
0x189: {  	s25 =	simm.s32 $0x6080;
	v3 =	vperm.xlane v3, v2  }
0x18a: {  	[tilespmem:s25], [sflag:$0x1] =	stream.indirect_vreg.gather [hbm4b:s1+s3], $0x80, v4, vm0, $0xb8;
	[tilespmem:$0x18080] =	vst v63  }
0x18b: {  	v3 =	vadd.s32 v1, v3  }
0x18c: {  	[tilespmem:s16], [sflag:$0x1] =	stream.indirect_vreg.gather [hbm4b:s4+s3], $0x80, v4, vm0, $0xb8;
	[tilespmem:$0x18080] =	vst v63  }
0x18d: {  	_ = 	snop  }
0x18e: {  	[tilespmem:s17], [sflag:$0x1] =	stream.indirect_vreg.gather [hbm4b:s5+s3], $0x80, v4, vm0, $0xb8;
	[tilespmem:$0x18080] =	vst v63  }
0x18f: {  	_ = 	snop  }
0x190: {  	[tilespmem:s18], [sflag:$0x1] =	stream.indirect_vreg.gather [hbm4b:s1+s3], $0x80, v3, vm0, $0xb8;
	[tilespmem:$0x18080] =	vst v63  }
0x191: {  	_ = 	snop  }
0x192: {  	[tilespmem:s19], [sflag:$0x1] =	stream.indirect_vreg.gather [hbm4b:s4+s3], $0x80, v3, vm0, $0xb8;
	[tilespmem:$0x18080] =	vst v63  }
0x193: {  	s26 =	simm.s32 $0x8880  }
0x194: {  	[tilespmem:s26], [sflag:$0x1] =	stream.indirect_vreg.gather [hbm4b:s5+s3], $0x80, v3, vm0, $0xb8;
	[tilespmem:$0x18080] =	vst v63  }
0x195: {  	v3 =	vld [tilespmem:$0x30];
	_ =	sdelay $0x4  }
0x196: {  	v51 =	vshrl.u32 v3, $0x3  }
0x197: {  	v4 =	vmul.u32 $0x30, v51  }
0x198: {  	v3 =	vand.u32 $0x7, v3  }
0x199: {  	v3 =	vor.u32 v3, v4  }
0x19a: {  	v4 =	vperm.xlane v3, v0;
	_ =	sdelay $0x1  }
0x19b: {  	v4 =	vadd.s32 v1, v4;
	_ =	sdelay $0x3  }
0x19c: {  	s29 =	simm.s32 $0x9080;
	v3 =	vperm.xlane v3, v2  }
0x19d: {  	[tilespmem:s29], [sflag:$0x1] =	stream.indirect_vreg.gather [hbm4b:s1+s3], $0x80, v4, vm0, $0xb8;
	[tilespmem:$0x18080] =	vst v63  }
0x19e: {  	v3 =	vadd.s32 v1, v3  }
0x19f: {  	[tilespmem:s20], [sflag:$0x1] =	stream.indirect_vreg.gather [hbm4b:s4+s3], $0x80, v4, vm0, $0xb8;
	[tilespmem:$0x18080] =	vst v63  }
0x1a0: {  	_ = 	snop  }
0x1a1: {  	[tilespmem:s21], [sflag:$0x1] =	stream.indirect_vreg.gather [hbm4b:s5+s3], $0x80, v4, vm0, $0xb8;
	[tilespmem:$0x18080] =	vst v63  }
0x1a2: {  	_ = 	snop  }
0x1a3: {  	[tilespmem:s22], [sflag:$0x1] =	stream.indirect_vreg.gather [hbm4b:s1+s3], $0x80, v3, vm0, $0xb8;
	[tilespmem:$0x18080] =	vst v63  }
0x1a4: {  	s30 =	simm.s32 $0xB080  }
0x1a5: {  	[tilespmem:s30], [sflag:$0x1] =	stream.indirect_vreg.gather [hbm4b:s4+s3], $0x80, v3, vm0, $0xb8;
	[tilespmem:$0x18080] =	vst v63  }
0x1a6: {  	s31 =	simm.s32 $0xB880  }
0x1a7: {  	[tilespmem:s31], [sflag:$0x1] =	stream.indirect_vreg.gather [hbm4b:s5+s3], $0x80, v3, vm0, $0xb8;
	[tilespmem:$0x18080] =	vst v63  }
0x1a8: {  	v3 =	vld [tilespmem:$0x40];
	_ =	sdelay $0x4  }
0x1a9: {  	v52 =	vshrl.u32 v3, $0x3  }
0x1aa: {  	v4 =	vmul.u32 $0x30, v52  }
0x1ab: {  	v3 =	vand.u32 $0x7, v3  }
0x1ac: {  	v3 =	vor.u32 v3, v4  }
0x1ad: {  	v4 =	vperm.xlane v3, v0;
	_ =	sdelay $0x1  }
0x1ae: {  	v4 =	vadd.s32 v1, v4;
	_ =	sdelay $0x3  }
0x1af: {  	s25 =	simm.s32 $0xC080;
	v3 =	vperm.xlane v3, v2  }
0x1b0: {  	[tilespmem:s25], [sflag:$0x1] =	stream.indirect_vreg.gather [hbm4b:s1+s3], $0x80, v4, vm0, $0xb8;
	[tilespmem:$0x18080] =	vst v63  }
0x1b1: {  	s23 =	simm.s32 $0xC880;
	v3 =	vadd.s32 v1, v3  }
0x1b2: {  	[tilespmem:s23], [sflag:$0x1] =	stream.indirect_vreg.gather [hbm4b:s4+s3], $0x80, v4, vm0, $0xb8;
	[tilespmem:$0x18080] =	vst v63  }
0x1b3: {  	s24 =	simm.s32 $0xD080  }
0x1b4: {  	[tilespmem:s24], [sflag:$0x1] =	stream.indirect_vreg.gather [hbm4b:s5+s3], $0x80, v4, vm0, $0xb8;
	[tilespmem:$0x18080] =	vst v63  }
0x1b5: {  	s26 =	simm.s32 $0xD880  }
0x1b6: {  	[tilespmem:s26], [sflag:$0x1] =	stream.indirect_vreg.gather [hbm4b:s1+s3], $0x80, v3, vm0, $0xb8;
	[tilespmem:$0x18080] =	vst v63  }
0x1b7: {  	s29 =	simm.s32 $0xE080  }
0x1b8: {  	[tilespmem:s29], [sflag:$0x1] =	stream.indirect_vreg.gather [hbm4b:s4+s3], $0x80, v3, vm0, $0xb8;
	[tilespmem:$0x18080] =	vst v63  }
0x1b9: {  	s30 =	simm.s32 $0xE880  }
0x1ba: {  	[tilespmem:s30], [sflag:$0x1] =	stream.indirect_vreg.gather [hbm4b:s5+s3], $0x80, v3, vm0, $0xb8;
	[tilespmem:$0x18080] =	vst v63  }
0x1bb: {  	v3 =	vld [tilespmem:$0x50];
	_ =	sdelay $0x4  }
0x1bc: {  	v53 =	vshrl.u32 v3, $0x3  }
0x1bd: {  	v4 =	vmul.u32 $0x30, v53  }
0x1be: {  	v3 =	vand.u32 $0x7, v3  }
0x1bf: {  	v3 =	vor.u32 v3, v4  }
0x1c0: {  	v4 =	vperm.xlane v3, v0;
	_ =	sdelay $0x1  }
0x1c1: {  	v4 =	vadd.s32 v1, v4;
	_ =	sdelay $0x3  }
0x1c2: {  	s31 =	simm.s32 $0xF080;
	v3 =	vperm.xlane v3, v2  }
0x1c3: {  	[tilespmem:s31], [sflag:$0x1] =	stream.indirect_vreg.gather [hbm4b:s1+s3], $0x80, v4, vm0, $0xb8;
	[tilespmem:$0x18080] =	vst v63  }
0x1c4: {  	s29 =	simm.s32 $0xF880;
	v3 =	vadd.s32 v1, v3  }
0x1c5: {  	[tilespmem:s29], [sflag:$0x1] =	stream.indirect_vreg.gather [hbm4b:s4+s3], $0x80, v4, vm0, $0xb8;
	[tilespmem:$0x18080] =	vst v63  }
0x1c6: {  	s30 =	simm.s32 $0x10080  }
0x1c7: {  	[tilespmem:s30], [sflag:$0x1] =	stream.indirect_vreg.gather [hbm4b:s5+s3], $0x80, v4, vm0, $0xb8;
	[tilespmem:$0x18080] =	vst v63  }
0x1c8: {  	s31 =	simm.s32 $0x10880  }
0x1c9: {  	[tilespmem:s31], [sflag:$0x1] =	stream.indirect_vreg.gather [hbm4b:s1+s3], $0x80, v3, vm0, $0xb8;
	[tilespmem:$0x18080] =	vst v63  }
0x1ca: {  	s9 =	simm.s32 $0x11080  }
0x1cb: {  	[tilespmem:s9], [sflag:$0x1] =	stream.indirect_vreg.gather [hbm4b:s4+s3], $0x80, v3, vm0, $0xb8;
	[tilespmem:$0x18080] =	vst v63  }
0x1cc: {  	s9 =	simm.s32 $0x11880  }
0x1cd: {  	[tilespmem:s9], [sflag:$0x1] =	stream.indirect_vreg.gather [hbm4b:s5+s3], $0x80, v3, vm0, $0xb8;
	[tilespmem:$0x18080] =	vst v63  }
0x1ce: {  	v3 =	vld [tilespmem:$0x60];
	_ =	sdelay $0x4  }
0x1cf: {  	v54 =	vshrl.u32 v3, $0x3  }
0x1d0: {  	v4 =	vmul.u32 $0x30, v54  }
0x1d1: {  	v3 =	vand.u32 $0x7, v3  }
0x1d2: {  	v3 =	vor.u32 v3, v4  }
0x1d3: {  	v4 =	vperm.xlane v3, v0;
	_ =	sdelay $0x1  }
0x1d4: {  	v4 =	vadd.s32 v1, v4;
	_ =	sdelay $0x3  }
0x1d5: {  	s9 =	simm.s32 $0x12080;
	v3 =	vperm.xlane v3, v2  }
0x1d6: {  	[tilespmem:s9], [sflag:$0x1] =	stream.indirect_vreg.gather [hbm4b:s1+s3], $0x80, v4, vm0, $0xb8;
	[tilespmem:$0x18080] =	vst v63  }
0x1d7: {  	v3 =	vadd.s32 v1, v3;
	s9 =	simm.s32 $0x12880  }
0x1d8: {  	[tilespmem:s9], [sflag:$0x1] =	stream.indirect_vreg.gather [hbm4b:s4+s3], $0x80, v4, vm0, $0xb8;
	[tilespmem:$0x18080] =	vst v63  }
0x1d9: {  	s9 =	simm.s32 $0x13080  }
0x1da: {  	[tilespmem:s9], [sflag:$0x1] =	stream.indirect_vreg.gather [hbm4b:s5+s3], $0x80, v4, vm0, $0xb8;
	[tilespmem:$0x18080] =	vst v63  }
0x1db: {  	s9 =	simm.s32 $0x13880  }
0x1dc: {  	[tilespmem:s9], [sflag:$0x1] =	stream.indirect_vreg.gather [hbm4b:s1+s3], $0x80, v3, vm0, $0xb8;
	[tilespmem:$0x18080] =	vst v63  }
0x1dd: {  	s9 =	simm.s32 $0x14080  }
0x1de: {  	[tilespmem:s9], [sflag:$0x1] =	stream.indirect_vreg.gather [hbm4b:s4+s3], $0x80, v3, vm0, $0xb8;
	[tilespmem:$0x18080] =	vst v63  }
0x1df: {  	s9 =	simm.s32 $0x14880  }
0x1e0: {  	[tilespmem:s9], [sflag:$0x1] =	stream.indirect_vreg.gather [hbm4b:s5+s3], $0x80, v3, vm0, $0xb8;
	[tilespmem:$0x18080] =	vst v63  }
0x1e1: {  	v3 =	vld [tilespmem:$0x70];
	_ =	sdelay $0x4  }
0x1e2: {  	v55 =	vshrl.u32 v3, $0x3  }
0x1e3: {  	v4 =	vmul.u32 $0x30, v55  }
0x1e4: {  	v3 =	vand.u32 $0x7, v3  }
0x1e5: {  	v3 =	vor.u32 v3, v4  }
0x1e6: {  	v4 =	vperm.xlane v3, v0;
	_ =	sdelay $0x1  }
0x1e7: {  	v4 =	vadd.s32 v1, v4;
	_ =	sdelay $0x3  }
0x1e8: {  	s9 =	simm.s32 $0x15080;
	v3 =	vperm.xlane v3, v2  }
0x1e9: {  	[tilespmem:s9], [sflag:$0x1] =	stream.indirect_vreg.gather [hbm4b:s1+s3], $0x80, v4, vm0, $0xb8;
	[tilespmem:$0x18080] =	vst v63  }
0x1ea: {  	v3 =	vadd.s32 v1, v3;
	s9 =	simm.s32 $0x15880  }
0x1eb: {  	[tilespmem:s9], [sflag:$0x1] =	stream.indirect_vreg.gather [hbm4b:s4+s3], $0x80, v4, vm0, $0xb8;
	[tilespmem:$0x18080] =	vst v63  }
0x1ec: {  	s9 =	simm.s32 $0x16080  }
0x1ed: {  	[tilespmem:s9], [sflag:$0x1] =	stream.indirect_vreg.gather [hbm4b:s5+s3], $0x80, v4, vm0, $0xb8;
	[tilespmem:$0x18080] =	vst v63  }
0x1ee: {  	s9 =	simm.s32 $0x16880  }
0x1ef: {  	[tilespmem:s9], [sflag:$0x1] =	stream.indirect_vreg.gather [hbm4b:s1+s3], $0x80, v3, vm0, $0xb8;
	[tilespmem:$0x18080] =	vst v63  }
0x1f0: {  	s9 =	simm.s32 $0x17080  }
0x1f1: {  	[tilespmem:s9], [sflag:$0x1] =	stream.indirect_vreg.gather [hbm4b:s4+s3], $0x80, v3, vm0, $0xb8;
	[tilespmem:$0x18080] =	vst v63  }
0x1f2: {  	s9 =	simm.s32 $0x17880  }
0x1f3: {  	[tilespmem:s9], [sflag:$0x1] =	stream.indirect_vreg.gather [hbm4b:s5+s3], $0x80, v3, vm0, $0xb8;
	[tilespmem:$0x18080] =	vst v63  }
0x1f4: {  	_ =	swait.ge [sflag:s2], $0x18000  }
0x1f5: {  	[sflag:s2] =	ssyncset.done $0x0  }
0x1f6: {  	s9 =	rddreg [dreg:$0x8];
	[sflag:s2] =	ssyncadd.s32 $0xFFFE8000  }
0x1f7: {  	[hbm4b:s9+s3] =	stream.linear.scatter [tilespmem:s28], [sflag:$0x2], $0x18000, $0x38;
	[tilespmem:$0x18080] =	vst v63  }
0x1f8: {  	_ =	swait.ge [sflag:s7], $0x18000  }
0x1f9: {  	[sflag:s7] =	ssyncset.done $0x0  }
0x1fa: {  	s9 =	rddreg [dreg:$0x9];
	[sflag:s7] =	ssyncadd.s32 $0xFFFE8000  }
0x1fb: {  	[tilespmem:s3], [sflag:$0x2] =	stream.linear.gather [hbm4b:s9+s3], $0x80, $0x38;
	[tilespmem:$0x18080] =	vst v63  }
0x1fc: {  	_ =	swait.ge [sflag:s7], $0x80  }
0x1fd: {  	[sflag:s7] =	ssyncset.done $0x0  }
0x1fe: {  	[sflag:s7] =	ssyncadd.s32 $0xFFFFFF80  }
0x1ff: {  	v3 =	vld [tilespmem:$0x0];
	_ =	sdelay $0x4  }
0x200: {  	v56 =	vshrl.u32 v3, $0x3  }
0x201: {  	v4 =	vmul.u32 $0x30, v56  }
0x202: {  	v3 =	vand.u32 $0x7, v3  }
0x203: {  	v3 =	vor.u32 v3, v4  }
0x204: {  	v4 =	vperm.xlane v3, v0;
	_ =	sdelay $0x1  }
0x205: {  	v4 =	vadd.s32 v1, v4;
	_ =	sdelay $0x3  }
0x206: {  	v3 =	vperm.xlane v3, v2  }
0x207: {  	[tilespmem:s28], [sflag:$0x1] =	stream.indirect_vreg.gather [hbm4b:s1+s3], $0x80, v4, vm0, $0xb8;
	[tilespmem:$0x18080] =	vst v63  }
0x208: {  	s0 =	simm.s32 $0x880;
	v3 =	vadd.s32 v1, v3  }
0x209: {  	[tilespmem:s0], [sflag:$0x1] =	stream.indirect_vreg.gather [hbm4b:s4+s3], $0x80, v4, vm0, $0xb8;
	[tilespmem:$0x18080] =	vst v63  }
0x20a: {  	s8 =	simm.s32 $0x1080  }
0x20b: {  	[tilespmem:s8], [sflag:$0x1] =	stream.indirect_vreg.gather [hbm4b:s5+s3], $0x80, v4, vm0, $0xb8;
	[tilespmem:$0x18080] =	vst v63  }
0x20c: {  	s10 =	simm.s32 $0x1880  }
0x20d: {  	[tilespmem:s10], [sflag:$0x1] =	stream.indirect_vreg.gather [hbm4b:s1+s3], $0x80, v3, vm0, $0xb8;
	[tilespmem:$0x18080] =	vst v63  }
0x20e: {  	s11 =	simm.s32 $0x2080  }
0x20f: {  	[tilespmem:s11], [sflag:$0x1] =	stream.indirect_vreg.gather [hbm4b:s4+s3], $0x80, v3, vm0, $0xb8;
	[tilespmem:$0x18080] =	vst v63  }
0x210: {  	s10 =	simm.s32 $0x2880  }
0x211: {  	[tilespmem:s10], [sflag:$0x1] =	stream.indirect_vreg.gather [hbm4b:s5+s3], $0x80, v3, vm0, $0xb8;
	[tilespmem:$0x18080] =	vst v63  }
0x212: {  	v3 =	vld [tilespmem:$0x10];
	_ =	sdelay $0x4  }
0x213: {  	v57 =	vshrl.u32 v3, $0x3  }
0x214: {  	v4 =	vmul.u32 $0x30, v57  }
0x215: {  	v3 =	vand.u32 $0x7, v3  }
0x216: {  	v3 =	vor.u32 v3, v4  }
0x217: {  	v4 =	vperm.xlane v3, v0;
	_ =	sdelay $0x1  }
0x218: {  	v4 =	vadd.s32 v1, v4;
	_ =	sdelay $0x3  }
0x219: {  	s11 =	simm.s32 $0x3080;
	v3 =	vperm.xlane v3, v2  }
0x21a: {  	[tilespmem:s11], [sflag:$0x1] =	stream.indirect_vreg.gather [hbm4b:s1+s3], $0x80, v4, vm0, $0xb8;
	[tilespmem:$0x18080] =	vst v63  }
0x21b: {  	s12 =	simm.s32 $0x3880;
	v3 =	vadd.s32 v1, v3  }
0x21c: {  	[tilespmem:s12], [sflag:$0x1] =	stream.indirect_vreg.gather [hbm4b:s4+s3], $0x80, v4, vm0, $0xb8;
	[tilespmem:$0x18080] =	vst v63  }
0x21d: {  	s13 =	simm.s32 $0x4080  }
0x21e: {  	[tilespmem:s13], [sflag:$0x1] =	stream.indirect_vreg.gather [hbm4b:s5+s3], $0x80, v4, vm0, $0xb8;
	[tilespmem:$0x18080] =	vst v63  }
0x21f: {  	s14 =	simm.s32 $0x4880  }
0x220: {  	[tilespmem:s14], [sflag:$0x1] =	stream.indirect_vreg.gather [hbm4b:s1+s3], $0x80, v3, vm0, $0xb8;
	[tilespmem:$0x18080] =	vst v63  }
0x221: {  	s15 =	simm.s32 $0x5080  }
0x222: {  	[tilespmem:s15], [sflag:$0x1] =	stream.indirect_vreg.gather [hbm4b:s4+s3], $0x80, v3, vm0, $0xb8;
	[tilespmem:$0x18080] =	vst v63  }
0x223: {  	s14 =	simm.s32 $0x5880  }
0x224: {  	[tilespmem:s14], [sflag:$0x1] =	stream.indirect_vreg.gather [hbm4b:s5+s3], $0x80, v3, vm0, $0xb8;
	[tilespmem:$0x18080] =	vst v63  }
0x225: {  	v3 =	vld [tilespmem:$0x20];
	_ =	sdelay $0x4  }
0x226: {  	v58 =	vshrl.u32 v3, $0x3  }
0x227: {  	v4 =	vmul.u32 $0x30, v58  }
0x228: {  	v3 =	vand.u32 $0x7, v3  }
0x229: {  	v3 =	vor.u32 v3, v4  }
0x22a: {  	v4 =	vperm.xlane v3, v0;
	_ =	sdelay $0x1  }
0x22b: {  	v4 =	vadd.s32 v1, v4;
	_ =	sdelay $0x3  }
0x22c: {  	s15 =	simm.s32 $0x6080;
	v3 =	vperm.xlane v3, v2  }
0x22d: {  	[tilespmem:s15], [sflag:$0x1] =	stream.indirect_vreg.gather [hbm4b:s1+s3], $0x80, v4, vm0, $0xb8;
	[tilespmem:$0x18080] =	vst v63  }
0x22e: {  	s16 =	simm.s32 $0x6880;
	v3 =	vadd.s32 v1, v3  }
0x22f: {  	[tilespmem:s16], [sflag:$0x1] =	stream.indirect_vreg.gather [hbm4b:s4+s3], $0x80, v4, vm0, $0xb8;
	[tilespmem:$0x18080] =	vst v63  }
0x230: {  	s17 =	simm.s32 $0x7080  }
0x231: {  	[tilespmem:s17], [sflag:$0x1] =	stream.indirect_vreg.gather [hbm4b:s5+s3], $0x80, v4, vm0, $0xb8;
	[tilespmem:$0x18080] =	vst v63  }
0x232: {  	s18 =	simm.s32 $0x7880  }
0x233: {  	[tilespmem:s18], [sflag:$0x1] =	stream.indirect_vreg.gather [hbm4b:s1+s3], $0x80, v3, vm0, $0xb8;
	[tilespmem:$0x18080] =	vst v63  }
0x234: {  	s19 =	simm.s32 $0x8080  }
0x235: {  	[tilespmem:s19], [sflag:$0x1] =	stream.indirect_vreg.gather [hbm4b:s4+s3], $0x80, v3, vm0, $0xb8;
	[tilespmem:$0x18080] =	vst v63  }
0x236: {  	s8 =	simm.s32 $0x8880  }
0x237: {  	[tilespmem:s8], [sflag:$0x1] =	stream.indirect_vreg.gather [hbm4b:s5+s3], $0x80, v3, vm0, $0xb8;
	[tilespmem:$0x18080] =	vst v63  }
0x238: {  	v3 =	vld [tilespmem:$0x30];
	_ =	sdelay $0x4  }
0x239: {  	v59 =	vshrl.u32 v3, $0x3  }
0x23a: {  	v4 =	vmul.u32 $0x30, v59  }
0x23b: {  	v3 =	vand.u32 $0x7, v3  }
0x23c: {  	v3 =	vor.u32 v3, v4  }
0x23d: {  	v4 =	vperm.xlane v3, v0;
	_ =	sdelay $0x1  }
0x23e: {  	v4 =	vadd.s32 v1, v4;
	_ =	sdelay $0x3  }
0x23f: {  	s9 =	simm.s32 $0x9080;
	v3 =	vperm.xlane v3, v2  }
0x240: {  	[tilespmem:s9], [sflag:$0x1] =	stream.indirect_vreg.gather [hbm4b:s1+s3], $0x80, v4, vm0, $0xb8;
	[tilespmem:$0x18080] =	vst v63  }
0x241: {  	s20 =	simm.s32 $0x9880;
	v3 =	vadd.s32 v1, v3  }
0x242: {  	[tilespmem:s20], [sflag:$0x1] =	stream.indirect_vreg.gather [hbm4b:s4+s3], $0x80, v4, vm0, $0xb8;
	[tilespmem:$0x18080] =	vst v63  }
0x243: {  	s21 =	simm.s32 $0xA080  }
0x244: {  	[tilespmem:s21], [sflag:$0x1] =	stream.indirect_vreg.gather [hbm4b:s5+s3], $0x80, v4, vm0, $0xb8;
	[tilespmem:$0x18080] =	vst v63  }
0x245: {  	s22 =	simm.s32 $0xA880  }
0x246: {  	[tilespmem:s22], [sflag:$0x1] =	stream.indirect_vreg.gather [hbm4b:s1+s3], $0x80, v3, vm0, $0xb8;
	[tilespmem:$0x18080] =	vst v63  }
0x247: {  	s10 =	simm.s32 $0xB080  }
0x248: {  	[tilespmem:s10], [sflag:$0x1] =	stream.indirect_vreg.gather [hbm4b:s4+s3], $0x80, v3, vm0, $0xb8;
	[tilespmem:$0x18080] =	vst v63  }
0x249: {  	s11 =	simm.s32 $0xB880  }
0x24a: {  	[tilespmem:s11], [sflag:$0x1] =	stream.indirect_vreg.gather [hbm4b:s5+s3], $0x80, v3, vm0, $0xb8;
	[tilespmem:$0x18080] =	vst v63  }
0x24b: {  	v3 =	vld [tilespmem:$0x40];
	_ =	sdelay $0x4  }
0x24c: {  	v60 =	vshrl.u32 v3, $0x3  }
0x24d: {  	v4 =	vmul.u32 $0x30, v60  }
0x24e: {  	v3 =	vand.u32 $0x7, v3  }
0x24f: {  	v3 =	vor.u32 v3, v4  }
0x250: {  	v4 =	vperm.xlane v3, v0;
	_ =	sdelay $0x1  }
0x251: {  	v4 =	vadd.s32 v1, v4;
	_ =	sdelay $0x3  }
0x252: {  	s12 =	simm.s32 $0xC080;
	v3 =	vperm.xlane v3, v2  }
0x253: {  	[tilespmem:s12], [sflag:$0x1] =	stream.indirect_vreg.gather [hbm4b:s1+s3], $0x80, v4, vm0, $0xb8;
	[tilespmem:$0x18080] =	vst v63  }
0x254: {  	s23 =	simm.s32 $0xC880;
	v3 =	vadd.s32 v1, v3  }
0x255: {  	[tilespmem:s23], [sflag:$0x1] =	stream.indirect_vreg.gather [hbm4b:s4+s3], $0x80, v4, vm0, $0xb8;
	[tilespmem:$0x18080] =	vst v63  }
0x256: {  	s24 =	simm.s32 $0xD080  }
0x257: {  	[tilespmem:s24], [sflag:$0x1] =	stream.indirect_vreg.gather [hbm4b:s5+s3], $0x80, v4, vm0, $0xb8;
	[tilespmem:$0x18080] =	vst v63  }
0x258: {  	s25 =	simm.s32 $0xD880  }
0x259: {  	[tilespmem:s25], [sflag:$0x1] =	stream.indirect_vreg.gather [hbm4b:s1+s3], $0x80, v3, vm0, $0xb8;
	[tilespmem:$0x18080] =	vst v63  }
0x25a: {  	s26 =	simm.s32 $0xE080  }
0x25b: {  	[tilespmem:s26], [sflag:$0x1] =	stream.indirect_vreg.gather [hbm4b:s4+s3], $0x80, v3, vm0, $0xb8;
	[tilespmem:$0x18080] =	vst v63  }
0x25c: {  	s13 =	simm.s32 $0xE880  }
0x25d: {  	[tilespmem:s13], [sflag:$0x1] =	stream.indirect_vreg.gather [hbm4b:s5+s3], $0x80, v3, vm0, $0xb8;
	[tilespmem:$0x18080] =	vst v63  }
0x25e: {  	v3 =	vld [tilespmem:$0x50];
	_ =	sdelay $0x4  }
0x25f: {  	v61 =	vshrl.u32 v3, $0x3  }
0x260: {  	v4 =	vmul.u32 $0x30, v61  }
0x261: {  	v3 =	vand.u32 $0x7, v3  }
0x262: {  	v3 =	vor.u32 v3, v4  }
0x263: {  	v4 =	vperm.xlane v3, v0;
	_ =	sdelay $0x1  }
0x264: {  	v4 =	vadd.s32 v1, v4;
	_ =	sdelay $0x3  }
0x265: {  	s14 =	simm.s32 $0xF080;
	v3 =	vperm.xlane v3, v2  }
0x266: {  	[tilespmem:s14], [sflag:$0x1] =	stream.indirect_vreg.gather [hbm4b:s1+s3], $0x80, v4, vm0, $0xb8;
	[tilespmem:$0x18080] =	vst v63  }
0x267: {  	s29 =	simm.s32 $0xF880;
	v3 =	vadd.s32 v1, v3  }
0x268: {  	[tilespmem:s29], [sflag:$0x1] =	stream.indirect_vreg.gather [hbm4b:s4+s3], $0x80, v4, vm0, $0xb8;
	[tilespmem:$0x18080] =	vst v63  }
0x269: {  	s30 =	simm.s32 $0x10080  }
0x26a: {  	[tilespmem:s30], [sflag:$0x1] =	stream.indirect_vreg.gather [hbm4b:s5+s3], $0x80, v4, vm0, $0xb8;
	[tilespmem:$0x18080] =	vst v63  }
0x26b: {  	s31 =	simm.s32 $0x10880  }
0x26c: {  	[tilespmem:s31], [sflag:$0x1] =	stream.indirect_vreg.gather [hbm4b:s1+s3], $0x80, v3, vm0, $0xb8;
	[tilespmem:$0x18080] =	vst v63  }
0x26d: {  	s15 =	simm.s32 $0x11080  }
0x26e: {  	[tilespmem:s15], [sflag:$0x1] =	stream.indirect_vreg.gather [hbm4b:s4+s3], $0x80, v3, vm0, $0xb8;
	[tilespmem:$0x18080] =	vst v63  }
0x26f: {  	s16 =	simm.s32 $0x11880  }
0x270: {  	[tilespmem:s16], [sflag:$0x1] =	stream.indirect_vreg.gather [hbm4b:s5+s3], $0x80, v3, vm0, $0xb8;
	[tilespmem:$0x18080] =	vst v63  }
0x271: {  	v3 =	vld [tilespmem:$0x60];
	_ =	sdelay $0x4  }
0x272: {  	v62 =	vshrl.u32 v3, $0x3  }
0x273: {  	v4 =	vmul.u32 $0x30, v62  }
0x274: {  	v3 =	vand.u32 $0x7, v3  }
0x275: {  	v3 =	vor.u32 v3, v4  }
0x276: {  	v4 =	vperm.xlane v3, v0;
	_ =	sdelay $0x1  }
0x277: {  	v4 =	vadd.s32 v1, v4;
	_ =	sdelay $0x3  }
0x278: {  	s17 =	simm.s32 $0x12080;
	v3 =	vperm.xlane v3, v2  }
0x279: {  	[tilespmem:s17], [sflag:$0x1] =	stream.indirect_vreg.gather [hbm4b:s1+s3], $0x80, v4, vm0, $0xb8;
	[tilespmem:$0x18080] =	vst v63  }
0x27a: {  	s18 =	simm.s32 $0x12880;
	v3 =	vadd.s32 v1, v3  }
0x27b: {  	[tilespmem:s18], [sflag:$0x1] =	stream.indirect_vreg.gather [hbm4b:s4+s3], $0x80, v4, vm0, $0xb8;
	[tilespmem:$0x18080] =	vst v63  }
0x27c: {  	s19 =	simm.s32 $0x13080  }
0x27d: {  	[tilespmem:s19], [sflag:$0x1] =	stream.indirect_vreg.gather [hbm4b:s5+s3], $0x80, v4, vm0, $0xb8;
	[tilespmem:$0x18080] =	vst v63  }
0x27e: {  	s20 =	simm.s32 $0x13880  }
0x27f: {  	[tilespmem:s20], [sflag:$0x1] =	stream.indirect_vreg.gather [hbm4b:s1+s3], $0x80, v3, vm0, $0xb8;
	[tilespmem:$0x18080] =	vst v63  }
0x280: {  	s21 =	simm.s32 $0x14080  }
0x281: {  	[tilespmem:s21], [sflag:$0x1] =	stream.indirect_vreg.gather [hbm4b:s4+s3], $0x80, v3, vm0, $0xb8;
	[tilespmem:$0x18080] =	vst v63  }
0x282: {  	s22 =	simm.s32 $0x14880  }
0x283: {  	[tilespmem:s22], [sflag:$0x1] =	stream.indirect_vreg.gather [hbm4b:s5+s3], $0x80, v3, vm0, $0xb8;
	[tilespmem:$0x18080] =	vst v63  }
0x284: {  	v3 =	vld [tilespmem:$0x70];
	_ =	sdelay $0x4  }
0x285: {  	v63 =	vshrl.u32 v3, $0x3  }
0x286: {  	v4 =	vmul.u32 $0x30, v63  }
0x287: {  	v3 =	vand.u32 $0x7, v3  }
0x288: {  	v3 =	vor.u32 v3, v4  }
0x289: {  	v4 =	vperm.xlane v3, v0;
	_ =	sdelay $0x1  }
0x28a: {  	v4 =	vadd.s32 v1, v4;
	_ =	sdelay $0x3  }
0x28b: {  	s23 =	simm.s32 $0x15080;
	v3 =	vperm.xlane v3, v2  }
0x28c: {  	[tilespmem:s23], [sflag:$0x1] =	stream.indirect_vreg.gather [hbm4b:s1+s3], $0x80, v4, vm0, $0xb8;
	[tilespmem:$0x18080] =	vst v63  }
0x28d: {  	s24 =	simm.s32 $0x15880;
	v3 =	vadd.s32 v1, v3  }
0x28e: {  	[tilespmem:s24], [sflag:$0x1] =	stream.indirect_vreg.gather [hbm4b:s4+s3], $0x80, v4, vm0, $0xb8;
	[tilespmem:$0x18080] =	vst v63  }
0x28f: {  	s25 =	simm.s32 $0x16080  }
0x290: {  	[tilespmem:s25], [sflag:$0x1] =	stream.indirect_vreg.gather [hbm4b:s5+s3], $0x80, v4, vm0, $0xb8;
	[tilespmem:$0x18080] =	vst v63  }
0x291: {  	s26 =	simm.s32 $0x16880  }
0x292: {  	[tilespmem:s26], [sflag:$0x1] =	stream.indirect_vreg.gather [hbm4b:s1+s3], $0x80, v3, vm0, $0xb8;
	[tilespmem:$0x18080] =	vst v63  }
0x293: {  	s29 =	simm.s32 $0x17080  }
0x294: {  	[tilespmem:s29], [sflag:$0x1] =	stream.indirect_vreg.gather [hbm4b:s4+s3], $0x80, v3, vm0, $0xb8;
	[tilespmem:$0x18080] =	vst v63  }
0x295: {  	s30 =	simm.s32 $0x17880  }
0x296: {  	[tilespmem:s30], [sflag:$0x1] =	stream.indirect_vreg.gather [hbm4b:s5+s3], $0x80, v3, vm0, $0xb8;
	[tilespmem:$0x18080] =	vst v63  }
0x297: {  	_ =	swait.ge [sflag:s2], $0x18000  }
0x298: {  	p0 =	sne.s32 s6, $0x1;
	[sflag:s2] =	ssyncset.done $0x0  }
.Ltmp0:
0x299: {  	s31 =	rddreg [dreg:$0xa];
	[sflag:s2] =	ssyncadd.s32 $0xFFFE8000;
	(pc) =	sbr.rel @p0 .LBB2_1-.Ltmp0, $4  }
0x29a: {  	[hbm4b:s31+s3] =	stream.linear.scatter [tilespmem:s28], [sflag:$0x2], $0x18000, $0x38;
	[tilespmem:$0x18080] =	vst v63  }
0x29b: {  	_ =	swait.ge [sflag:s7], $0x18000  }
0x29c: {  	[sflag:s7] =	ssyncset.done $0x0  }
0x29d: {  	s6 =	sadd.s32 $0xFFFFFFFF, s6;
	[sflag:s7] =	ssyncadd.s32 $0xFFFE8000  }
0x29e: {  	_ =	sfence.sel $0x180000  }
0x29f: {  	[bflag:$0x0] =	sbarrier.arrive $0xFFFF  }
0x2a0: {  	_ =	strace $0x9000004D  }
0x2a1: {  	s0 =	stileid.u32;
	[bflag:$0x2] =	sbarrier.arrive $0xFFFF  }
0x2a2: {  	p0 =	sne.s32 s0, $0x0;
	s0 =	rddreg [dreg:$0x2]  }
0x2a3: {  	s0 =	sadd.s32 @!p0 $0x100000, s0  }
0x2a4: {  	[sflag:s0] =	ssyncadd.tile.s32 @!p0 $0x1;
	_ =	shalt  }
.Lfunc_end2:
_tile_overlayer_lowered:
.L_overlay_start_2:
0x2a5: {  	(tag) =	ssettag $0x2  }
0x2a6: {  	s0 =	rddreg [dreg:$0x0];
	s2 =	stileid.u32  }
0x2a7: {  	s1 =	rddreg [dreg:$0x1];
	p0 =	sne.s32 s2, $0x0  }
0x2a8: {  	s3 =	rddreg [dreg:$0x2];
	[bflag:$0x3] =	sbarrier.arrive $0xFFFF;
	s2 =	simm.s32 @!p0 $0x1C02  }
0x2a9: {  	[timem:s3], [sflag:s2] =	dma.local @!p0 [hbm:s0], s1  }
0x2aa: {  	s0 =	simm.s32 @!p0 $0x2  }
0x2ab: {  	_ =	swait.ge @!p0 [sflag:s0], s1  }
0x2ac: {  	s1 =	ssub.s32 @!p0 $0x0, s1;
	[sflag:s0] =	ssyncset.done @!p0 $0x0  }
0x2ad: {  	[sflag:s0] =	ssyncadd.s32 @!p0 s1  }
0x2ae: {  	[bflag:$0x3] =	sbarrier.arrive $0xFFFF  }
0x2af: {  	_ =	shalt  }

// kernel: kernel.19.cloned.1.call-start
scs
__scs_entry_jumppad:
0x0: {  	(pc) =	sbr.rel $0x88, $3  }
0x1: {  	(tag) =	ssettag $0x0;
	lr =	simm.s32 $0x1  }
0x2: {  	[smem:$0x3F9F] =	sst lr;
	_ =	strace $0xD0000000  }
0x3: {  	_ = 	snop  }
0x4: {  	_ = 	snop  }
0x5: {  	_ = 	snop  }
0x6: {  	_ = 	snop  }
0x7: {  	_ = 	snop  }
__scs_overlays_trampoline_lowered:
0x8: {  	[smem:$0x3FAE] =	sst s0  }
0x9: {  	[smem:$0x3FAF] =	sst s1  }
0xa: {  	[smem:$0x3FB0] =	sst s2  }
0xb: {  	[smem:$0x3FB1] =	sst s3  }
0xc: {  	[smem:$0x3FB2] =	sst s4  }
0xd: {  	[smem:$0x3FB3] =	sst s5  }
0xe: {  	[smem:$0x3FB4] =	sst s6  }
0xf: {  	[smem:$0x3FB5] =	sst s7  }
0x10: {  	[smem:$0x3FB6] =	sst s8  }
0x11: {  	[smem:$0x3FB7] =	sst s9;
	s0 =	simm.s32 @!p0 $0x0  }
0x12: {  	s1 =	sld [smem:$0x3F9D];
	s0 =	simm.s32 @p0 $0x1  }
0x13: {  	[smem:$0x3FB8] =	sst s0;
	s0 =	simm.s32 @!p1 $0x0  }
0x14: {  	s2 =	sld [smem:$0x3F9C];
	s0 =	simm.s32 @p1 $0x1  }
0x15: {  	[smem:$0x3FB9] =	sst s0;
	s0 =	simm.s32 @!p2 $0x0  }
0x16: {  	s3 =	sld [smem:$0x3FDB];
	s0 =	simm.s32 @p2 $0x1  }
0x17: {  	s4 =	simm.s32 $0x1BF5;
	[smem:$0x3FBB] =	sst s0  }
0x18: {  	s0 =	sld [smem:$0x3F9E];
	_ =	swait.ge [sflag:s4], $0x0  }
0x19: {  	s7 =	sld [smem:$0x3F9F]  }
0x1a: {  	s8 =	sadd.s32 $0xFFFFE003, lr  }
0x1b: {  	s9 =	sadd.s32 $0xFFFFFEF7, lr;
	s5 =	simm.s32 $0xFFFFFFFF;
	p2 =	slt.u32 s8, $0xFFFFF086  }
0x1c: {  	p1 =	slt.u32 s9, $0xF7A;
	s5 =	simm.s32 @!p2 $0x0  }
0x1d: {  	s5 =	simm.s32 @p1 $0x1;
	p0 =	seq.s32 s7, s2  }
0x1e: {  	s7 =	smul.u32 @!p0 $0xF7A, s2;
	p2 =	seq.s32 @!p0 s5, $0x0  }
0x1f: {  	s9 =	smul.u32 $0xF7A, s1;
	s8 =	simm.s32 @!p0 $0x1BF5;
	p2 =	por !p2, p0  }
0x20: {  	[sflag:s8] =	ssyncset.s32 @!p0 $0xFFFFF086;
	s6 =	sadd.s32 @!p0 s3, s7;
	s7 =	simm.s32 @!p0 $0x108  }
0x21: {  	s3 =	sadd.s32 s3, s9;
	s6 =	sadd.s32 @!p0 $0x88, s6;
	s7 =	simm.s32 @p2 $0x1082  }
0x22: {  	[simem:s7], [sflag:s8] =	dma.local @!p0 [hbm:s6], $0xF7A  }
0x23: {  	s9 =	sor.u32 $0xD0000000, s2;
	s6 =	simm.s32 $0x108;
	_ =	swait.ge @!p0 [sflag:s8], $0x0  }
0x24: {  	s3 =	sadd.s32 $0x88, s3;
	s6 =	simm.s32 @!p1 $0x1082;
	[sflag:s4] =	ssyncset.s32 $0xFFFFF086  }
0x25: {  	[simem:s6], [sflag:s4] =	dma.local [hbm:s3], $0xF7A  }
0x26: {  	[smem:$0x3F9F] =	sst s1;
	(tag) =	ssettag s2;
	_ =	strace s9  }
0x27: {  	s1 =	sld [smem:$0x3FAF]  }
0x28: {  	s2 =	sld [smem:$0x3FB0]  }
0x29: {  	s4 =	sld [smem:$0x3FB2]  }
0x2a: {  	p0 =	seq.s32 s5, $0x0;
	s5 =	sld [smem:$0x3FB3]  }
0x2b: {  	s6 =	sld [smem:$0x3FB4]  }
0x2c: {  	s7 =	sld [smem:$0x3FB5]  }
0x2d: {  	s3 =	simm.s32 $0x108;
	s8 =	sld [smem:$0x3FB6]  }
0x2e: {  	s3 =	simm.s32 @!p0 $0x1082;
	s9 =	sld [smem:$0x3FB7]  }
0x2f: {  	lr =	sadd.s32 s0, s3;
	s0 =	sld [smem:$0x3FAE]  }
0x30: {  	s3 =	sld [smem:$0x3FB1]  }
0x31: {  	[smem:$0x3FBA] =	sst s10  }
0x32: {  	s10 =	sld [smem:$0x3FB8];
	_ =	sdelay $0x3  }
0x33: {  	p0 =	seq.s32 s10, $0x1;
	s10 =	sld [smem:$0x3FBA];
	_ =	sdelay $0x3  }
0x34: {  	[smem:$0x3FBA] =	sst s10  }
0x35: {  	s10 =	sld [smem:$0x3FB9];
	_ =	sdelay $0x3  }
0x36: {  	p1 =	seq.s32 s10, $0x1;
	s10 =	sld [smem:$0x3FBA];
	_ =	sdelay $0x3  }
0x37: {  	[smem:$0x3FBA] =	sst s10  }
0x38: {  	s10 =	sld [smem:$0x3FBB]  }
0x39: {  	_ = 	snop;
	(pc) =	sbr.ind lr, $3  }
0x3a: {  	_ = 	snop  }
0x3b: {  	_ = 	snop  }
0x3c: {  	p2 =	seq.s32 s10, $0x1;
	s10 =	sld [smem:$0x3FBA]  }
0x3d: {  	_ =	shalt  }
0x3e: {  	_ =	shalt  }
0x3f: {  	_ =	shalt  }
0x40: {  	_ =	shalt  }
0x41: {  	_ =	shalt  }
0x42: {  	_ =	shalt  }
0x43: {  	_ =	shalt  }
0x44: {  	_ =	shalt  }
0x45: {  	_ =	shalt  }
0x46: {  	_ =	shalt  }
0x47: {  	_ =	shalt  }
0x48: {  	_ =	shalt  }
0x49: {  	_ =	shalt  }
0x4a: {  	_ =	shalt  }
0x4b: {  	_ =	shalt  }
0x4c: {  	_ =	shalt  }
0x4d: {  	_ =	shalt  }
0x4e: {  	_ =	shalt  }
0x4f: {  	_ =	shalt  }
0x50: {  	_ =	shalt  }
0x51: {  	_ =	shalt  }
0x52: {  	_ =	shalt  }
0x53: {  	_ =	shalt  }
0x54: {  	_ =	shalt  }
0x55: {  	_ =	shalt  }
0x56: {  	_ =	shalt  }
0x57: {  	_ =	shalt  }
0x58: {  	_ =	shalt  }
0x59: {  	_ =	shalt  }
0x5a: {  	_ =	shalt  }
0x5b: {  	_ =	shalt  }
0x5c: {  	_ =	shalt  }
0x5d: {  	_ =	shalt  }
0x5e: {  	_ =	shalt  }
0x5f: {  	_ =	shalt  }
0x60: {  	_ =	shalt  }
0x61: {  	_ =	shalt  }
0x62: {  	_ =	shalt  }
0x63: {  	_ =	shalt  }
0x64: {  	_ =	shalt  }
0x65: {  	_ =	shalt  }
0x66: {  	_ =	shalt  }
0x67: {  	_ =	shalt  }
0x68: {  	_ =	shalt  }
0x69: {  	_ =	shalt  }
0x6a: {  	_ =	shalt  }
0x6b: {  	_ =	shalt  }
0x6c: {  	_ =	shalt  }
0x6d: {  	_ =	shalt  }
0x6e: {  	_ =	shalt  }
0x6f: {  	_ =	shalt  }
0x70: {  	_ =	shalt  }
0x71: {  	_ =	shalt  }
0x72: {  	_ =	shalt  }
0x73: {  	_ =	shalt  }
0x74: {  	_ =	shalt  }
0x75: {  	_ =	shalt  }
0x76: {  	_ =	shalt  }
0x77: {  	_ =	shalt  }
0x78: {  	_ =	shalt  }
0x79: {  	_ =	shalt  }
0x7a: {  	_ =	shalt  }
0x7b: {  	_ =	shalt  }
0x7c: {  	_ =	shalt  }
0x7d: {  	_ =	shalt  }
0x7e: {  	_ =	shalt  }
0x7f: {  	_ =	shalt  }
0x80: {  	_ =	shalt  }
0x81: {  	_ =	shalt  }
0x82: {  	_ =	shalt  }
0x83: {  	_ =	shalt  }
0x84: {  	_ =	shalt  }
0x85: {  	_ =	shalt  }
0x86: {  	_ =	shalt  }
0x87: {  	_ =	shalt  }
.Lfunc_end0:
.L_simem_size_0:
called_computation.3_lowered:
.L_overlay_start_0:
0x88: {  	s2 =	sld [smem:$0x3FD9]  }
0x89: {  	s3 =	sld [smem:$0x3FFE];
	_ =	sdelay $0x1  }
0x8a: {  	s1 =	srdreg.scid  }
0x8b: {  	s0 =	sand.u32 $0x1, s1  }
0x8c: {  	s17 =	sshll.u32 s0, $0xA;
	s2 =	sadd.s32 s3, s2  }
0x8d: {  	s2 =	sadd.s32 s2, s17  }
0x8e: {  	[smem:$0x3FC6] =	sst s2  }
0x8f: {  	_ = 	snop  }
0x90: {  	s18 =	sld [smem:$0x3FC8];
	(tm) =	ssettm $0x1  }
0x91: {  	s19 =	sld [smem:$0x3FFB];
	_ =	sdelay $0x3  }
0x92: {  	_ =	strace s19  }
0x93: {  	s2 =	sld [smem:$0x3FFC];
	_ =	sdelay $0x3  }
0x94: {  	_ =	strace s2  }
0x95: {  	s2 =	sld [smem:$0x3FFD];
	_ =	sdelay $0x3  }
0x96: {  	_ =	strace s2  }
0x97: {  	_ =	strace $0x8FFFFFFF  }
0x98: {  	s20 =	sld [smem:$0x3FDB];
	_ =	sdelay $0x1  }
0x99: {  	s4 =	simm.s32 $_scs_section_size  }
0x9a: {  	s5 =	simm.s32 $_size__tile_overlayer_lowered;
	s6 =	simm.s32 $_tile_overlayer_lowered  }
0x9b: {  	s7 =	simm.s32 $0x1BFF;
	s21 =	sshll.u32 s6, $0x1;
	s4 =	sadd.s32 s4, s20  }
0x9c: {  	s22 =	simm.s32 $0x0;
	s5 =	sshll.u32 s5, $0x1;
	s6 =	sadd.s32 s21, s4  }
0x9d: {  	[timem:s22], [sflag:s7] =	dma.local [hbm:s6], s5  }
0x9e: {  	_ =	swait.ge [sflag:s7], s5  }
0x9f: {  	s5 =	ssub.s32 $0x0, s5;
	[sflag:s7] =	ssyncset.done $0x0  }
0xa0: {  	[sflag:s7] =	ssyncadd.s32 s5;
	_ =	sdelay $0x1  }
0xa1: {  	s23 =	simm.s32 $0x1B8B  }
0xa2: {  	_ =	swait.ge [sflag:s23], $0x1  }
0xa3: {  	[sflag:s23] =	ssyncset.done $0x0  }
0xa4: {  	[sflag:s23] =	ssyncadd.s32 $0xFFFFFFFF  }
0xa5: {  	s5 =	sld [smem:$0x0]  }
0xa6: {  	s6 =	sand.u32 $0xFFFFFFFE, s1  }
0xa7: {  	p0 =	sne.s32 s1, s6  }
0xa8: {  	s6 =	sshll.u32 @p0 s6, $0xE  }
0xa9: {  	s6 =	sadd.s32 @p0 $0x11B8D, s6;
	s7 =	sshll.u32 @p0 s5, $0x11  }
0xaa: {  	s6 =	sor.u32 @p0 s7, s6  }
0xab: {  	[sflag:s6] =	ssyncadd.remote.s32 @p0 $0x1;
	_ =	sdelay $0x1  }
0xac: {  	s6 =	simm.s32 @p0 $0x1B8D  }
0xad: {  	_ =	swait.eq @p0 [sflag:s6], $0x1  }
0xae: {  	[sflag:s6] =	ssyncadd.s32 @p0 $0xFFFFFFFF  }
0xaf: {  	s7 =	sshll.u32 @!p0 s1, $0xE  }
0xb0: {  	s7 =	sor.u32 @!p0 $0x4000, s7;
	s6 =	simm.s32 @!p0 $0x1B8D  }
0xb1: {  	s5 =	sshll.u32 @!p0 s5, $0x11;
	s7 =	sadd.s32 @!p0 $0x11B8D, s7;
	_ =	swait.eq @!p0 [sflag:s6], $0x1  }
0xb2: {  	s5 =	sor.u32 @!p0 s5, s7;
	[sflag:s6] =	ssyncadd.s32 @!p0 $0xFFFFFFFF  }
0xb3: {  	s25 =	simm.s32 $0x1B8E;
	s24 =	sld [smem:$0x3FFE];
	[sflag:s5] =	ssyncadd.remote.s32 @!p0 $0x1  }
0xb4: {  	s26 =	simm.s32 $execute0_lowered;
	[smem:$0x3FD2] =	sst s25  }
0xb5: {  	s6 =	sshll.u32 s26, $0x1;
	_ =	strace $0x8000004F;
	[dreg:$0x1] =	wrdreg $0xFFFFFFFF  }
0xb6: {  	s28 =	simm.s32 $_size_execute0_lowered;
	s4 =	sadd.s32 s4, s6;
	[dreg:$0x0] =	wrdreg $0x0  }
0xb7: {  	s6 =	sshll.u32 s28, $0x1;
	[dreg:$0x2] =	wrdreg s4  }
0xb8: {  	[dreg:$0x3] =	wrdreg s6  }
0xb9: {  	[dreg:$0x4] =	wrdreg $0xC0  }
0xba: {  	_ =	task [dreg:s22], $0x5FFFF  }
0xbb: {  	[dreg:$0x1] =	wrdreg $0xFFFFFFFF  }
0xbc: {  	[dreg:$0x0] =	wrdreg $0x60  }
0xbd: {  	[dreg:$0x2] =	wrdreg s18  }
0xbe: {  	[dreg:$0x3] =	wrdreg s24  }
0xbf: {  	[dreg:$0x4] =	wrdreg $0xC  }
0xc0: {  	_ =	task.clear_ibuf [dreg:s22], $0x5FFFF;
	_ =	strace $0x9000004F  }
0xc1: {  	s29 =	simm.s32 $0xC;
	_ =	strace $0x80000051  }
0xc2: {  	_ =	swait.ge [sflag:s29], $0x1  }
0xc3: {  	[sflag:s29] =	ssyncadd.s32 $0xFFFFFFFF  }
0xc4: {  	_ =	strace $0x90000051  }
0xc5: {  	_ =	sfence  }
0xc6: {  	s30 =	sld [smem:$0x0];
	_ =	sdelay $0x2  }
0xc7: {  	s31 =	sshll.u32 s1, $0xD;
	s1 =	sshrl.u32 s1, $0x2  }
0xc8: {  	s4 =	sand.u32 $0x4000, s31;
	s1 =	sadd.s32 s1, s30  }
0xc9: {  	s0 =	sor.u32 s4, s0;
	s1 =	sshll.u32 s1, $0x11  }
0xca: {  	s0 =	sor.u32 s1, s0  }
0xcb: {  	s0 =	sadd.s32 $0x8F2B, s0  }
0xcc: {  	[sflag:s0] =	ssyncadd.remote.s32 $0x1  }
0xcd: {  	_ =	sfence.sel $0xFFFF  }
0xce: {  	[dreg:$0x0] =	wrdreg $0xFFFFFFFF;
	(pc) =	sbr.abs _section_cstart, $3  }
0xcf: {  	[dreg:$0x1] =	wrdreg $0xFFFFFFFF  }
0xd0: {  	_ =	task.clear_ibuf [dreg:s22], $0x2FFFF;
	_ =	strace $0x9FFFFFFF  }
0xd1: {  	(tm) =	ssettm $0x7FFFFFFF  }
tec
execute0_lowered:
.L_overlay_start_1:
0x0: {  	(tag) =	ssettag $0x1  }
0x1: {  	s1 =	rddreg [dreg:$0x0]  }
0x2: {  	s0 =	rddreg [dreg:$0x1];
	s2 =	srdreg.scid  }
0x3: {  	s3 =	simm.s32 $0x0;
	s4 =	stileid.u32;
	s28 =	simm.s32 $0x80  }
0x4: {  	s2 =	sand.u32 $0x1, s2;
	[smem:$0x7FF] =	sst s3;
	s4 =	sshll.u32 s4, $0x7  }
0x5: {  	s6 =	sadd.s32 $0x182400, s0;
	s0 =	sadd.s32 $0x482C00, s0;
	s5 =	sshll.u32 s2, $0x6  }
0x6: {  	_ =	strace $0x80000050;
	s2 =	ssub.s32 $0x2, s2;
	s4 =	sor.u32 s5, s4  }
0x7: {  	s31 =	sshrl.u32 s2, $0x1;
	s5 =	smul.u32 $0x300, s4;
	s7 =	sadd.s32 s6, s4  }
0x8: {  	s8 =	sor.u32 $0x10, s4;
	s23 =	sor.u32 $0x20, s4;
	s4 =	sor.u32 $0x30, s4  }
0x9: {  	s2 =	ssub.s32 s2, s31;
	[dreg:$0x3] =	wrdreg s7;
	s22 =	sadd.s32 s6, s8  }
0xa: {  	s21 =	smul.u32 $0x300, s8;
	s26 =	sadd.s32 s6, s23;
	[dreg:$0x5] =	wrdreg s22  }
0xb: {  	s30 =	smul.u32 $0x300, s4;
	s4 =	sadd.s32 s6, s4;
	[dreg:$0x7] =	wrdreg s26  }
0xc: {  	s25 =	smul.u32 $0x300, s23;
	s5 =	sadd.s32 s0, s5;
	[dreg:$0x9] =	wrdreg s4  }
0xd: {  	s6 =	smax.u32 s2, $0x1;
	[dreg:$0x4] =	wrdreg s5;
	s24 =	sadd.s32 s0, s21  }
0xe: {  	v2 =	vlaneseq.u32;
	s7 =	simm.s32 $0x2;
	s29 =	sadd.s32 s0, s25;
	[dreg:$0x6] =	wrdreg s24  }
0xf: {  	vm0 =	vmmov $0xffff;
	v1 =	vshrl.u32 v2, $0x3;
	s2 =	simm.s32 $0x1;
	s0 =	sadd.s32 s0, s30;
	[dreg:$0x8] =	wrdreg s29  }
0x10: {  	v0 =	vand.u32 $0x7, v2;
	v2 =	vor.u32 $0x8, v2;
	v1 =	vmul.u32 $0x8, v1;
	s4 =	sadd.s32 $0x100, s1;
	s5 =	sadd.s32 $0x200, s1;
	[dreg:$0xa] =	wrdreg s0  }
.LBB2_1:
0x11: {  	s9 =	rddreg [dreg:$0x3]  }
0x12: {  	[tilespmem:s3], [sflag:$0x2] =	stream.linear.gather [hbm4b:s9+s3], $0x80, $0x38;
	[tilespmem:$0x18080] =	vst v63  }
0x13: {  	_ =	swait.ge [sflag:s7], $0x80  }
0x14: {  	[sflag:s7] =	ssyncset.done $0x0  }
0x15: {  	[sflag:s7] =	ssyncadd.s32 $0xFFFFFF80  }
0x16: {  	v3 =	vld [tilespmem:$0x0];
	_ =	sdelay $0x4  }
0x17: {  	v4 =	vshrl.u32 v3, $0x3  }
0x18: {  	v4 =	vmul.u32 $0x30, v4  }
0x19: {  	v3 =	vand.u32 $0x7, v3  }
0x1a: {  	v3 =	vor.u32 v3, v4  }
0x1b: {  	v4 =	vperm.xlane v3, v0;
	_ =	sdelay $0x1  }
0x1c: {  	v4 =	vadd.s32 v1, v4;
	_ =	sdelay $0x3  }
0x1d: {  	v3 =	vperm.xlane v3, v2  }
0x1e: {  	[tilespmem:s28], [sflag:$0x1] =	stream.indirect_vreg.gather [hbm4b:s1+s3], $0x80, v4, vm0, $0xb8;
	[tilespmem:$0x18080] =	vst v63  }
0x1f: {  	s0 =	simm.s32 $0x880;
	v3 =	vadd.s32 v1, v3  }
0x20: {  	[tilespmem:s0], [sflag:$0x1] =	stream.indirect_vreg.gather [hbm4b:s4+s3], $0x80, v4, vm0, $0xb8;
	[tilespmem:$0x18080] =	vst v63  }
0x21: {  	s15 =	simm.s32 $0x1080  }
0x22: {  	[tilespmem:s15], [sflag:$0x1] =	stream.indirect_vreg.gather [hbm4b:s5+s3], $0x80, v4, vm0, $0xb8;
	[tilespmem:$0x18080] =	vst v63  }
0x23: {  	s16 =	simm.s32 $0x1880  }
0x24: {  	[tilespmem:s16], [sflag:$0x1] =	stream.indirect_vreg.gather [hbm4b:s1+s3], $0x80, v3, vm0, $0xb8;
	[tilespmem:$0x18080] =	vst v63  }
0x25: {  	s17 =	simm.s32 $0x2080  }
0x26: {  	[tilespmem:s17], [sflag:$0x1] =	stream.indirect_vreg.gather [hbm4b:s4+s3], $0x80, v3, vm0, $0xb8;
	[tilespmem:$0x18080] =	vst v63  }
0x27: {  	s18 =	simm.s32 $0x2880  }
0x28: {  	[tilespmem:s18], [sflag:$0x1] =	stream.indirect_vreg.gather [hbm4b:s5+s3], $0x80, v3, vm0, $0xb8;
	[tilespmem:$0x18080] =	vst v63  }
0x29: {  	v3 =	vld [tilespmem:$0x10];
	_ =	sdelay $0x4  }
0x2a: {  	v33 =	vshrl.u32 v3, $0x3  }
0x2b: {  	v4 =	vmul.u32 $0x30, v33  }
0x2c: {  	v3 =	vand.u32 $0x7, v3  }
0x2d: {  	v3 =	vor.u32 v3, v4  }
0x2e: {  	v4 =	vperm.xlane v3, v0;
	_ =	sdelay $0x1  }
0x2f: {  	v4 =	vadd.s32 v1, v4;
	_ =	sdelay $0x3  }
0x30: {  	s19 =	simm.s32 $0x3080;
	v3 =	vperm.xlane v3, v2  }
0x31: {  	[tilespmem:s19], [sflag:$0x1] =	stream.indirect_vreg.gather [hbm4b:s1+s3], $0x80, v4, vm0, $0xb8;
	[tilespmem:$0x18080] =	vst v63  }
0x32: {  	s20 =	simm.s32 $0x3880;
	v3 =	vadd.s32 v1, v3  }
0x33: {  	[tilespmem:s20], [sflag:$0x1] =	stream.indirect_vreg.gather [hbm4b:s4+s3], $0x80, v4, vm0, $0xb8;
	[tilespmem:$0x18080] =	vst v63  }
0x34: {  	s21 =	simm.s32 $0x4080  }
0x35: {  	[tilespmem:s21], [sflag:$0x1] =	stream.indirect_vreg.gather [hbm4b:s5+s3], $0x80, v4, vm0, $0xb8;
	[tilespmem:$0x18080] =	vst v63  }
0x36: {  	s22 =	simm.s32 $0x4880  }
0x37: {  	[tilespmem:s22], [sflag:$0x1] =	stream.indirect_vreg.gather [hbm4b:s1+s3], $0x80, v3, vm0, $0xb8;
	[tilespmem:$0x18080] =	vst v63  }
0x38: {  	s23 =	simm.s32 $0x5080  }
0x39: {  	[tilespmem:s23], [sflag:$0x1] =	stream.indirect_vreg.gather [hbm4b:s4+s3], $0x80, v3, vm0, $0xb8;
	[tilespmem:$0x18080] =	vst v63  }
0x3a: {  	s24 =	simm.s32 $0x5880  }
0x3b: {  	[tilespmem:s24], [sflag:$0x1] =	stream.indirect_vreg.gather [hbm4b:s5+s3], $0x80, v3, vm0, $0xb8;
	[tilespmem:$0x18080] =	vst v63  }
0x3c: {  	v3 =	vld [tilespmem:$0x20];
	_ =	sdelay $0x4  }
0x3d: {  	v34 =	vshrl.u32 v3, $0x3  }
0x3e: {  	v4 =	vmul.u32 $0x30, v34  }
0x3f: {  	v3 =	vand.u32 $0x7, v3  }
0x40: {  	v3 =	vor.u32 v3, v4  }
0x41: {  	v4 =	vperm.xlane v3, v0;
	_ =	sdelay $0x1  }
0x42: {  	v4 =	vadd.s32 v1, v4;
	_ =	sdelay $0x3  }
0x43: {  	s25 =	simm.s32 $0x6080;
	v3 =	vperm.xlane v3, v2  }
0x44: {  	[tilespmem:s25], [sflag:$0x1] =	stream.indirect_vreg.gather [hbm4b:s1+s3], $0x80, v4, vm0, $0xb8;
	[tilespmem:$0x18080] =	vst v63  }
0x45: {  	s26 =	simm.s32 $0x6880;
	v3 =	vadd.s32 v1, v3  }
0x46: {  	[tilespmem:s26], [sflag:$0x1] =	stream.indirect_vreg.gather [hbm4b:s4+s3], $0x80, v4, vm0, $0xb8;
	[tilespmem:$0x18080] =	vst v63  }
0x47: {  	s29 =	simm.s32 $0x7080  }
0x48: {  	[tilespmem:s29], [sflag:$0x1] =	stream.indirect_vreg.gather [hbm4b:s5+s3], $0x80, v4, vm0, $0xb8;
	[tilespmem:$0x18080] =	vst v63  }
0x49: {  	s30 =	simm.s32 $0x7880  }
0x4a: {  	[tilespmem:s30], [sflag:$0x1] =	stream.indirect_vreg.gather [hbm4b:s1+s3], $0x80, v3, vm0, $0xb8;
	[tilespmem:$0x18080] =	vst v63  }
0x4b: {  	s31 =	simm.s32 $0x8080  }
0x4c: {  	[tilespmem:s31], [sflag:$0x1] =	stream.indirect_vreg.gather [hbm4b:s4+s3], $0x80, v3, vm0, $0xb8;
	[tilespmem:$0x18080] =	vst v63  }
0x4d: {  	s8 =	simm.s32 $0x8880  }
0x4e: {  	[tilespmem:s8], [sflag:$0x1] =	stream.indirect_vreg.gather [hbm4b:s5+s3], $0x80, v3, vm0, $0xb8;
	[tilespmem:$0x18080] =	vst v63  }
0x4f: {  	v3 =	vld [tilespmem:$0x30];
	_ =	sdelay $0x4  }
0x50: {  	v35 =	vshrl.u32 v3, $0x3  }
0x51: {  	v4 =	vmul.u32 $0x30, v35  }
0x52: {  	v3 =	vand.u32 $0x7, v3  }
0x53: {  	v3 =	vor.u32 v3, v4  }
0x54: {  	v4 =	vperm.xlane v3, v0;
	_ =	sdelay $0x1  }
0x55: {  	v4 =	vadd.s32 v1, v4;
	_ =	sdelay $0x3  }
0x56: {  	s9 =	simm.s32 $0x9080;
	v3 =	vperm.xlane v3, v2  }
0x57: {  	[tilespmem:s9], [sflag:$0x1] =	stream.indirect_vreg.gather [hbm4b:s1+s3], $0x80, v4, vm0, $0xb8;
	[tilespmem:$0x18080] =	vst v63  }
0x58: {  	s10 =	simm.s32 $0x9880;
	v3 =	vadd.s32 v1, v3  }
0x59: {  	[tilespmem:s10], [sflag:$0x1] =	stream.indirect_vreg.gather [hbm4b:s4+s3], $0x80, v4, vm0, $0xb8;
	[tilespmem:$0x18080] =	vst v63  }
0x5a: {  	s11 =	simm.s32 $0xA080  }
0x5b: {  	[tilespmem:s11], [sflag:$0x1] =	stream.indirect_vreg.gather [hbm4b:s5+s3], $0x80, v4, vm0, $0xb8;
	[tilespmem:$0x18080] =	vst v63  }
0x5c: {  	s14 =	simm.s32 $0xA880  }
0x5d: {  	[tilespmem:s14], [sflag:$0x1] =	stream.indirect_vreg.gather [hbm4b:s1+s3], $0x80, v3, vm0, $0xb8;
	[tilespmem:$0x18080] =	vst v63  }
0x5e: {  	s15 =	simm.s32 $0xB080  }
0x5f: {  	[tilespmem:s15], [sflag:$0x1] =	stream.indirect_vreg.gather [hbm4b:s4+s3], $0x80, v3, vm0, $0xb8;
	[tilespmem:$0x18080] =	vst v63  }
0x60: {  	s18 =	simm.s32 $0xB880  }
0x61: {  	[tilespmem:s18], [sflag:$0x1] =	stream.indirect_vreg.gather [hbm4b:s5+s3], $0x80, v3, vm0, $0xb8;
	[tilespmem:$0x18080] =	vst v63  }
0x62: {  	v3 =	vld [tilespmem:$0x40];
	_ =	sdelay $0x4  }
0x63: {  	v36 =	vshrl.u32 v3, $0x3  }
0x64: {  	v4 =	vmul.u32 $0x30, v36  }
0x65: {  	v3 =	vand.u32 $0x7, v3  }
0x66: {  	v3 =	vor.u32 v3, v4  }
0x67: {  	v4 =	vperm.xlane v3, v0;
	_ =	sdelay $0x1  }
0x68: {  	v4 =	vadd.s32 v1, v4;
	_ =	sdelay $0x3  }
0x69: {  	s19 =	simm.s32 $0xC080;
	v3 =	vperm.xlane v3, v2  }
0x6a: {  	[tilespmem:s19], [sflag:$0x1] =	stream.indirect_vreg.gather [hbm4b:s1+s3], $0x80, v4, vm0, $0xb8;
	[tilespmem:$0x18080] =	vst v63  }
0x6b: {  	s22 =	simm.s32 $0xC880;
	v3 =	vadd.s32 v1, v3  }
0x6c: {  	[tilespmem:s22], [sflag:$0x1] =	stream.indirect_vreg.gather [hbm4b:s4+s3], $0x80, v4, vm0, $0xb8;
	[tilespmem:$0x18080] =	vst v63  }
0x6d: {  	s25 =	simm.s32 $0xD080  }
0x6e: {  	[tilespmem:s25], [sflag:$0x1] =	stream.indirect_vreg.gather [hbm4b:s5+s3], $0x80, v4, vm0, $0xb8;
	[tilespmem:$0x18080] =	vst v63  }
0x6f: {  	s26 =	simm.s32 $0xD880  }
0x70: {  	[tilespmem:s26], [sflag:$0x1] =	stream.indirect_vreg.gather [hbm4b:s1+s3], $0x80, v3, vm0, $0xb8;
	[tilespmem:$0x18080] =	vst v63  }
0x71: {  	s29 =	simm.s32 $0xE080  }
0x72: {  	[tilespmem:s29], [sflag:$0x1] =	stream.indirect_vreg.gather [hbm4b:s4+s3], $0x80, v3, vm0, $0xb8;
	[tilespmem:$0x18080] =	vst v63  }
0x73: {  	s30 =	simm.s32 $0xE880  }
0x74: {  	[tilespmem:s30], [sflag:$0x1] =	stream.indirect_vreg.gather [hbm4b:s5+s3], $0x80, v3, vm0, $0xb8;
	[tilespmem:$0x18080] =	vst v63  }
0x75: {  	v3 =	vld [tilespmem:$0x50];
	_ =	sdelay $0x4  }
0x76: {  	v37 =	vshrl.u32 v3, $0x3  }
0x77: {  	v4 =	vmul.u32 $0x30, v37  }
0x78: {  	v3 =	vand.u32 $0x7, v3  }
0x79: {  	v3 =	vor.u32 v3, v4  }
0x7a: {  	v4 =	vperm.xlane v3, v0;
	_ =	sdelay $0x1  }
0x7b: {  	v4 =	vadd.s32 v1, v4;
	_ =	sdelay $0x3  }
0x7c: {  	s31 =	simm.s32 $0xF080;
	v3 =	vperm.xlane v3, v2  }
0x7d: {  	[tilespmem:s31], [sflag:$0x1] =	stream.indirect_vreg.gather [hbm4b:s1+s3], $0x80, v4, vm0, $0xb8;
	[tilespmem:$0x18080] =	vst v63  }
0x7e: {  	s0 =	simm.s32 $0xF880;
	v3 =	vadd.s32 v1, v3  }
0x7f: {  	[tilespmem:s0], [sflag:$0x1] =	stream.indirect_vreg.gather [hbm4b:s4+s3], $0x80, v4, vm0, $0xb8;
	[tilespmem:$0x18080] =	vst v63  }
0x80: {  	s8 =	simm.s32 $0x10080  }
0x81: {  	[tilespmem:s8], [sflag:$0x1] =	stream.indirect_vreg.gather [hbm4b:s5+s3], $0x80, v4, vm0, $0xb8;
	[tilespmem:$0x18080] =	vst v63  }
0x82: {  	s10 =	simm.s32 $0x10880  }
0x83: {  	[tilespmem:s10], [sflag:$0x1] =	stream.indirect_vreg.gather [hbm4b:s1+s3], $0x80, v3, vm0, $0xb8;
	[tilespmem:$0x18080] =	vst v63  }
0x84: {  	s11 =	simm.s32 $0x11080  }
0x85: {  	[tilespmem:s11], [sflag:$0x1] =	stream.indirect_vreg.gather [hbm4b:s4+s3], $0x80, v3, vm0, $0xb8;
	[tilespmem:$0x18080] =	vst v63  }
0x86: {  	s14 =	simm.s32 $0x11880  }
0x87: {  	[tilespmem:s14], [sflag:$0x1] =	stream.indirect_vreg.gather [hbm4b:s5+s3], $0x80, v3, vm0, $0xb8;
	[tilespmem:$0x18080] =	vst v63  }
0x88: {  	v3 =	vld [tilespmem:$0x60];
	_ =	sdelay $0x4  }
0x89: {  	v38 =	vshrl.u32 v3, $0x3  }
0x8a: {  	v4 =	vmul.u32 $0x30, v38  }
0x8b: {  	v3 =	vand.u32 $0x7, v3  }
0x8c: {  	v3 =	vor.u32 v3, v4  }
0x8d: {  	v4 =	vperm.xlane v3, v0;
	_ =	sdelay $0x1  }
0x8e: {  	v4 =	vadd.s32 v1, v4;
	_ =	sdelay $0x3  }
0x8f: {  	s15 =	simm.s32 $0x12080;
	v3 =	vperm.xlane v3, v2  }
0x90: {  	[tilespmem:s15], [sflag:$0x1] =	stream.indirect_vreg.gather [hbm4b:s1+s3], $0x80, v4, vm0, $0xb8;
	[tilespmem:$0x18080] =	vst v63  }
0x91: {  	s18 =	simm.s32 $0x12880;
	v3 =	vadd.s32 v1, v3  }
0x92: {  	[tilespmem:s18], [sflag:$0x1] =	stream.indirect_vreg.gather [hbm4b:s4+s3], $0x80, v4, vm0, $0xb8;
	[tilespmem:$0x18080] =	vst v63  }
0x93: {  	s19 =	simm.s32 $0x13080  }
0x94: {  	[tilespmem:s19], [sflag:$0x1] =	stream.indirect_vreg.gather [hbm4b:s5+s3], $0x80, v4, vm0, $0xb8;
	[tilespmem:$0x18080] =	vst v63  }
0x95: {  	s22 =	simm.s32 $0x13880  }
0x96: {  	[tilespmem:s22], [sflag:$0x1] =	stream.indirect_vreg.gather [hbm4b:s1+s3], $0x80, v3, vm0, $0xb8;
	[tilespmem:$0x18080] =	vst v63  }
0x97: {  	s31 =	simm.s32 $0x14080  }
0x98: {  	[tilespmem:s31], [sflag:$0x1] =	stream.indirect_vreg.gather [hbm4b:s4+s3], $0x80, v3, vm0, $0xb8;
	[tilespmem:$0x18080] =	vst v63  }
0x99: {  	s0 =	simm.s32 $0x14880  }
0x9a: {  	[tilespmem:s0], [sflag:$0x1] =	stream.indirect_vreg.gather [hbm4b:s5+s3], $0x80, v3, vm0, $0xb8;
	[tilespmem:$0x18080] =	vst v63  }
0x9b: {  	v3 =	vld [tilespmem:$0x70];
	_ =	sdelay $0x4  }
0x9c: {  	v39 =	vshrl.u32 v3, $0x3  }
0x9d: {  	v4 =	vmul.u32 $0x30, v39  }
0x9e: {  	v3 =	vand.u32 $0x7, v3  }
0x9f: {  	v3 =	vor.u32 v3, v4  }
0xa0: {  	v4 =	vperm.xlane v3, v0;
	_ =	sdelay $0x1  }
0xa1: {  	v4 =	vadd.s32 v1, v4;
	_ =	sdelay $0x3  }
0xa2: {  	s8 =	simm.s32 $0x15080;
	v3 =	vperm.xlane v3, v2  }
0xa3: {  	[tilespmem:s8], [sflag:$0x1] =	stream.indirect_vreg.gather [hbm4b:s1+s3], $0x80, v4, vm0, $0xb8;
	[tilespmem:$0x18080] =	vst v63  }
0xa4: {  	s10 =	simm.s32 $0x15880;
	v3 =	vadd.s32 v1, v3  }
0xa5: {  	[tilespmem:s10], [sflag:$0x1] =	stream.indirect_vreg.gather [hbm4b:s4+s3], $0x80, v4, vm0, $0xb8;
	[tilespmem:$0x18080] =	vst v63  }
0xa6: {  	s11 =	simm.s32 $0x16080  }
0xa7: {  	[tilespmem:s11], [sflag:$0x1] =	stream.indirect_vreg.gather [hbm4b:s5+s3], $0x80, v4, vm0, $0xb8;
	[tilespmem:$0x18080] =	vst v63  }
0xa8: {  	s14 =	simm.s32 $0x16880  }
0xa9: {  	[tilespmem:s14], [sflag:$0x1] =	stream.indirect_vreg.gather [hbm4b:s1+s3], $0x80, v3, vm0, $0xb8;
	[tilespmem:$0x18080] =	vst v63  }
0xaa: {  	s15 =	simm.s32 $0x17080  }
0xab: {  	[tilespmem:s15], [sflag:$0x1] =	stream.indirect_vreg.gather [hbm4b:s4+s3], $0x80, v3, vm0, $0xb8;
	[tilespmem:$0x18080] =	vst v63  }
0xac: {  	s18 =	simm.s32 $0x17880  }
0xad: {  	[tilespmem:s18], [sflag:$0x1] =	stream.indirect_vreg.gather [hbm4b:s5+s3], $0x80, v3, vm0, $0xb8;
	[tilespmem:$0x18080] =	vst v63  }
0xae: {  	_ =	swait.ge [sflag:s2], $0x18000  }
0xaf: {  	[sflag:s2] =	ssyncset.done $0x0  }
0xb0: {  	s19 =	rddreg [dreg:$0x4];
	[sflag:s2] =	ssyncadd.s32 $0xFFFE8000  }
0xb1: {  	[hbm4b:s19+s3] =	stream.linear.scatter [tilespmem:s28], [sflag:$0x2], $0x18000, $0x38;
	[tilespmem:$0x18080] =	vst v63  }
0xb2: {  	_ =	swait.ge [sflag:s7], $0x18000  }
0xb3: {  	[sflag:s7] =	ssyncset.done $0x0  }
0xb4: {  	s22 =	rddreg [dreg:$0x5];
	[sflag:s7] =	ssyncadd.s32 $0xFFFE8000  }
0xb5: {  	[tilespmem:s3], [sflag:$0x2] =	stream.linear.gather [hbm4b:s22+s3], $0x80, $0x38;
	[tilespmem:$0x18080] =	vst v63  }
0xb6: {  	_ =	swait.ge [sflag:s7], $0x80  }
0xb7: {  	[sflag:s7] =	ssyncset.done $0x0  }
0xb8: {  	[sflag:s7] =	ssyncadd.s32 $0xFFFFFF80  }
0xb9: {  	v3 =	vld [tilespmem:$0x0];
	_ =	sdelay $0x4  }
0xba: {  	v40 =	vshrl.u32 v3, $0x3  }
0xbb: {  	v4 =	vmul.u32 $0x30, v40  }
0xbc: {  	v3 =	vand.u32 $0x7, v3  }
0xbd: {  	v3 =	vor.u32 v3, v4  }
0xbe: {  	v4 =	vperm.xlane v3, v0;
	_ =	sdelay $0x1  }
0xbf: {  	v4 =	vadd.s32 v1, v4;
	_ =	sdelay $0x3  }
0xc0: {  	v3 =	vperm.xlane v3, v2  }
0xc1: {  	[tilespmem:s28], [sflag:$0x1] =	stream.indirect_vreg.gather [hbm4b:s1+s3], $0x80, v4, vm0, $0xb8;
	[tilespmem:$0x18080] =	vst v63  }
0xc2: {  	s0 =	simm.s32 $0x880;
	v3 =	vadd.s32 v1, v3  }
0xc3: {  	[tilespmem:s0], [sflag:$0x1] =	stream.indirect_vreg.gather [hbm4b:s4+s3], $0x80, v4, vm0, $0xb8;
	[tilespmem:$0x18080] =	vst v63  }
0xc4: {  	s8 =	simm.s32 $0x1080  }
0xc5: {  	[tilespmem:s8], [sflag:$0x1] =	stream.indirect_vreg.gather [hbm4b:s5+s3], $0x80, v4, vm0, $0xb8;
	[tilespmem:$0x18080] =	vst v63  }
0xc6: {  	s10 =	simm.s32 $0x1880  }
0xc7: {  	[tilespmem:s10], [sflag:$0x1] =	stream.indirect_vreg.gather [hbm4b:s1+s3], $0x80, v3, vm0, $0xb8;
	[tilespmem:$0x18080] =	vst v63  }
0xc8: {  	s11 =	simm.s32 $0x2080  }
0xc9: {  	[tilespmem:s11], [sflag:$0x1] =	stream.indirect_vreg.gather [hbm4b:s4+s3], $0x80, v3, vm0, $0xb8;
	[tilespmem:$0x18080] =	vst v63  }
0xca: {  	s12 =	simm.s32 $0x2880  }
0xcb: {  	[tilespmem:s12], [sflag:$0x1] =	stream.indirect_vreg.gather [hbm4b:s5+s3], $0x80, v3, vm0, $0xb8;
	[tilespmem:$0x18080] =	vst v63  }
0xcc: {  	v3 =	vld [tilespmem:$0x10];
	_ =	sdelay $0x4  }
0xcd: {  	v41 =	vshrl.u32 v3, $0x3  }
0xce: {  	v4 =	vmul.u32 $0x30, v41  }
0xcf: {  	v3 =	vand.u32 $0x7, v3  }
0xd0: {  	v3 =	vor.u32 v3, v4  }
0xd1: {  	v4 =	vperm.xlane v3, v0;
	_ =	sdelay $0x1  }
0xd2: {  	v4 =	vadd.s32 v1, v4;
	_ =	sdelay $0x3  }
0xd3: {  	s13 =	simm.s32 $0x3080;
	v3 =	vperm.xlane v3, v2  }
0xd4: {  	[tilespmem:s13], [sflag:$0x1] =	stream.indirect_vreg.gather [hbm4b:s1+s3], $0x80, v4, vm0, $0xb8;
	[tilespmem:$0x18080] =	vst v63  }
0xd5: {  	s12 =	simm.s32 $0x3880;
	v3 =	vadd.s32 v1, v3  }
0xd6: {  	[tilespmem:s12], [sflag:$0x1] =	stream.indirect_vreg.gather [hbm4b:s4+s3], $0x80, v4, vm0, $0xb8;
	[tilespmem:$0x18080] =	vst v63  }
0xd7: {  	s13 =	simm.s32 $0x4080  }
0xd8: {  	[tilespmem:s13], [sflag:$0x1] =	stream.indirect_vreg.gather [hbm4b:s5+s3], $0x80, v4, vm0, $0xb8;
	[tilespmem:$0x18080] =	vst v63  }
0xd9: {  	s14 =	simm.s32 $0x4880  }
0xda: {  	[tilespmem:s14], [sflag:$0x1] =	stream.indirect_vreg.gather [hbm4b:s1+s3], $0x80, v3, vm0, $0xb8;
	[tilespmem:$0x18080] =	vst v63  }
0xdb: {  	s15 =	simm.s32 $0x5080  }
0xdc: {  	[tilespmem:s15], [sflag:$0x1] =	stream.indirect_vreg.gather [hbm4b:s4+s3], $0x80, v3, vm0, $0xb8;
	[tilespmem:$0x18080] =	vst v63  }
0xdd: {  	s16 =	simm.s32 $0x5880  }
0xde: {  	[tilespmem:s16], [sflag:$0x1] =	stream.indirect_vreg.gather [hbm4b:s5+s3], $0x80, v3, vm0, $0xb8;
	[tilespmem:$0x18080] =	vst v63  }
0xdf: {  	v3 =	vld [tilespmem:$0x20];
	_ =	sdelay $0x4  }
0xe0: {  	v42 =	vshrl.u32 v3, $0x3  }
0xe1: {  	v4 =	vmul.u32 $0x30, v42  }
0xe2: {  	v3 =	vand.u32 $0x7, v3  }
0xe3: {  	v3 =	vor.u32 v3, v4  }
0xe4: {  	v4 =	vperm.xlane v3, v0;
	_ =	sdelay $0x1  }
0xe5: {  	v4 =	vadd.s32 v1, v4;
	_ =	sdelay $0x3  }
0xe6: {  	s17 =	simm.s32 $0x6080;
	v3 =	vperm.xlane v3, v2  }
0xe7: {  	[tilespmem:s17], [sflag:$0x1] =	stream.indirect_vreg.gather [hbm4b:s1+s3], $0x80, v4, vm0, $0xb8;
	[tilespmem:$0x18080] =	vst v63  }
0xe8: {  	s16 =	simm.s32 $0x6880;
	v3 =	vadd.s32 v1, v3  }
0xe9: {  	[tilespmem:s16], [sflag:$0x1] =	stream.indirect_vreg.gather [hbm4b:s4+s3], $0x80, v4, vm0, $0xb8;
	[tilespmem:$0x18080] =	vst v63  }
0xea: {  	s17 =	simm.s32 $0x7080  }
0xeb: {  	[tilespmem:s17], [sflag:$0x1] =	stream.indirect_vreg.gather [hbm4b:s5+s3], $0x80, v4, vm0, $0xb8;
	[tilespmem:$0x18080] =	vst v63  }
0xec: {  	s18 =	simm.s32 $0x7880  }
0xed: {  	[tilespmem:s18], [sflag:$0x1] =	stream.indirect_vreg.gather [hbm4b:s1+s3], $0x80, v3, vm0, $0xb8;
	[tilespmem:$0x18080] =	vst v63  }
0xee: {  	s19 =	simm.s32 $0x8080  }
0xef: {  	[tilespmem:s19], [sflag:$0x1] =	stream.indirect_vreg.gather [hbm4b:s4+s3], $0x80, v3, vm0, $0xb8;
	[tilespmem:$0x18080] =	vst v63  }
0xf0: {  	s20 =	simm.s32 $0x8880  }
0xf1: {  	[tilespmem:s20], [sflag:$0x1] =	stream.indirect_vreg.gather [hbm4b:s5+s3], $0x80, v3, vm0, $0xb8;
	[tilespmem:$0x18080] =	vst v63  }
0xf2: {  	v3 =	vld [tilespmem:$0x30];
	_ =	sdelay $0x4  }
0xf3: {  	v43 =	vshrl.u32 v3, $0x3  }
0xf4: {  	v4 =	vmul.u32 $0x30, v43  }
0xf5: {  	v3 =	vand.u32 $0x7, v3  }
0xf6: {  	v3 =	vor.u32 v3, v4  }
0xf7: {  	v4 =	vperm.xlane v3, v0;
	_ =	sdelay $0x1  }
0xf8: {  	v4 =	vadd.s32 v1, v4;
	_ =	sdelay $0x3  }
0xf9: {  	s21 =	simm.s32 $0x9080;
	v3 =	vperm.xlane v3, v2  }
0xfa: {  	[tilespmem:s21], [sflag:$0x1] =	stream.indirect_vreg.gather [hbm4b:s1+s3], $0x80, v4, vm0, $0xb8;
	[tilespmem:$0x18080] =	vst v63  }
0xfb: {  	s20 =	simm.s32 $0x9880;
	v3 =	vadd.s32 v1, v3  }
0xfc: {  	[tilespmem:s20], [sflag:$0x1] =	stream.indirect_vreg.gather [hbm4b:s4+s3], $0x80, v4, vm0, $0xb8;
	[tilespmem:$0x18080] =	vst v63  }
0xfd: {  	s21 =	simm.s32 $0xA080  }
0xfe: {  	[tilespmem:s21], [sflag:$0x1] =	stream.indirect_vreg.gather [hbm4b:s5+s3], $0x80, v4, vm0, $0xb8;
	[tilespmem:$0x18080] =	vst v63  }
0xff: {  	s22 =	simm.s32 $0xA880  }
0x100: {  	[tilespmem:s22], [sflag:$0x1] =	stream.indirect_vreg.gather [hbm4b:s1+s3], $0x80, v3, vm0, $0xb8;
	[tilespmem:$0x18080] =	vst v63  }
0x101: {  	s9 =	simm.s32 $0xB080  }
0x102: {  	[tilespmem:s9], [sflag:$0x1] =	stream.indirect_vreg.gather [hbm4b:s4+s3], $0x80, v3, vm0, $0xb8;
	[tilespmem:$0x18080] =	vst v63  }
0x103: {  	s23 =	simm.s32 $0xB880  }
0x104: {  	[tilespmem:s23], [sflag:$0x1] =	stream.indirect_vreg.gather [hbm4b:s5+s3], $0x80, v3, vm0, $0xb8;
	[tilespmem:$0x18080] =	vst v63  }
0x105: {  	v3 =	vld [tilespmem:$0x40];
	_ =	sdelay $0x4  }
0x106: {  	v44 =	vshrl.u32 v3, $0x3  }
0x107: {  	v4 =	vmul.u32 $0x30, v44  }
0x108: {  	v3 =	vand.u32 $0x7, v3  }
0x109: {  	v3 =	vor.u32 v3, v4  }
0x10a: {  	v4 =	vperm.xlane v3, v0;
	_ =	sdelay $0x1  }
0x10b: {  	v4 =	vadd.s32 v1, v4;
	_ =	sdelay $0x3  }
0x10c: {  	s24 =	simm.s32 $0xC080;
	v3 =	vperm.xlane v3, v2  }
0x10d: {  	[tilespmem:s24], [sflag:$0x1] =	stream.indirect_vreg.gather [hbm4b:s1+s3], $0x80, v4, vm0, $0xb8;
	[tilespmem:$0x18080] =	vst v63  }
0x10e: {  	s23 =	simm.s32 $0xC880;
	v3 =	vadd.s32 v1, v3  }
0x10f: {  	[tilespmem:s23], [sflag:$0x1] =	stream.indirect_vreg.gather [hbm4b:s4+s3], $0x80, v4, vm0, $0xb8;
	[tilespmem:$0x18080] =	vst v63  }
0x110: {  	s24 =	simm.s32 $0xD080  }
0x111: {  	[tilespmem:s24], [sflag:$0x1] =	stream.indirect_vreg.gather [hbm4b:s5+s3], $0x80, v4, vm0, $0xb8;
	[tilespmem:$0x18080] =	vst v63  }
0x112: {  	s9 =	simm.s32 $0xD880  }
0x113: {  	[tilespmem:s9], [sflag:$0x1] =	stream.indirect_vreg.gather [hbm4b:s1+s3], $0x80, v3, vm0, $0xb8;
	[tilespmem:$0x18080] =	vst v63  }
0x114: {  	s9 =	simm.s32 $0xE080  }
0x115: {  	[tilespmem:s9], [sflag:$0x1] =	stream.indirect_vreg.gather [hbm4b:s4+s3], $0x80, v3, vm0, $0xb8;
	[tilespmem:$0x18080] =	vst v63  }
0x116: {  	s25 =	simm.s32 $0xE880  }
0x117: {  	[tilespmem:s25], [sflag:$0x1] =	stream.indirect_vreg.gather [hbm4b:s5+s3], $0x80, v3, vm0, $0xb8;
	[tilespmem:$0x18080] =	vst v63  }
0x118: {  	v3 =	vld [tilespmem:$0x50];
	_ =	sdelay $0x4  }
0x119: {  	v45 =	vshrl.u32 v3, $0x3  }
0x11a: {  	v4 =	vmul.u32 $0x30, v45  }
0x11b: {  	v3 =	vand.u32 $0x7, v3  }
0x11c: {  	v3 =	vor.u32 v3, v4  }
0x11d: {  	v4 =	vperm.xlane v3, v0;
	_ =	sdelay $0x1  }
0x11e: {  	v4 =	vadd.s32 v1, v4;
	_ =	sdelay $0x3  }
0x11f: {  	s26 =	simm.s32 $0xF080;
	v3 =	vperm.xlane v3, v2  }
0x120: {  	[tilespmem:s26], [sflag:$0x1] =	stream.indirect_vreg.gather [hbm4b:s1+s3], $0x80, v4, vm0, $0xb8;
	[tilespmem:$0x18080] =	vst v63  }
0x121: {  	s25 =	simm.s32 $0xF880;
	v3 =	vadd.s32 v1, v3  }
0x122: {  	[tilespmem:s25], [sflag:$0x1] =	stream.indirect_vreg.gather [hbm4b:s4+s3], $0x80, v4, vm0, $0xb8;
	[tilespmem:$0x18080] =	vst v63  }
0x123: {  	s26 =	simm.s32 $0x10080  }
0x124: {  	[tilespmem:s26], [sflag:$0x1] =	stream.indirect_vreg.gather [hbm4b:s5+s3], $0x80, v4, vm0, $0xb8;
	[tilespmem:$0x18080] =	vst v63  }
0x125: {  	s25 =	simm.s32 $0x10880  }
0x126: {  	[tilespmem:s25], [sflag:$0x1] =	stream.indirect_vreg.gather [hbm4b:s1+s3], $0x80, v3, vm0, $0xb8;
	[tilespmem:$0x18080] =	vst v63  }
0x127: {  	s26 =	simm.s32 $0x11080  }
0x128: {  	[tilespmem:s26], [sflag:$0x1] =	stream.indirect_vreg.gather [hbm4b:s4+s3], $0x80, v3, vm0, $0xb8;
	[tilespmem:$0x18080] =	vst v63  }
0x129: {  	s29 =	simm.s32 $0x11880  }
0x12a: {  	[tilespmem:s29], [sflag:$0x1] =	stream.indirect_vreg.gather [hbm4b:s5+s3], $0x80, v3, vm0, $0xb8;
	[tilespmem:$0x18080] =	vst v63  }
0x12b: {  	v3 =	vld [tilespmem:$0x60];
	_ =	sdelay $0x4  }
0x12c: {  	v46 =	vshrl.u32 v3, $0x3  }
0x12d: {  	v4 =	vmul.u32 $0x30, v46  }
0x12e: {  	v3 =	vand.u32 $0x7, v3  }
0x12f: {  	v3 =	vor.u32 v3, v4  }
0x130: {  	v4 =	vperm.xlane v3, v0;
	_ =	sdelay $0x1  }
0x131: {  	v4 =	vadd.s32 v1, v4;
	_ =	sdelay $0x3  }
0x132: {  	s30 =	simm.s32 $0x12080;
	v3 =	vperm.xlane v3, v2  }
0x133: {  	[tilespmem:s30], [sflag:$0x1] =	stream.indirect_vreg.gather [hbm4b:s1+s3], $0x80, v4, vm0, $0xb8;
	[tilespmem:$0x18080] =	vst v63  }
0x134: {  	s25 =	simm.s32 $0x12880;
	v3 =	vadd.s32 v1, v3  }
0x135: {  	[tilespmem:s25], [sflag:$0x1] =	stream.indirect_vreg.gather [hbm4b:s4+s3], $0x80, v4, vm0, $0xb8;
	[tilespmem:$0x18080] =	vst v63  }
0x136: {  	s26 =	simm.s32 $0x13080  }
0x137: {  	[tilespmem:s26], [sflag:$0x1] =	stream.indirect_vreg.gather [hbm4b:s5+s3], $0x80, v4, vm0, $0xb8;
	[tilespmem:$0x18080] =	vst v63  }
0x138: {  	s29 =	simm.s32 $0x13880  }
0x139: {  	[tilespmem:s29], [sflag:$0x1] =	stream.indirect_vreg.gather [hbm4b:s1+s3], $0x80, v3, vm0, $0xb8;
	[tilespmem:$0x18080] =	vst v63  }
0x13a: {  	s30 =	simm.s32 $0x14080  }
0x13b: {  	[tilespmem:s30], [sflag:$0x1] =	stream.indirect_vreg.gather [hbm4b:s4+s3], $0x80, v3, vm0, $0xb8;
	[tilespmem:$0x18080] =	vst v63  }
0x13c: {  	s31 =	simm.s32 $0x14880  }
0x13d: {  	[tilespmem:s31], [sflag:$0x1] =	stream.indirect_vreg.gather [hbm4b:s5+s3], $0x80, v3, vm0, $0xb8;
	[tilespmem:$0x18080] =	vst v63  }
0x13e: {  	v3 =	vld [tilespmem:$0x70];
	_ =	sdelay $0x4  }
0x13f: {  	v47 =	vshrl.u32 v3, $0x3  }
0x140: {  	v4 =	vmul.u32 $0x30, v47  }
0x141: {  	v3 =	vand.u32 $0x7, v3  }
0x142: {  	v3 =	vor.u32 v3, v4  }
0x143: {  	v4 =	vperm.xlane v3, v0;
	_ =	sdelay $0x1  }
0x144: {  	v4 =	vadd.s32 v1, v4;
	_ =	sdelay $0x3  }
0x145: {  	s31 =	simm.s32 $0x15080;
	v3 =	vperm.xlane v3, v2  }
0x146: {  	[tilespmem:s31], [sflag:$0x1] =	stream.indirect_vreg.gather [hbm4b:s1+s3], $0x80, v4, vm0, $0xb8;
	[tilespmem:$0x18080] =	vst v63  }
0x147: {  	s25 =	simm.s32 $0x15880;
	v3 =	vadd.s32 v1, v3  }
0x148: {  	[tilespmem:s25], [sflag:$0x1] =	stream.indirect_vreg.gather [hbm4b:s4+s3], $0x80, v4, vm0, $0xb8;
	[tilespmem:$0x18080] =	vst v63  }
0x149: {  	s26 =	simm.s32 $0x16080  }
0x14a: {  	[tilespmem:s26], [sflag:$0x1] =	stream.indirect_vreg.gather [hbm4b:s5+s3], $0x80, v4, vm0, $0xb8;
	[tilespmem:$0x18080] =	vst v63  }
0x14b: {  	s29 =	simm.s32 $0x16880  }
0x14c: {  	[tilespmem:s29], [sflag:$0x1] =	stream.indirect_vreg.gather [hbm4b:s1+s3], $0x80, v3, vm0, $0xb8;
	[tilespmem:$0x18080] =	vst v63  }
0x14d: {  	s30 =	simm.s32 $0x17080  }
0x14e: {  	[tilespmem:s30], [sflag:$0x1] =	stream.indirect_vreg.gather [hbm4b:s4+s3], $0x80, v3, vm0, $0xb8;
	[tilespmem:$0x18080] =	vst v63  }
0x14f: {  	s31 =	simm.s32 $0x17880  }
0x150: {  	[tilespmem:s31], [sflag:$0x1] =	stream.indirect_vreg.gather [hbm4b:s5+s3], $0x80, v3, vm0, $0xb8;
	[tilespmem:$0x18080] =	vst v63  }
0x151: {  	_ =	swait.ge [sflag:s2], $0x18000  }
0x152: {  	[sflag:s2] =	ssyncset.done $0x0  }
0x153: {  	s25 =	rddreg [dreg:$0x6];
	[sflag:s2] =	ssyncadd.s32 $0xFFFE8000  }
0x154: {  	[hbm4b:s25+s3] =	stream.linear.scatter [tilespmem:s28], [sflag:$0x2], $0x18000, $0x38;
	[tilespmem:$0x18080] =	vst v63  }
0x155: {  	_ =	swait.ge [sflag:s7], $0x18000  }
0x156: {  	[sflag:s7] =	ssyncset.done $0x0  }
0x157: {  	s26 =	rddreg [dreg:$0x7];
	[sflag:s7] =	ssyncadd.s32 $0xFFFE8000  }
0x158: {  	[tilespmem:s3], [sflag:$0x2] =	stream.linear.gather [hbm4b:s26+s3], $0x80, $0x38;
	[tilespmem:$0x18080] =	vst v63  }
0x159: {  	_ =	swait.ge [sflag:s7], $0x80  }
0x15a: {  	[sflag:s7] =	ssyncset.done $0x0  }
0x15b: {  	[sflag:s7] =	ssyncadd.s32 $0xFFFFFF80  }
0x15c: {  	v3 =	vld [tilespmem:$0x0];
	_ =	sdelay $0x4  }
0x15d: {  	v48 =	vshrl.u32 v3, $0x3  }
0x15e: {  	v4 =	vmul.u32 $0x30, v48  }
0x15f: {  	v3 =	vand.u32 $0x7, v3  }
0x160: {  	v3 =	vor.u32 v3, v4  }
0x161: {  	v4 =	vperm.xlane v3, v0;
	_ =	sdelay $0x1  }
0x162: {  	v4 =	vadd.s32 v1, v4;
	_ =	sdelay $0x3  }
0x163: {  	v3 =	vperm.xlane v3, v2  }
0x164: {  	[tilespmem:s28], [sflag:$0x1] =	stream.indirect_vreg.gather [hbm4b:s1+s3], $0x80, v4, vm0, $0xb8;
	[tilespmem:$0x18080] =	vst v63  }
0x165: {  	v3 =	vadd.s32 v1, v3  }
0x166: {  	[tilespmem:s0], [sflag:$0x1] =	stream.indirect_vreg.gather [hbm4b:s4+s3], $0x80, v4, vm0, $0xb8;
	[tilespmem:$0x18080] =	vst v63  }
0x167: {  	_ = 	snop  }
0x168: {  	[tilespmem:s8], [sflag:$0x1] =	stream.indirect_vreg.gather [hbm4b:s5+s3], $0x80, v4, vm0, $0xb8;
	[tilespmem:$0x18080] =	vst v63  }
0x169: {  	_ = 	snop  }
0x16a: {  	[tilespmem:s10], [sflag:$0x1] =	stream.indirect_vreg.gather [hbm4b:s1+s3], $0x80, v3, vm0, $0xb8;
	[tilespmem:$0x18080] =	vst v63  }
0x16b: {  	_ = 	snop  }
0x16c: {  	[tilespmem:s11], [sflag:$0x1] =	stream.indirect_vreg.gather [hbm4b:s4+s3], $0x80, v3, vm0, $0xb8;
	[tilespmem:$0x18080] =	vst v63  }
0x16d: {  	s29 =	simm.s32 $0x2880  }
0x16e: {  	[tilespmem:s29], [sflag:$0x1] =	stream.indirect_vreg.gather [hbm4b:s5+s3], $0x80, v3, vm0, $0xb8;
	[tilespmem:$0x18080] =	vst v63  }
0x16f: {  	v3 =	vld [tilespmem:$0x10];
	_ =	sdelay $0x4  }
0x170: {  	v49 =	vshrl.u32 v3, $0x3  }
0x171: {  	v4 =	vmul.u32 $0x30, v49  }
0x172: {  	v3 =	vand.u32 $0x7, v3  }
0x173: {  	v3 =	vor.u32 v3, v4  }
0x174: {  	v4 =	vperm.xlane v3, v0;
	_ =	sdelay $0x1  }
0x175: {  	v4 =	vadd.s32 v1, v4;
	_ =	sdelay $0x3  }
0x176: {  	s30 =	simm.s32 $0x3080;
	v3 =	vperm.xlane v3, v2  }
0x177: {  	[tilespmem:s30], [sflag:$0x1] =	stream.indirect_vreg.gather [hbm4b:s1+s3], $0x80, v4, vm0, $0xb8;
	[tilespmem:$0x18080] =	vst v63  }
0x178: {  	v3 =	vadd.s32 v1, v3  }
0x179: {  	[tilespmem:s12], [sflag:$0x1] =	stream.indirect_vreg.gather [hbm4b:s4+s3], $0x80, v4, vm0, $0xb8;
	[tilespmem:$0x18080] =	vst v63  }
0x17a: {  	_ = 	snop  }
0x17b: {  	[tilespmem:s13], [sflag:$0x1] =	stream.indirect_vreg.gather [hbm4b:s5+s3], $0x80, v4, vm0, $0xb8;
	[tilespmem:$0x18080] =	vst v63  }
0x17c: {  	_ = 	snop  }
0x17d: {  	[tilespmem:s14], [sflag:$0x1] =	stream.indirect_vreg.gather [hbm4b:s1+s3], $0x80, v3, vm0, $0xb8;
	[tilespmem:$0x18080] =	vst v63  }
0x17e: {  	_ = 	snop  }
0x17f: {  	[tilespmem:s15], [sflag:$0x1] =	stream.indirect_vreg.gather [hbm4b:s4+s3], $0x80, v3, vm0, $0xb8;
	[tilespmem:$0x18080] =	vst v63  }
0x180: {  	s31 =	simm.s32 $0x5880  }
0x181: {  	[tilespmem:s31], [sflag:$0x1] =	stream.indirect_vreg.gather [hbm4b:s5+s3], $0x80, v3, vm0, $0xb8;
	[tilespmem:$0x18080] =	vst v63  }
0x182: {  	v3 =	vld [tilespmem:$0x20];
	_ =	sdelay $0x4  }
0x183: {  	v50 =	vshrl.u32 v3, $0x3  }
0x184: {  	v4 =	vmul.u32 $0x30, v50  }
0x185: {  	v3 =	vand.u32 $0x7, v3  }
0x186: {  	v3 =	vor.u32 v3, v4  }
0x187: {  	v4 =	vperm.xlane v3, v0;
	_ =	sdelay $0x1  }
0x188: {  	v4 =	vadd.s32 v1, v4;
	_ =	sdelay $0x3  }
0x189: {  	s25 =	simm.s32 $0x6080;
	v3 =	vperm.xlane v3, v2  }
0x18a: {  	[tilespmem:s25], [sflag:$0x1] =	stream.indirect_vreg.gather [hbm4b:s1+s3], $0x80, v4, vm0, $0xb8;
	[tilespmem:$0x18080] =	vst v63  }
0x18b: {  	v3 =	vadd.s32 v1, v3  }
0x18c: {  	[tilespmem:s16], [sflag:$0x1] =	stream.indirect_vreg.gather [hbm4b:s4+s3], $0x80, v4, vm0, $0xb8;
	[tilespmem:$0x18080] =	vst v63  }
0x18d: {  	_ = 	snop  }
0x18e: {  	[tilespmem:s17], [sflag:$0x1] =	stream.indirect_vreg.gather [hbm4b:s5+s3], $0x80, v4, vm0, $0xb8;
	[tilespmem:$0x18080] =	vst v63  }
0x18f: {  	_ = 	snop  }
0x190: {  	[tilespmem:s18], [sflag:$0x1] =	stream.indirect_vreg.gather [hbm4b:s1+s3], $0x80, v3, vm0, $0xb8;
	[tilespmem:$0x18080] =	vst v63  }
0x191: {  	_ = 	snop  }
0x192: {  	[tilespmem:s19], [sflag:$0x1] =	stream.indirect_vreg.gather [hbm4b:s4+s3], $0x80, v3, vm0, $0xb8;
	[tilespmem:$0x18080] =	vst v63  }
0x193: {  	s26 =	simm.s32 $0x8880  }
0x194: {  	[tilespmem:s26], [sflag:$0x1] =	stream.indirect_vreg.gather [hbm4b:s5+s3], $0x80, v3, vm0, $0xb8;
	[tilespmem:$0x18080] =	vst v63  }
0x195: {  	v3 =	vld [tilespmem:$0x30];
	_ =	sdelay $0x4  }
0x196: {  	v51 =	vshrl.u32 v3, $0x3  }
0x197: {  	v4 =	vmul.u32 $0x30, v51  }
0x198: {  	v3 =	vand.u32 $0x7, v3  }
0x199: {  	v3 =	vor.u32 v3, v4  }
0x19a: {  	v4 =	vperm.xlane v3, v0;
	_ =	sdelay $0x1  }
0x19b: {  	v4 =	vadd.s32 v1, v4;
	_ =	sdelay $0x3  }
0x19c: {  	s29 =	simm.s32 $0x9080;
	v3 =	vperm.xlane v3, v2  }
0x19d: {  	[tilespmem:s29], [sflag:$0x1] =	stream.indirect_vreg.gather [hbm4b:s1+s3], $0x80, v4, vm0, $0xb8;
	[tilespmem:$0x18080] =	vst v63  }
0x19e: {  	v3 =	vadd.s32 v1, v3  }
0x19f: {  	[tilespmem:s20], [sflag:$0x1] =	stream.indirect_vreg.gather [hbm4b:s4+s3], $0x80, v4, vm0, $0xb8;
	[tilespmem:$0x18080] =	vst v63  }
0x1a0: {  	_ = 	snop  }
0x1a1: {  	[tilespmem:s21], [sflag:$0x1] =	stream.indirect_vreg.gather [hbm4b:s5+s3], $0x80, v4, vm0, $0xb8;
	[tilespmem:$0x18080] =	vst v63  }
0x1a2: {  	_ = 	snop  }
0x1a3: {  	[tilespmem:s22], [sflag:$0x1] =	stream.indirect_vreg.gather [hbm4b:s1+s3], $0x80, v3, vm0, $0xb8;
	[tilespmem:$0x18080] =	vst v63  }
0x1a4: {  	s30 =	simm.s32 $0xB080  }
0x1a5: {  	[tilespmem:s30], [sflag:$0x1] =	stream.indirect_vreg.gather [hbm4b:s4+s3], $0x80, v3, vm0, $0xb8;
	[tilespmem:$0x18080] =	vst v63  }
0x1a6: {  	s31 =	simm.s32 $0xB880  }
0x1a7: {  	[tilespmem:s31], [sflag:$0x1] =	stream.indirect_vreg.gather [hbm4b:s5+s3], $0x80, v3, vm0, $0xb8;
	[tilespmem:$0x18080] =	vst v63  }
0x1a8: {  	v3 =	vld [tilespmem:$0x40];
	_ =	sdelay $0x4  }
0x1a9: {  	v52 =	vshrl.u32 v3, $0x3  }
0x1aa: {  	v4 =	vmul.u32 $0x30, v52  }
0x1ab: {  	v3 =	vand.u32 $0x7, v3  }
0x1ac: {  	v3 =	vor.u32 v3, v4  }
0x1ad: {  	v4 =	vperm.xlane v3, v0;
	_ =	sdelay $0x1  }
0x1ae: {  	v4 =	vadd.s32 v1, v4;
	_ =	sdelay $0x3  }
0x1af: {  	s25 =	simm.s32 $0xC080;
	v3 =	vperm.xlane v3, v2  }
0x1b0: {  	[tilespmem:s25], [sflag:$0x1] =	stream.indirect_vreg.gather [hbm4b:s1+s3], $0x80, v4, vm0, $0xb8;
	[tilespmem:$0x18080] =	vst v63  }
0x1b1: {  	s23 =	simm.s32 $0xC880;
	v3 =	vadd.s32 v1, v3  }
0x1b2: {  	[tilespmem:s23], [sflag:$0x1] =	stream.indirect_vreg.gather [hbm4b:s4+s3], $0x80, v4, vm0, $0xb8;
	[tilespmem:$0x18080] =	vst v63  }
0x1b3: {  	s24 =	simm.s32 $0xD080  }
0x1b4: {  	[tilespmem:s24], [sflag:$0x1] =	stream.indirect_vreg.gather [hbm4b:s5+s3], $0x80, v4, vm0, $0xb8;
	[tilespmem:$0x18080] =	vst v63  }
0x1b5: {  	s26 =	simm.s32 $0xD880  }
0x1b6: {  	[tilespmem:s26], [sflag:$0x1] =	stream.indirect_vreg.gather [hbm4b:s1+s3], $0x80, v3, vm0, $0xb8;
	[tilespmem:$0x18080] =	vst v63  }
0x1b7: {  	s29 =	simm.s32 $0xE080  }
0x1b8: {  	[tilespmem:s29], [sflag:$0x1] =	stream.indirect_vreg.gather [hbm4b:s4+s3], $0x80, v3, vm0, $0xb8;
	[tilespmem:$0x18080] =	vst v63  }
0x1b9: {  	s30 =	simm.s32 $0xE880  }
0x1ba: {  	[tilespmem:s30], [sflag:$0x1] =	stream.indirect_vreg.gather [hbm4b:s5+s3], $0x80, v3, vm0, $0xb8;
	[tilespmem:$0x18080] =	vst v63  }
0x1bb: {  	v3 =	vld [tilespmem:$0x50];
	_ =	sdelay $0x4  }
0x1bc: {  	v53 =	vshrl.u32 v3, $0x3  }
0x1bd: {  	v4 =	vmul.u32 $0x30, v53  }
0x1be: {  	v3 =	vand.u32 $0x7, v3  }
0x1bf: {  	v3 =	vor.u32 v3, v4  }
0x1c0: {  	v4 =	vperm.xlane v3, v0;
	_ =	sdelay $0x1  }
0x1c1: {  	v4 =	vadd.s32 v1, v4;
	_ =	sdelay $0x3  }
0x1c2: {  	s31 =	simm.s32 $0xF080;
	v3 =	vperm.xlane v3, v2  }
0x1c3: {  	[tilespmem:s31], [sflag:$0x1] =	stream.indirect_vreg.gather [hbm4b:s1+s3], $0x80, v4, vm0, $0xb8;
	[tilespmem:$0x18080] =	vst v63  }
0x1c4: {  	s29 =	simm.s32 $0xF880;
	v3 =	vadd.s32 v1, v3  }
0x1c5: {  	[tilespmem:s29], [sflag:$0x1] =	stream.indirect_vreg.gather [hbm4b:s4+s3], $0x80, v4, vm0, $0xb8;
	[tilespmem:$0x18080] =	vst v63  }
0x1c6: {  	s30 =	simm.s32 $0x10080  }
0x1c7: {  	[tilespmem:s30], [sflag:$0x1] =	stream.indirect_vreg.gather [hbm4b:s5+s3], $0x80, v4, vm0, $0xb8;
	[tilespmem:$0x18080] =	vst v63  }
0x1c8: {  	s31 =	simm.s32 $0x10880  }
0x1c9: {  	[tilespmem:s31], [sflag:$0x1] =	stream.indirect_vreg.gather [hbm4b:s1+s3], $0x80, v3, vm0, $0xb8;
	[tilespmem:$0x18080] =	vst v63  }
0x1ca: {  	s9 =	simm.s32 $0x11080  }
0x1cb: {  	[tilespmem:s9], [sflag:$0x1] =	stream.indirect_vreg.gather [hbm4b:s4+s3], $0x80, v3, vm0, $0xb8;
	[tilespmem:$0x18080] =	vst v63  }
0x1cc: {  	s9 =	simm.s32 $0x11880  }
0x1cd: {  	[tilespmem:s9], [sflag:$0x1] =	stream.indirect_vreg.gather [hbm4b:s5+s3], $0x80, v3, vm0, $0xb8;
	[tilespmem:$0x18080] =	vst v63  }
0x1ce: {  	v3 =	vld [tilespmem:$0x60];
	_ =	sdelay $0x4  }
0x1cf: {  	v54 =	vshrl.u32 v3, $0x3  }
0x1d0: {  	v4 =	vmul.u32 $0x30, v54  }
0x1d1: {  	v3 =	vand.u32 $0x7, v3  }
0x1d2: {  	v3 =	vor.u32 v3, v4  }
0x1d3: {  	v4 =	vperm.xlane v3, v0;
	_ =	sdelay $0x1  }
0x1d4: {  	v4 =	vadd.s32 v1, v4;
	_ =	sdelay $0x3  }
0x1d5: {  	s9 =	simm.s32 $0x12080;
	v3 =	vperm.xlane v3, v2  }
0x1d6: {  	[tilespmem:s9], [sflag:$0x1] =	stream.indirect_vreg.gather [hbm4b:s1+s3], $0x80, v4, vm0, $0xb8;
	[tilespmem:$0x18080] =	vst v63  }
0x1d7: {  	v3 =	vadd.s32 v1, v3;
	s9 =	simm.s32 $0x12880  }
0x1d8: {  	[tilespmem:s9], [sflag:$0x1] =	stream.indirect_vreg.gather [hbm4b:s4+s3], $0x80, v4, vm0, $0xb8;
	[tilespmem:$0x18080] =	vst v63  }
0x1d9: {  	s9 =	simm.s32 $0x13080  }
0x1da: {  	[tilespmem:s9], [sflag:$0x1] =	stream.indirect_vreg.gather [hbm4b:s5+s3], $0x80, v4, vm0, $0xb8;
	[tilespmem:$0x18080] =	vst v63  }
0x1db: {  	s9 =	simm.s32 $0x13880  }
0x1dc: {  	[tilespmem:s9], [sflag:$0x1] =	stream.indirect_vreg.gather [hbm4b:s1+s3], $0x80, v3, vm0, $0xb8;
	[tilespmem:$0x18080] =	vst v63  }
0x1dd: {  	s9 =	simm.s32 $0x14080  }
0x1de: {  	[tilespmem:s9], [sflag:$0x1] =	stream.indirect_vreg.gather [hbm4b:s4+s3], $0x80, v3, vm0, $0xb8;
	[tilespmem:$0x18080] =	vst v63  }
0x1df: {  	s9 =	simm.s32 $0x14880  }
0x1e0: {  	[tilespmem:s9], [sflag:$0x1] =	stream.indirect_vreg.gather [hbm4b:s5+s3], $0x80, v3, vm0, $0xb8;
	[tilespmem:$0x18080] =	vst v63  }
0x1e1: {  	v3 =	vld [tilespmem:$0x70];
	_ =	sdelay $0x4  }
0x1e2: {  	v55 =	vshrl.u32 v3, $0x3  }
0x1e3: {  	v4 =	vmul.u32 $0x30, v55  }
0x1e4: {  	v3 =	vand.u32 $0x7, v3  }
0x1e5: {  	v3 =	vor.u32 v3, v4  }
0x1e6: {  	v4 =	vperm.xlane v3, v0;
	_ =	sdelay $0x1  }
0x1e7: {  	v4 =	vadd.s32 v1, v4;
	_ =	sdelay $0x3  }
0x1e8: {  	s9 =	simm.s32 $0x15080;
	v3 =	vperm.xlane v3, v2  }
0x1e9: {  	[tilespmem:s9], [sflag:$0x1] =	stream.indirect_vreg.gather [hbm4b:s1+s3], $0x80, v4, vm0, $0xb8;
	[tilespmem:$0x18080] =	vst v63  }
0x1ea: {  	v3 =	vadd.s32 v1, v3;
	s9 =	simm.s32 $0x15880  }
0x1eb: {  	[tilespmem:s9], [sflag:$0x1] =	stream.indirect_vreg.gather [hbm4b:s4+s3], $0x80, v4, vm0, $0xb8;
	[tilespmem:$0x18080] =	vst v63  }
0x1ec: {  	s9 =	simm.s32 $0x16080  }
0x1ed: {  	[tilespmem:s9], [sflag:$0x1] =	stream.indirect_vreg.gather [hbm4b:s5+s3], $0x80, v4, vm0, $0xb8;
	[tilespmem:$0x18080] =	vst v63  }
0x1ee: {  	s9 =	simm.s32 $0x16880  }
0x1ef: {  	[tilespmem:s9], [sflag:$0x1] =	stream.indirect_vreg.gather [hbm4b:s1+s3], $0x80, v3, vm0, $0xb8;
	[tilespmem:$0x18080] =	vst v63  }
0x1f0: {  	s9 =	simm.s32 $0x17080  }
0x1f1: {  	[tilespmem:s9], [sflag:$0x1] =	stream.indirect_vreg.gather [hbm4b:s4+s3], $0x80, v3, vm0, $0xb8;
	[tilespmem:$0x18080] =	vst v63  }
0x1f2: {  	s9 =	simm.s32 $0x17880  }
0x1f3: {  	[tilespmem:s9], [sflag:$0x1] =	stream.indirect_vreg.gather [hbm4b:s5+s3], $0x80, v3, vm0, $0xb8;
	[tilespmem:$0x18080] =	vst v63  }
0x1f4: {  	_ =	swait.ge [sflag:s2], $0x18000  }
0x1f5: {  	[sflag:s2] =	ssyncset.done $0x0  }
0x1f6: {  	s9 =	rddreg [dreg:$0x8];
	[sflag:s2] =	ssyncadd.s32 $0xFFFE8000  }
0x1f7: {  	[hbm4b:s9+s3] =	stream.linear.scatter [tilespmem:s28], [sflag:$0x2], $0x18000, $0x38;
	[tilespmem:$0x18080] =	vst v63  }
0x1f8: {  	_ =	swait.ge [sflag:s7], $0x18000  }
0x1f9: {  	[sflag:s7] =	ssyncset.done $0x0  }
0x1fa: {  	s9 =	rddreg [dreg:$0x9];
	[sflag:s7] =	ssyncadd.s32 $0xFFFE8000  }
0x1fb: {  	[tilespmem:s3], [sflag:$0x2] =	stream.linear.gather [hbm4b:s9+s3], $0x80, $0x38;
	[tilespmem:$0x18080] =	vst v63  }
0x1fc: {  	_ =	swait.ge [sflag:s7], $0x80  }
0x1fd: {  	[sflag:s7] =	ssyncset.done $0x0  }
0x1fe: {  	[sflag:s7] =	ssyncadd.s32 $0xFFFFFF80  }
0x1ff: {  	v3 =	vld [tilespmem:$0x0];
	_ =	sdelay $0x4  }
0x200: {  	v56 =	vshrl.u32 v3, $0x3  }
0x201: {  	v4 =	vmul.u32 $0x30, v56  }
0x202: {  	v3 =	vand.u32 $0x7, v3  }
0x203: {  	v3 =	vor.u32 v3, v4  }
0x204: {  	v4 =	vperm.xlane v3, v0;
	_ =	sdelay $0x1  }
0x205: {  	v4 =	vadd.s32 v1, v4;
	_ =	sdelay $0x3  }
0x206: {  	v3 =	vperm.xlane v3, v2  }
0x207: {  	[tilespmem:s28], [sflag:$0x1] =	stream.indirect_vreg.gather [hbm4b:s1+s3], $0x80, v4, vm0, $0xb8;
	[tilespmem:$0x18080] =	vst v63  }
0x208: {  	s0 =	simm.s32 $0x880;
	v3 =	vadd.s32 v1, v3  }
0x209: {  	[tilespmem:s0], [sflag:$0x1] =	stream.indirect_vreg.gather [hbm4b:s4+s3], $0x80, v4, vm0, $0xb8;
	[tilespmem:$0x18080] =	vst v63  }
0x20a: {  	s8 =	simm.s32 $0x1080  }
0x20b: {  	[tilespmem:s8], [sflag:$0x1] =	stream.indirect_vreg.gather [hbm4b:s5+s3], $0x80, v4, vm0, $0xb8;
	[tilespmem:$0x18080] =	vst v63  }
0x20c: {  	s10 =	simm.s32 $0x1880  }
0x20d: {  	[tilespmem:s10], [sflag:$0x1] =	stream.indirect_vreg.gather [hbm4b:s1+s3], $0x80, v3, vm0, $0xb8;
	[tilespmem:$0x18080] =	vst v63  }
0x20e: {  	s11 =	simm.s32 $0x2080  }
0x20f: {  	[tilespmem:s11], [sflag:$0x1] =	stream.indirect_vreg.gather [hbm4b:s4+s3], $0x80, v3, vm0, $0xb8;
	[tilespmem:$0x18080] =	vst v63  }
0x210: {  	s10 =	simm.s32 $0x2880  }
0x211: {  	[tilespmem:s10], [sflag:$0x1] =	stream.indirect_vreg.gather [hbm4b:s5+s3], $0x80, v3, vm0, $0xb8;
	[tilespmem:$0x18080] =	vst v63  }
0x212: {  	v3 =	vld [tilespmem:$0x10];
	_ =	sdelay $0x4  }
0x213: {  	v57 =	vshrl.u32 v3, $0x3  }
0x214: {  	v4 =	vmul.u32 $0x30, v57  }
0x215: {  	v3 =	vand.u32 $0x7, v3  }
0x216: {  	v3 =	vor.u32 v3, v4  }
0x217: {  	v4 =	vperm.xlane v3, v0;
	_ =	sdelay $0x1  }
0x218: {  	v4 =	vadd.s32 v1, v4;
	_ =	sdelay $0x3  }
0x219: {  	s11 =	simm.s32 $0x3080;
	v3 =	vperm.xlane v3, v2  }
0x21a: {  	[tilespmem:s11], [sflag:$0x1] =	stream.indirect_vreg.gather [hbm4b:s1+s3], $0x80, v4, vm0, $0xb8;
	[tilespmem:$0x18080] =	vst v63  }
0x21b: {  	s12 =	simm.s32 $0x3880;
	v3 =	vadd.s32 v1, v3  }
0x21c: {  	[tilespmem:s12], [sflag:$0x1] =	stream.indirect_vreg.gather [hbm4b:s4+s3], $0x80, v4, vm0, $0xb8;
	[tilespmem:$0x18080] =	vst v63  }
0x21d: {  	s13 =	simm.s32 $0x4080  }
0x21e: {  	[tilespmem:s13], [sflag:$0x1] =	stream.indirect_vreg.gather [hbm4b:s5+s3], $0x80, v4, vm0, $0xb8;
	[tilespmem:$0x18080] =	vst v63  }
0x21f: {  	s14 =	simm.s32 $0x4880  }
0x220: {  	[tilespmem:s14], [sflag:$0x1] =	stream.indirect_vreg.gather [hbm4b:s1+s3], $0x80, v3, vm0, $0xb8;
	[tilespmem:$0x18080] =	vst v63  }
0x221: {  	s15 =	simm.s32 $0x5080  }
0x222: {  	[tilespmem:s15], [sflag:$0x1] =	stream.indirect_vreg.gather [hbm4b:s4+s3], $0x80, v3, vm0, $0xb8;
	[tilespmem:$0x18080] =	vst v63  }
0x223: {  	s14 =	simm.s32 $0x5880  }
0x224: {  	[tilespmem:s14], [sflag:$0x1] =	stream.indirect_vreg.gather [hbm4b:s5+s3], $0x80, v3, vm0, $0xb8;
	[tilespmem:$0x18080] =	vst v63  }
0x225: {  	v3 =	vld [tilespmem:$0x20];
	_ =	sdelay $0x4  }
0x226: {  	v58 =	vshrl.u32 v3, $0x3  }
0x227: {  	v4 =	vmul.u32 $0x30, v58  }
0x228: {  	v3 =	vand.u32 $0x7, v3  }
0x229: {  	v3 =	vor.u32 v3, v4  }
0x22a: {  	v4 =	vperm.xlane v3, v0;
	_ =	sdelay $0x1  }
0x22b: {  	v4 =	vadd.s32 v1, v4;
	_ =	sdelay $0x3  }
0x22c: {  	s15 =	simm.s32 $0x6080;
	v3 =	vperm.xlane v3, v2  }
0x22d: {  	[tilespmem:s15], [sflag:$0x1] =	stream.indirect_vreg.gather [hbm4b:s1+s3], $0x80, v4, vm0, $0xb8;
	[tilespmem:$0x18080] =	vst v63  }
0x22e: {  	s16 =	simm.s32 $0x6880;
	v3 =	vadd.s32 v1, v3  }
0x22f: {  	[tilespmem:s16], [sflag:$0x1] =	stream.indirect_vreg.gather [hbm4b:s4+s3], $0x80, v4, vm0, $0xb8;
	[tilespmem:$0x18080] =	vst v63  }
0x230: {  	s17 =	simm.s32 $0x7080  }
0x231: {  	[tilespmem:s17], [sflag:$0x1] =	stream.indirect_vreg.gather [hbm4b:s5+s3], $0x80, v4, vm0, $0xb8;
	[tilespmem:$0x18080] =	vst v63  }
0x232: {  	s18 =	simm.s32 $0x7880  }
0x233: {  	[tilespmem:s18], [sflag:$0x1] =	stream.indirect_vreg.gather [hbm4b:s1+s3], $0x80, v3, vm0, $0xb8;
	[tilespmem:$0x18080] =	vst v63  }
0x234: {  	s19 =	simm.s32 $0x8080  }
0x235: {  	[tilespmem:s19], [sflag:$0x1] =	stream.indirect_vreg.gather [hbm4b:s4+s3], $0x80, v3, vm0, $0xb8;
	[tilespmem:$0x18080] =	vst v63  }
0x236: {  	s8 =	simm.s32 $0x8880  }
0x237: {  	[tilespmem:s8], [sflag:$0x1] =	stream.indirect_vreg.gather [hbm4b:s5+s3], $0x80, v3, vm0, $0xb8;
	[tilespmem:$0x18080] =	vst v63  }
0x238: {  	v3 =	vld [tilespmem:$0x30];
	_ =	sdelay $0x4  }
0x239: {  	v59 =	vshrl.u32 v3, $0x3  }
0x23a: {  	v4 =	vmul.u32 $0x30, v59  }
0x23b: {  	v3 =	vand.u32 $0x7, v3  }
0x23c: {  	v3 =	vor.u32 v3, v4  }
0x23d: {  	v4 =	vperm.xlane v3, v0;
	_ =	sdelay $0x1  }
0x23e: {  	v4 =	vadd.s32 v1, v4;
	_ =	sdelay $0x3  }
0x23f: {  	s9 =	simm.s32 $0x9080;
	v3 =	vperm.xlane v3, v2  }
0x240: {  	[tilespmem:s9], [sflag:$0x1] =	stream.indirect_vreg.gather [hbm4b:s1+s3], $0x80, v4, vm0, $0xb8;
	[tilespmem:$0x18080] =	vst v63  }
0x241: {  	s20 =	simm.s32 $0x9880;
	v3 =	vadd.s32 v1, v3  }
0x242: {  	[tilespmem:s20], [sflag:$0x1] =	stream.indirect_vreg.gather [hbm4b:s4+s3], $0x80, v4, vm0, $0xb8;
	[tilespmem:$0x18080] =	vst v63  }
0x243: {  	s21 =	simm.s32 $0xA080  }
0x244: {  	[tilespmem:s21], [sflag:$0x1] =	stream.indirect_vreg.gather [hbm4b:s5+s3], $0x80, v4, vm0, $0xb8;
	[tilespmem:$0x18080] =	vst v63  }
0x245: {  	s22 =	simm.s32 $0xA880  }
0x246: {  	[tilespmem:s22], [sflag:$0x1] =	stream.indirect_vreg.gather [hbm4b:s1+s3], $0x80, v3, vm0, $0xb8;
	[tilespmem:$0x18080] =	vst v63  }
0x247: {  	s10 =	simm.s32 $0xB080  }
0x248: {  	[tilespmem:s10], [sflag:$0x1] =	stream.indirect_vreg.gather [hbm4b:s4+s3], $0x80, v3, vm0, $0xb8;
	[tilespmem:$0x18080] =	vst v63  }
0x249: {  	s11 =	simm.s32 $0xB880  }
0x24a: {  	[tilespmem:s11], [sflag:$0x1] =	stream.indirect_vreg.gather [hbm4b:s5+s3], $0x80, v3, vm0, $0xb8;
	[tilespmem:$0x18080] =	vst v63  }
0x24b: {  	v3 =	vld [tilespmem:$0x40];
	_ =	sdelay $0x4  }
0x24c: {  	v60 =	vshrl.u32 v3, $0x3  }
0x24d: {  	v4 =	vmul.u32 $0x30, v60  }
0x24e: {  	v3 =	vand.u32 $0x7, v3  }
0x24f: {  	v3 =	vor.u32 v3, v4  }
0x250: {  	v4 =	vperm.xlane v3, v0;
	_ =	sdelay $0x1  }
0x251: {  	v4 =	vadd.s32 v1, v4;
	_ =	sdelay $0x3  }
0x252: {  	s12 =	simm.s32 $0xC080;
	v3 =	vperm.xlane v3, v2  }
0x253: {  	[tilespmem:s12], [sflag:$0x1] =	stream.indirect_vreg.gather [hbm4b:s1+s3], $0x80, v4, vm0, $0xb8;
	[tilespmem:$0x18080] =	vst v63  }
0x254: {  	s23 =	simm.s32 $0xC880;
	v3 =	vadd.s32 v1, v3  }
0x255: {  	[tilespmem:s23], [sflag:$0x1] =	stream.indirect_vreg.gather [hbm4b:s4+s3], $0x80, v4, vm0, $0xb8;
	[tilespmem:$0x18080] =	vst v63  }
0x256: {  	s24 =	simm.s32 $0xD080  }
0x257: {  	[tilespmem:s24], [sflag:$0x1] =	stream.indirect_vreg.gather [hbm4b:s5+s3], $0x80, v4, vm0, $0xb8;
	[tilespmem:$0x18080] =	vst v63  }
0x258: {  	s25 =	simm.s32 $0xD880  }
0x259: {  	[tilespmem:s25], [sflag:$0x1] =	stream.indirect_vreg.gather [hbm4b:s1+s3], $0x80, v3, vm0, $0xb8;
	[tilespmem:$0x18080] =	vst v63  }
0x25a: {  	s26 =	simm.s32 $0xE080  }
0x25b: {  	[tilespmem:s26], [sflag:$0x1] =	stream.indirect_vreg.gather [hbm4b:s4+s3], $0x80, v3, vm0, $0xb8;
	[tilespmem:$0x18080] =	vst v63  }
0x25c: {  	s13 =	simm.s32 $0xE880  }
0x25d: {  	[tilespmem:s13], [sflag:$0x1] =	stream.indirect_vreg.gather [hbm4b:s5+s3], $0x80, v3, vm0, $0xb8;
	[tilespmem:$0x18080] =	vst v63  }
0x25e: {  	v3 =	vld [tilespmem:$0x50];
	_ =	sdelay $0x4  }
0x25f: {  	v61 =	vshrl.u32 v3, $0x3  }
0x260: {  	v4 =	vmul.u32 $0x30, v61  }
0x261: {  	v3 =	vand.u32 $0x7, v3  }
0x262: {  	v3 =	vor.u32 v3, v4  }
0x263: {  	v4 =	vperm.xlane v3, v0;
	_ =	sdelay $0x1  }
0x264: {  	v4 =	vadd.s32 v1, v4;
	_ =	sdelay $0x3  }
0x265: {  	s14 =	simm.s32 $0xF080;
	v3 =	vperm.xlane v3, v2  }
0x266: {  	[tilespmem:s14], [sflag:$0x1] =	stream.indirect_vreg.gather [hbm4b:s1+s3], $0x80, v4, vm0, $0xb8;
	[tilespmem:$0x18080] =	vst v63  }
0x267: {  	s29 =	simm.s32 $0xF880;
	v3 =	vadd.s32 v1, v3  }
0x268: {  	[tilespmem:s29], [sflag:$0x1] =	stream.indirect_vreg.gather [hbm4b:s4+s3], $0x80, v4, vm0, $0xb8;
	[tilespmem:$0x18080] =	vst v63  }
0x269: {  	s30 =	simm.s32 $0x10080  }
0x26a: {  	[tilespmem:s30], [sflag:$0x1] =	stream.indirect_vreg.gather [hbm4b:s5+s3], $0x80, v4, vm0, $0xb8;
	[tilespmem:$0x18080] =	vst v63  }
0x26b: {  	s31 =	simm.s32 $0x10880  }
0x26c: {  	[tilespmem:s31], [sflag:$0x1] =	stream.indirect_vreg.gather [hbm4b:s1+s3], $0x80, v3, vm0, $0xb8;
	[tilespmem:$0x18080] =	vst v63  }
0x26d: {  	s15 =	simm.s32 $0x11080  }
0x26e: {  	[tilespmem:s15], [sflag:$0x1] =	stream.indirect_vreg.gather [hbm4b:s4+s3], $0x80, v3, vm0, $0xb8;
	[tilespmem:$0x18080] =	vst v63  }
0x26f: {  	s16 =	simm.s32 $0x11880  }
0x270: {  	[tilespmem:s16], [sflag:$0x1] =	stream.indirect_vreg.gather [hbm4b:s5+s3], $0x80, v3, vm0, $0xb8;
	[tilespmem:$0x18080] =	vst v63  }
0x271: {  	v3 =	vld [tilespmem:$0x60];
	_ =	sdelay $0x4  }
0x272: {  	v62 =	vshrl.u32 v3, $0x3  }
0x273: {  	v4 =	vmul.u32 $0x30, v62  }
0x274: {  	v3 =	vand.u32 $0x7, v3  }
0x275: {  	v3 =	vor.u32 v3, v4  }
0x276: {  	v4 =	vperm.xlane v3, v0;
	_ =	sdelay $0x1  }
0x277: {  	v4 =	vadd.s32 v1, v4;
	_ =	sdelay $0x3  }
0x278: {  	s17 =	simm.s32 $0x12080;
	v3 =	vperm.xlane v3, v2  }
0x279: {  	[tilespmem:s17], [sflag:$0x1] =	stream.indirect_vreg.gather [hbm4b:s1+s3], $0x80, v4, vm0, $0xb8;
	[tilespmem:$0x18080] =	vst v63  }
0x27a: {  	s18 =	simm.s32 $0x12880;
	v3 =	vadd.s32 v1, v3  }
0x27b: {  	[tilespmem:s18], [sflag:$0x1] =	stream.indirect_vreg.gather [hbm4b:s4+s3], $0x80, v4, vm0, $0xb8;
	[tilespmem:$0x18080] =	vst v63  }
0x27c: {  	s19 =	simm.s32 $0x13080  }
0x27d: {  	[tilespmem:s19], [sflag:$0x1] =	stream.indirect_vreg.gather [hbm4b:s5+s3], $0x80, v4, vm0, $0xb8;
	[tilespmem:$0x18080] =	vst v63  }
0x27e: {  	s20 =	simm.s32 $0x13880  }
0x27f: {  	[tilespmem:s20], [sflag:$0x1] =	stream.indirect_vreg.gather [hbm4b:s1+s3], $0x80, v3, vm0, $0xb8;
	[tilespmem:$0x18080] =	vst v63  }
0x280: {  	s21 =	simm.s32 $0x14080  }
0x281: {  	[tilespmem:s21], [sflag:$0x1] =	stream.indirect_vreg.gather [hbm4b:s4+s3], $0x80, v3, vm0, $0xb8;
	[tilespmem:$0x18080] =	vst v63  }
0x282: {  	s22 =	simm.s32 $0x14880  }
0x283: {  	[tilespmem:s22], [sflag:$0x1] =	stream.indirect_vreg.gather [hbm4b:s5+s3], $0x80, v3, vm0, $0xb8;
	[tilespmem:$0x18080] =	vst v63  }
0x284: {  	v3 =	vld [tilespmem:$0x70];
	_ =	sdelay $0x4  }
0x285: {  	v63 =	vshrl.u32 v3, $0x3  }
0x286: {  	v4 =	vmul.u32 $0x30, v63  }
0x287: {  	v3 =	vand.u32 $0x7, v3  }
0x288: {  	v3 =	vor.u32 v3, v4  }
0x289: {  	v4 =	vperm.xlane v3, v0;
	_ =	sdelay $0x1  }
0x28a: {  	v4 =	vadd.s32 v1, v4;
	_ =	sdelay $0x3  }
0x28b: {  	s23 =	simm.s32 $0x15080;
	v3 =	vperm.xlane v3, v2  }
0x28c: {  	[tilespmem:s23], [sflag:$0x1] =	stream.indirect_vreg.gather [hbm4b:s1+s3], $0x80, v4, vm0, $0xb8;
	[tilespmem:$0x18080] =	vst v63  }
0x28d: {  	s24 =	simm.s32 $0x15880;
	v3 =	vadd.s32 v1, v3  }
0x28e: {  	[tilespmem:s24], [sflag:$0x1] =	stream.indirect_vreg.gather [hbm4b:s4+s3], $0x80, v4, vm0, $0xb8;
	[tilespmem:$0x18080] =	vst v63  }
0x28f: {  	s25 =	simm.s32 $0x16080  }
0x290: {  	[tilespmem:s25], [sflag:$0x1] =	stream.indirect_vreg.gather [hbm4b:s5+s3], $0x80, v4, vm0, $0xb8;
	[tilespmem:$0x18080] =	vst v63  }
0x291: {  	s26 =	simm.s32 $0x16880  }
0x292: {  	[tilespmem:s26], [sflag:$0x1] =	stream.indirect_vreg.gather [hbm4b:s1+s3], $0x80, v3, vm0, $0xb8;
	[tilespmem:$0x18080] =	vst v63  }
0x293: {  	s29 =	simm.s32 $0x17080  }
0x294: {  	[tilespmem:s29], [sflag:$0x1] =	stream.indirect_vreg.gather [hbm4b:s4+s3], $0x80, v3, vm0, $0xb8;
	[tilespmem:$0x18080] =	vst v63  }
0x295: {  	s30 =	simm.s32 $0x17880  }
0x296: {  	[tilespmem:s30], [sflag:$0x1] =	stream.indirect_vreg.gather [hbm4b:s5+s3], $0x80, v3, vm0, $0xb8;
	[tilespmem:$0x18080] =	vst v63  }
0x297: {  	_ =	swait.ge [sflag:s2], $0x18000  }
0x298: {  	p0 =	sne.s32 s6, $0x1;
	[sflag:s2] =	ssyncset.done $0x0  }
.Ltmp0:
0x299: {  	s31 =	rddreg [dreg:$0xa];
	[sflag:s2] =	ssyncadd.s32 $0xFFFE8000;
	(pc) =	sbr.rel @p0 .LBB2_1-.Ltmp0, $4  }
0x29a: {  	[hbm4b:s31+s3] =	stream.linear.scatter [tilespmem:s28], [sflag:$0x2], $0x18000, $0x38;
	[tilespmem:$0x18080] =	vst v63  }
0x29b: {  	_ =	swait.ge [sflag:s7], $0x18000  }
0x29c: {  	[sflag:s7] =	ssyncset.done $0x0  }
0x29d: {  	s6 =	sadd.s32 $0xFFFFFFFF, s6;
	[sflag:s7] =	ssyncadd.s32 $0xFFFE8000  }
0x29e: {  	_ =	sfence.sel $0x180000  }
0x29f: {  	[bflag:$0x0] =	sbarrier.arrive $0xFFFF  }
0x2a0: {  	_ =	strace $0x90000050  }
0x2a1: {  	s0 =	stileid.u32;
	[bflag:$0x2] =	sbarrier.arrive $0xFFFF  }
0x2a2: {  	p0 =	sne.s32 s0, $0x0;
	s0 =	rddreg [dreg:$0x2]  }
0x2a3: {  	s0 =	sadd.s32 @!p0 $0x100000, s0  }
0x2a4: {  	[sflag:s0] =	ssyncadd.tile.s32 @!p0 $0x1;
	_ =	shalt  }
.Lfunc_end2:
_tile_overlayer_lowered:
.L_overlay_start_2:
0x2a5: {  	(tag) =	ssettag $0x2  }
0x2a6: {  	s0 =	rddreg [dreg:$0x0];
	s2 =	stileid.u32  }
0x2a7: {  	s1 =	rddreg [dreg:$0x1];
	p0 =	sne.s32 s2, $0x0  }
0x2a8: {  	s3 =	rddreg [dreg:$0x2];
	[bflag:$0x3] =	sbarrier.arrive $0xFFFF;
	s2 =	simm.s32 @!p0 $0x1C02  }
0x2a9: {  	[timem:s3], [sflag:s2] =	dma.local @!p0 [hbm:s0], s1  }
0x2aa: {  	s0 =	simm.s32 @!p0 $0x2  }
0x2ab: {  	_ =	swait.ge @!p0 [sflag:s0], s1  }
0x2ac: {  	s1 =	ssub.s32 @!p0 $0x0, s1;
	[sflag:s0] =	ssyncset.done @!p0 $0x0  }
0x2ad: {  	[sflag:s0] =	ssyncadd.s32 @!p0 s1  }
0x2ae: {  	[bflag:$0x3] =	sbarrier.arrive $0xFFFF  }
0x2af: {  	_ =	shalt  }

</sc_bundles>
